<compile_context>
chip_gen: v7x
topology: tpu7x:2x2x1
jax: 0.10.2.dev20260603
libtpu: 0.0.44.dev20260713+nightly
codegen_flags: <defaults>
</compile_context>

<pallas_src>
import jax
import jax.numpy as jnp
from jax import lax
from jax.experimental import pallas as pl
from jax.experimental.pallas import tpu as pltpu
from jax.experimental.pallas import tpu_sc as plsc

NC = 2
NS = 16
NW = NC * NS
L = 16
B = 16384
BPW = B // NW
D = 32
GCH = 128
NG = BPW // GCH
MULT = 20.0


def _body(s_hbm, r_hbm, o_hbm, E_hbm, R_hbm, Et_hbm, Rht_hbm, Rtt_hbm,
          out_hbm,
          sidx, ridx, oidx, es, eo, est, eot, er, erht, ertt,
          outv, sem):
    wid = lax.axis_index("s") * NC + lax.axis_index("c")
    base = wid * BPW

    pltpu.sync_copy(s_hbm.at[pl.ds(base, BPW)], sidx)
    pltpu.sync_copy(r_hbm.at[pl.ds(base, BPW)], ridx)
    pltpu.sync_copy(o_hbm.at[pl.ds(base, BPW)], oidx)

    def remap(g, _):
        sl2 = pl.ds(g * L, L)
        for ref in (sidx, oidx):
            v = ref[sl2]
            m = v % EBLK
            ref[sl2] = (v - m) + (m % SUB) * QR + m // SUB
        return 0

    lax.fori_loop(0, BPW // L, remap, 0)

    copies = []
    for j in range(NG):
        sl = pl.ds(j * GCH, GCH)
        for tab, idx, dst in ((E_hbm, sidx, es), (E_hbm, oidx, eo),
                              (Et_hbm, sidx, est), (Et_hbm, oidx, eot),
                              (R_hbm, ridx, er), (Rht_hbm, ridx, erht),
                              (Rtt_hbm, ridx, ertt)):
            copies.append(pltpu.async_copy(
                tab.at[idx.at[sl]], dst.at[sl], sem))
    for c in copies:
        c.wait()

    lane = lax.iota(jnp.int32, L)
    cols = [(lane + d) % D for d in range(D)]

    def grp(g, _):
        zero = jnp.zeros((L,), jnp.float32)
        bacc, hacc, tacc = zero, zero, zero
        rows = g * L + lane
        for d in range(D):
            c = cols[d]
            bacc += (plsc.load_gather(es, [rows, c])
                     * plsc.load_gather(er, [rows, c])
                     * plsc.load_gather(eo, [rows, c]))
            hacc += (plsc.load_gather(est, [rows, c])
                     * plsc.load_gather(erht, [rows, c]))
            tacc += (plsc.load_gather(eot, [rows, c])
                     * plsc.load_gather(ertt, [rows, c]))
        sb = 1.0 / (1.0 + jnp.exp(-bacc))
        sh = 1.0 / (1.0 + jnp.exp(-hacc))
        st = 1.0 / (1.0 + jnp.exp(-tacc))
        outv[pl.ds(g * L, L)] = MULT * sb * sh * st
        return 0

    lax.fori_loop(0, BPW // L, grp, 0)

    pltpu.sync_copy(outv, out_hbm.at[pl.ds(base, BPW)])


QR = 128 // D
SUB = 8192
EBLK = SUB * QR
NEB = (1000000 + EBLK - 1) // EBLK
NPAD = NEB * EBLK


def _tc_transpose_body(x_ref, out_ref):
    x = x_ref[...]
    eye = (lax.broadcasted_iota(jnp.int32, (D, D), 0)
           == lax.broadcasted_iota(jnp.int32, (D, D), 1)).astype(jnp.float32)
    for j in range(QR):
        xs = x[:, SUB * j:SUB * (j + 1)]
        out_ref[:, D * j:D * (j + 1)] = lax.dot_general(
            xs, eye, (((0,), (0,)), ((), ())),
            preferred_element_type=jnp.float32)


def _to_row_major_permuted(t_tr):
    flat = pl.pallas_call(
        _tc_transpose_body,
        grid=(NEB,),
        compiler_params=pltpu.CompilerParams(
            fuse_transposed_lhs_in_matmul=True),
        in_specs=[pl.BlockSpec((D, EBLK), lambda i: (0, i))],
        out_specs=pl.BlockSpec((SUB, 128), lambda i: (i, 0)),
        out_shape=jax.ShapeDtypeStruct((NPAD * D // 128, 128), jnp.float32),
    )(t_tr)
    return flat.reshape(NPAD, D)


def kernel(s, r, o, E, R, E_t, R_ht, R_tt):
    mesh = plsc.VectorSubcoreMesh(
        core_axis_name="c", subcore_axis_name="s",
        num_cores=NC, num_subcores=NS)
    f = pl.kernel(
        _body,
        out_type=jax.ShapeDtypeStruct((B,), jnp.float32),
        mesh=mesh,
        compiler_params=pltpu.CompilerParams(
            needs_layout_passes=False, use_tc_tiling_on_sc=False),
        scratch_types=[
            pltpu.VMEM((BPW,), jnp.int32),
            pltpu.VMEM((BPW,), jnp.int32),
            pltpu.VMEM((BPW,), jnp.int32),
            pltpu.VMEM((BPW, D), jnp.float32),
            pltpu.VMEM((BPW, D), jnp.float32),
            pltpu.VMEM((BPW, D), jnp.float32),
            pltpu.VMEM((BPW, D), jnp.float32),
            pltpu.VMEM((BPW, D), jnp.float32),
            pltpu.VMEM((BPW, D), jnp.float32),
            pltpu.VMEM((BPW, D), jnp.float32),
            pltpu.VMEM((BPW,), jnp.float32),
            pltpu.SemaphoreType.DMA,
        ],
    )
    return f(s.astype(jnp.int32), r.astype(jnp.int32), o.astype(jnp.int32),
             _to_row_major_permuted(E.T), R,
             _to_row_major_permuted(E_t.T), R_ht, R_tt)

# --- scband reference (transcript-rebuilt; emitter-appended) ---
"""Pipeline reference for scband-typed-model-56255481643398 (READ-ONLY COPY).

The authoritative reference and input builder live on the scoring server;
editing this copy changes nothing except your own understanding.
"""

import jax, jax.numpy as jnp
import numpy as np

ENTITY_COUNT = 1000000
RELATION_COUNT = 1000
EMB_DIM = 32
BATCH = 16384
MULT = 20.0
PSI = 1.0


def setup_inputs(seed: int = 0) -> dict:
    key = jax.random.key(seed)
    ks = jax.random.split(key, 8)
    s = jax.random.randint(ks[0], (BATCH,), 0, ENTITY_COUNT, dtype=jnp.int64 if jax.config.jax_enable_x64 else jnp.int32)
    r = jax.random.randint(ks[1], (BATCH,), 0, RELATION_COUNT, dtype=jnp.int64 if jax.config.jax_enable_x64 else jnp.int32)
    o = jax.random.randint(ks[2], (BATCH,), 0, ENTITY_COUNT, dtype=jnp.int64 if jax.config.jax_enable_x64 else jnp.int32)
    # base model (DistMult) parameters
    E = 0.05 * jax.random.normal(ks[3], (ENTITY_COUNT, EMB_DIM), dtype=jnp.float32)
    R = 0.05 * jax.random.normal(ks[4], (RELATION_COUNT, EMB_DIM), dtype=jnp.float32)
    # typed_model parameters
    E_t = 0.05 * jax.random.normal(ks[5], (ENTITY_COUNT, EMB_DIM), dtype=jnp.float32)
    R_ht = 0.05 * jax.random.normal(ks[6], (RELATION_COUNT, EMB_DIM), dtype=jnp.float32)
    R_tt = 0.05 * jax.random.normal(ks[7], (RELATION_COUNT, EMB_DIM), dtype=jnp.float32)
    return {"s": s, "r": r, "o": o, "E": E, "R": R, "E_t": E_t, "R_ht": R_ht, "R_tt": R_tt}


def reference(s, r, o, E, R, E_t, R_ht, R_tt):
    # base model: DistMult score
    e_s = jnp.take(E, s, axis=0)
    e_r = jnp.take(R, r, axis=0)
    e_o = jnp.take(E, o, axis=0)
    base_forward = jnp.sum(e_s * e_r * e_o, axis=-1)
    # type-compatibility terms
    s_t = jnp.take(E_t, s, axis=0)
    r_ht = jnp.take(R_ht, r, axis=0)
    r_tt = jnp.take(R_tt, r, axis=0)
    o_t = jnp.take(E_t, o, axis=0)
    head_type_compatibility = jnp.sum(s_t * r_ht, axis=-1)
    tail_type_compatibility = jnp.sum(o_t * r_tt, axis=-1)
    base_forward = jax.nn.sigmoid(PSI * base_forward)
    head_type_compatibility = jax.nn.sigmoid(PSI * head_type_compatibility)
    tail_type_compatibility = jax.nn.sigmoid(PSI * tail_type_compatibility)
    return MULT * base_forward * head_type_compatibility * tail_type_compatibility

if __name__ == "__main__":
    import jax
    _d = setup_inputs()
    print(jax.jit(kernel)(*tuple(_d.values())))

</pallas_src>

<mosaic_0001>
#map = affine_map<(d0, d1) -> (0)>
#map1 = affine_map<(d0, d1) -> (0, 0)>
module attributes {stable_mosaic.version = 14 : i64} {
  func.func @_body(%arg0: i32, %arg1: i32, %arg2: memref<16384xi32, #tpu.memory_space<hbm>>, %arg3: memref<16384xi32, #tpu.memory_space<hbm>>, %arg4: memref<16384xi32, #tpu.memory_space<hbm>>, %arg5: memref<1015808x32xf32, #tpu.memory_space<hbm>>, %arg6: memref<1000x32xf32, #tpu.memory_space<hbm>>, %arg7: memref<1015808x32xf32, #tpu.memory_space<hbm>>, %arg8: memref<1000x32xf32, #tpu.memory_space<hbm>>, %arg9: memref<1000x32xf32, #tpu.memory_space<hbm>>, %arg10: memref<16384xf32, #tpu.memory_space<hbm>>, %arg11: memref<512xi32, #tpu.memory_space<vmem>>, %arg12: memref<512xi32, #tpu.memory_space<vmem>>, %arg13: memref<512xi32, #tpu.memory_space<vmem>>, %arg14: memref<512x32xf32, #tpu.memory_space<vmem>>, %arg15: memref<512x32xf32, #tpu.memory_space<vmem>>, %arg16: memref<512x32xf32, #tpu.memory_space<vmem>>, %arg17: memref<512x32xf32, #tpu.memory_space<vmem>>, %arg18: memref<512x32xf32, #tpu.memory_space<vmem>>, %arg19: memref<512x32xf32, #tpu.memory_space<vmem>>, %arg20: memref<512x32xf32, #tpu.memory_space<vmem>>, %arg21: memref<512xf32, #tpu.memory_space<vmem>>, %arg22: memref<!tpu.dma_semaphore, #tpu.memory_space<semaphore_mem>>) attributes {dimension_semantics = [#tpu.dimension_semantics<core_parallel>, #tpu.dimension_semantics<subcore_parallel>], iteration_bounds = array<i64: 2, 16>, scalar_prefetch = 0 : i64, scratch_operands = 12 : i64, tpu.core_type = #tpu.core_type<sc_vector_subcore>, window_params = [{transform_indices = #map}, {transform_indices = #map}, {transform_indices = #map}, {transform_indices = #map1}, {transform_indices = #map1}, {transform_indices = #map1}, {transform_indices = #map1}, {transform_indices = #map1}, {transform_indices = #map}]} {
    %mul3A = arith.constant 2 : i32
    %mul3A_0 = arith.muli %arg1, %mul3A : i32
    %add3A = arith.addi %mul3A_0, %arg0 : i32
    %mul3A_1 = arith.constant 512 : i32
    %mul3A_2 = arith.muli %add3A, %mul3A_1 : i32
    "tpu.region"() ({
      %run_scoped3A = tpu.sem_alloc : memref<!tpu.dma_semaphore, #tpu.memory_space<semaphore_mem>>
      %dma_start3A_1255 = tpu.memref_slice %arg2[%mul3A_2] : memref<16384xi32, #tpu.memory_space<hbm>> -> memref<512xi32, #tpu.memory_space<hbm>>
      %dma_start3A_1256 = tpu.memref_slice %arg2[%mul3A_2] : memref<16384xi32, #tpu.memory_space<hbm>> -> memref<512xi32, #tpu.memory_space<hbm>>
      tpu.enqueue_dma source(%dma_start3A_1256 : memref<512xi32, #tpu.memory_space<hbm>>) target(%arg11 : memref<512xi32, #tpu.memory_space<vmem>>) target_semaphore(%run_scoped3A : memref<!tpu.dma_semaphore, #tpu.memory_space<semaphore_mem>>)
      %dma_wait3A_1257 = tpu.memref_slice %arg2[%mul3A_2] : memref<16384xi32, #tpu.memory_space<hbm>> -> memref<512xi32, #tpu.memory_space<hbm>>
      %dma_wait3A_1258 = tpu.memref_slice %arg2[%mul3A_2] : memref<16384xi32, #tpu.memory_space<hbm>> -> memref<512xi32, #tpu.memory_space<hbm>>
      tpu.wait_dma2 semaphore(%run_scoped3A : memref<!tpu.dma_semaphore, #tpu.memory_space<semaphore_mem>>) src(%dma_wait3A_1258 : memref<512xi32, #tpu.memory_space<hbm>>) dst(%arg11 : memref<512xi32, #tpu.memory_space<vmem>>)
      tpu.yield
    }) : () -> ()
    "tpu.region"() ({
      %run_scoped3A = tpu.sem_alloc : memref<!tpu.dma_semaphore, #tpu.memory_space<semaphore_mem>>
      %dma_start3A_1255 = tpu.memref_slice %arg3[%mul3A_2] : memref<16384xi32, #tpu.memory_space<hbm>> -> memref<512xi32, #tpu.memory_space<hbm>>
      %dma_start3A_1256 = tpu.memref_slice %arg3[%mul3A_2] : memref<16384xi32, #tpu.memory_space<hbm>> -> memref<512xi32, #tpu.memory_space<hbm>>
      tpu.enqueue_dma source(%dma_start3A_1256 : memref<512xi32, #tpu.memory_space<hbm>>) target(%arg12 : memref<512xi32, #tpu.memory_space<vmem>>) target_semaphore(%run_scoped3A : memref<!tpu.dma_semaphore, #tpu.memory_space<semaphore_mem>>)
      %dma_wait3A_1257 = tpu.memref_slice %arg3[%mul3A_2] : memref<16384xi32, #tpu.memory_space<hbm>> -> memref<512xi32, #tpu.memory_space<hbm>>
      %dma_wait3A_1258 = tpu.memref_slice %arg3[%mul3A_2] : memref<16384xi32, #tpu.memory_space<hbm>> -> memref<512xi32, #tpu.memory_space<hbm>>
      tpu.wait_dma2 semaphore(%run_scoped3A : memref<!tpu.dma_semaphore, #tpu.memory_space<semaphore_mem>>) src(%dma_wait3A_1258 : memref<512xi32, #tpu.memory_space<hbm>>) dst(%arg12 : memref<512xi32, #tpu.memory_space<vmem>>)
      tpu.yield
    }) : () -> ()
    "tpu.region"() ({
      %run_scoped3A = tpu.sem_alloc : memref<!tpu.dma_semaphore, #tpu.memory_space<semaphore_mem>>
      %dma_start3A_1255 = tpu.memref_slice %arg4[%mul3A_2] : memref<16384xi32, #tpu.memory_space<hbm>> -> memref<512xi32, #tpu.memory_space<hbm>>
      %dma_start3A_1256 = tpu.memref_slice %arg4[%mul3A_2] : memref<16384xi32, #tpu.memory_space<hbm>> -> memref<512xi32, #tpu.memory_space<hbm>>
      tpu.enqueue_dma source(%dma_start3A_1256 : memref<512xi32, #tpu.memory_space<hbm>>) target(%arg13 : memref<512xi32, #tpu.memory_space<vmem>>) target_semaphore(%run_scoped3A : memref<!tpu.dma_semaphore, #tpu.memory_space<semaphore_mem>>)
      %dma_wait3A_1257 = tpu.memref_slice %arg4[%mul3A_2] : memref<16384xi32, #tpu.memory_space<hbm>> -> memref<512xi32, #tpu.memory_space<hbm>>
      %dma_wait3A_1258 = tpu.memref_slice %arg4[%mul3A_2] : memref<16384xi32, #tpu.memory_space<hbm>> -> memref<512xi32, #tpu.memory_space<hbm>>
      tpu.wait_dma2 semaphore(%run_scoped3A : memref<!tpu.dma_semaphore, #tpu.memory_space<semaphore_mem>>) src(%dma_wait3A_1258 : memref<512xi32, #tpu.memory_space<hbm>>) dst(%arg13 : memref<512xi32, #tpu.memory_space<vmem>>)
      tpu.yield
    }) : () -> ()
    %scan3A = arith.constant 0 : i32
    %scan3A_3 = arith.constant 0 : i32
    %scan3A_4 = arith.constant 32 : i32
    %scan3A_5 = arith.addi %scan3A_3, %scan3A_4 : i32
    %scan3A_6 = arith.constant 1 : i32
    %scan3A_7 = scf.for %scan3A_1255 = %scan3A_3 to %scan3A_5 step %scan3A_6 iter_args(%scan3A_1256 = %scan3A) -> (i32)  : i32 {
      %mul3A_1257 = arith.constant 16 : i32
      %mul3A_1258 = arith.muli %scan3A_1255, %mul3A_1257 : i32
      %get3A = arith.index_cast %mul3A_1258 : i32 to index
      %get3A_1259 = tpu.vector_load %arg11[%get3A] {strides = array<i32>} : memref<512xi32, #tpu.memory_space<vmem>>, vector<16xi32>,
      %jit3A_1260 = arith.constant 32768 : i32
      %eq3A_1261 = arith.constant 0 : i32
      %eq3A_1262 = arith.cmpi eq, %jit3A_1260, %eq3A_1261 : i32
      %jit3A_1263 = arith.constant 1 : i32
      %select_n3A_1264 = arith.select %eq3A_1262, %jit3A_1263, %jit3A_1260 : i32
      %rem3A_1265 = vector.broadcast %select_n3A_1264 : i32 to vector<16xi32>
      %rem3A_1266 = arith.remsi %get3A_1259, %rem3A_1265 : vector<16xi32>
      %ne3A_1267 = arith.constant 0 : i32
      %ne3A_1268 = vector.broadcast %ne3A_1267 : i32 to vector<16xi32>
      %ne3A_1269 = arith.cmpi ne, %rem3A_1266, %ne3A_1268 : vector<16xi32>
      %lt3A_1270 = arith.constant 0 : i32
      %lt3A_1271 = vector.broadcast %lt3A_1270 : i32 to vector<16xi32>
      %lt3A_1272 = arith.cmpi slt, %rem3A_1266, %lt3A_1271 : vector<16xi32>
      %lt3A_1273 = arith.constant 0 : i32
      %lt3A_1274 = arith.cmpi slt, %select_n3A_1264, %lt3A_1273 : i32
      %ne3A_1275 = vector.broadcast %lt3A_1274 : i1 to vector<16xi1>
      %ne3A_1276 = vector.broadcast %ne3A_1275 : vector<16xi1> to vector<16xi1>
      %ne3A_1277 = arith.xori %lt3A_1272, %ne3A_1276 : vector<16xi1>
      %and3A_1278 = arith.andi %ne3A_1277, %ne3A_1269 : vector<16xi1>
      %add3A_1279 = vector.broadcast %select_n3A_1264 : i32 to vector<16xi32>
      %add3A_1280 = arith.addi %rem3A_1266, %add3A_1279 : vector<16xi32>
      %select_n3A_1281 = arith.select %and3A_1278, %add3A_1280, %rem3A_1266 : vector<16xi1>, vector<16xi32>
      %sub3A = arith.subi %get3A_1259, %select_n3A_1281 : vector<16xi32>
      %jit3A_1282 = arith.constant 8192 : i32
      %eq3A_1283 = arith.constant 0 : i32
      %eq3A_1284 = arith.cmpi eq, %jit3A_1282, %eq3A_1283 : i32
      %jit3A_1285 = arith.constant 1 : i32
      %select_n3A_1286 = arith.select %eq3A_1284, %jit3A_1285, %jit3A_1282 : i32
      %rem3A_1287 = vector.broadcast %select_n3A_1286 : i32 to vector<16xi32>
      %rem3A_1288 = arith.remsi %select_n3A_1281, %rem3A_1287 : vector<16xi32>
      %ne3A_1289 = arith.constant 0 : i32
      %ne3A_1290 = vector.broadcast %ne3A_1289 : i32 to vector<16xi32>
      %ne3A_1291 = arith.cmpi ne, %rem3A_1288, %ne3A_1290 : vector<16xi32>
      %lt3A_1292 = arith.constant 0 : i32
      %lt3A_1293 = vector.broadcast %lt3A_1292 : i32 to vector<16xi32>
      %lt3A_1294 = arith.cmpi slt, %rem3A_1288, %lt3A_1293 : vector<16xi32>
      %lt3A_1295 = arith.constant 0 : i32
      %lt3A_1296 = arith.cmpi slt, %select_n3A_1286, %lt3A_1295 : i32
      %ne3A_1297 = vector.broadcast %lt3A_1296 : i1 to vector<16xi1>
      %ne3A_1298 = vector.broadcast %ne3A_1297 : vector<16xi1> to vector<16xi1>
      %ne3A_1299 = arith.xori %lt3A_1294, %ne3A_1298 : vector<16xi1>
      %and3A_1300 = arith.andi %ne3A_1299, %ne3A_1291 : vector<16xi1>
      %add3A_1301 = vector.broadcast %select_n3A_1286 : i32 to vector<16xi32>
      %add3A_1302 = arith.addi %rem3A_1288, %add3A_1301 : vector<16xi32>
      %select_n3A_1303 = arith.select %and3A_1300, %add3A_1302, %rem3A_1288 : vector<16xi1>, vector<16xi32>
      %mul3A_1304 = arith.constant 4 : i32
      %mul3A_1305 = vector.broadcast %mul3A_1304 : i32 to vector<16xi32>
      %mul3A_1306 = arith.muli %select_n3A_1303, %mul3A_1305 : vector<16xi32>
      %add3A_1307 = arith.addi %sub3A, %mul3A_1306 : vector<16xi32>
      %jit3A_1308 = arith.constant 8192 : i32
      %div3A = vector.broadcast %jit3A_1308 : i32 to vector<16xi32>
      %div3A_1309 = arith.divsi %select_n3A_1281, %div3A : vector<16xi32>
      %sign3A = arith.constant 0 : i32
      %sign3A_1310 = vector.broadcast %sign3A : i32 to vector<16xi32>
      %sign3A_1311 = arith.cmpi sgt, %select_n3A_1281, %sign3A_1310 : vector<16xi32>
      %sign3A_1312 = arith.extui %sign3A_1311 : vector<16xi1> to vector<16xi32>
      %sign3A_1313 = arith.constant 0 : i32
      %sign3A_1314 = vector.broadcast %sign3A_1313 : i32 to vector<16xi32>
      %sign3A_1315 = arith.cmpi slt, %select_n3A_1281, %sign3A_1314 : vector<16xi32>
      %sign3A_1316 = arith.extui %sign3A_1315 : vector<16xi1> to vector<16xi32>
      %sign3A_1317 = arith.subi %sign3A_1312, %sign3A_1316 : vector<16xi32>
      %sign3A_1318 = arith.constant 0 : i32
      %sign3A_1319 = arith.cmpi sgt, %jit3A_1308, %sign3A_1318 : i32
      %sign3A_1320 = arith.extui %sign3A_1319 : i1 to i32
      %sign3A_1321 = arith.constant 0 : i32
      %sign3A_1322 = arith.cmpi slt, %jit3A_1308, %sign3A_1321 : i32
      %sign3A_1323 = arith.extui %sign3A_1322 : i1 to i32
      %sign3A_1324 = arith.subi %sign3A_1320, %sign3A_1323 : i32
      %ne3A_1325 = vector.broadcast %sign3A_1324 : i32 to vector<16xi32>
      %ne3A_1326 = arith.cmpi ne, %sign3A_1317, %ne3A_1325 : vector<16xi32>
      %rem3A_1327 = vector.broadcast %jit3A_1308 : i32 to vector<16xi32>
      %rem3A_1328 = arith.remsi %select_n3A_1281, %rem3A_1327 : vector<16xi32>
      %ne3A_1329 = arith.constant 0 : i32
      %ne3A_1330 = vector.broadcast %ne3A_1329 : i32 to vector<16xi32>
      %ne3A_1331 = arith.cmpi ne, %rem3A_1328, %ne3A_1330 : vector<16xi32>
      %and3A_1332 = arith.andi %ne3A_1326, %ne3A_1331 : vector<16xi1>
      %sub3A_1333 = arith.constant 1 : i32
      %sub3A_1334 = vector.broadcast %sub3A_1333 : i32 to vector<16xi32>
      %sub3A_1335 = arith.subi %div3A_1309, %sub3A_1334 : vector<16xi32>
      %select_n3A_1336 = arith.select %and3A_1332, %sub3A_1335, %div3A_1309 : vector<16xi1>, vector<16xi32>
      %add3A_1337 = arith.addi %add3A_1307, %select_n3A_1336 : vector<16xi32>
      %swap3A = arith.index_cast %mul3A_1258 : i32 to index
      %swap3A_1338 = tpu.vector_load %arg11[%swap3A] {strides = array<i32>} : memref<512xi32, #tpu.memory_space<vmem>>, vector<16xi32>,
      tpu.vector_store %arg11[%swap3A], %add3A_1337 {strides = array<i32>} : memref<512xi32, #tpu.memory_space<vmem>>, vector<16xi32>,
      %get3A_1339 = arith.index_cast %mul3A_1258 : i32 to index
      %get3A_1340 = tpu.vector_load %arg13[%get3A_1339] {strides = array<i32>} : memref<512xi32, #tpu.memory_space<vmem>>, vector<16xi32>,
      %jit3A_1341 = arith.constant 32768 : i32
      %eq3A_1342 = arith.constant 0 : i32
      %eq3A_1343 = arith.cmpi eq, %jit3A_1341, %eq3A_1342 : i32
      %jit3A_1344 = arith.constant 1 : i32
      %select_n3A_1345 = arith.select %eq3A_1343, %jit3A_1344, %jit3A_1341 : i32
      %rem3A_1346 = vector.broadcast %select_n3A_1345 : i32 to vector<16xi32>
      %rem3A_1347 = arith.remsi %get3A_1340, %rem3A_1346 : vector<16xi32>
      %ne3A_1348 = arith.constant 0 : i32
      %ne3A_1349 = vector.broadcast %ne3A_1348 : i32 to vector<16xi32>
      %ne3A_1350 = arith.cmpi ne, %rem3A_1347, %ne3A_1349 : vector<16xi32>
      %lt3A_1351 = arith.constant 0 : i32
      %lt3A_1352 = vector.broadcast %lt3A_1351 : i32 to vector<16xi32>
      %lt3A_1353 = arith.cmpi slt, %rem3A_1347, %lt3A_1352 : vector<16xi32>
      %lt3A_1354 = arith.constant 0 : i32
      %lt3A_1355 = arith.cmpi slt, %select_n3A_1345, %lt3A_1354 : i32
      %ne3A_1356 = vector.broadcast %lt3A_1355 : i1 to vector<16xi1>
      %ne3A_1357 = vector.broadcast %ne3A_1356 : vector<16xi1> to vector<16xi1>
      %ne3A_1358 = arith.xori %lt3A_1353, %ne3A_1357 : vector<16xi1>
      %and3A_1359 = arith.andi %ne3A_1358, %ne3A_1350 : vector<16xi1>
      %add3A_1360 = vector.broadcast %select_n3A_1345 : i32 to vector<16xi32>
      %add3A_1361 = arith.addi %rem3A_1347, %add3A_1360 : vector<16xi32>
      %select_n3A_1362 = arith.select %and3A_1359, %add3A_1361, %rem3A_1347 : vector<16xi1>, vector<16xi32>
      %sub3A_1363 = arith.subi %get3A_1340, %select_n3A_1362 : vector<16xi32>
      %jit3A_1364 = arith.constant 8192 : i32
      %eq3A_1365 = arith.constant 0 : i32
      %eq3A_1366 = arith.cmpi eq, %jit3A_1364, %eq3A_1365 : i32
      %jit3A_1367 = arith.constant 1 : i32
      %select_n3A_1368 = arith.select %eq3A_1366, %jit3A_1367, %jit3A_1364 : i32
      %rem3A_1369 = vector.broadcast %select_n3A_1368 : i32 to vector<16xi32>
      %rem3A_1370 = arith.remsi %select_n3A_1362, %rem3A_1369 : vector<16xi32>
      %ne3A_1371 = arith.constant 0 : i32
      %ne3A_1372 = vector.broadcast %ne3A_1371 : i32 to vector<16xi32>
      %ne3A_1373 = arith.cmpi ne, %rem3A_1370, %ne3A_1372 : vector<16xi32>
      %lt3A_1374 = arith.constant 0 : i32
      %lt3A_1375 = vector.broadcast %lt3A_1374 : i32 to vector<16xi32>
      %lt3A_1376 = arith.cmpi slt, %rem3A_1370, %lt3A_1375 : vector<16xi32>
      %lt3A_1377 = arith.constant 0 : i32
      %lt3A_1378 = arith.cmpi slt, %select_n3A_1368, %lt3A_1377 : i32
      %ne3A_1379 = vector.broadcast %lt3A_1378 : i1 to vector<16xi1>
      %ne3A_1380 = vector.broadcast %ne3A_1379 : vector<16xi1> to vector<16xi1>
      %ne3A_1381 = arith.xori %lt3A_1376, %ne3A_1380 : vector<16xi1>
      %and3A_1382 = arith.andi %ne3A_1381, %ne3A_1373 : vector<16xi1>
      %add3A_1383 = vector.broadcast %select_n3A_1368 : i32 to vector<16xi32>
      %add3A_1384 = arith.addi %rem3A_1370, %add3A_1383 : vector<16xi32>
      %select_n3A_1385 = arith.select %and3A_1382, %add3A_1384, %rem3A_1370 : vector<16xi1>, vector<16xi32>
      %mul3A_1386 = arith.constant 4 : i32
      %mul3A_1387 = vector.broadcast %mul3A_1386 : i32 to vector<16xi32>
      %mul3A_1388 = arith.muli %select_n3A_1385, %mul3A_1387 : vector<16xi32>
      %add3A_1389 = arith.addi %sub3A_1363, %mul3A_1388 : vector<16xi32>
      %jit3A_1390 = arith.constant 8192 : i32
      %div3A_1391 = vector.broadcast %jit3A_1390 : i32 to vector<16xi32>
      %div3A_1392 = arith.divsi %select_n3A_1362, %div3A_1391 : vector<16xi32>
      %sign3A_1393 = arith.constant 0 : i32
      %sign3A_1394 = vector.broadcast %sign3A_1393 : i32 to vector<16xi32>
      %sign3A_1395 = arith.cmpi sgt, %select_n3A_1362, %sign3A_1394 : vector<16xi32>
      %sign3A_1396 = arith.extui %sign3A_1395 : vector<16xi1> to vector<16xi32>
      %sign3A_1397 = arith.constant 0 : i32
      %sign3A_1398 = vector.broadcast %sign3A_1397 : i32 to vector<16xi32>
      %sign3A_1399 = arith.cmpi slt, %select_n3A_1362, %sign3A_1398 : vector<16xi32>
      %sign3A_1400 = arith.extui %sign3A_1399 : vector<16xi1> to vector<16xi32>
      %sign3A_1401 = arith.subi %sign3A_1396, %sign3A_1400 : vector<16xi32>
      %sign3A_1402 = arith.constant 0 : i32
      %sign3A_1403 = arith.cmpi sgt, %jit3A_1390, %sign3A_1402 : i32
      %sign3A_1404 = arith.extui %sign3A_1403 : i1 to i32
      %sign3A_1405 = arith.constant 0 : i32
      %sign3A_1406 = arith.cmpi slt, %jit3A_1390, %sign3A_1405 : i32
      %sign3A_1407 = arith.extui %sign3A_1406 : i1 to i32
      %sign3A_1408 = arith.subi %sign3A_1404, %sign3A_1407 : i32
      %ne3A_1409 = vector.broadcast %sign3A_1408 : i32 to vector<16xi32>
      %ne3A_1410 = arith.cmpi ne, %sign3A_1401, %ne3A_1409 : vector<16xi32>
      %rem3A_1411 = vector.broadcast %jit3A_1390 : i32 to vector<16xi32>
      %rem3A_1412 = arith.remsi %select_n3A_1362, %rem3A_1411 : vector<16xi32>
      %ne3A_1413 = arith.constant 0 : i32
      %ne3A_1414 = vector.broadcast %ne3A_1413 : i32 to vector<16xi32>
      %ne3A_1415 = arith.cmpi ne, %rem3A_1412, %ne3A_1414 : vector<16xi32>
      %and3A_1416 = arith.andi %ne3A_1410, %ne3A_1415 : vector<16xi1>
      %sub3A_1417 = arith.constant 1 : i32
      %sub3A_1418 = vector.broadcast %sub3A_1417 : i32 to vector<16xi32>
      %sub3A_1419 = arith.subi %div3A_1392, %sub3A_1418 : vector<16xi32>
      %select_n3A_1420 = arith.select %and3A_1416, %sub3A_1419, %div3A_1392 : vector<16xi1>, vector<16xi32>
      %add3A_1421 = arith.addi %add3A_1389, %select_n3A_1420 : vector<16xi32>
      %swap3A_1422 = arith.index_cast %mul3A_1258 : i32 to index
      %swap3A_1423 = tpu.vector_load %arg13[%swap3A_1422] {strides = array<i32>} : memref<512xi32, #tpu.memory_space<vmem>>, vector<16xi32>,
      tpu.vector_store %arg13[%swap3A_1422], %add3A_1421 {strides = array<i32>} : memref<512xi32, #tpu.memory_space<vmem>>, vector<16xi32>,
      %scan3A_1424 = arith.constant 0 : i32
      scf.yield %scan3A_1424 : i32
    }
    %scan3A_8 = arith.constant 32 : i32
    %dma_start3A = arith.constant 0 : i32
    %dma_start3A_9 = arith.constant 0 : i32
    %dma_start3A_10 = tpu.memref_slice %arg14[%dma_start3A, %dma_start3A_9] : memref<512x32xf32, #tpu.memory_space<vmem>> -> memref<128x32xf32, #tpu.memory_space<vmem>>
    %dma_start3A_11 = arith.constant 0 : i32
    %dma_start3A_12 = tpu.memref_slice %arg11[%dma_start3A_11] : memref<512xi32, #tpu.memory_space<vmem>> -> memref<128xi32, #tpu.memory_space<vmem>>
    %dma_start3A_13 = arith.constant 0 : i32
    %dma_start3A_14 = arith.constant 0 : i32
    %dma_start3A_15 = tpu.memref_slice %arg5[%dma_start3A_13, %dma_start3A_14] : memref<1015808x32xf32, #tpu.memory_space<hbm>> -> memref<1015808x32xf32, #tpu.memory_space<hbm>>
    tpu.enqueue_indirect_dma source(%dma_start3A_15 : memref<1015808x32xf32, #tpu.memory_space<hbm>>) target(%dma_start3A_10 : memref<128x32xf32, #tpu.memory_space<vmem>>) offsets(%dma_start3A_12 : memref<128xi32, #tpu.memory_space<vmem>>) semaphore(%arg22 : memref<!tpu.dma_semaphore, #tpu.memory_space<semaphore_mem>>)
    %dma_start3A_16 = arith.constant 0 : i32
    %dma_start3A_17 = arith.constant 0 : i32
    %dma_start3A_18 = tpu.memref_slice %arg15[%dma_start3A_16, %dma_start3A_17] : memref<512x32xf32, #tpu.memory_space<vmem>> -> memref<128x32xf32, #tpu.memory_space<vmem>>
    %dma_start3A_19 = arith.constant 0 : i32
    %dma_start3A_20 = tpu.memref_slice %arg13[%dma_start3A_19] : memref<512xi32, #tpu.memory_space<vmem>> -> memref<128xi32, #tpu.memory_space<vmem>>
    %dma_start3A_21 = arith.constant 0 : i32
    %dma_start3A_22 = arith.constant 0 : i32
    %dma_start3A_23 = tpu.memref_slice %arg5[%dma_start3A_21, %dma_start3A_22] : memref<1015808x32xf32, #tpu.memory_space<hbm>> -> memref<1015808x32xf32, #tpu.memory_space<hbm>>
    tpu.enqueue_indirect_dma source(%dma_start3A_23 : memref<1015808x32xf32, #tpu.memory_space<hbm>>) target(%dma_start3A_18 : memref<128x32xf32, #tpu.memory_space<vmem>>) offsets(%dma_start3A_20 : memref<128xi32, #tpu.memory_space<vmem>>) semaphore(%arg22 : memref<!tpu.dma_semaphore, #tpu.memory_space<semaphore_mem>>)
    %dma_start3A_24 = arith.constant 0 : i32
    %dma_start3A_25 = arith.constant 0 : i32
    %dma_start3A_26 = tpu.memref_slice %arg16[%dma_start3A_24, %dma_start3A_25] : memref<512x32xf32, #tpu.memory_space<vmem>> -> memref<128x32xf32, #tpu.memory_space<vmem>>
    %dma_start3A_27 = arith.constant 0 : i32
    %dma_start3A_28 = tpu.memref_slice %arg11[%dma_start3A_27] : memref<512xi32, #tpu.memory_space<vmem>> -> memref<128xi32, #tpu.memory_space<vmem>>
    %dma_start3A_29 = arith.constant 0 : i32
    %dma_start3A_30 = arith.constant 0 : i32
    %dma_start3A_31 = tpu.memref_slice %arg7[%dma_start3A_29, %dma_start3A_30] : memref<1015808x32xf32, #tpu.memory_space<hbm>> -> memref<1015808x32xf32, #tpu.memory_space<hbm>>
    tpu.enqueue_indirect_dma source(%dma_start3A_31 : memref<1015808x32xf32, #tpu.memory_space<hbm>>) target(%dma_start3A_26 : memref<128x32xf32, #tpu.memory_space<vmem>>) offsets(%dma_start3A_28 : memref<128xi32, #tpu.memory_space<vmem>>) semaphore(%arg22 : memref<!tpu.dma_semaphore, #tpu.memory_space<semaphore_mem>>)
    %dma_start3A_32 = arith.constant 0 : i32
    %dma_start3A_33 = arith.constant 0 : i32
    %dma_start3A_34 = tpu.memref_slice %arg17[%dma_start3A_32, %dma_start3A_33] : memref<512x32xf32, #tpu.memory_space<vmem>> -> memref<128x32xf32, #tpu.memory_space<vmem>>
    %dma_start3A_35 = arith.constant 0 : i32
    %dma_start3A_36 = tpu.memref_slice %arg13[%dma_start3A_35] : memref<512xi32, #tpu.memory_space<vmem>> -> memref<128xi32, #tpu.memory_space<vmem>>
    %dma_start3A_37 = arith.constant 0 : i32
    %dma_start3A_38 = arith.constant 0 : i32
    %dma_start3A_39 = tpu.memref_slice %arg7[%dma_start3A_37, %dma_start3A_38] : memref<1015808x32xf32, #tpu.memory_space<hbm>> -> memref<1015808x32xf32, #tpu.memory_space<hbm>>
    tpu.enqueue_indirect_dma source(%dma_start3A_39 : memref<1015808x32xf32, #tpu.memory_space<hbm>>) target(%dma_start3A_34 : memref<128x32xf32, #tpu.memory_space<vmem>>) offsets(%dma_start3A_36 : memref<128xi32, #tpu.memory_space<vmem>>) semaphore(%arg22 : memref<!tpu.dma_semaphore, #tpu.memory_space<semaphore_mem>>)
    %dma_start3A_40 = arith.constant 0 : i32
    %dma_start3A_41 = arith.constant 0 : i32
    %dma_start3A_42 = tpu.memref_slice %arg18[%dma_start3A_40, %dma_start3A_41] : memref<512x32xf32, #tpu.memory_space<vmem>> -> memref<128x32xf32, #tpu.memory_space<vmem>>
    %dma_start3A_43 = arith.constant 0 : i32
    %dma_start3A_44 = tpu.memref_slice %arg12[%dma_start3A_43] : memref<512xi32, #tpu.memory_space<vmem>> -> memref<128xi32, #tpu.memory_space<vmem>>
    %dma_start3A_45 = arith.constant 0 : i32
    %dma_start3A_46 = arith.constant 0 : i32
    %dma_start3A_47 = tpu.memref_slice %arg6[%dma_start3A_45, %dma_start3A_46] : memref<1000x32xf32, #tpu.memory_space<hbm>> -> memref<1000x32xf32, #tpu.memory_space<hbm>>
    tpu.enqueue_indirect_dma source(%dma_start3A_47 : memref<1000x32xf32, #tpu.memory_space<hbm>>) target(%dma_start3A_42 : memref<128x32xf32, #tpu.memory_space<vmem>>) offsets(%dma_start3A_44 : memref<128xi32, #tpu.memory_space<vmem>>) semaphore(%arg22 : memref<!tpu.dma_semaphore, #tpu.memory_space<semaphore_mem>>)
    %dma_start3A_48 = arith.constant 0 : i32
    %dma_start3A_49 = arith.constant 0 : i32
    %dma_start3A_50 = tpu.memref_slice %arg19[%dma_start3A_48, %dma_start3A_49] : memref<512x32xf32, #tpu.memory_space<vmem>> -> memref<128x32xf32, #tpu.memory_space<vmem>>
    %dma_start3A_51 = arith.constant 0 : i32
    %dma_start3A_52 = tpu.memref_slice %arg12[%dma_start3A_51] : memref<512xi32, #tpu.memory_space<vmem>> -> memref<128xi32, #tpu.memory_space<vmem>>
    %dma_start3A_53 = arith.constant 0 : i32
    %dma_start3A_54 = arith.constant 0 : i32
    %dma_start3A_55 = tpu.memref_slice %arg8[%dma_start3A_53, %dma_start3A_54] : memref<1000x32xf32, #tpu.memory_space<hbm>> -> memref<1000x32xf32, #tpu.memory_space<hbm>>
    tpu.enqueue_indirect_dma source(%dma_start3A_55 : memref<1000x32xf32, #tpu.memory_space<hbm>>) target(%dma_start3A_50 : memref<128x32xf32, #tpu.memory_space<vmem>>) offsets(%dma_start3A_52 : memref<128xi32, #tpu.memory_space<vmem>>) semaphore(%arg22 : memref<!tpu.dma_semaphore, #tpu.memory_space<semaphore_mem>>)
    %dma_start3A_56 = arith.constant 0 : i32
    %dma_start3A_57 = arith.constant 0 : i32
    %dma_start3A_58 = tpu.memref_slice %arg20[%dma_start3A_56, %dma_start3A_57] : memref<512x32xf32, #tpu.memory_space<vmem>> -> memref<128x32xf32, #tpu.memory_space<vmem>>
    %dma_start3A_59 = arith.constant 0 : i32
    %dma_start3A_60 = tpu.memref_slice %arg12[%dma_start3A_59] : memref<512xi32, #tpu.memory_space<vmem>> -> memref<128xi32, #tpu.memory_space<vmem>>
    %dma_start3A_61 = arith.constant 0 : i32
    %dma_start3A_62 = arith.constant 0 : i32
    %dma_start3A_63 = tpu.memref_slice %arg9[%dma_start3A_61, %dma_start3A_62] : memref<1000x32xf32, #tpu.memory_space<hbm>> -> memref<1000x32xf32, #tpu.memory_space<hbm>>
    tpu.enqueue_indirect_dma source(%dma_start3A_63 : memref<1000x32xf32, #tpu.memory_space<hbm>>) target(%dma_start3A_58 : memref<128x32xf32, #tpu.memory_space<vmem>>) offsets(%dma_start3A_60 : memref<128xi32, #tpu.memory_space<vmem>>) semaphore(%arg22 : memref<!tpu.dma_semaphore, #tpu.memory_space<semaphore_mem>>)
    %dma_start3A_64 = arith.constant 128 : i32
    %dma_start3A_65 = arith.constant 0 : i32
    %dma_start3A_66 = tpu.memref_slice %arg14[%dma_start3A_64, %dma_start3A_65] : memref<512x32xf32, #tpu.memory_space<vmem>> -> memref<128x32xf32, #tpu.memory_space<vmem>>
    %dma_start3A_67 = arith.constant 128 : i32
    %dma_start3A_68 = tpu.memref_slice %arg11[%dma_start3A_67] : memref<512xi32, #tpu.memory_space<vmem>> -> memref<128xi32, #tpu.memory_space<vmem>>
    %dma_start3A_69 = arith.constant 0 : i32
    %dma_start3A_70 = arith.constant 0 : i32
    %dma_start3A_71 = tpu.memref_slice %arg5[%dma_start3A_69, %dma_start3A_70] : memref<1015808x32xf32, #tpu.memory_space<hbm>> -> memref<1015808x32xf32, #tpu.memory_space<hbm>>
    tpu.enqueue_indirect_dma source(%dma_start3A_71 : memref<1015808x32xf32, #tpu.memory_space<hbm>>) target(%dma_start3A_66 : memref<128x32xf32, #tpu.memory_space<vmem>>) offsets(%dma_start3A_68 : memref<128xi32, #tpu.memory_space<vmem>>) semaphore(%arg22 : memref<!tpu.dma_semaphore, #tpu.memory_space<semaphore_mem>>)
    %dma_start3A_72 = arith.constant 128 : i32
    %dma_start3A_73 = arith.constant 0 : i32
    %dma_start3A_74 = tpu.memref_slice %arg15[%dma_start3A_72, %dma_start3A_73] : memref<512x32xf32, #tpu.memory_space<vmem>> -> memref<128x32xf32, #tpu.memory_space<vmem>>
    %dma_start3A_75 = arith.constant 128 : i32
    %dma_start3A_76 = tpu.memref_slice %arg13[%dma_start3A_75] : memref<512xi32, #tpu.memory_space<vmem>> -> memref<128xi32, #tpu.memory_space<vmem>>
    %dma_start3A_77 = arith.constant 0 : i32
    %dma_start3A_78 = arith.constant 0 : i32
    %dma_start3A_79 = tpu.memref_slice %arg5[%dma_start3A_77, %dma_start3A_78] : memref<1015808x32xf32, #tpu.memory_space<hbm>> -> memref<1015808x32xf32, #tpu.memory_space<hbm>>
    tpu.enqueue_indirect_dma source(%dma_start3A_79 : memref<1015808x32xf32, #tpu.memory_space<hbm>>) target(%dma_start3A_74 : memref<128x32xf32, #tpu.memory_space<vmem>>) offsets(%dma_start3A_76 : memref<128xi32, #tpu.memory_space<vmem>>) semaphore(%arg22 : memref<!tpu.dma_semaphore, #tpu.memory_space<semaphore_mem>>)
    %dma_start3A_80 = arith.constant 128 : i32
    %dma_start3A_81 = arith.constant 0 : i32
    %dma_start3A_82 = tpu.memref_slice %arg16[%dma_start3A_80, %dma_start3A_81] : memref<512x32xf32, #tpu.memory_space<vmem>> -> memref<128x32xf32, #tpu.memory_space<vmem>>
    %dma_start3A_83 = arith.constant 128 : i32
    %dma_start3A_84 = tpu.memref_slice %arg11[%dma_start3A_83] : memref<512xi32, #tpu.memory_space<vmem>> -> memref<128xi32, #tpu.memory_space<vmem>>
    %dma_start3A_85 = arith.constant 0 : i32
    %dma_start3A_86 = arith.constant 0 : i32
    %dma_start3A_87 = tpu.memref_slice %arg7[%dma_start3A_85, %dma_start3A_86] : memref<1015808x32xf32, #tpu.memory_space<hbm>> -> memref<1015808x32xf32, #tpu.memory_space<hbm>>
    tpu.enqueue_indirect_dma source(%dma_start3A_87 : memref<1015808x32xf32, #tpu.memory_space<hbm>>) target(%dma_start3A_82 : memref<128x32xf32, #tpu.memory_space<vmem>>) offsets(%dma_start3A_84 : memref<128xi32, #tpu.memory_space<vmem>>) semaphore(%arg22 : memref<!tpu.dma_semaphore, #tpu.memory_space<semaphore_mem>>)
    %dma_start3A_88 = arith.constant 128 : i32
    %dma_start3A_89 = arith.constant 0 : i32
    %dma_start3A_90 = tpu.memref_slice %arg17[%dma_start3A_88, %dma_start3A_89] : memref<512x32xf32, #tpu.memory_space<vmem>> -> memref<128x32xf32, #tpu.memory_space<vmem>>
    %dma_start3A_91 = arith.constant 128 : i32
    %dma_start3A_92 = tpu.memref_slice %arg13[%dma_start3A_91] : memref<512xi32, #tpu.memory_space<vmem>> -> memref<128xi32, #tpu.memory_space<vmem>>
    %dma_start3A_93 = arith.constant 0 : i32
    %dma_start3A_94 = arith.constant 0 : i32
    %dma_start3A_95 = tpu.memref_slice %arg7[%dma_start3A_93, %dma_start3A_94] : memref<1015808x32xf32, #tpu.memory_space<hbm>> -> memref<1015808x32xf32, #tpu.memory_space<hbm>>
    tpu.enqueue_indirect_dma source(%dma_start3A_95 : memref<1015808x32xf32, #tpu.memory_space<hbm>>) target(%dma_start3A_90 : memref<128x32xf32, #tpu.memory_space<vmem>>) offsets(%dma_start3A_92 : memref<128xi32, #tpu.memory_space<vmem>>) semaphore(%arg22 : memref<!tpu.dma_semaphore, #tpu.memory_space<semaphore_mem>>)
    %dma_start3A_96 = arith.constant 128 : i32
    %dma_start3A_97 = arith.constant 0 : i32
    %dma_start3A_98 = tpu.memref_slice %arg18[%dma_start3A_96, %dma_start3A_97] : memref<512x32xf32, #tpu.memory_space<vmem>> -> memref<128x32xf32, #tpu.memory_space<vmem>>
    %dma_start3A_99 = arith.constant 128 : i32
    %dma_start3A_100 = tpu.memref_slice %arg12[%dma_start3A_99] : memref<512xi32, #tpu.memory_space<vmem>> -> memref<128xi32, #tpu.memory_space<vmem>>
    %dma_start3A_101 = arith.constant 0 : i32
    %dma_start3A_102 = arith.constant 0 : i32
    %dma_start3A_103 = tpu.memref_slice %arg6[%dma_start3A_101, %dma_start3A_102] : memref<1000x32xf32, #tpu.memory_space<hbm>> -> memref<1000x32xf32, #tpu.memory_space<hbm>>
    tpu.enqueue_indirect_dma source(%dma_start3A_103 : memref<1000x32xf32, #tpu.memory_space<hbm>>) target(%dma_start3A_98 : memref<128x32xf32, #tpu.memory_space<vmem>>) offsets(%dma_start3A_100 : memref<128xi32, #tpu.memory_space<vmem>>) semaphore(%arg22 : memref<!tpu.dma_semaphore, #tpu.memory_space<semaphore_mem>>)
    %dma_start3A_104 = arith.constant 128 : i32
    %dma_start3A_105 = arith.constant 0 : i32
    %dma_start3A_106 = tpu.memref_slice %arg19[%dma_start3A_104, %dma_start3A_105] : memref<512x32xf32, #tpu.memory_space<vmem>> -> memref<128x32xf32, #tpu.memory_space<vmem>>
    %dma_start3A_107 = arith.constant 128 : i32
    %dma_start3A_108 = tpu.memref_slice %arg12[%dma_start3A_107] : memref<512xi32, #tpu.memory_space<vmem>> -> memref<128xi32, #tpu.memory_space<vmem>>
    %dma_start3A_109 = arith.constant 0 : i32
    %dma_start3A_110 = arith.constant 0 : i32
    %dma_start3A_111 = tpu.memref_slice %arg8[%dma_start3A_109, %dma_start3A_110] : memref<1000x32xf32, #tpu.memory_space<hbm>> -> memref<1000x32xf32, #tpu.memory_space<hbm>>
    tpu.enqueue_indirect_dma source(%dma_start3A_111 : memref<1000x32xf32, #tpu.memory_space<hbm>>) target(%dma_start3A_106 : memref<128x32xf32, #tpu.memory_space<vmem>>) offsets(%dma_start3A_108 : memref<128xi32, #tpu.memory_space<vmem>>) semaphore(%arg22 : memref<!tpu.dma_semaphore, #tpu.memory_space<semaphore_mem>>)
    %dma_start3A_112 = arith.constant 128 : i32
    %dma_start3A_113 = arith.constant 0 : i32
    %dma_start3A_114 = tpu.memref_slice %arg20[%dma_start3A_112, %dma_start3A_113] : memref<512x32xf32, #tpu.memory_space<vmem>> -> memref<128x32xf32, #tpu.memory_space<vmem>>
    %dma_start3A_115 = arith.constant 128 : i32
    %dma_start3A_116 = tpu.memref_slice %arg12[%dma_start3A_115] : memref<512xi32, #tpu.memory_space<vmem>> -> memref<128xi32, #tpu.memory_space<vmem>>
    %dma_start3A_117 = arith.constant 0 : i32
    %dma_start3A_118 = arith.constant 0 : i32
    %dma_start3A_119 = tpu.memref_slice %arg9[%dma_start3A_117, %dma_start3A_118] : memref<1000x32xf32, #tpu.memory_space<hbm>> -> memref<1000x32xf32, #tpu.memory_space<hbm>>
    tpu.enqueue_indirect_dma source(%dma_start3A_119 : memref<1000x32xf32, #tpu.memory_space<hbm>>) target(%dma_start3A_114 : memref<128x32xf32, #tpu.memory_space<vmem>>) offsets(%dma_start3A_116 : memref<128xi32, #tpu.memory_space<vmem>>) semaphore(%arg22 : memref<!tpu.dma_semaphore, #tpu.memory_space<semaphore_mem>>)
    %dma_start3A_120 = arith.constant 256 : i32
    %dma_start3A_121 = arith.constant 0 : i32
    %dma_start3A_122 = tpu.memref_slice %arg14[%dma_start3A_120, %dma_start3A_121] : memref<512x32xf32, #tpu.memory_space<vmem>> -> memref<128x32xf32, #tpu.memory_space<vmem>>
    %dma_start3A_123 = arith.constant 256 : i32
    %dma_start3A_124 = tpu.memref_slice %arg11[%dma_start3A_123] : memref<512xi32, #tpu.memory_space<vmem>> -> memref<128xi32, #tpu.memory_space<vmem>>
    %dma_start3A_125 = arith.constant 0 : i32
    %dma_start3A_126 = arith.constant 0 : i32
    %dma_start3A_127 = tpu.memref_slice %arg5[%dma_start3A_125, %dma_start3A_126] : memref<1015808x32xf32, #tpu.memory_space<hbm>> -> memref<1015808x32xf32, #tpu.memory_space<hbm>>
    tpu.enqueue_indirect_dma source(%dma_start3A_127 : memref<1015808x32xf32, #tpu.memory_space<hbm>>) target(%dma_start3A_122 : memref<128x32xf32, #tpu.memory_space<vmem>>) offsets(%dma_start3A_124 : memref<128xi32, #tpu.memory_space<vmem>>) semaphore(%arg22 : memref<!tpu.dma_semaphore, #tpu.memory_space<semaphore_mem>>)
    %dma_start3A_128 = arith.constant 256 : i32
    %dma_start3A_129 = arith.constant 0 : i32
    %dma_start3A_130 = tpu.memref_slice %arg15[%dma_start3A_128, %dma_start3A_129] : memref<512x32xf32, #tpu.memory_space<vmem>> -> memref<128x32xf32, #tpu.memory_space<vmem>>
    %dma_start3A_131 = arith.constant 256 : i32
    %dma_start3A_132 = tpu.memref_slice %arg13[%dma_start3A_131] : memref<512xi32, #tpu.memory_space<vmem>> -> memref<128xi32, #tpu.memory_space<vmem>>
    %dma_start3A_133 = arith.constant 0 : i32
    %dma_start3A_134 = arith.constant 0 : i32
    %dma_start3A_135 = tpu.memref_slice %arg5[%dma_start3A_133, %dma_start3A_134] : memref<1015808x32xf32, #tpu.memory_space<hbm>> -> memref<1015808x32xf32, #tpu.memory_space<hbm>>
    tpu.enqueue_indirect_dma source(%dma_start3A_135 : memref<1015808x32xf32, #tpu.memory_space<hbm>>) target(%dma_start3A_130 : memref<128x32xf32, #tpu.memory_space<vmem>>) offsets(%dma_start3A_132 : memref<128xi32, #tpu.memory_space<vmem>>) semaphore(%arg22 : memref<!tpu.dma_semaphore, #tpu.memory_space<semaphore_mem>>)
    %dma_start3A_136 = arith.constant 256 : i32
    %dma_start3A_137 = arith.constant 0 : i32
    %dma_start3A_138 = tpu.memref_slice %arg16[%dma_start3A_136, %dma_start3A_137] : memref<512x32xf32, #tpu.memory_space<vmem>> -> memref<128x32xf32, #tpu.memory_space<vmem>>
    %dma_start3A_139 = arith.constant 256 : i32
    %dma_start3A_140 = tpu.memref_slice %arg11[%dma_start3A_139] : memref<512xi32, #tpu.memory_space<vmem>> -> memref<128xi32, #tpu.memory_space<vmem>>
    %dma_start3A_141 = arith.constant 0 : i32
    %dma_start3A_142 = arith.constant 0 : i32
    %dma_start3A_143 = tpu.memref_slice %arg7[%dma_start3A_141, %dma_start3A_142] : memref<1015808x32xf32, #tpu.memory_space<hbm>> -> memref<1015808x32xf32, #tpu.memory_space<hbm>>
    tpu.enqueue_indirect_dma source(%dma_start3A_143 : memref<1015808x32xf32, #tpu.memory_space<hbm>>) target(%dma_start3A_138 : memref<128x32xf32, #tpu.memory_space<vmem>>) offsets(%dma_start3A_140 : memref<128xi32, #tpu.memory_space<vmem>>) semaphore(%arg22 : memref<!tpu.dma_semaphore, #tpu.memory_space<semaphore_mem>>)
    %dma_start3A_144 = arith.constant 256 : i32
    %dma_start3A_145 = arith.constant 0 : i32
    %dma_start3A_146 = tpu.memref_slice %arg17[%dma_start3A_144, %dma_start3A_145] : memref<512x32xf32, #tpu.memory_space<vmem>> -> memref<128x32xf32, #tpu.memory_space<vmem>>
    %dma_start3A_147 = arith.constant 256 : i32
    %dma_start3A_148 = tpu.memref_slice %arg13[%dma_start3A_147] : memref<512xi32, #tpu.memory_space<vmem>> -> memref<128xi32, #tpu.memory_space<vmem>>
    %dma_start3A_149 = arith.constant 0 : i32
    %dma_start3A_150 = arith.constant 0 : i32
    %dma_start3A_151 = tpu.memref_slice %arg7[%dma_start3A_149, %dma_start3A_150] : memref<1015808x32xf32, #tpu.memory_space<hbm>> -> memref<1015808x32xf32, #tpu.memory_space<hbm>>
    tpu.enqueue_indirect_dma source(%dma_start3A_151 : memref<1015808x32xf32, #tpu.memory_space<hbm>>) target(%dma_start3A_146 : memref<128x32xf32, #tpu.memory_space<vmem>>) offsets(%dma_start3A_148 : memref<128xi32, #tpu.memory_space<vmem>>) semaphore(%arg22 : memref<!tpu.dma_semaphore, #tpu.memory_space<semaphore_mem>>)
    %dma_start3A_152 = arith.constant 256 : i32
    %dma_start3A_153 = arith.constant 0 : i32
    %dma_start3A_154 = tpu.memref_slice %arg18[%dma_start3A_152, %dma_start3A_153] : memref<512x32xf32, #tpu.memory_space<vmem>> -> memref<128x32xf32, #tpu.memory_space<vmem>>
    %dma_start3A_155 = arith.constant 256 : i32
    %dma_start3A_156 = tpu.memref_slice %arg12[%dma_start3A_155] : memref<512xi32, #tpu.memory_space<vmem>> -> memref<128xi32, #tpu.memory_space<vmem>>
    %dma_start3A_157 = arith.constant 0 : i32
    %dma_start3A_158 = arith.constant 0 : i32
    %dma_start3A_159 = tpu.memref_slice %arg6[%dma_start3A_157, %dma_start3A_158] : memref<1000x32xf32, #tpu.memory_space<hbm>> -> memref<1000x32xf32, #tpu.memory_space<hbm>>
    tpu.enqueue_indirect_dma source(%dma_start3A_159 : memref<1000x32xf32, #tpu.memory_space<hbm>>) target(%dma_start3A_154 : memref<128x32xf32, #tpu.memory_space<vmem>>) offsets(%dma_start3A_156 : memref<128xi32, #tpu.memory_space<vmem>>) semaphore(%arg22 : memref<!tpu.dma_semaphore, #tpu.memory_space<semaphore_mem>>)
    %dma_start3A_160 = arith.constant 256 : i32
    %dma_start3A_161 = arith.constant 0 : i32
    %dma_start3A_162 = tpu.memref_slice %arg19[%dma_start3A_160, %dma_start3A_161] : memref<512x32xf32, #tpu.memory_space<vmem>> -> memref<128x32xf32, #tpu.memory_space<vmem>>
    %dma_start3A_163 = arith.constant 256 : i32
    %dma_start3A_164 = tpu.memref_slice %arg12[%dma_start3A_163] : memref<512xi32, #tpu.memory_space<vmem>> -> memref<128xi32, #tpu.memory_space<vmem>>
    %dma_start3A_165 = arith.constant 0 : i32
    %dma_start3A_166 = arith.constant 0 : i32
    %dma_start3A_167 = tpu.memref_slice %arg8[%dma_start3A_165, %dma_start3A_166] : memref<1000x32xf32, #tpu.memory_space<hbm>> -> memref<1000x32xf32, #tpu.memory_space<hbm>>
    tpu.enqueue_indirect_dma source(%dma_start3A_167 : memref<1000x32xf32, #tpu.memory_space<hbm>>) target(%dma_start3A_162 : memref<128x32xf32, #tpu.memory_space<vmem>>) offsets(%dma_start3A_164 : memref<128xi32, #tpu.memory_space<vmem>>) semaphore(%arg22 : memref<!tpu.dma_semaphore, #tpu.memory_space<semaphore_mem>>)
    %dma_start3A_168 = arith.constant 256 : i32
    %dma_start3A_169 = arith.constant 0 : i32
    %dma_start3A_170 = tpu.memref_slice %arg20[%dma_start3A_168, %dma_start3A_169] : memref<512x32xf32, #tpu.memory_space<vmem>> -> memref<128x32xf32, #tpu.memory_space<vmem>>
    %dma_start3A_171 = arith.constant 256 : i32
    %dma_start3A_172 = tpu.memref_slice %arg12[%dma_start3A_171] : memref<512xi32, #tpu.memory_space<vmem>> -> memref<128xi32, #tpu.memory_space<vmem>>
    %dma_start3A_173 = arith.constant 0 : i32
    %dma_start3A_174 = arith.constant 0 : i32
    %dma_start3A_175 = tpu.memref_slice %arg9[%dma_start3A_173, %dma_start3A_174] : memref<1000x32xf32, #tpu.memory_space<hbm>> -> memref<1000x32xf32, #tpu.memory_space<hbm>>
    tpu.enqueue_indirect_dma source(%dma_start3A_175 : memref<1000x32xf32, #tpu.memory_space<hbm>>) target(%dma_start3A_170 : memref<128x32xf32, #tpu.memory_space<vmem>>) offsets(%dma_start3A_172 : memref<128xi32, #tpu.memory_space<vmem>>) semaphore(%arg22 : memref<!tpu.dma_semaphore, #tpu.memory_space<semaphore_mem>>)
    %dma_start3A_176 = arith.constant 384 : i32
    %dma_start3A_177 = arith.constant 0 : i32
    %dma_start3A_178 = tpu.memref_slice %arg14[%dma_start3A_176, %dma_start3A_177] : memref<512x32xf32, #tpu.memory_space<vmem>> -> memref<128x32xf32, #tpu.memory_space<vmem>>
    %dma_start3A_179 = arith.constant 384 : i32
    %dma_start3A_180 = tpu.memref_slice %arg11[%dma_start3A_179] : memref<512xi32, #tpu.memory_space<vmem>> -> memref<128xi32, #tpu.memory_space<vmem>>
    %dma_start3A_181 = arith.constant 0 : i32
    %dma_start3A_182 = arith.constant 0 : i32
    %dma_start3A_183 = tpu.memref_slice %arg5[%dma_start3A_181, %dma_start3A_182] : memref<1015808x32xf32, #tpu.memory_space<hbm>> -> memref<1015808x32xf32, #tpu.memory_space<hbm>>
    tpu.enqueue_indirect_dma source(%dma_start3A_183 : memref<1015808x32xf32, #tpu.memory_space<hbm>>) target(%dma_start3A_178 : memref<128x32xf32, #tpu.memory_space<vmem>>) offsets(%dma_start3A_180 : memref<128xi32, #tpu.memory_space<vmem>>) semaphore(%arg22 : memref<!tpu.dma_semaphore, #tpu.memory_space<semaphore_mem>>)
    %dma_start3A_184 = arith.constant 384 : i32
    %dma_start3A_185 = arith.constant 0 : i32
    %dma_start3A_186 = tpu.memref_slice %arg15[%dma_start3A_184, %dma_start3A_185] : memref<512x32xf32, #tpu.memory_space<vmem>> -> memref<128x32xf32, #tpu.memory_space<vmem>>
    %dma_start3A_187 = arith.constant 384 : i32
    %dma_start3A_188 = tpu.memref_slice %arg13[%dma_start3A_187] : memref<512xi32, #tpu.memory_space<vmem>> -> memref<128xi32, #tpu.memory_space<vmem>>
    %dma_start3A_189 = arith.constant 0 : i32
    %dma_start3A_190 = arith.constant 0 : i32
    %dma_start3A_191 = tpu.memref_slice %arg5[%dma_start3A_189, %dma_start3A_190] : memref<1015808x32xf32, #tpu.memory_space<hbm>> -> memref<1015808x32xf32, #tpu.memory_space<hbm>>
    tpu.enqueue_indirect_dma source(%dma_start3A_191 : memref<1015808x32xf32, #tpu.memory_space<hbm>>) target(%dma_start3A_186 : memref<128x32xf32, #tpu.memory_space<vmem>>) offsets(%dma_start3A_188 : memref<128xi32, #tpu.memory_space<vmem>>) semaphore(%arg22 : memref<!tpu.dma_semaphore, #tpu.memory_space<semaphore_mem>>)
    %dma_start3A_192 = arith.constant 384 : i32
    %dma_start3A_193 = arith.constant 0 : i32
    %dma_start3A_194 = tpu.memref_slice %arg16[%dma_start3A_192, %dma_start3A_193] : memref<512x32xf32, #tpu.memory_space<vmem>> -> memref<128x32xf32, #tpu.memory_space<vmem>>
    %dma_start3A_195 = arith.constant 384 : i32
    %dma_start3A_196 = tpu.memref_slice %arg11[%dma_start3A_195] : memref<512xi32, #tpu.memory_space<vmem>> -> memref<128xi32, #tpu.memory_space<vmem>>
    %dma_start3A_197 = arith.constant 0 : i32
    %dma_start3A_198 = arith.constant 0 : i32
    %dma_start3A_199 = tpu.memref_slice %arg7[%dma_start3A_197, %dma_start3A_198] : memref<1015808x32xf32, #tpu.memory_space<hbm>> -> memref<1015808x32xf32, #tpu.memory_space<hbm>>
    tpu.enqueue_indirect_dma source(%dma_start3A_199 : memref<1015808x32xf32, #tpu.memory_space<hbm>>) target(%dma_start3A_194 : memref<128x32xf32, #tpu.memory_space<vmem>>) offsets(%dma_start3A_196 : memref<128xi32, #tpu.memory_space<vmem>>) semaphore(%arg22 : memref<!tpu.dma_semaphore, #tpu.memory_space<semaphore_mem>>)
    %dma_start3A_200 = arith.constant 384 : i32
    %dma_start3A_201 = arith.constant 0 : i32
    %dma_start3A_202 = tpu.memref_slice %arg17[%dma_start3A_200, %dma_start3A_201] : memref<512x32xf32, #tpu.memory_space<vmem>> -> memref<128x32xf32, #tpu.memory_space<vmem>>
    %dma_start3A_203 = arith.constant 384 : i32
    %dma_start3A_204 = tpu.memref_slice %arg13[%dma_start3A_203] : memref<512xi32, #tpu.memory_space<vmem>> -> memref<128xi32, #tpu.memory_space<vmem>>
    %dma_start3A_205 = arith.constant 0 : i32
    %dma_start3A_206 = arith.constant 0 : i32
    %dma_start3A_207 = tpu.memref_slice %arg7[%dma_start3A_205, %dma_start3A_206] : memref<1015808x32xf32, #tpu.memory_space<hbm>> -> memref<1015808x32xf32, #tpu.memory_space<hbm>>
    tpu.enqueue_indirect_dma source(%dma_start3A_207 : memref<1015808x32xf32, #tpu.memory_space<hbm>>) target(%dma_start3A_202 : memref<128x32xf32, #tpu.memory_space<vmem>>) offsets(%dma_start3A_204 : memref<128xi32, #tpu.memory_space<vmem>>) semaphore(%arg22 : memref<!tpu.dma_semaphore, #tpu.memory_space<semaphore_mem>>)
    %dma_start3A_208 = arith.constant 384 : i32
    %dma_start3A_209 = arith.constant 0 : i32
    %dma_start3A_210 = tpu.memref_slice %arg18[%dma_start3A_208, %dma_start3A_209] : memref<512x32xf32, #tpu.memory_space<vmem>> -> memref<128x32xf32, #tpu.memory_space<vmem>>
    %dma_start3A_211 = arith.constant 384 : i32
    %dma_start3A_212 = tpu.memref_slice %arg12[%dma_start3A_211] : memref<512xi32, #tpu.memory_space<vmem>> -> memref<128xi32, #tpu.memory_space<vmem>>
    %dma_start3A_213 = arith.constant 0 : i32
    %dma_start3A_214 = arith.constant 0 : i32
    %dma_start3A_215 = tpu.memref_slice %arg6[%dma_start3A_213, %dma_start3A_214] : memref<1000x32xf32, #tpu.memory_space<hbm>> -> memref<1000x32xf32, #tpu.memory_space<hbm>>
    tpu.enqueue_indirect_dma source(%dma_start3A_215 : memref<1000x32xf32, #tpu.memory_space<hbm>>) target(%dma_start3A_210 : memref<128x32xf32, #tpu.memory_space<vmem>>) offsets(%dma_start3A_212 : memref<128xi32, #tpu.memory_space<vmem>>) semaphore(%arg22 : memref<!tpu.dma_semaphore, #tpu.memory_space<semaphore_mem>>)
    %dma_start3A_216 = arith.constant 384 : i32
    %dma_start3A_217 = arith.constant 0 : i32
    %dma_start3A_218 = tpu.memref_slice %arg19[%dma_start3A_216, %dma_start3A_217] : memref<512x32xf32, #tpu.memory_space<vmem>> -> memref<128x32xf32, #tpu.memory_space<vmem>>
    %dma_start3A_219 = arith.constant 384 : i32
    %dma_start3A_220 = tpu.memref_slice %arg12[%dma_start3A_219] : memref<512xi32, #tpu.memory_space<vmem>> -> memref<128xi32, #tpu.memory_space<vmem>>
    %dma_start3A_221 = arith.constant 0 : i32
    %dma_start3A_222 = arith.constant 0 : i32
    %dma_start3A_223 = tpu.memref_slice %arg8[%dma_start3A_221, %dma_start3A_222] : memref<1000x32xf32, #tpu.memory_space<hbm>> -> memref<1000x32xf32, #tpu.memory_space<hbm>>
    tpu.enqueue_indirect_dma source(%dma_start3A_223 : memref<1000x32xf32, #tpu.memory_space<hbm>>) target(%dma_start3A_218 : memref<128x32xf32, #tpu.memory_space<vmem>>) offsets(%dma_start3A_220 : memref<128xi32, #tpu.memory_space<vmem>>) semaphore(%arg22 : memref<!tpu.dma_semaphore, #tpu.memory_space<semaphore_mem>>)
    %dma_start3A_224 = arith.constant 384 : i32
    %dma_start3A_225 = arith.constant 0 : i32
    %dma_start3A_226 = tpu.memref_slice %arg20[%dma_start3A_224, %dma_start3A_225] : memref<512x32xf32, #tpu.memory_space<vmem>> -> memref<128x32xf32, #tpu.memory_space<vmem>>
    %dma_start3A_227 = arith.constant 384 : i32
    %dma_start3A_228 = tpu.memref_slice %arg12[%dma_start3A_227] : memref<512xi32, #tpu.memory_space<vmem>> -> memref<128xi32, #tpu.memory_space<vmem>>
    %dma_start3A_229 = arith.constant 0 : i32
    %dma_start3A_230 = arith.constant 0 : i32
    %dma_start3A_231 = tpu.memref_slice %arg9[%dma_start3A_229, %dma_start3A_230] : memref<1000x32xf32, #tpu.memory_space<hbm>> -> memref<1000x32xf32, #tpu.memory_space<hbm>>
    tpu.enqueue_indirect_dma source(%dma_start3A_231 : memref<1000x32xf32, #tpu.memory_space<hbm>>) target(%dma_start3A_226 : memref<128x32xf32, #tpu.memory_space<vmem>>) offsets(%dma_start3A_228 : memref<128xi32, #tpu.memory_space<vmem>>) semaphore(%arg22 : memref<!tpu.dma_semaphore, #tpu.memory_space<semaphore_mem>>)
    %dma_wait3A = arith.constant 0 : i32
    %dma_wait3A_232 = arith.constant 0 : i32
    %dma_wait3A_233 = tpu.memref_slice %arg14[%dma_wait3A, %dma_wait3A_232] : memref<512x32xf32, #tpu.memory_space<vmem>> -> memref<128x32xf32, #tpu.memory_space<vmem>>
    %dma_wait3A_234 = arith.constant 0 : i32
    %dma_wait3A_235 = tpu.memref_slice %arg11[%dma_wait3A_234] : memref<512xi32, #tpu.memory_space<vmem>> -> memref<128xi32, #tpu.memory_space<vmem>>
    %dma_wait3A_236 = arith.constant 0 : i32
    %dma_wait3A_237 = arith.constant 0 : i32
    %dma_wait3A_238 = tpu.memref_slice %arg5[%dma_wait3A_236, %dma_wait3A_237] : memref<1015808x32xf32, #tpu.memory_space<hbm>> -> memref<1015808x32xf32, #tpu.memory_space<hbm>>
    tpu.wait_indirect_dma semaphore(%arg22 : memref<!tpu.dma_semaphore, #tpu.memory_space<semaphore_mem>>) src(%dma_wait3A_238 : memref<1015808x32xf32, #tpu.memory_space<hbm>>) dst(%dma_wait3A_233 : memref<128x32xf32, #tpu.memory_space<vmem>>)
    %dma_wait3A_239 = arith.constant 0 : i32
    %dma_wait3A_240 = arith.constant 0 : i32
    %dma_wait3A_241 = tpu.memref_slice %arg15[%dma_wait3A_239, %dma_wait3A_240] : memref<512x32xf32, #tpu.memory_space<vmem>> -> memref<128x32xf32, #tpu.memory_space<vmem>>
    %dma_wait3A_242 = arith.constant 0 : i32
    %dma_wait3A_243 = tpu.memref_slice %arg13[%dma_wait3A_242] : memref<512xi32, #tpu.memory_space<vmem>> -> memref<128xi32, #tpu.memory_space<vmem>>
    %dma_wait3A_244 = arith.constant 0 : i32
    %dma_wait3A_245 = arith.constant 0 : i32
    %dma_wait3A_246 = tpu.memref_slice %arg5[%dma_wait3A_244, %dma_wait3A_245] : memref<1015808x32xf32, #tpu.memory_space<hbm>> -> memref<1015808x32xf32, #tpu.memory_space<hbm>>
    tpu.wait_indirect_dma semaphore(%arg22 : memref<!tpu.dma_semaphore, #tpu.memory_space<semaphore_mem>>) src(%dma_wait3A_246 : memref<1015808x32xf32, #tpu.memory_space<hbm>>) dst(%dma_wait3A_241 : memref<128x32xf32, #tpu.memory_space<vmem>>)
    %dma_wait3A_247 = arith.constant 0 : i32
    %dma_wait3A_248 = arith.constant 0 : i32
    %dma_wait3A_249 = tpu.memref_slice %arg16[%dma_wait3A_247, %dma_wait3A_248] : memref<512x32xf32, #tpu.memory_space<vmem>> -> memref<128x32xf32, #tpu.memory_space<vmem>>
    %dma_wait3A_250 = arith.constant 0 : i32
    %dma_wait3A_251 = tpu.memref_slice %arg11[%dma_wait3A_250] : memref<512xi32, #tpu.memory_space<vmem>> -> memref<128xi32, #tpu.memory_space<vmem>>
    %dma_wait3A_252 = arith.constant 0 : i32
    %dma_wait3A_253 = arith.constant 0 : i32
    %dma_wait3A_254 = tpu.memref_slice %arg7[%dma_wait3A_252, %dma_wait3A_253] : memref<1015808x32xf32, #tpu.memory_space<hbm>> -> memref<1015808x32xf32, #tpu.memory_space<hbm>>
    tpu.wait_indirect_dma semaphore(%arg22 : memref<!tpu.dma_semaphore, #tpu.memory_space<semaphore_mem>>) src(%dma_wait3A_254 : memref<1015808x32xf32, #tpu.memory_space<hbm>>) dst(%dma_wait3A_249 : memref<128x32xf32, #tpu.memory_space<vmem>>)
    %dma_wait3A_255 = arith.constant 0 : i32
    %dma_wait3A_256 = arith.constant 0 : i32
    %dma_wait3A_257 = tpu.memref_slice %arg17[%dma_wait3A_255, %dma_wait3A_256] : memref<512x32xf32, #tpu.memory_space<vmem>> -> memref<128x32xf32, #tpu.memory_space<vmem>>
    %dma_wait3A_258 = arith.constant 0 : i32
    %dma_wait3A_259 = tpu.memref_slice %arg13[%dma_wait3A_258] : memref<512xi32, #tpu.memory_space<vmem>> -> memref<128xi32, #tpu.memory_space<vmem>>
    %dma_wait3A_260 = arith.constant 0 : i32
    %dma_wait3A_261 = arith.constant 0 : i32
    %dma_wait3A_262 = tpu.memref_slice %arg7[%dma_wait3A_260, %dma_wait3A_261] : memref<1015808x32xf32, #tpu.memory_space<hbm>> -> memref<1015808x32xf32, #tpu.memory_space<hbm>>
    tpu.wait_indirect_dma semaphore(%arg22 : memref<!tpu.dma_semaphore, #tpu.memory_space<semaphore_mem>>) src(%dma_wait3A_262 : memref<1015808x32xf32, #tpu.memory_space<hbm>>) dst(%dma_wait3A_257 : memref<128x32xf32, #tpu.memory_space<vmem>>)
    %dma_wait3A_263 = arith.constant 0 : i32
    %dma_wait3A_264 = arith.constant 0 : i32
    %dma_wait3A_265 = tpu.memref_slice %arg18[%dma_wait3A_263, %dma_wait3A_264] : memref<512x32xf32, #tpu.memory_space<vmem>> -> memref<128x32xf32, #tpu.memory_space<vmem>>
    %dma_wait3A_266 = arith.constant 0 : i32
    %dma_wait3A_267 = tpu.memref_slice %arg12[%dma_wait3A_266] : memref<512xi32, #tpu.memory_space<vmem>> -> memref<128xi32, #tpu.memory_space<vmem>>
    %dma_wait3A_268 = arith.constant 0 : i32
    %dma_wait3A_269 = arith.constant 0 : i32
    %dma_wait3A_270 = tpu.memref_slice %arg6[%dma_wait3A_268, %dma_wait3A_269] : memref<1000x32xf32, #tpu.memory_space<hbm>> -> memref<1000x32xf32, #tpu.memory_space<hbm>>
    tpu.wait_indirect_dma semaphore(%arg22 : memref<!tpu.dma_semaphore, #tpu.memory_space<semaphore_mem>>) src(%dma_wait3A_270 : memref<1000x32xf32, #tpu.memory_space<hbm>>) dst(%dma_wait3A_265 : memref<128x32xf32, #tpu.memory_space<vmem>>)
    %dma_wait3A_271 = arith.constant 0 : i32
    %dma_wait3A_272 = arith.constant 0 : i32
    %dma_wait3A_273 = tpu.memref_slice %arg19[%dma_wait3A_271, %dma_wait3A_272] : memref<512x32xf32, #tpu.memory_space<vmem>> -> memref<128x32xf32, #tpu.memory_space<vmem>>
    %dma_wait3A_274 = arith.constant 0 : i32
    %dma_wait3A_275 = tpu.memref_slice %arg12[%dma_wait3A_274] : memref<512xi32, #tpu.memory_space<vmem>> -> memref<128xi32, #tpu.memory_space<vmem>>
    %dma_wait3A_276 = arith.constant 0 : i32
    %dma_wait3A_277 = arith.constant 0 : i32
    %dma_wait3A_278 = tpu.memref_slice %arg8[%dma_wait3A_276, %dma_wait3A_277] : memref<1000x32xf32, #tpu.memory_space<hbm>> -> memref<1000x32xf32, #tpu.memory_space<hbm>>
    tpu.wait_indirect_dma semaphore(%arg22 : memref<!tpu.dma_semaphore, #tpu.memory_space<semaphore_mem>>) src(%dma_wait3A_278 : memref<1000x32xf32, #tpu.memory_space<hbm>>) dst(%dma_wait3A_273 : memref<128x32xf32, #tpu.memory_space<vmem>>)
    %dma_wait3A_279 = arith.constant 0 : i32
    %dma_wait3A_280 = arith.constant 0 : i32
    %dma_wait3A_281 = tpu.memref_slice %arg20[%dma_wait3A_279, %dma_wait3A_280] : memref<512x32xf32, #tpu.memory_space<vmem>> -> memref<128x32xf32, #tpu.memory_space<vmem>>
    %dma_wait3A_282 = arith.constant 0 : i32
    %dma_wait3A_283 = tpu.memref_slice %arg12[%dma_wait3A_282] : memref<512xi32, #tpu.memory_space<vmem>> -> memref<128xi32, #tpu.memory_space<vmem>>
    %dma_wait3A_284 = arith.constant 0 : i32
    %dma_wait3A_285 = arith.constant 0 : i32
    %dma_wait3A_286 = tpu.memref_slice %arg9[%dma_wait3A_284, %dma_wait3A_285] : memref<1000x32xf32, #tpu.memory_space<hbm>> -> memref<1000x32xf32, #tpu.memory_space<hbm>>
    tpu.wait_indirect_dma semaphore(%arg22 : memref<!tpu.dma_semaphore, #tpu.memory_space<semaphore_mem>>) src(%dma_wait3A_286 : memref<1000x32xf32, #tpu.memory_space<hbm>>) dst(%dma_wait3A_281 : memref<128x32xf32, #tpu.memory_space<vmem>>)
    %dma_wait3A_287 = arith.constant 128 : i32
    %dma_wait3A_288 = arith.constant 0 : i32
    %dma_wait3A_289 = tpu.memref_slice %arg14[%dma_wait3A_287, %dma_wait3A_288] : memref<512x32xf32, #tpu.memory_space<vmem>> -> memref<128x32xf32, #tpu.memory_space<vmem>>
    %dma_wait3A_290 = arith.constant 128 : i32
    %dma_wait3A_291 = tpu.memref_slice %arg11[%dma_wait3A_290] : memref<512xi32, #tpu.memory_space<vmem>> -> memref<128xi32, #tpu.memory_space<vmem>>
    %dma_wait3A_292 = arith.constant 0 : i32
    %dma_wait3A_293 = arith.constant 0 : i32
    %dma_wait3A_294 = tpu.memref_slice %arg5[%dma_wait3A_292, %dma_wait3A_293] : memref<1015808x32xf32, #tpu.memory_space<hbm>> -> memref<1015808x32xf32, #tpu.memory_space<hbm>>
    tpu.wait_indirect_dma semaphore(%arg22 : memref<!tpu.dma_semaphore, #tpu.memory_space<semaphore_mem>>) src(%dma_wait3A_294 : memref<1015808x32xf32, #tpu.memory_space<hbm>>) dst(%dma_wait3A_289 : memref<128x32xf32, #tpu.memory_space<vmem>>)
    %dma_wait3A_295 = arith.constant 128 : i32
    %dma_wait3A_296 = arith.constant 0 : i32
    %dma_wait3A_297 = tpu.memref_slice %arg15[%dma_wait3A_295, %dma_wait3A_296] : memref<512x32xf32, #tpu.memory_space<vmem>> -> memref<128x32xf32, #tpu.memory_space<vmem>>
    %dma_wait3A_298 = arith.constant 128 : i32
    %dma_wait3A_299 = tpu.memref_slice %arg13[%dma_wait3A_298] : memref<512xi32, #tpu.memory_space<vmem>> -> memref<128xi32, #tpu.memory_space<vmem>>
    %dma_wait3A_300 = arith.constant 0 : i32
    %dma_wait3A_301 = arith.constant 0 : i32
    %dma_wait3A_302 = tpu.memref_slice %arg5[%dma_wait3A_300, %dma_wait3A_301] : memref<1015808x32xf32, #tpu.memory_space<hbm>> -> memref<1015808x32xf32, #tpu.memory_space<hbm>>
    tpu.wait_indirect_dma semaphore(%arg22 : memref<!tpu.dma_semaphore, #tpu.memory_space<semaphore_mem>>) src(%dma_wait3A_302 : memref<1015808x32xf32, #tpu.memory_space<hbm>>) dst(%dma_wait3A_297 : memref<128x32xf32, #tpu.memory_space<vmem>>)
    %dma_wait3A_303 = arith.constant 128 : i32
    %dma_wait3A_304 = arith.constant 0 : i32
    %dma_wait3A_305 = tpu.memref_slice %arg16[%dma_wait3A_303, %dma_wait3A_304] : memref<512x32xf32, #tpu.memory_space<vmem>> -> memref<128x32xf32, #tpu.memory_space<vmem>>
    %dma_wait3A_306 = arith.constant 128 : i32
    %dma_wait3A_307 = tpu.memref_slice %arg11[%dma_wait3A_306] : memref<512xi32, #tpu.memory_space<vmem>> -> memref<128xi32, #tpu.memory_space<vmem>>
    %dma_wait3A_308 = arith.constant 0 : i32
    %dma_wait3A_309 = arith.constant 0 : i32
    %dma_wait3A_310 = tpu.memref_slice %arg7[%dma_wait3A_308, %dma_wait3A_309] : memref<1015808x32xf32, #tpu.memory_space<hbm>> -> memref<1015808x32xf32, #tpu.memory_space<hbm>>
    tpu.wait_indirect_dma semaphore(%arg22 : memref<!tpu.dma_semaphore, #tpu.memory_space<semaphore_mem>>) src(%dma_wait3A_310 : memref<1015808x32xf32, #tpu.memory_space<hbm>>) dst(%dma_wait3A_305 : memref<128x32xf32, #tpu.memory_space<vmem>>)
    %dma_wait3A_311 = arith.constant 128 : i32
    %dma_wait3A_312 = arith.constant 0 : i32
    %dma_wait3A_313 = tpu.memref_slice %arg17[%dma_wait3A_311, %dma_wait3A_312] : memref<512x32xf32, #tpu.memory_space<vmem>> -> memref<128x32xf32, #tpu.memory_space<vmem>>
    %dma_wait3A_314 = arith.constant 128 : i32
    %dma_wait3A_315 = tpu.memref_slice %arg13[%dma_wait3A_314] : memref<512xi32, #tpu.memory_space<vmem>> -> memref<128xi32, #tpu.memory_space<vmem>>
    %dma_wait3A_316 = arith.constant 0 : i32
    %dma_wait3A_317 = arith.constant 0 : i32
    %dma_wait3A_318 = tpu.memref_slice %arg7[%dma_wait3A_316, %dma_wait3A_317] : memref<1015808x32xf32, #tpu.memory_space<hbm>> -> memref<1015808x32xf32, #tpu.memory_space<hbm>>
    tpu.wait_indirect_dma semaphore(%arg22 : memref<!tpu.dma_semaphore, #tpu.memory_space<semaphore_mem>>) src(%dma_wait3A_318 : memref<1015808x32xf32, #tpu.memory_space<hbm>>) dst(%dma_wait3A_313 : memref<128x32xf32, #tpu.memory_space<vmem>>)
    %dma_wait3A_319 = arith.constant 128 : i32
    %dma_wait3A_320 = arith.constant 0 : i32
    %dma_wait3A_321 = tpu.memref_slice %arg18[%dma_wait3A_319, %dma_wait3A_320] : memref<512x32xf32, #tpu.memory_space<vmem>> -> memref<128x32xf32, #tpu.memory_space<vmem>>
    %dma_wait3A_322 = arith.constant 128 : i32
    %dma_wait3A_323 = tpu.memref_slice %arg12[%dma_wait3A_322] : memref<512xi32, #tpu.memory_space<vmem>> -> memref<128xi32, #tpu.memory_space<vmem>>
    %dma_wait3A_324 = arith.constant 0 : i32
    %dma_wait3A_325 = arith.constant 0 : i32
    %dma_wait3A_326 = tpu.memref_slice %arg6[%dma_wait3A_324, %dma_wait3A_325] : memref<1000x32xf32, #tpu.memory_space<hbm>> -> memref<1000x32xf32, #tpu.memory_space<hbm>>
    tpu.wait_indirect_dma semaphore(%arg22 : memref<!tpu.dma_semaphore, #tpu.memory_space<semaphore_mem>>) src(%dma_wait3A_326 : memref<1000x32xf32, #tpu.memory_space<hbm>>) dst(%dma_wait3A_321 : memref<128x32xf32, #tpu.memory_space<vmem>>)
    %dma_wait3A_327 = arith.constant 128 : i32
    %dma_wait3A_328 = arith.constant 0 : i32
    %dma_wait3A_329 = tpu.memref_slice %arg19[%dma_wait3A_327, %dma_wait3A_328] : memref<512x32xf32, #tpu.memory_space<vmem>> -> memref<128x32xf32, #tpu.memory_space<vmem>>
    %dma_wait3A_330 = arith.constant 128 : i32
    %dma_wait3A_331 = tpu.memref_slice %arg12[%dma_wait3A_330] : memref<512xi32, #tpu.memory_space<vmem>> -> memref<128xi32, #tpu.memory_space<vmem>>
    %dma_wait3A_332 = arith.constant 0 : i32
    %dma_wait3A_333 = arith.constant 0 : i32
    %dma_wait3A_334 = tpu.memref_slice %arg8[%dma_wait3A_332, %dma_wait3A_333] : memref<1000x32xf32, #tpu.memory_space<hbm>> -> memref<1000x32xf32, #tpu.memory_space<hbm>>
    tpu.wait_indirect_dma semaphore(%arg22 : memref<!tpu.dma_semaphore, #tpu.memory_space<semaphore_mem>>) src(%dma_wait3A_334 : memref<1000x32xf32, #tpu.memory_space<hbm>>) dst(%dma_wait3A_329 : memref<128x32xf32, #tpu.memory_space<vmem>>)
    %dma_wait3A_335 = arith.constant 128 : i32
    %dma_wait3A_336 = arith.constant 0 : i32
    %dma_wait3A_337 = tpu.memref_slice %arg20[%dma_wait3A_335, %dma_wait3A_336] : memref<512x32xf32, #tpu.memory_space<vmem>> -> memref<128x32xf32, #tpu.memory_space<vmem>>
    %dma_wait3A_338 = arith.constant 128 : i32
    %dma_wait3A_339 = tpu.memref_slice %arg12[%dma_wait3A_338] : memref<512xi32, #tpu.memory_space<vmem>> -> memref<128xi32, #tpu.memory_space<vmem>>
    %dma_wait3A_340 = arith.constant 0 : i32
    %dma_wait3A_341 = arith.constant 0 : i32
    %dma_wait3A_342 = tpu.memref_slice %arg9[%dma_wait3A_340, %dma_wait3A_341] : memref<1000x32xf32, #tpu.memory_space<hbm>> -> memref<1000x32xf32, #tpu.memory_space<hbm>>
    tpu.wait_indirect_dma semaphore(%arg22 : memref<!tpu.dma_semaphore, #tpu.memory_space<semaphore_mem>>) src(%dma_wait3A_342 : memref<1000x32xf32, #tpu.memory_space<hbm>>) dst(%dma_wait3A_337 : memref<128x32xf32, #tpu.memory_space<vmem>>)
    %dma_wait3A_343 = arith.constant 256 : i32
    %dma_wait3A_344 = arith.constant 0 : i32
    %dma_wait3A_345 = tpu.memref_slice %arg14[%dma_wait3A_343, %dma_wait3A_344] : memref<512x32xf32, #tpu.memory_space<vmem>> -> memref<128x32xf32, #tpu.memory_space<vmem>>
    %dma_wait3A_346 = arith.constant 256 : i32
    %dma_wait3A_347 = tpu.memref_slice %arg11[%dma_wait3A_346] : memref<512xi32, #tpu.memory_space<vmem>> -> memref<128xi32, #tpu.memory_space<vmem>>
    %dma_wait3A_348 = arith.constant 0 : i32
    %dma_wait3A_349 = arith.constant 0 : i32
    %dma_wait3A_350 = tpu.memref_slice %arg5[%dma_wait3A_348, %dma_wait3A_349] : memref<1015808x32xf32, #tpu.memory_space<hbm>> -> memref<1015808x32xf32, #tpu.memory_space<hbm>>
    tpu.wait_indirect_dma semaphore(%arg22 : memref<!tpu.dma_semaphore, #tpu.memory_space<semaphore_mem>>) src(%dma_wait3A_350 : memref<1015808x32xf32, #tpu.memory_space<hbm>>) dst(%dma_wait3A_345 : memref<128x32xf32, #tpu.memory_space<vmem>>)
    %dma_wait3A_351 = arith.constant 256 : i32
    %dma_wait3A_352 = arith.constant 0 : i32
    %dma_wait3A_353 = tpu.memref_slice %arg15[%dma_wait3A_351, %dma_wait3A_352] : memref<512x32xf32, #tpu.memory_space<vmem>> -> memref<128x32xf32, #tpu.memory_space<vmem>>
    %dma_wait3A_354 = arith.constant 256 : i32
    %dma_wait3A_355 = tpu.memref_slice %arg13[%dma_wait3A_354] : memref<512xi32, #tpu.memory_space<vmem>> -> memref<128xi32, #tpu.memory_space<vmem>>
    %dma_wait3A_356 = arith.constant 0 : i32
    %dma_wait3A_357 = arith.constant 0 : i32
    %dma_wait3A_358 = tpu.memref_slice %arg5[%dma_wait3A_356, %dma_wait3A_357] : memref<1015808x32xf32, #tpu.memory_space<hbm>> -> memref<1015808x32xf32, #tpu.memory_space<hbm>>
    tpu.wait_indirect_dma semaphore(%arg22 : memref<!tpu.dma_semaphore, #tpu.memory_space<semaphore_mem>>) src(%dma_wait3A_358 : memref<1015808x32xf32, #tpu.memory_space<hbm>>) dst(%dma_wait3A_353 : memref<128x32xf32, #tpu.memory_space<vmem>>)
    %dma_wait3A_359 = arith.constant 256 : i32
    %dma_wait3A_360 = arith.constant 0 : i32
    %dma_wait3A_361 = tpu.memref_slice %arg16[%dma_wait3A_359, %dma_wait3A_360] : memref<512x32xf32, #tpu.memory_space<vmem>> -> memref<128x32xf32, #tpu.memory_space<vmem>>
    %dma_wait3A_362 = arith.constant 256 : i32
    %dma_wait3A_363 = tpu.memref_slice %arg11[%dma_wait3A_362] : memref<512xi32, #tpu.memory_space<vmem>> -> memref<128xi32, #tpu.memory_space<vmem>>
    %dma_wait3A_364 = arith.constant 0 : i32
    %dma_wait3A_365 = arith.constant 0 : i32
    %dma_wait3A_366 = tpu.memref_slice %arg7[%dma_wait3A_364, %dma_wait3A_365] : memref<1015808x32xf32, #tpu.memory_space<hbm>> -> memref<1015808x32xf32, #tpu.memory_space<hbm>>
    tpu.wait_indirect_dma semaphore(%arg22 : memref<!tpu.dma_semaphore, #tpu.memory_space<semaphore_mem>>) src(%dma_wait3A_366 : memref<1015808x32xf32, #tpu.memory_space<hbm>>) dst(%dma_wait3A_361 : memref<128x32xf32, #tpu.memory_space<vmem>>)
    %dma_wait3A_367 = arith.constant 256 : i32
    %dma_wait3A_368 = arith.constant 0 : i32
    %dma_wait3A_369 = tpu.memref_slice %arg17[%dma_wait3A_367, %dma_wait3A_368] : memref<512x32xf32, #tpu.memory_space<vmem>> -> memref<128x32xf32, #tpu.memory_space<vmem>>
    %dma_wait3A_370 = arith.constant 256 : i32
    %dma_wait3A_371 = tpu.memref_slice %arg13[%dma_wait3A_370] : memref<512xi32, #tpu.memory_space<vmem>> -> memref<128xi32, #tpu.memory_space<vmem>>
    %dma_wait3A_372 = arith.constant 0 : i32
    %dma_wait3A_373 = arith.constant 0 : i32
    %dma_wait3A_374 = tpu.memref_slice %arg7[%dma_wait3A_372, %dma_wait3A_373] : memref<1015808x32xf32, #tpu.memory_space<hbm>> -> memref<1015808x32xf32, #tpu.memory_space<hbm>>
    tpu.wait_indirect_dma semaphore(%arg22 : memref<!tpu.dma_semaphore, #tpu.memory_space<semaphore_mem>>) src(%dma_wait3A_374 : memref<1015808x32xf32, #tpu.memory_space<hbm>>) dst(%dma_wait3A_369 : memref<128x32xf32, #tpu.memory_space<vmem>>)
    %dma_wait3A_375 = arith.constant 256 : i32
    %dma_wait3A_376 = arith.constant 0 : i32
    %dma_wait3A_377 = tpu.memref_slice %arg18[%dma_wait3A_375, %dma_wait3A_376] : memref<512x32xf32, #tpu.memory_space<vmem>> -> memref<128x32xf32, #tpu.memory_space<vmem>>
    %dma_wait3A_378 = arith.constant 256 : i32
    %dma_wait3A_379 = tpu.memref_slice %arg12[%dma_wait3A_378] : memref<512xi32, #tpu.memory_space<vmem>> -> memref<128xi32, #tpu.memory_space<vmem>>
    %dma_wait3A_380 = arith.constant 0 : i32
    %dma_wait3A_381 = arith.constant 0 : i32
    %dma_wait3A_382 = tpu.memref_slice %arg6[%dma_wait3A_380, %dma_wait3A_381] : memref<1000x32xf32, #tpu.memory_space<hbm>> -> memref<1000x32xf32, #tpu.memory_space<hbm>>
    tpu.wait_indirect_dma semaphore(%arg22 : memref<!tpu.dma_semaphore, #tpu.memory_space<semaphore_mem>>) src(%dma_wait3A_382 : memref<1000x32xf32, #tpu.memory_space<hbm>>) dst(%dma_wait3A_377 : memref<128x32xf32, #tpu.memory_space<vmem>>)
    %dma_wait3A_383 = arith.constant 256 : i32
    %dma_wait3A_384 = arith.constant 0 : i32
    %dma_wait3A_385 = tpu.memref_slice %arg19[%dma_wait3A_383, %dma_wait3A_384] : memref<512x32xf32, #tpu.memory_space<vmem>> -> memref<128x32xf32, #tpu.memory_space<vmem>>
    %dma_wait3A_386 = arith.constant 256 : i32
    %dma_wait3A_387 = tpu.memref_slice %arg12[%dma_wait3A_386] : memref<512xi32, #tpu.memory_space<vmem>> -> memref<128xi32, #tpu.memory_space<vmem>>
    %dma_wait3A_388 = arith.constant 0 : i32
    %dma_wait3A_389 = arith.constant 0 : i32
    %dma_wait3A_390 = tpu.memref_slice %arg8[%dma_wait3A_388, %dma_wait3A_389] : memref<1000x32xf32, #tpu.memory_space<hbm>> -> memref<1000x32xf32, #tpu.memory_space<hbm>>
    tpu.wait_indirect_dma semaphore(%arg22 : memref<!tpu.dma_semaphore, #tpu.memory_space<semaphore_mem>>) src(%dma_wait3A_390 : memref<1000x32xf32, #tpu.memory_space<hbm>>) dst(%dma_wait3A_385 : memref<128x32xf32, #tpu.memory_space<vmem>>)
    %dma_wait3A_391 = arith.constant 256 : i32
    %dma_wait3A_392 = arith.constant 0 : i32
    %dma_wait3A_393 = tpu.memref_slice %arg20[%dma_wait3A_391, %dma_wait3A_392] : memref<512x32xf32, #tpu.memory_space<vmem>> -> memref<128x32xf32, #tpu.memory_space<vmem>>
    %dma_wait3A_394 = arith.constant 256 : i32
    %dma_wait3A_395 = tpu.memref_slice %arg12[%dma_wait3A_394] : memref<512xi32, #tpu.memory_space<vmem>> -> memref<128xi32, #tpu.memory_space<vmem>>
    %dma_wait3A_396 = arith.constant 0 : i32
    %dma_wait3A_397 = arith.constant 0 : i32
    %dma_wait3A_398 = tpu.memref_slice %arg9[%dma_wait3A_396, %dma_wait3A_397] : memref<1000x32xf32, #tpu.memory_space<hbm>> -> memref<1000x32xf32, #tpu.memory_space<hbm>>
    tpu.wait_indirect_dma semaphore(%arg22 : memref<!tpu.dma_semaphore, #tpu.memory_space<semaphore_mem>>) src(%dma_wait3A_398 : memref<1000x32xf32, #tpu.memory_space<hbm>>) dst(%dma_wait3A_393 : memref<128x32xf32, #tpu.memory_space<vmem>>)
    %dma_wait3A_399 = arith.constant 384 : i32
    %dma_wait3A_400 = arith.constant 0 : i32
    %dma_wait3A_401 = tpu.memref_slice %arg14[%dma_wait3A_399, %dma_wait3A_400] : memref<512x32xf32, #tpu.memory_space<vmem>> -> memref<128x32xf32, #tpu.memory_space<vmem>>
    %dma_wait3A_402 = arith.constant 384 : i32
    %dma_wait3A_403 = tpu.memref_slice %arg11[%dma_wait3A_402] : memref<512xi32, #tpu.memory_space<vmem>> -> memref<128xi32, #tpu.memory_space<vmem>>
    %dma_wait3A_404 = arith.constant 0 : i32
    %dma_wait3A_405 = arith.constant 0 : i32
    %dma_wait3A_406 = tpu.memref_slice %arg5[%dma_wait3A_404, %dma_wait3A_405] : memref<1015808x32xf32, #tpu.memory_space<hbm>> -> memref<1015808x32xf32, #tpu.memory_space<hbm>>
    tpu.wait_indirect_dma semaphore(%arg22 : memref<!tpu.dma_semaphore, #tpu.memory_space<semaphore_mem>>) src(%dma_wait3A_406 : memref<1015808x32xf32, #tpu.memory_space<hbm>>) dst(%dma_wait3A_401 : memref<128x32xf32, #tpu.memory_space<vmem>>)
    %dma_wait3A_407 = arith.constant 384 : i32
    %dma_wait3A_408 = arith.constant 0 : i32
    %dma_wait3A_409 = tpu.memref_slice %arg15[%dma_wait3A_407, %dma_wait3A_408] : memref<512x32xf32, #tpu.memory_space<vmem>> -> memref<128x32xf32, #tpu.memory_space<vmem>>
    %dma_wait3A_410 = arith.constant 384 : i32
    %dma_wait3A_411 = tpu.memref_slice %arg13[%dma_wait3A_410] : memref<512xi32, #tpu.memory_space<vmem>> -> memref<128xi32, #tpu.memory_space<vmem>>
    %dma_wait3A_412 = arith.constant 0 : i32
    %dma_wait3A_413 = arith.constant 0 : i32
    %dma_wait3A_414 = tpu.memref_slice %arg5[%dma_wait3A_412, %dma_wait3A_413] : memref<1015808x32xf32, #tpu.memory_space<hbm>> -> memref<1015808x32xf32, #tpu.memory_space<hbm>>
    tpu.wait_indirect_dma semaphore(%arg22 : memref<!tpu.dma_semaphore, #tpu.memory_space<semaphore_mem>>) src(%dma_wait3A_414 : memref<1015808x32xf32, #tpu.memory_space<hbm>>) dst(%dma_wait3A_409 : memref<128x32xf32, #tpu.memory_space<vmem>>)
    %dma_wait3A_415 = arith.constant 384 : i32
    %dma_wait3A_416 = arith.constant 0 : i32
    %dma_wait3A_417 = tpu.memref_slice %arg16[%dma_wait3A_415, %dma_wait3A_416] : memref<512x32xf32, #tpu.memory_space<vmem>> -> memref<128x32xf32, #tpu.memory_space<vmem>>
    %dma_wait3A_418 = arith.constant 384 : i32
    %dma_wait3A_419 = tpu.memref_slice %arg11[%dma_wait3A_418] : memref<512xi32, #tpu.memory_space<vmem>> -> memref<128xi32, #tpu.memory_space<vmem>>
    %dma_wait3A_420 = arith.constant 0 : i32
    %dma_wait3A_421 = arith.constant 0 : i32
    %dma_wait3A_422 = tpu.memref_slice %arg7[%dma_wait3A_420, %dma_wait3A_421] : memref<1015808x32xf32, #tpu.memory_space<hbm>> -> memref<1015808x32xf32, #tpu.memory_space<hbm>>
    tpu.wait_indirect_dma semaphore(%arg22 : memref<!tpu.dma_semaphore, #tpu.memory_space<semaphore_mem>>) src(%dma_wait3A_422 : memref<1015808x32xf32, #tpu.memory_space<hbm>>) dst(%dma_wait3A_417 : memref<128x32xf32, #tpu.memory_space<vmem>>)
    %dma_wait3A_423 = arith.constant 384 : i32
    %dma_wait3A_424 = arith.constant 0 : i32
    %dma_wait3A_425 = tpu.memref_slice %arg17[%dma_wait3A_423, %dma_wait3A_424] : memref<512x32xf32, #tpu.memory_space<vmem>> -> memref<128x32xf32, #tpu.memory_space<vmem>>
    %dma_wait3A_426 = arith.constant 384 : i32
    %dma_wait3A_427 = tpu.memref_slice %arg13[%dma_wait3A_426] : memref<512xi32, #tpu.memory_space<vmem>> -> memref<128xi32, #tpu.memory_space<vmem>>
    %dma_wait3A_428 = arith.constant 0 : i32
    %dma_wait3A_429 = arith.constant 0 : i32
    %dma_wait3A_430 = tpu.memref_slice %arg7[%dma_wait3A_428, %dma_wait3A_429] : memref<1015808x32xf32, #tpu.memory_space<hbm>> -> memref<1015808x32xf32, #tpu.memory_space<hbm>>
    tpu.wait_indirect_dma semaphore(%arg22 : memref<!tpu.dma_semaphore, #tpu.memory_space<semaphore_mem>>) src(%dma_wait3A_430 : memref<1015808x32xf32, #tpu.memory_space<hbm>>) dst(%dma_wait3A_425 : memref<128x32xf32, #tpu.memory_space<vmem>>)
    %dma_wait3A_431 = arith.constant 384 : i32
    %dma_wait3A_432 = arith.constant 0 : i32
    %dma_wait3A_433 = tpu.memref_slice %arg18[%dma_wait3A_431, %dma_wait3A_432] : memref<512x32xf32, #tpu.memory_space<vmem>> -> memref<128x32xf32, #tpu.memory_space<vmem>>
    %dma_wait3A_434 = arith.constant 384 : i32
    %dma_wait3A_435 = tpu.memref_slice %arg12[%dma_wait3A_434] : memref<512xi32, #tpu.memory_space<vmem>> -> memref<128xi32, #tpu.memory_space<vmem>>
    %dma_wait3A_436 = arith.constant 0 : i32
    %dma_wait3A_437 = arith.constant 0 : i32
    %dma_wait3A_438 = tpu.memref_slice %arg6[%dma_wait3A_436, %dma_wait3A_437] : memref<1000x32xf32, #tpu.memory_space<hbm>> -> memref<1000x32xf32, #tpu.memory_space<hbm>>
    tpu.wait_indirect_dma semaphore(%arg22 : memref<!tpu.dma_semaphore, #tpu.memory_space<semaphore_mem>>) src(%dma_wait3A_438 : memref<1000x32xf32, #tpu.memory_space<hbm>>) dst(%dma_wait3A_433 : memref<128x32xf32, #tpu.memory_space<vmem>>)
    %dma_wait3A_439 = arith.constant 384 : i32
    %dma_wait3A_440 = arith.constant 0 : i32
    %dma_wait3A_441 = tpu.memref_slice %arg19[%dma_wait3A_439, %dma_wait3A_440] : memref<512x32xf32, #tpu.memory_space<vmem>> -> memref<128x32xf32, #tpu.memory_space<vmem>>
    %dma_wait3A_442 = arith.constant 384 : i32
    %dma_wait3A_443 = tpu.memref_slice %arg12[%dma_wait3A_442] : memref<512xi32, #tpu.memory_space<vmem>> -> memref<128xi32, #tpu.memory_space<vmem>>
    %dma_wait3A_444 = arith.constant 0 : i32
    %dma_wait3A_445 = arith.constant 0 : i32
    %dma_wait3A_446 = tpu.memref_slice %arg8[%dma_wait3A_444, %dma_wait3A_445] : memref<1000x32xf32, #tpu.memory_space<hbm>> -> memref<1000x32xf32, #tpu.memory_space<hbm>>
    tpu.wait_indirect_dma semaphore(%arg22 : memref<!tpu.dma_semaphore, #tpu.memory_space<semaphore_mem>>) src(%dma_wait3A_446 : memref<1000x32xf32, #tpu.memory_space<hbm>>) dst(%dma_wait3A_441 : memref<128x32xf32, #tpu.memory_space<vmem>>)
    %dma_wait3A_447 = arith.constant 384 : i32
    %dma_wait3A_448 = arith.constant 0 : i32
    %dma_wait3A_449 = tpu.memref_slice %arg20[%dma_wait3A_447, %dma_wait3A_448] : memref<512x32xf32, #tpu.memory_space<vmem>> -> memref<128x32xf32, #tpu.memory_space<vmem>>
    %dma_wait3A_450 = arith.constant 384 : i32
    %dma_wait3A_451 = tpu.memref_slice %arg12[%dma_wait3A_450] : memref<512xi32, #tpu.memory_space<vmem>> -> memref<128xi32, #tpu.memory_space<vmem>>
    %dma_wait3A_452 = arith.constant 0 : i32
    %dma_wait3A_453 = arith.constant 0 : i32
    %dma_wait3A_454 = tpu.memref_slice %arg9[%dma_wait3A_452, %dma_wait3A_453] : memref<1000x32xf32, #tpu.memory_space<hbm>> -> memref<1000x32xf32, #tpu.memory_space<hbm>>
    tpu.wait_indirect_dma semaphore(%arg22 : memref<!tpu.dma_semaphore, #tpu.memory_space<semaphore_mem>>) src(%dma_wait3A_454 : memref<1000x32xf32, #tpu.memory_space<hbm>>) dst(%dma_wait3A_449 : memref<128x32xf32, #tpu.memory_space<vmem>>)
    %iota3A = tpu.iota {dimensions = array<i32: 0>} : vector<16xi32>
    %add3A_455 = arith.constant 0 : i32
    %add3A_456 = vector.broadcast %add3A_455 : i32 to vector<16xi32>
    %add3A_457 = arith.addi %iota3A, %add3A_456 : vector<16xi32>
    %jit3A = arith.constant 32 : i32
    %eq3A = arith.constant 0 : i32
    %eq3A_458 = arith.cmpi eq, %jit3A, %eq3A : i32
    %jit3A_459 = arith.constant 1 : i32
    %select_n3A = arith.select %eq3A_458, %jit3A_459, %jit3A : i32
    %rem3A = vector.broadcast %select_n3A : i32 to vector<16xi32>
    %rem3A_460 = arith.remsi %add3A_457, %rem3A : vector<16xi32>
    %ne3A = arith.constant 0 : i32
    %ne3A_461 = vector.broadcast %ne3A : i32 to vector<16xi32>
    %ne3A_462 = arith.cmpi ne, %rem3A_460, %ne3A_461 : vector<16xi32>
    %lt3A = arith.constant 0 : i32
    %lt3A_463 = vector.broadcast %lt3A : i32 to vector<16xi32>
    %lt3A_464 = arith.cmpi slt, %rem3A_460, %lt3A_463 : vector<16xi32>
    %lt3A_465 = arith.constant 0 : i32
    %lt3A_466 = arith.cmpi slt, %select_n3A, %lt3A_465 : i32
    %ne3A_467 = vector.broadcast %lt3A_466 : i1 to vector<16xi1>
    %ne3A_468 = vector.broadcast %ne3A_467 : vector<16xi1> to vector<16xi1>
    %ne3A_469 = arith.xori %lt3A_464, %ne3A_468 : vector<16xi1>
    %and3A = arith.andi %ne3A_469, %ne3A_462 : vector<16xi1>
    %add3A_470 = vector.broadcast %select_n3A : i32 to vector<16xi32>
    %add3A_471 = arith.addi %rem3A_460, %add3A_470 : vector<16xi32>
    %select_n3A_472 = arith.select %and3A, %add3A_471, %rem3A_460 : vector<16xi1>, vector<16xi32>
    %add3A_473 = arith.constant 1 : i32
    %add3A_474 = vector.broadcast %add3A_473 : i32 to vector<16xi32>
    %add3A_475 = arith.addi %iota3A, %add3A_474 : vector<16xi32>
    %jit3A_476 = arith.constant 32 : i32
    %eq3A_477 = arith.constant 0 : i32
    %eq3A_478 = arith.cmpi eq, %jit3A_476, %eq3A_477 : i32
    %jit3A_479 = arith.constant 1 : i32
    %select_n3A_480 = arith.select %eq3A_478, %jit3A_479, %jit3A_476 : i32
    %rem3A_481 = vector.broadcast %select_n3A_480 : i32 to vector<16xi32>
    %rem3A_482 = arith.remsi %add3A_475, %rem3A_481 : vector<16xi32>
    %ne3A_483 = arith.constant 0 : i32
    %ne3A_484 = vector.broadcast %ne3A_483 : i32 to vector<16xi32>
    %ne3A_485 = arith.cmpi ne, %rem3A_482, %ne3A_484 : vector<16xi32>
    %lt3A_486 = arith.constant 0 : i32
    %lt3A_487 = vector.broadcast %lt3A_486 : i32 to vector<16xi32>
    %lt3A_488 = arith.cmpi slt, %rem3A_482, %lt3A_487 : vector<16xi32>
    %lt3A_489 = arith.constant 0 : i32
    %lt3A_490 = arith.cmpi slt, %select_n3A_480, %lt3A_489 : i32
    %ne3A_491 = vector.broadcast %lt3A_490 : i1 to vector<16xi1>
    %ne3A_492 = vector.broadcast %ne3A_491 : vector<16xi1> to vector<16xi1>
    %ne3A_493 = arith.xori %lt3A_488, %ne3A_492 : vector<16xi1>
    %and3A_494 = arith.andi %ne3A_493, %ne3A_485 : vector<16xi1>
    %add3A_495 = vector.broadcast %select_n3A_480 : i32 to vector<16xi32>
    %add3A_496 = arith.addi %rem3A_482, %add3A_495 : vector<16xi32>
    %select_n3A_497 = arith.select %and3A_494, %add3A_496, %rem3A_482 : vector<16xi1>, vector<16xi32>
    %add3A_498 = arith.constant 2 : i32
    %add3A_499 = vector.broadcast %add3A_498 : i32 to vector<16xi32>
    %add3A_500 = arith.addi %iota3A, %add3A_499 : vector<16xi32>
    %jit3A_501 = arith.constant 32 : i32
    %eq3A_502 = arith.constant 0 : i32
    %eq3A_503 = arith.cmpi eq, %jit3A_501, %eq3A_502 : i32
    %jit3A_504 = arith.constant 1 : i32
    %select_n3A_505 = arith.select %eq3A_503, %jit3A_504, %jit3A_501 : i32
    %rem3A_506 = vector.broadcast %select_n3A_505 : i32 to vector<16xi32>
    %rem3A_507 = arith.remsi %add3A_500, %rem3A_506 : vector<16xi32>
    %ne3A_508 = arith.constant 0 : i32
    %ne3A_509 = vector.broadcast %ne3A_508 : i32 to vector<16xi32>
    %ne3A_510 = arith.cmpi ne, %rem3A_507, %ne3A_509 : vector<16xi32>
    %lt3A_511 = arith.constant 0 : i32
    %lt3A_512 = vector.broadcast %lt3A_511 : i32 to vector<16xi32>
    %lt3A_513 = arith.cmpi slt, %rem3A_507, %lt3A_512 : vector<16xi32>
    %lt3A_514 = arith.constant 0 : i32
    %lt3A_515 = arith.cmpi slt, %select_n3A_505, %lt3A_514 : i32
    %ne3A_516 = vector.broadcast %lt3A_515 : i1 to vector<16xi1>
    %ne3A_517 = vector.broadcast %ne3A_516 : vector<16xi1> to vector<16xi1>
    %ne3A_518 = arith.xori %lt3A_513, %ne3A_517 : vector<16xi1>
    %and3A_519 = arith.andi %ne3A_518, %ne3A_510 : vector<16xi1>
    %add3A_520 = vector.broadcast %select_n3A_505 : i32 to vector<16xi32>
    %add3A_521 = arith.addi %rem3A_507, %add3A_520 : vector<16xi32>
    %select_n3A_522 = arith.select %and3A_519, %add3A_521, %rem3A_507 : vector<16xi1>, vector<16xi32>
    %add3A_523 = arith.constant 3 : i32
    %add3A_524 = vector.broadcast %add3A_523 : i32 to vector<16xi32>
    %add3A_525 = arith.addi %iota3A, %add3A_524 : vector<16xi32>
    %jit3A_526 = arith.constant 32 : i32
    %eq3A_527 = arith.constant 0 : i32
    %eq3A_528 = arith.cmpi eq, %jit3A_526, %eq3A_527 : i32
    %jit3A_529 = arith.constant 1 : i32
    %select_n3A_530 = arith.select %eq3A_528, %jit3A_529, %jit3A_526 : i32
    %rem3A_531 = vector.broadcast %select_n3A_530 : i32 to vector<16xi32>
    %rem3A_532 = arith.remsi %add3A_525, %rem3A_531 : vector<16xi32>
    %ne3A_533 = arith.constant 0 : i32
    %ne3A_534 = vector.broadcast %ne3A_533 : i32 to vector<16xi32>
    %ne3A_535 = arith.cmpi ne, %rem3A_532, %ne3A_534 : vector<16xi32>
    %lt3A_536 = arith.constant 0 : i32
    %lt3A_537 = vector.broadcast %lt3A_536 : i32 to vector<16xi32>
    %lt3A_538 = arith.cmpi slt, %rem3A_532, %lt3A_537 : vector<16xi32>
    %lt3A_539 = arith.constant 0 : i32
    %lt3A_540 = arith.cmpi slt, %select_n3A_530, %lt3A_539 : i32
    %ne3A_541 = vector.broadcast %lt3A_540 : i1 to vector<16xi1>
    %ne3A_542 = vector.broadcast %ne3A_541 : vector<16xi1> to vector<16xi1>
    %ne3A_543 = arith.xori %lt3A_538, %ne3A_542 : vector<16xi1>
    %and3A_544 = arith.andi %ne3A_543, %ne3A_535 : vector<16xi1>
    %add3A_545 = vector.broadcast %select_n3A_530 : i32 to vector<16xi32>
    %add3A_546 = arith.addi %rem3A_532, %add3A_545 : vector<16xi32>
    %select_n3A_547 = arith.select %and3A_544, %add3A_546, %rem3A_532 : vector<16xi1>, vector<16xi32>
    %add3A_548 = arith.constant 4 : i32
    %add3A_549 = vector.broadcast %add3A_548 : i32 to vector<16xi32>
    %add3A_550 = arith.addi %iota3A, %add3A_549 : vector<16xi32>
    %jit3A_551 = arith.constant 32 : i32
    %eq3A_552 = arith.constant 0 : i32
    %eq3A_553 = arith.cmpi eq, %jit3A_551, %eq3A_552 : i32
    %jit3A_554 = arith.constant 1 : i32
    %select_n3A_555 = arith.select %eq3A_553, %jit3A_554, %jit3A_551 : i32
    %rem3A_556 = vector.broadcast %select_n3A_555 : i32 to vector<16xi32>
    %rem3A_557 = arith.remsi %add3A_550, %rem3A_556 : vector<16xi32>
    %ne3A_558 = arith.constant 0 : i32
    %ne3A_559 = vector.broadcast %ne3A_558 : i32 to vector<16xi32>
    %ne3A_560 = arith.cmpi ne, %rem3A_557, %ne3A_559 : vector<16xi32>
    %lt3A_561 = arith.constant 0 : i32
    %lt3A_562 = vector.broadcast %lt3A_561 : i32 to vector<16xi32>
    %lt3A_563 = arith.cmpi slt, %rem3A_557, %lt3A_562 : vector<16xi32>
    %lt3A_564 = arith.constant 0 : i32
    %lt3A_565 = arith.cmpi slt, %select_n3A_555, %lt3A_564 : i32
    %ne3A_566 = vector.broadcast %lt3A_565 : i1 to vector<16xi1>
    %ne3A_567 = vector.broadcast %ne3A_566 : vector<16xi1> to vector<16xi1>
    %ne3A_568 = arith.xori %lt3A_563, %ne3A_567 : vector<16xi1>
    %and3A_569 = arith.andi %ne3A_568, %ne3A_560 : vector<16xi1>
    %add3A_570 = vector.broadcast %select_n3A_555 : i32 to vector<16xi32>
    %add3A_571 = arith.addi %rem3A_557, %add3A_570 : vector<16xi32>
    %select_n3A_572 = arith.select %and3A_569, %add3A_571, %rem3A_557 : vector<16xi1>, vector<16xi32>
    %add3A_573 = arith.constant 5 : i32
    %add3A_574 = vector.broadcast %add3A_573 : i32 to vector<16xi32>
    %add3A_575 = arith.addi %iota3A, %add3A_574 : vector<16xi32>
    %jit3A_576 = arith.constant 32 : i32
    %eq3A_577 = arith.constant 0 : i32
    %eq3A_578 = arith.cmpi eq, %jit3A_576, %eq3A_577 : i32
    %jit3A_579 = arith.constant 1 : i32
    %select_n3A_580 = arith.select %eq3A_578, %jit3A_579, %jit3A_576 : i32
    %rem3A_581 = vector.broadcast %select_n3A_580 : i32 to vector<16xi32>
    %rem3A_582 = arith.remsi %add3A_575, %rem3A_581 : vector<16xi32>
    %ne3A_583 = arith.constant 0 : i32
    %ne3A_584 = vector.broadcast %ne3A_583 : i32 to vector<16xi32>
    %ne3A_585 = arith.cmpi ne, %rem3A_582, %ne3A_584 : vector<16xi32>
    %lt3A_586 = arith.constant 0 : i32
    %lt3A_587 = vector.broadcast %lt3A_586 : i32 to vector<16xi32>
    %lt3A_588 = arith.cmpi slt, %rem3A_582, %lt3A_587 : vector<16xi32>
    %lt3A_589 = arith.constant 0 : i32
    %lt3A_590 = arith.cmpi slt, %select_n3A_580, %lt3A_589 : i32
    %ne3A_591 = vector.broadcast %lt3A_590 : i1 to vector<16xi1>
    %ne3A_592 = vector.broadcast %ne3A_591 : vector<16xi1> to vector<16xi1>
    %ne3A_593 = arith.xori %lt3A_588, %ne3A_592 : vector<16xi1>
    %and3A_594 = arith.andi %ne3A_593, %ne3A_585 : vector<16xi1>
    %add3A_595 = vector.broadcast %select_n3A_580 : i32 to vector<16xi32>
    %add3A_596 = arith.addi %rem3A_582, %add3A_595 : vector<16xi32>
    %select_n3A_597 = arith.select %and3A_594, %add3A_596, %rem3A_582 : vector<16xi1>, vector<16xi32>
    %add3A_598 = arith.constant 6 : i32
    %add3A_599 = vector.broadcast %add3A_598 : i32 to vector<16xi32>
    %add3A_600 = arith.addi %iota3A, %add3A_599 : vector<16xi32>
    %jit3A_601 = arith.constant 32 : i32
    %eq3A_602 = arith.constant 0 : i32
    %eq3A_603 = arith.cmpi eq, %jit3A_601, %eq3A_602 : i32
    %jit3A_604 = arith.constant 1 : i32
    %select_n3A_605 = arith.select %eq3A_603, %jit3A_604, %jit3A_601 : i32
    %rem3A_606 = vector.broadcast %select_n3A_605 : i32 to vector<16xi32>
    %rem3A_607 = arith.remsi %add3A_600, %rem3A_606 : vector<16xi32>
    %ne3A_608 = arith.constant 0 : i32
    %ne3A_609 = vector.broadcast %ne3A_608 : i32 to vector<16xi32>
    %ne3A_610 = arith.cmpi ne, %rem3A_607, %ne3A_609 : vector<16xi32>
    %lt3A_611 = arith.constant 0 : i32
    %lt3A_612 = vector.broadcast %lt3A_611 : i32 to vector<16xi32>
    %lt3A_613 = arith.cmpi slt, %rem3A_607, %lt3A_612 : vector<16xi32>
    %lt3A_614 = arith.constant 0 : i32
    %lt3A_615 = arith.cmpi slt, %select_n3A_605, %lt3A_614 : i32
    %ne3A_616 = vector.broadcast %lt3A_615 : i1 to vector<16xi1>
    %ne3A_617 = vector.broadcast %ne3A_616 : vector<16xi1> to vector<16xi1>
    %ne3A_618 = arith.xori %lt3A_613, %ne3A_617 : vector<16xi1>
    %and3A_619 = arith.andi %ne3A_618, %ne3A_610 : vector<16xi1>
    %add3A_620 = vector.broadcast %select_n3A_605 : i32 to vector<16xi32>
    %add3A_621 = arith.addi %rem3A_607, %add3A_620 : vector<16xi32>
    %select_n3A_622 = arith.select %and3A_619, %add3A_621, %rem3A_607 : vector<16xi1>, vector<16xi32>
    %add3A_623 = arith.constant 7 : i32
    %add3A_624 = vector.broadcast %add3A_623 : i32 to vector<16xi32>
    %add3A_625 = arith.addi %iota3A, %add3A_624 : vector<16xi32>
    %jit3A_626 = arith.constant 32 : i32
    %eq3A_627 = arith.constant 0 : i32
    %eq3A_628 = arith.cmpi eq, %jit3A_626, %eq3A_627 : i32
    %jit3A_629 = arith.constant 1 : i32
    %select_n3A_630 = arith.select %eq3A_628, %jit3A_629, %jit3A_626 : i32
    %rem3A_631 = vector.broadcast %select_n3A_630 : i32 to vector<16xi32>
    %rem3A_632 = arith.remsi %add3A_625, %rem3A_631 : vector<16xi32>
    %ne3A_633 = arith.constant 0 : i32
    %ne3A_634 = vector.broadcast %ne3A_633 : i32 to vector<16xi32>
    %ne3A_635 = arith.cmpi ne, %rem3A_632, %ne3A_634 : vector<16xi32>
    %lt3A_636 = arith.constant 0 : i32
    %lt3A_637 = vector.broadcast %lt3A_636 : i32 to vector<16xi32>
    %lt3A_638 = arith.cmpi slt, %rem3A_632, %lt3A_637 : vector<16xi32>
    %lt3A_639 = arith.constant 0 : i32
    %lt3A_640 = arith.cmpi slt, %select_n3A_630, %lt3A_639 : i32
    %ne3A_641 = vector.broadcast %lt3A_640 : i1 to vector<16xi1>
    %ne3A_642 = vector.broadcast %ne3A_641 : vector<16xi1> to vector<16xi1>
    %ne3A_643 = arith.xori %lt3A_638, %ne3A_642 : vector<16xi1>
    %and3A_644 = arith.andi %ne3A_643, %ne3A_635 : vector<16xi1>
    %add3A_645 = vector.broadcast %select_n3A_630 : i32 to vector<16xi32>
    %add3A_646 = arith.addi %rem3A_632, %add3A_645 : vector<16xi32>
    %select_n3A_647 = arith.select %and3A_644, %add3A_646, %rem3A_632 : vector<16xi1>, vector<16xi32>
    %add3A_648 = arith.constant 8 : i32
    %add3A_649 = vector.broadcast %add3A_648 : i32 to vector<16xi32>
    %add3A_650 = arith.addi %iota3A, %add3A_649 : vector<16xi32>
    %jit3A_651 = arith.constant 32 : i32
    %eq3A_652 = arith.constant 0 : i32
    %eq3A_653 = arith.cmpi eq, %jit3A_651, %eq3A_652 : i32
    %jit3A_654 = arith.constant 1 : i32
    %select_n3A_655 = arith.select %eq3A_653, %jit3A_654, %jit3A_651 : i32
    %rem3A_656 = vector.broadcast %select_n3A_655 : i32 to vector<16xi32>
    %rem3A_657 = arith.remsi %add3A_650, %rem3A_656 : vector<16xi32>
    %ne3A_658 = arith.constant 0 : i32
    %ne3A_659 = vector.broadcast %ne3A_658 : i32 to vector<16xi32>
    %ne3A_660 = arith.cmpi ne, %rem3A_657, %ne3A_659 : vector<16xi32>
    %lt3A_661 = arith.constant 0 : i32
    %lt3A_662 = vector.broadcast %lt3A_661 : i32 to vector<16xi32>
    %lt3A_663 = arith.cmpi slt, %rem3A_657, %lt3A_662 : vector<16xi32>
    %lt3A_664 = arith.constant 0 : i32
    %lt3A_665 = arith.cmpi slt, %select_n3A_655, %lt3A_664 : i32
    %ne3A_666 = vector.broadcast %lt3A_665 : i1 to vector<16xi1>
    %ne3A_667 = vector.broadcast %ne3A_666 : vector<16xi1> to vector<16xi1>
    %ne3A_668 = arith.xori %lt3A_663, %ne3A_667 : vector<16xi1>
    %and3A_669 = arith.andi %ne3A_668, %ne3A_660 : vector<16xi1>
    %add3A_670 = vector.broadcast %select_n3A_655 : i32 to vector<16xi32>
    %add3A_671 = arith.addi %rem3A_657, %add3A_670 : vector<16xi32>
    %select_n3A_672 = arith.select %and3A_669, %add3A_671, %rem3A_657 : vector<16xi1>, vector<16xi32>
    %add3A_673 = arith.constant 9 : i32
    %add3A_674 = vector.broadcast %add3A_673 : i32 to vector<16xi32>
    %add3A_675 = arith.addi %iota3A, %add3A_674 : vector<16xi32>
    %jit3A_676 = arith.constant 32 : i32
    %eq3A_677 = arith.constant 0 : i32
    %eq3A_678 = arith.cmpi eq, %jit3A_676, %eq3A_677 : i32
    %jit3A_679 = arith.constant 1 : i32
    %select_n3A_680 = arith.select %eq3A_678, %jit3A_679, %jit3A_676 : i32
    %rem3A_681 = vector.broadcast %select_n3A_680 : i32 to vector<16xi32>
    %rem3A_682 = arith.remsi %add3A_675, %rem3A_681 : vector<16xi32>
    %ne3A_683 = arith.constant 0 : i32
    %ne3A_684 = vector.broadcast %ne3A_683 : i32 to vector<16xi32>
    %ne3A_685 = arith.cmpi ne, %rem3A_682, %ne3A_684 : vector<16xi32>
    %lt3A_686 = arith.constant 0 : i32
    %lt3A_687 = vector.broadcast %lt3A_686 : i32 to vector<16xi32>
    %lt3A_688 = arith.cmpi slt, %rem3A_682, %lt3A_687 : vector<16xi32>
    %lt3A_689 = arith.constant 0 : i32
    %lt3A_690 = arith.cmpi slt, %select_n3A_680, %lt3A_689 : i32
    %ne3A_691 = vector.broadcast %lt3A_690 : i1 to vector<16xi1>
    %ne3A_692 = vector.broadcast %ne3A_691 : vector<16xi1> to vector<16xi1>
    %ne3A_693 = arith.xori %lt3A_688, %ne3A_692 : vector<16xi1>
    %and3A_694 = arith.andi %ne3A_693, %ne3A_685 : vector<16xi1>
    %add3A_695 = vector.broadcast %select_n3A_680 : i32 to vector<16xi32>
    %add3A_696 = arith.addi %rem3A_682, %add3A_695 : vector<16xi32>
    %select_n3A_697 = arith.select %and3A_694, %add3A_696, %rem3A_682 : vector<16xi1>, vector<16xi32>
    %add3A_698 = arith.constant 10 : i32
    %add3A_699 = vector.broadcast %add3A_698 : i32 to vector<16xi32>
    %add3A_700 = arith.addi %iota3A, %add3A_699 : vector<16xi32>
    %jit3A_701 = arith.constant 32 : i32
    %eq3A_702 = arith.constant 0 : i32
    %eq3A_703 = arith.cmpi eq, %jit3A_701, %eq3A_702 : i32
    %jit3A_704 = arith.constant 1 : i32
    %select_n3A_705 = arith.select %eq3A_703, %jit3A_704, %jit3A_701 : i32
    %rem3A_706 = vector.broadcast %select_n3A_705 : i32 to vector<16xi32>
    %rem3A_707 = arith.remsi %add3A_700, %rem3A_706 : vector<16xi32>
    %ne3A_708 = arith.constant 0 : i32
    %ne3A_709 = vector.broadcast %ne3A_708 : i32 to vector<16xi32>
    %ne3A_710 = arith.cmpi ne, %rem3A_707, %ne3A_709 : vector<16xi32>
    %lt3A_711 = arith.constant 0 : i32
    %lt3A_712 = vector.broadcast %lt3A_711 : i32 to vector<16xi32>
    %lt3A_713 = arith.cmpi slt, %rem3A_707, %lt3A_712 : vector<16xi32>
    %lt3A_714 = arith.constant 0 : i32
    %lt3A_715 = arith.cmpi slt, %select_n3A_705, %lt3A_714 : i32
    %ne3A_716 = vector.broadcast %lt3A_715 : i1 to vector<16xi1>
    %ne3A_717 = vector.broadcast %ne3A_716 : vector<16xi1> to vector<16xi1>
    %ne3A_718 = arith.xori %lt3A_713, %ne3A_717 : vector<16xi1>
    %and3A_719 = arith.andi %ne3A_718, %ne3A_710 : vector<16xi1>
    %add3A_720 = vector.broadcast %select_n3A_705 : i32 to vector<16xi32>
    %add3A_721 = arith.addi %rem3A_707, %add3A_720 : vector<16xi32>
    %select_n3A_722 = arith.select %and3A_719, %add3A_721, %rem3A_707 : vector<16xi1>, vector<16xi32>
    %add3A_723 = arith.constant 11 : i32
    %add3A_724 = vector.broadcast %add3A_723 : i32 to vector<16xi32>
    %add3A_725 = arith.addi %iota3A, %add3A_724 : vector<16xi32>
    %jit3A_726 = arith.constant 32 : i32
    %eq3A_727 = arith.constant 0 : i32
    %eq3A_728 = arith.cmpi eq, %jit3A_726, %eq3A_727 : i32
    %jit3A_729 = arith.constant 1 : i32
    %select_n3A_730 = arith.select %eq3A_728, %jit3A_729, %jit3A_726 : i32
    %rem3A_731 = vector.broadcast %select_n3A_730 : i32 to vector<16xi32>
    %rem3A_732 = arith.remsi %add3A_725, %rem3A_731 : vector<16xi32>
    %ne3A_733 = arith.constant 0 : i32
    %ne3A_734 = vector.broadcast %ne3A_733 : i32 to vector<16xi32>
    %ne3A_735 = arith.cmpi ne, %rem3A_732, %ne3A_734 : vector<16xi32>
    %lt3A_736 = arith.constant 0 : i32
    %lt3A_737 = vector.broadcast %lt3A_736 : i32 to vector<16xi32>
    %lt3A_738 = arith.cmpi slt, %rem3A_732, %lt3A_737 : vector<16xi32>
    %lt3A_739 = arith.constant 0 : i32
    %lt3A_740 = arith.cmpi slt, %select_n3A_730, %lt3A_739 : i32
    %ne3A_741 = vector.broadcast %lt3A_740 : i1 to vector<16xi1>
    %ne3A_742 = vector.broadcast %ne3A_741 : vector<16xi1> to vector<16xi1>
    %ne3A_743 = arith.xori %lt3A_738, %ne3A_742 : vector<16xi1>
    %and3A_744 = arith.andi %ne3A_743, %ne3A_735 : vector<16xi1>
    %add3A_745 = vector.broadcast %select_n3A_730 : i32 to vector<16xi32>
    %add3A_746 = arith.addi %rem3A_732, %add3A_745 : vector<16xi32>
    %select_n3A_747 = arith.select %and3A_744, %add3A_746, %rem3A_732 : vector<16xi1>, vector<16xi32>
    %add3A_748 = arith.constant 12 : i32
    %add3A_749 = vector.broadcast %add3A_748 : i32 to vector<16xi32>
    %add3A_750 = arith.addi %iota3A, %add3A_749 : vector<16xi32>
    %jit3A_751 = arith.constant 32 : i32
    %eq3A_752 = arith.constant 0 : i32
    %eq3A_753 = arith.cmpi eq, %jit3A_751, %eq3A_752 : i32
    %jit3A_754 = arith.constant 1 : i32
    %select_n3A_755 = arith.select %eq3A_753, %jit3A_754, %jit3A_751 : i32
    %rem3A_756 = vector.broadcast %select_n3A_755 : i32 to vector<16xi32>
    %rem3A_757 = arith.remsi %add3A_750, %rem3A_756 : vector<16xi32>
    %ne3A_758 = arith.constant 0 : i32
    %ne3A_759 = vector.broadcast %ne3A_758 : i32 to vector<16xi32>
    %ne3A_760 = arith.cmpi ne, %rem3A_757, %ne3A_759 : vector<16xi32>
    %lt3A_761 = arith.constant 0 : i32
    %lt3A_762 = vector.broadcast %lt3A_761 : i32 to vector<16xi32>
    %lt3A_763 = arith.cmpi slt, %rem3A_757, %lt3A_762 : vector<16xi32>
    %lt3A_764 = arith.constant 0 : i32
    %lt3A_765 = arith.cmpi slt, %select_n3A_755, %lt3A_764 : i32
    %ne3A_766 = vector.broadcast %lt3A_765 : i1 to vector<16xi1>
    %ne3A_767 = vector.broadcast %ne3A_766 : vector<16xi1> to vector<16xi1>
    %ne3A_768 = arith.xori %lt3A_763, %ne3A_767 : vector<16xi1>
    %and3A_769 = arith.andi %ne3A_768, %ne3A_760 : vector<16xi1>
    %add3A_770 = vector.broadcast %select_n3A_755 : i32 to vector<16xi32>
    %add3A_771 = arith.addi %rem3A_757, %add3A_770 : vector<16xi32>
    %select_n3A_772 = arith.select %and3A_769, %add3A_771, %rem3A_757 : vector<16xi1>, vector<16xi32>
    %add3A_773 = arith.constant 13 : i32
    %add3A_774 = vector.broadcast %add3A_773 : i32 to vector<16xi32>
    %add3A_775 = arith.addi %iota3A, %add3A_774 : vector<16xi32>
    %jit3A_776 = arith.constant 32 : i32
    %eq3A_777 = arith.constant 0 : i32
    %eq3A_778 = arith.cmpi eq, %jit3A_776, %eq3A_777 : i32
    %jit3A_779 = arith.constant 1 : i32
    %select_n3A_780 = arith.select %eq3A_778, %jit3A_779, %jit3A_776 : i32
    %rem3A_781 = vector.broadcast %select_n3A_780 : i32 to vector<16xi32>
    %rem3A_782 = arith.remsi %add3A_775, %rem3A_781 : vector<16xi32>
    %ne3A_783 = arith.constant 0 : i32
    %ne3A_784 = vector.broadcast %ne3A_783 : i32 to vector<16xi32>
    %ne3A_785 = arith.cmpi ne, %rem3A_782, %ne3A_784 : vector<16xi32>
    %lt3A_786 = arith.constant 0 : i32
    %lt3A_787 = vector.broadcast %lt3A_786 : i32 to vector<16xi32>
    %lt3A_788 = arith.cmpi slt, %rem3A_782, %lt3A_787 : vector<16xi32>
    %lt3A_789 = arith.constant 0 : i32
    %lt3A_790 = arith.cmpi slt, %select_n3A_780, %lt3A_789 : i32
    %ne3A_791 = vector.broadcast %lt3A_790 : i1 to vector<16xi1>
    %ne3A_792 = vector.broadcast %ne3A_791 : vector<16xi1> to vector<16xi1>
    %ne3A_793 = arith.xori %lt3A_788, %ne3A_792 : vector<16xi1>
    %and3A_794 = arith.andi %ne3A_793, %ne3A_785 : vector<16xi1>
    %add3A_795 = vector.broadcast %select_n3A_780 : i32 to vector<16xi32>
    %add3A_796 = arith.addi %rem3A_782, %add3A_795 : vector<16xi32>
    %select_n3A_797 = arith.select %and3A_794, %add3A_796, %rem3A_782 : vector<16xi1>, vector<16xi32>
    %add3A_798 = arith.constant 14 : i32
    %add3A_799 = vector.broadcast %add3A_798 : i32 to vector<16xi32>
    %add3A_800 = arith.addi %iota3A, %add3A_799 : vector<16xi32>
    %jit3A_801 = arith.constant 32 : i32
    %eq3A_802 = arith.constant 0 : i32
    %eq3A_803 = arith.cmpi eq, %jit3A_801, %eq3A_802 : i32
    %jit3A_804 = arith.constant 1 : i32
    %select_n3A_805 = arith.select %eq3A_803, %jit3A_804, %jit3A_801 : i32
    %rem3A_806 = vector.broadcast %select_n3A_805 : i32 to vector<16xi32>
    %rem3A_807 = arith.remsi %add3A_800, %rem3A_806 : vector<16xi32>
    %ne3A_808 = arith.constant 0 : i32
    %ne3A_809 = vector.broadcast %ne3A_808 : i32 to vector<16xi32>
    %ne3A_810 = arith.cmpi ne, %rem3A_807, %ne3A_809 : vector<16xi32>
    %lt3A_811 = arith.constant 0 : i32
    %lt3A_812 = vector.broadcast %lt3A_811 : i32 to vector<16xi32>
    %lt3A_813 = arith.cmpi slt, %rem3A_807, %lt3A_812 : vector<16xi32>
    %lt3A_814 = arith.constant 0 : i32
    %lt3A_815 = arith.cmpi slt, %select_n3A_805, %lt3A_814 : i32
    %ne3A_816 = vector.broadcast %lt3A_815 : i1 to vector<16xi1>
    %ne3A_817 = vector.broadcast %ne3A_816 : vector<16xi1> to vector<16xi1>
    %ne3A_818 = arith.xori %lt3A_813, %ne3A_817 : vector<16xi1>
    %and3A_819 = arith.andi %ne3A_818, %ne3A_810 : vector<16xi1>
    %add3A_820 = vector.broadcast %select_n3A_805 : i32 to vector<16xi32>
    %add3A_821 = arith.addi %rem3A_807, %add3A_820 : vector<16xi32>
    %select_n3A_822 = arith.select %and3A_819, %add3A_821, %rem3A_807 : vector<16xi1>, vector<16xi32>
    %add3A_823 = arith.constant 15 : i32
    %add3A_824 = vector.broadcast %add3A_823 : i32 to vector<16xi32>
    %add3A_825 = arith.addi %iota3A, %add3A_824 : vector<16xi32>
    %jit3A_826 = arith.constant 32 : i32
    %eq3A_827 = arith.constant 0 : i32
    %eq3A_828 = arith.cmpi eq, %jit3A_826, %eq3A_827 : i32
    %jit3A_829 = arith.constant 1 : i32
    %select_n3A_830 = arith.select %eq3A_828, %jit3A_829, %jit3A_826 : i32
    %rem3A_831 = vector.broadcast %select_n3A_830 : i32 to vector<16xi32>
    %rem3A_832 = arith.remsi %add3A_825, %rem3A_831 : vector<16xi32>
    %ne3A_833 = arith.constant 0 : i32
    %ne3A_834 = vector.broadcast %ne3A_833 : i32 to vector<16xi32>
    %ne3A_835 = arith.cmpi ne, %rem3A_832, %ne3A_834 : vector<16xi32>
    %lt3A_836 = arith.constant 0 : i32
    %lt3A_837 = vector.broadcast %lt3A_836 : i32 to vector<16xi32>
    %lt3A_838 = arith.cmpi slt, %rem3A_832, %lt3A_837 : vector<16xi32>
    %lt3A_839 = arith.constant 0 : i32
    %lt3A_840 = arith.cmpi slt, %select_n3A_830, %lt3A_839 : i32
    %ne3A_841 = vector.broadcast %lt3A_840 : i1 to vector<16xi1>
    %ne3A_842 = vector.broadcast %ne3A_841 : vector<16xi1> to vector<16xi1>
    %ne3A_843 = arith.xori %lt3A_838, %ne3A_842 : vector<16xi1>
    %and3A_844 = arith.andi %ne3A_843, %ne3A_835 : vector<16xi1>
    %add3A_845 = vector.broadcast %select_n3A_830 : i32 to vector<16xi32>
    %add3A_846 = arith.addi %rem3A_832, %add3A_845 : vector<16xi32>
    %select_n3A_847 = arith.select %and3A_844, %add3A_846, %rem3A_832 : vector<16xi1>, vector<16xi32>
    %add3A_848 = arith.constant 16 : i32
    %add3A_849 = vector.broadcast %add3A_848 : i32 to vector<16xi32>
    %add3A_850 = arith.addi %iota3A, %add3A_849 : vector<16xi32>
    %jit3A_851 = arith.constant 32 : i32
    %eq3A_852 = arith.constant 0 : i32
    %eq3A_853 = arith.cmpi eq, %jit3A_851, %eq3A_852 : i32
    %jit3A_854 = arith.constant 1 : i32
    %select_n3A_855 = arith.select %eq3A_853, %jit3A_854, %jit3A_851 : i32
    %rem3A_856 = vector.broadcast %select_n3A_855 : i32 to vector<16xi32>
    %rem3A_857 = arith.remsi %add3A_850, %rem3A_856 : vector<16xi32>
    %ne3A_858 = arith.constant 0 : i32
    %ne3A_859 = vector.broadcast %ne3A_858 : i32 to vector<16xi32>
    %ne3A_860 = arith.cmpi ne, %rem3A_857, %ne3A_859 : vector<16xi32>
    %lt3A_861 = arith.constant 0 : i32
    %lt3A_862 = vector.broadcast %lt3A_861 : i32 to vector<16xi32>
    %lt3A_863 = arith.cmpi slt, %rem3A_857, %lt3A_862 : vector<16xi32>
    %lt3A_864 = arith.constant 0 : i32
    %lt3A_865 = arith.cmpi slt, %select_n3A_855, %lt3A_864 : i32
    %ne3A_866 = vector.broadcast %lt3A_865 : i1 to vector<16xi1>
    %ne3A_867 = vector.broadcast %ne3A_866 : vector<16xi1> to vector<16xi1>
    %ne3A_868 = arith.xori %lt3A_863, %ne3A_867 : vector<16xi1>
    %and3A_869 = arith.andi %ne3A_868, %ne3A_860 : vector<16xi1>
    %add3A_870 = vector.broadcast %select_n3A_855 : i32 to vector<16xi32>
    %add3A_871 = arith.addi %rem3A_857, %add3A_870 : vector<16xi32>
    %select_n3A_872 = arith.select %and3A_869, %add3A_871, %rem3A_857 : vector<16xi1>, vector<16xi32>
    %add3A_873 = arith.constant 17 : i32
    %add3A_874 = vector.broadcast %add3A_873 : i32 to vector<16xi32>
    %add3A_875 = arith.addi %iota3A, %add3A_874 : vector<16xi32>
    %jit3A_876 = arith.constant 32 : i32
    %eq3A_877 = arith.constant 0 : i32
    %eq3A_878 = arith.cmpi eq, %jit3A_876, %eq3A_877 : i32
    %jit3A_879 = arith.constant 1 : i32
    %select_n3A_880 = arith.select %eq3A_878, %jit3A_879, %jit3A_876 : i32
    %rem3A_881 = vector.broadcast %select_n3A_880 : i32 to vector<16xi32>
    %rem3A_882 = arith.remsi %add3A_875, %rem3A_881 : vector<16xi32>
    %ne3A_883 = arith.constant 0 : i32
    %ne3A_884 = vector.broadcast %ne3A_883 : i32 to vector<16xi32>
    %ne3A_885 = arith.cmpi ne, %rem3A_882, %ne3A_884 : vector<16xi32>
    %lt3A_886 = arith.constant 0 : i32
    %lt3A_887 = vector.broadcast %lt3A_886 : i32 to vector<16xi32>
    %lt3A_888 = arith.cmpi slt, %rem3A_882, %lt3A_887 : vector<16xi32>
    %lt3A_889 = arith.constant 0 : i32
    %lt3A_890 = arith.cmpi slt, %select_n3A_880, %lt3A_889 : i32
    %ne3A_891 = vector.broadcast %lt3A_890 : i1 to vector<16xi1>
    %ne3A_892 = vector.broadcast %ne3A_891 : vector<16xi1> to vector<16xi1>
    %ne3A_893 = arith.xori %lt3A_888, %ne3A_892 : vector<16xi1>
    %and3A_894 = arith.andi %ne3A_893, %ne3A_885 : vector<16xi1>
    %add3A_895 = vector.broadcast %select_n3A_880 : i32 to vector<16xi32>
    %add3A_896 = arith.addi %rem3A_882, %add3A_895 : vector<16xi32>
    %select_n3A_897 = arith.select %and3A_894, %add3A_896, %rem3A_882 : vector<16xi1>, vector<16xi32>
    %add3A_898 = arith.constant 18 : i32
    %add3A_899 = vector.broadcast %add3A_898 : i32 to vector<16xi32>
    %add3A_900 = arith.addi %iota3A, %add3A_899 : vector<16xi32>
    %jit3A_901 = arith.constant 32 : i32
    %eq3A_902 = arith.constant 0 : i32
    %eq3A_903 = arith.cmpi eq, %jit3A_901, %eq3A_902 : i32
    %jit3A_904 = arith.constant 1 : i32
    %select_n3A_905 = arith.select %eq3A_903, %jit3A_904, %jit3A_901 : i32
    %rem3A_906 = vector.broadcast %select_n3A_905 : i32 to vector<16xi32>
    %rem3A_907 = arith.remsi %add3A_900, %rem3A_906 : vector<16xi32>
    %ne3A_908 = arith.constant 0 : i32
    %ne3A_909 = vector.broadcast %ne3A_908 : i32 to vector<16xi32>
    %ne3A_910 = arith.cmpi ne, %rem3A_907, %ne3A_909 : vector<16xi32>
    %lt3A_911 = arith.constant 0 : i32
    %lt3A_912 = vector.broadcast %lt3A_911 : i32 to vector<16xi32>
    %lt3A_913 = arith.cmpi slt, %rem3A_907, %lt3A_912 : vector<16xi32>
    %lt3A_914 = arith.constant 0 : i32
    %lt3A_915 = arith.cmpi slt, %select_n3A_905, %lt3A_914 : i32
    %ne3A_916 = vector.broadcast %lt3A_915 : i1 to vector<16xi1>
    %ne3A_917 = vector.broadcast %ne3A_916 : vector<16xi1> to vector<16xi1>
    %ne3A_918 = arith.xori %lt3A_913, %ne3A_917 : vector<16xi1>
    %and3A_919 = arith.andi %ne3A_918, %ne3A_910 : vector<16xi1>
    %add3A_920 = vector.broadcast %select_n3A_905 : i32 to vector<16xi32>
    %add3A_921 = arith.addi %rem3A_907, %add3A_920 : vector<16xi32>
    %select_n3A_922 = arith.select %and3A_919, %add3A_921, %rem3A_907 : vector<16xi1>, vector<16xi32>
    %add3A_923 = arith.constant 19 : i32
    %add3A_924 = vector.broadcast %add3A_923 : i32 to vector<16xi32>
    %add3A_925 = arith.addi %iota3A, %add3A_924 : vector<16xi32>
    %jit3A_926 = arith.constant 32 : i32
    %eq3A_927 = arith.constant 0 : i32
    %eq3A_928 = arith.cmpi eq, %jit3A_926, %eq3A_927 : i32
    %jit3A_929 = arith.constant 1 : i32
    %select_n3A_930 = arith.select %eq3A_928, %jit3A_929, %jit3A_926 : i32
    %rem3A_931 = vector.broadcast %select_n3A_930 : i32 to vector<16xi32>
    %rem3A_932 = arith.remsi %add3A_925, %rem3A_931 : vector<16xi32>
    %ne3A_933 = arith.constant 0 : i32
    %ne3A_934 = vector.broadcast %ne3A_933 : i32 to vector<16xi32>
    %ne3A_935 = arith.cmpi ne, %rem3A_932, %ne3A_934 : vector<16xi32>
    %lt3A_936 = arith.constant 0 : i32
    %lt3A_937 = vector.broadcast %lt3A_936 : i32 to vector<16xi32>
    %lt3A_938 = arith.cmpi slt, %rem3A_932, %lt3A_937 : vector<16xi32>
    %lt3A_939 = arith.constant 0 : i32
    %lt3A_940 = arith.cmpi slt, %select_n3A_930, %lt3A_939 : i32
    %ne3A_941 = vector.broadcast %lt3A_940 : i1 to vector<16xi1>
    %ne3A_942 = vector.broadcast %ne3A_941 : vector<16xi1> to vector<16xi1>
    %ne3A_943 = arith.xori %lt3A_938, %ne3A_942 : vector<16xi1>
    %and3A_944 = arith.andi %ne3A_943, %ne3A_935 : vector<16xi1>
    %add3A_945 = vector.broadcast %select_n3A_930 : i32 to vector<16xi32>
    %add3A_946 = arith.addi %rem3A_932, %add3A_945 : vector<16xi32>
    %select_n3A_947 = arith.select %and3A_944, %add3A_946, %rem3A_932 : vector<16xi1>, vector<16xi32>
    %add3A_948 = arith.constant 20 : i32
    %add3A_949 = vector.broadcast %add3A_948 : i32 to vector<16xi32>
    %add3A_950 = arith.addi %iota3A, %add3A_949 : vector<16xi32>
    %jit3A_951 = arith.constant 32 : i32
    %eq3A_952 = arith.constant 0 : i32
    %eq3A_953 = arith.cmpi eq, %jit3A_951, %eq3A_952 : i32
    %jit3A_954 = arith.constant 1 : i32
    %select_n3A_955 = arith.select %eq3A_953, %jit3A_954, %jit3A_951 : i32
    %rem3A_956 = vector.broadcast %select_n3A_955 : i32 to vector<16xi32>
    %rem3A_957 = arith.remsi %add3A_950, %rem3A_956 : vector<16xi32>
    %ne3A_958 = arith.constant 0 : i32
    %ne3A_959 = vector.broadcast %ne3A_958 : i32 to vector<16xi32>
    %ne3A_960 = arith.cmpi ne, %rem3A_957, %ne3A_959 : vector<16xi32>
    %lt3A_961 = arith.constant 0 : i32
    %lt3A_962 = vector.broadcast %lt3A_961 : i32 to vector<16xi32>
    %lt3A_963 = arith.cmpi slt, %rem3A_957, %lt3A_962 : vector<16xi32>
    %lt3A_964 = arith.constant 0 : i32
    %lt3A_965 = arith.cmpi slt, %select_n3A_955, %lt3A_964 : i32
    %ne3A_966 = vector.broadcast %lt3A_965 : i1 to vector<16xi1>
    %ne3A_967 = vector.broadcast %ne3A_966 : vector<16xi1> to vector<16xi1>
    %ne3A_968 = arith.xori %lt3A_963, %ne3A_967 : vector<16xi1>
    %and3A_969 = arith.andi %ne3A_968, %ne3A_960 : vector<16xi1>
    %add3A_970 = vector.broadcast %select_n3A_955 : i32 to vector<16xi32>
    %add3A_971 = arith.addi %rem3A_957, %add3A_970 : vector<16xi32>
    %select_n3A_972 = arith.select %and3A_969, %add3A_971, %rem3A_957 : vector<16xi1>, vector<16xi32>
    %add3A_973 = arith.constant 21 : i32
    %add3A_974 = vector.broadcast %add3A_973 : i32 to vector<16xi32>
    %add3A_975 = arith.addi %iota3A, %add3A_974 : vector<16xi32>
    %jit3A_976 = arith.constant 32 : i32
    %eq3A_977 = arith.constant 0 : i32
    %eq3A_978 = arith.cmpi eq, %jit3A_976, %eq3A_977 : i32
    %jit3A_979 = arith.constant 1 : i32
    %select_n3A_980 = arith.select %eq3A_978, %jit3A_979, %jit3A_976 : i32
    %rem3A_981 = vector.broadcast %select_n3A_980 : i32 to vector<16xi32>
    %rem3A_982 = arith.remsi %add3A_975, %rem3A_981 : vector<16xi32>
    %ne3A_983 = arith.constant 0 : i32
    %ne3A_984 = vector.broadcast %ne3A_983 : i32 to vector<16xi32>
    %ne3A_985 = arith.cmpi ne, %rem3A_982, %ne3A_984 : vector<16xi32>
    %lt3A_986 = arith.constant 0 : i32
    %lt3A_987 = vector.broadcast %lt3A_986 : i32 to vector<16xi32>
    %lt3A_988 = arith.cmpi slt, %rem3A_982, %lt3A_987 : vector<16xi32>
    %lt3A_989 = arith.constant 0 : i32
    %lt3A_990 = arith.cmpi slt, %select_n3A_980, %lt3A_989 : i32
    %ne3A_991 = vector.broadcast %lt3A_990 : i1 to vector<16xi1>
    %ne3A_992 = vector.broadcast %ne3A_991 : vector<16xi1> to vector<16xi1>
    %ne3A_993 = arith.xori %lt3A_988, %ne3A_992 : vector<16xi1>
    %and3A_994 = arith.andi %ne3A_993, %ne3A_985 : vector<16xi1>
    %add3A_995 = vector.broadcast %select_n3A_980 : i32 to vector<16xi32>
    %add3A_996 = arith.addi %rem3A_982, %add3A_995 : vector<16xi32>
    %select_n3A_997 = arith.select %and3A_994, %add3A_996, %rem3A_982 : vector<16xi1>, vector<16xi32>
    %add3A_998 = arith.constant 22 : i32
    %add3A_999 = vector.broadcast %add3A_998 : i32 to vector<16xi32>
    %add3A_1000 = arith.addi %iota3A, %add3A_999 : vector<16xi32>
    %jit3A_1001 = arith.constant 32 : i32
    %eq3A_1002 = arith.constant 0 : i32
    %eq3A_1003 = arith.cmpi eq, %jit3A_1001, %eq3A_1002 : i32
    %jit3A_1004 = arith.constant 1 : i32
    %select_n3A_1005 = arith.select %eq3A_1003, %jit3A_1004, %jit3A_1001 : i32
    %rem3A_1006 = vector.broadcast %select_n3A_1005 : i32 to vector<16xi32>
    %rem3A_1007 = arith.remsi %add3A_1000, %rem3A_1006 : vector<16xi32>
    %ne3A_1008 = arith.constant 0 : i32
    %ne3A_1009 = vector.broadcast %ne3A_1008 : i32 to vector<16xi32>
    %ne3A_1010 = arith.cmpi ne, %rem3A_1007, %ne3A_1009 : vector<16xi32>
    %lt3A_1011 = arith.constant 0 : i32
    %lt3A_1012 = vector.broadcast %lt3A_1011 : i32 to vector<16xi32>
    %lt3A_1013 = arith.cmpi slt, %rem3A_1007, %lt3A_1012 : vector<16xi32>
    %lt3A_1014 = arith.constant 0 : i32
    %lt3A_1015 = arith.cmpi slt, %select_n3A_1005, %lt3A_1014 : i32
    %ne3A_1016 = vector.broadcast %lt3A_1015 : i1 to vector<16xi1>
    %ne3A_1017 = vector.broadcast %ne3A_1016 : vector<16xi1> to vector<16xi1>
    %ne3A_1018 = arith.xori %lt3A_1013, %ne3A_1017 : vector<16xi1>
    %and3A_1019 = arith.andi %ne3A_1018, %ne3A_1010 : vector<16xi1>
    %add3A_1020 = vector.broadcast %select_n3A_1005 : i32 to vector<16xi32>
    %add3A_1021 = arith.addi %rem3A_1007, %add3A_1020 : vector<16xi32>
    %select_n3A_1022 = arith.select %and3A_1019, %add3A_1021, %rem3A_1007 : vector<16xi1>, vector<16xi32>
    %add3A_1023 = arith.constant 23 : i32
    %add3A_1024 = vector.broadcast %add3A_1023 : i32 to vector<16xi32>
    %add3A_1025 = arith.addi %iota3A, %add3A_1024 : vector<16xi32>
    %jit3A_1026 = arith.constant 32 : i32
    %eq3A_1027 = arith.constant 0 : i32
    %eq3A_1028 = arith.cmpi eq, %jit3A_1026, %eq3A_1027 : i32
    %jit3A_1029 = arith.constant 1 : i32
    %select_n3A_1030 = arith.select %eq3A_1028, %jit3A_1029, %jit3A_1026 : i32
    %rem3A_1031 = vector.broadcast %select_n3A_1030 : i32 to vector<16xi32>
    %rem3A_1032 = arith.remsi %add3A_1025, %rem3A_1031 : vector<16xi32>
    %ne3A_1033 = arith.constant 0 : i32
    %ne3A_1034 = vector.broadcast %ne3A_1033 : i32 to vector<16xi32>
    %ne3A_1035 = arith.cmpi ne, %rem3A_1032, %ne3A_1034 : vector<16xi32>
    %lt3A_1036 = arith.constant 0 : i32
    %lt3A_1037 = vector.broadcast %lt3A_1036 : i32 to vector<16xi32>
    %lt3A_1038 = arith.cmpi slt, %rem3A_1032, %lt3A_1037 : vector<16xi32>
    %lt3A_1039 = arith.constant 0 : i32
    %lt3A_1040 = arith.cmpi slt, %select_n3A_1030, %lt3A_1039 : i32
    %ne3A_1041 = vector.broadcast %lt3A_1040 : i1 to vector<16xi1>
    %ne3A_1042 = vector.broadcast %ne3A_1041 : vector<16xi1> to vector<16xi1>
    %ne3A_1043 = arith.xori %lt3A_1038, %ne3A_1042 : vector<16xi1>
    %and3A_1044 = arith.andi %ne3A_1043, %ne3A_1035 : vector<16xi1>
    %add3A_1045 = vector.broadcast %select_n3A_1030 : i32 to vector<16xi32>
    %add3A_1046 = arith.addi %rem3A_1032, %add3A_1045 : vector<16xi32>
    %select_n3A_1047 = arith.select %and3A_1044, %add3A_1046, %rem3A_1032 : vector<16xi1>, vector<16xi32>
    %add3A_1048 = arith.constant 24 : i32
    %add3A_1049 = vector.broadcast %add3A_1048 : i32 to vector<16xi32>
    %add3A_1050 = arith.addi %iota3A, %add3A_1049 : vector<16xi32>
    %jit3A_1051 = arith.constant 32 : i32
    %eq3A_1052 = arith.constant 0 : i32
    %eq3A_1053 = arith.cmpi eq, %jit3A_1051, %eq3A_1052 : i32
    %jit3A_1054 = arith.constant 1 : i32
    %select_n3A_1055 = arith.select %eq3A_1053, %jit3A_1054, %jit3A_1051 : i32
    %rem3A_1056 = vector.broadcast %select_n3A_1055 : i32 to vector<16xi32>
    %rem3A_1057 = arith.remsi %add3A_1050, %rem3A_1056 : vector<16xi32>
    %ne3A_1058 = arith.constant 0 : i32
    %ne3A_1059 = vector.broadcast %ne3A_1058 : i32 to vector<16xi32>
    %ne3A_1060 = arith.cmpi ne, %rem3A_1057, %ne3A_1059 : vector<16xi32>
    %lt3A_1061 = arith.constant 0 : i32
    %lt3A_1062 = vector.broadcast %lt3A_1061 : i32 to vector<16xi32>
    %lt3A_1063 = arith.cmpi slt, %rem3A_1057, %lt3A_1062 : vector<16xi32>
    %lt3A_1064 = arith.constant 0 : i32
    %lt3A_1065 = arith.cmpi slt, %select_n3A_1055, %lt3A_1064 : i32
    %ne3A_1066 = vector.broadcast %lt3A_1065 : i1 to vector<16xi1>
    %ne3A_1067 = vector.broadcast %ne3A_1066 : vector<16xi1> to vector<16xi1>
    %ne3A_1068 = arith.xori %lt3A_1063, %ne3A_1067 : vector<16xi1>
    %and3A_1069 = arith.andi %ne3A_1068, %ne3A_1060 : vector<16xi1>
    %add3A_1070 = vector.broadcast %select_n3A_1055 : i32 to vector<16xi32>
    %add3A_1071 = arith.addi %rem3A_1057, %add3A_1070 : vector<16xi32>
    %select_n3A_1072 = arith.select %and3A_1069, %add3A_1071, %rem3A_1057 : vector<16xi1>, vector<16xi32>
    %add3A_1073 = arith.constant 25 : i32
    %add3A_1074 = vector.broadcast %add3A_1073 : i32 to vector<16xi32>
    %add3A_1075 = arith.addi %iota3A, %add3A_1074 : vector<16xi32>
    %jit3A_1076 = arith.constant 32 : i32
    %eq3A_1077 = arith.constant 0 : i32
    %eq3A_1078 = arith.cmpi eq, %jit3A_1076, %eq3A_1077 : i32
    %jit3A_1079 = arith.constant 1 : i32
    %select_n3A_1080 = arith.select %eq3A_1078, %jit3A_1079, %jit3A_1076 : i32
    %rem3A_1081 = vector.broadcast %select_n3A_1080 : i32 to vector<16xi32>
    %rem3A_1082 = arith.remsi %add3A_1075, %rem3A_1081 : vector<16xi32>
    %ne3A_1083 = arith.constant 0 : i32
    %ne3A_1084 = vector.broadcast %ne3A_1083 : i32 to vector<16xi32>
    %ne3A_1085 = arith.cmpi ne, %rem3A_1082, %ne3A_1084 : vector<16xi32>
    %lt3A_1086 = arith.constant 0 : i32
    %lt3A_1087 = vector.broadcast %lt3A_1086 : i32 to vector<16xi32>
    %lt3A_1088 = arith.cmpi slt, %rem3A_1082, %lt3A_1087 : vector<16xi32>
    %lt3A_1089 = arith.constant 0 : i32
    %lt3A_1090 = arith.cmpi slt, %select_n3A_1080, %lt3A_1089 : i32
    %ne3A_1091 = vector.broadcast %lt3A_1090 : i1 to vector<16xi1>
    %ne3A_1092 = vector.broadcast %ne3A_1091 : vector<16xi1> to vector<16xi1>
    %ne3A_1093 = arith.xori %lt3A_1088, %ne3A_1092 : vector<16xi1>
    %and3A_1094 = arith.andi %ne3A_1093, %ne3A_1085 : vector<16xi1>
    %add3A_1095 = vector.broadcast %select_n3A_1080 : i32 to vector<16xi32>
    %add3A_1096 = arith.addi %rem3A_1082, %add3A_1095 : vector<16xi32>
    %select_n3A_1097 = arith.select %and3A_1094, %add3A_1096, %rem3A_1082 : vector<16xi1>, vector<16xi32>
    %add3A_1098 = arith.constant 26 : i32
    %add3A_1099 = vector.broadcast %add3A_1098 : i32 to vector<16xi32>
    %add3A_1100 = arith.addi %iota3A, %add3A_1099 : vector<16xi32>
    %jit3A_1101 = arith.constant 32 : i32
    %eq3A_1102 = arith.constant 0 : i32
    %eq3A_1103 = arith.cmpi eq, %jit3A_1101, %eq3A_1102 : i32
    %jit3A_1104 = arith.constant 1 : i32
    %select_n3A_1105 = arith.select %eq3A_1103, %jit3A_1104, %jit3A_1101 : i32
    %rem3A_1106 = vector.broadcast %select_n3A_1105 : i32 to vector<16xi32>
    %rem3A_1107 = arith.remsi %add3A_1100, %rem3A_1106 : vector<16xi32>
    %ne3A_1108 = arith.constant 0 : i32
    %ne3A_1109 = vector.broadcast %ne3A_1108 : i32 to vector<16xi32>
    %ne3A_1110 = arith.cmpi ne, %rem3A_1107, %ne3A_1109 : vector<16xi32>
    %lt3A_1111 = arith.constant 0 : i32
    %lt3A_1112 = vector.broadcast %lt3A_1111 : i32 to vector<16xi32>
    %lt3A_1113 = arith.cmpi slt, %rem3A_1107, %lt3A_1112 : vector<16xi32>
    %lt3A_1114 = arith.constant 0 : i32
    %lt3A_1115 = arith.cmpi slt, %select_n3A_1105, %lt3A_1114 : i32
    %ne3A_1116 = vector.broadcast %lt3A_1115 : i1 to vector<16xi1>
    %ne3A_1117 = vector.broadcast %ne3A_1116 : vector<16xi1> to vector<16xi1>
    %ne3A_1118 = arith.xori %lt3A_1113, %ne3A_1117 : vector<16xi1>
    %and3A_1119 = arith.andi %ne3A_1118, %ne3A_1110 : vector<16xi1>
    %add3A_1120 = vector.broadcast %select_n3A_1105 : i32 to vector<16xi32>
    %add3A_1121 = arith.addi %rem3A_1107, %add3A_1120 : vector<16xi32>
    %select_n3A_1122 = arith.select %and3A_1119, %add3A_1121, %rem3A_1107 : vector<16xi1>, vector<16xi32>
    %add3A_1123 = arith.constant 27 : i32
    %add3A_1124 = vector.broadcast %add3A_1123 : i32 to vector<16xi32>
    %add3A_1125 = arith.addi %iota3A, %add3A_1124 : vector<16xi32>
    %jit3A_1126 = arith.constant 32 : i32
    %eq3A_1127 = arith.constant 0 : i32
    %eq3A_1128 = arith.cmpi eq, %jit3A_1126, %eq3A_1127 : i32
    %jit3A_1129 = arith.constant 1 : i32
    %select_n3A_1130 = arith.select %eq3A_1128, %jit3A_1129, %jit3A_1126 : i32
    %rem3A_1131 = vector.broadcast %select_n3A_1130 : i32 to vector<16xi32>
    %rem3A_1132 = arith.remsi %add3A_1125, %rem3A_1131 : vector<16xi32>
    %ne3A_1133 = arith.constant 0 : i32
    %ne3A_1134 = vector.broadcast %ne3A_1133 : i32 to vector<16xi32>
    %ne3A_1135 = arith.cmpi ne, %rem3A_1132, %ne3A_1134 : vector<16xi32>
    %lt3A_1136 = arith.constant 0 : i32
    %lt3A_1137 = vector.broadcast %lt3A_1136 : i32 to vector<16xi32>
    %lt3A_1138 = arith.cmpi slt, %rem3A_1132, %lt3A_1137 : vector<16xi32>
    %lt3A_1139 = arith.constant 0 : i32
    %lt3A_1140 = arith.cmpi slt, %select_n3A_1130, %lt3A_1139 : i32
    %ne3A_1141 = vector.broadcast %lt3A_1140 : i1 to vector<16xi1>
    %ne3A_1142 = vector.broadcast %ne3A_1141 : vector<16xi1> to vector<16xi1>
    %ne3A_1143 = arith.xori %lt3A_1138, %ne3A_1142 : vector<16xi1>
    %and3A_1144 = arith.andi %ne3A_1143, %ne3A_1135 : vector<16xi1>
    %add3A_1145 = vector.broadcast %select_n3A_1130 : i32 to vector<16xi32>
    %add3A_1146 = arith.addi %rem3A_1132, %add3A_1145 : vector<16xi32>
    %select_n3A_1147 = arith.select %and3A_1144, %add3A_1146, %rem3A_1132 : vector<16xi1>, vector<16xi32>
    %add3A_1148 = arith.constant 28 : i32
    %add3A_1149 = vector.broadcast %add3A_1148 : i32 to vector<16xi32>
    %add3A_1150 = arith.addi %iota3A, %add3A_1149 : vector<16xi32>
    %jit3A_1151 = arith.constant 32 : i32
    %eq3A_1152 = arith.constant 0 : i32
    %eq3A_1153 = arith.cmpi eq, %jit3A_1151, %eq3A_1152 : i32
    %jit3A_1154 = arith.constant 1 : i32
    %select_n3A_1155 = arith.select %eq3A_1153, %jit3A_1154, %jit3A_1151 : i32
    %rem3A_1156 = vector.broadcast %select_n3A_1155 : i32 to vector<16xi32>
    %rem3A_1157 = arith.remsi %add3A_1150, %rem3A_1156 : vector<16xi32>
    %ne3A_1158 = arith.constant 0 : i32
    %ne3A_1159 = vector.broadcast %ne3A_1158 : i32 to vector<16xi32>
    %ne3A_1160 = arith.cmpi ne, %rem3A_1157, %ne3A_1159 : vector<16xi32>
    %lt3A_1161 = arith.constant 0 : i32
    %lt3A_1162 = vector.broadcast %lt3A_1161 : i32 to vector<16xi32>
    %lt3A_1163 = arith.cmpi slt, %rem3A_1157, %lt3A_1162 : vector<16xi32>
    %lt3A_1164 = arith.constant 0 : i32
    %lt3A_1165 = arith.cmpi slt, %select_n3A_1155, %lt3A_1164 : i32
    %ne3A_1166 = vector.broadcast %lt3A_1165 : i1 to vector<16xi1>
    %ne3A_1167 = vector.broadcast %ne3A_1166 : vector<16xi1> to vector<16xi1>
    %ne3A_1168 = arith.xori %lt3A_1163, %ne3A_1167 : vector<16xi1>
    %and3A_1169 = arith.andi %ne3A_1168, %ne3A_1160 : vector<16xi1>
    %add3A_1170 = vector.broadcast %select_n3A_1155 : i32 to vector<16xi32>
    %add3A_1171 = arith.addi %rem3A_1157, %add3A_1170 : vector<16xi32>
    %select_n3A_1172 = arith.select %and3A_1169, %add3A_1171, %rem3A_1157 : vector<16xi1>, vector<16xi32>
    %add3A_1173 = arith.constant 29 : i32
    %add3A_1174 = vector.broadcast %add3A_1173 : i32 to vector<16xi32>
    %add3A_1175 = arith.addi %iota3A, %add3A_1174 : vector<16xi32>
    %jit3A_1176 = arith.constant 32 : i32
    %eq3A_1177 = arith.constant 0 : i32
    %eq3A_1178 = arith.cmpi eq, %jit3A_1176, %eq3A_1177 : i32
    %jit3A_1179 = arith.constant 1 : i32
    %select_n3A_1180 = arith.select %eq3A_1178, %jit3A_1179, %jit3A_1176 : i32
    %rem3A_1181 = vector.broadcast %select_n3A_1180 : i32 to vector<16xi32>
    %rem3A_1182 = arith.remsi %add3A_1175, %rem3A_1181 : vector<16xi32>
    %ne3A_1183 = arith.constant 0 : i32
    %ne3A_1184 = vector.broadcast %ne3A_1183 : i32 to vector<16xi32>
    %ne3A_1185 = arith.cmpi ne, %rem3A_1182, %ne3A_1184 : vector<16xi32>
    %lt3A_1186 = arith.constant 0 : i32
    %lt3A_1187 = vector.broadcast %lt3A_1186 : i32 to vector<16xi32>
    %lt3A_1188 = arith.cmpi slt, %rem3A_1182, %lt3A_1187 : vector<16xi32>
    %lt3A_1189 = arith.constant 0 : i32
    %lt3A_1190 = arith.cmpi slt, %select_n3A_1180, %lt3A_1189 : i32
    %ne3A_1191 = vector.broadcast %lt3A_1190 : i1 to vector<16xi1>
    %ne3A_1192 = vector.broadcast %ne3A_1191 : vector<16xi1> to vector<16xi1>
    %ne3A_1193 = arith.xori %lt3A_1188, %ne3A_1192 : vector<16xi1>
    %and3A_1194 = arith.andi %ne3A_1193, %ne3A_1185 : vector<16xi1>
    %add3A_1195 = vector.broadcast %select_n3A_1180 : i32 to vector<16xi32>
    %add3A_1196 = arith.addi %rem3A_1182, %add3A_1195 : vector<16xi32>
    %select_n3A_1197 = arith.select %and3A_1194, %add3A_1196, %rem3A_1182 : vector<16xi1>, vector<16xi32>
    %add3A_1198 = arith.constant 30 : i32
    %add3A_1199 = vector.broadcast %add3A_1198 : i32 to vector<16xi32>
    %add3A_1200 = arith.addi %iota3A, %add3A_1199 : vector<16xi32>
    %jit3A_1201 = arith.constant 32 : i32
    %eq3A_1202 = arith.constant 0 : i32
    %eq3A_1203 = arith.cmpi eq, %jit3A_1201, %eq3A_1202 : i32
    %jit3A_1204 = arith.constant 1 : i32
    %select_n3A_1205 = arith.select %eq3A_1203, %jit3A_1204, %jit3A_1201 : i32
    %rem3A_1206 = vector.broadcast %select_n3A_1205 : i32 to vector<16xi32>
    %rem3A_1207 = arith.remsi %add3A_1200, %rem3A_1206 : vector<16xi32>
    %ne3A_1208 = arith.constant 0 : i32
    %ne3A_1209 = vector.broadcast %ne3A_1208 : i32 to vector<16xi32>
    %ne3A_1210 = arith.cmpi ne, %rem3A_1207, %ne3A_1209 : vector<16xi32>
    %lt3A_1211 = arith.constant 0 : i32
    %lt3A_1212 = vector.broadcast %lt3A_1211 : i32 to vector<16xi32>
    %lt3A_1213 = arith.cmpi slt, %rem3A_1207, %lt3A_1212 : vector<16xi32>
    %lt3A_1214 = arith.constant 0 : i32
    %lt3A_1215 = arith.cmpi slt, %select_n3A_1205, %lt3A_1214 : i32
    %ne3A_1216 = vector.broadcast %lt3A_1215 : i1 to vector<16xi1>
    %ne3A_1217 = vector.broadcast %ne3A_1216 : vector<16xi1> to vector<16xi1>
    %ne3A_1218 = arith.xori %lt3A_1213, %ne3A_1217 : vector<16xi1>
    %and3A_1219 = arith.andi %ne3A_1218, %ne3A_1210 : vector<16xi1>
    %add3A_1220 = vector.broadcast %select_n3A_1205 : i32 to vector<16xi32>
    %add3A_1221 = arith.addi %rem3A_1207, %add3A_1220 : vector<16xi32>
    %select_n3A_1222 = arith.select %and3A_1219, %add3A_1221, %rem3A_1207 : vector<16xi1>, vector<16xi32>
    %add3A_1223 = arith.constant 31 : i32
    %add3A_1224 = vector.broadcast %add3A_1223 : i32 to vector<16xi32>
    %add3A_1225 = arith.addi %iota3A, %add3A_1224 : vector<16xi32>
    %jit3A_1226 = arith.constant 32 : i32
    %eq3A_1227 = arith.constant 0 : i32
    %eq3A_1228 = arith.cmpi eq, %jit3A_1226, %eq3A_1227 : i32
    %jit3A_1229 = arith.constant 1 : i32
    %select_n3A_1230 = arith.select %eq3A_1228, %jit3A_1229, %jit3A_1226 : i32
    %rem3A_1231 = vector.broadcast %select_n3A_1230 : i32 to vector<16xi32>
    %rem3A_1232 = arith.remsi %add3A_1225, %rem3A_1231 : vector<16xi32>
    %ne3A_1233 = arith.constant 0 : i32
    %ne3A_1234 = vector.broadcast %ne3A_1233 : i32 to vector<16xi32>
    %ne3A_1235 = arith.cmpi ne, %rem3A_1232, %ne3A_1234 : vector<16xi32>
    %lt3A_1236 = arith.constant 0 : i32
    %lt3A_1237 = vector.broadcast %lt3A_1236 : i32 to vector<16xi32>
    %lt3A_1238 = arith.cmpi slt, %rem3A_1232, %lt3A_1237 : vector<16xi32>
    %lt3A_1239 = arith.constant 0 : i32
    %lt3A_1240 = arith.cmpi slt, %select_n3A_1230, %lt3A_1239 : i32
    %ne3A_1241 = vector.broadcast %lt3A_1240 : i1 to vector<16xi1>
    %ne3A_1242 = vector.broadcast %ne3A_1241 : vector<16xi1> to vector<16xi1>
    %ne3A_1243 = arith.xori %lt3A_1238, %ne3A_1242 : vector<16xi1>
    %and3A_1244 = arith.andi %ne3A_1243, %ne3A_1235 : vector<16xi1>
    %add3A_1245 = vector.broadcast %select_n3A_1230 : i32 to vector<16xi32>
    %add3A_1246 = arith.addi %rem3A_1232, %add3A_1245 : vector<16xi32>
    %select_n3A_1247 = arith.select %and3A_1244, %add3A_1246, %rem3A_1232 : vector<16xi1>, vector<16xi32>
    %scan3A_1248 = arith.constant 0 : i32
    %scan3A_1249 = arith.constant 0 : i32
    %scan3A_1250 = arith.constant 32 : i32
    %scan3A_1251 = arith.addi %scan3A_1249, %scan3A_1250 : i32
    %scan3A_1252 = arith.constant 1 : i32
    %scan3A_1253 = scf.for %scan3A_1255 = %scan3A_1249 to %scan3A_1251 step %scan3A_1252 iter_args(%scan3A_1256 = %scan3A_1248) -> (i32)  : i32 {
      %broadcast_in_dim3A = arith.constant 0.000000e+00 : f32
      %broadcast_in_dim3A_1257 = vector.broadcast %broadcast_in_dim3A : f32 to vector<16xf32>
      %mul3A_1258 = arith.constant 16 : i32
      %mul3A_1259 = arith.muli %scan3A_1255, %mul3A_1258 : i32
      %add3A_1260 = vector.broadcast %mul3A_1259 : i32 to vector<16xi32>
      %add3A_1261 = arith.addi %add3A_1260, %iota3A : vector<16xi32>
      %gather3A = tpu.vector_load_idx %arg14[%add3A_1261, %select_n3A_472] : memref<512x32xf32, #tpu.memory_space<vmem>>[vector<16xi32>, vector<16xi32>], vector<16xf32>,
      %gather3A_1262 = tpu.vector_load_idx %arg18[%add3A_1261, %select_n3A_472] : memref<512x32xf32, #tpu.memory_space<vmem>>[vector<16xi32>, vector<16xi32>], vector<16xf32>,
      %mul3A_1263 = arith.mulf %gather3A, %gather3A_1262 : vector<16xf32>
      %gather3A_1264 = tpu.vector_load_idx %arg15[%add3A_1261, %select_n3A_472] : memref<512x32xf32, #tpu.memory_space<vmem>>[vector<16xi32>, vector<16xi32>], vector<16xf32>,
      %mul3A_1265 = arith.mulf %mul3A_1263, %gather3A_1264 : vector<16xf32>
      %add3A_1266 = arith.addf %broadcast_in_dim3A_1257, %mul3A_1265 : vector<16xf32>
      %gather3A_1267 = tpu.vector_load_idx %arg16[%add3A_1261, %select_n3A_472] : memref<512x32xf32, #tpu.memory_space<vmem>>[vector<16xi32>, vector<16xi32>], vector<16xf32>,
      %gather3A_1268 = tpu.vector_load_idx %arg19[%add3A_1261, %select_n3A_472] : memref<512x32xf32, #tpu.memory_space<vmem>>[vector<16xi32>, vector<16xi32>], vector<16xf32>,
      %mul3A_1269 = arith.mulf %gather3A_1267, %gather3A_1268 : vector<16xf32>
      %add3A_1270 = arith.addf %broadcast_in_dim3A_1257, %mul3A_1269 : vector<16xf32>
      %gather3A_1271 = tpu.vector_load_idx %arg17[%add3A_1261, %select_n3A_472] : memref<512x32xf32, #tpu.memory_space<vmem>>[vector<16xi32>, vector<16xi32>], vector<16xf32>,
      %gather3A_1272 = tpu.vector_load_idx %arg20[%add3A_1261, %select_n3A_472] : memref<512x32xf32, #tpu.memory_space<vmem>>[vector<16xi32>, vector<16xi32>], vector<16xf32>,
      %mul3A_1273 = arith.mulf %gather3A_1271, %gather3A_1272 : vector<16xf32>
      %add3A_1274 = arith.addf %broadcast_in_dim3A_1257, %mul3A_1273 : vector<16xf32>
      %gather3A_1275 = tpu.vector_load_idx %arg14[%add3A_1261, %select_n3A_497] : memref<512x32xf32, #tpu.memory_space<vmem>>[vector<16xi32>, vector<16xi32>], vector<16xf32>,
      %gather3A_1276 = tpu.vector_load_idx %arg18[%add3A_1261, %select_n3A_497] : memref<512x32xf32, #tpu.memory_space<vmem>>[vector<16xi32>, vector<16xi32>], vector<16xf32>,
      %mul3A_1277 = arith.mulf %gather3A_1275, %gather3A_1276 : vector<16xf32>
      %gather3A_1278 = tpu.vector_load_idx %arg15[%add3A_1261, %select_n3A_497] : memref<512x32xf32, #tpu.memory_space<vmem>>[vector<16xi32>, vector<16xi32>], vector<16xf32>,
      %mul3A_1279 = arith.mulf %mul3A_1277, %gather3A_1278 : vector<16xf32>
      %add3A_1280 = arith.addf %add3A_1266, %mul3A_1279 : vector<16xf32>
      %gather3A_1281 = tpu.vector_load_idx %arg16[%add3A_1261, %select_n3A_497] : memref<512x32xf32, #tpu.memory_space<vmem>>[vector<16xi32>, vector<16xi32>], vector<16xf32>,
      %gather3A_1282 = tpu.vector_load_idx %arg19[%add3A_1261, %select_n3A_497] : memref<512x32xf32, #tpu.memory_space<vmem>>[vector<16xi32>, vector<16xi32>], vector<16xf32>,
      %mul3A_1283 = arith.mulf %gather3A_1281, %gather3A_1282 : vector<16xf32>
      %add3A_1284 = arith.addf %add3A_1270, %mul3A_1283 : vector<16xf32>
      %gather3A_1285 = tpu.vector_load_idx %arg17[%add3A_1261, %select_n3A_497] : memref<512x32xf32, #tpu.memory_space<vmem>>[vector<16xi32>, vector<16xi32>], vector<16xf32>,
      %gather3A_1286 = tpu.vector_load_idx %arg20[%add3A_1261, %select_n3A_497] : memref<512x32xf32, #tpu.memory_space<vmem>>[vector<16xi32>, vector<16xi32>], vector<16xf32>,
      %mul3A_1287 = arith.mulf %gather3A_1285, %gather3A_1286 : vector<16xf32>
      %add3A_1288 = arith.addf %add3A_1274, %mul3A_1287 : vector<16xf32>
      %gather3A_1289 = tpu.vector_load_idx %arg14[%add3A_1261, %select_n3A_522] : memref<512x32xf32, #tpu.memory_space<vmem>>[vector<16xi32>, vector<16xi32>], vector<16xf32>,
      %gather3A_1290 = tpu.vector_load_idx %arg18[%add3A_1261, %select_n3A_522] : memref<512x32xf32, #tpu.memory_space<vmem>>[vector<16xi32>, vector<16xi32>], vector<16xf32>,
      %mul3A_1291 = arith.mulf %gather3A_1289, %gather3A_1290 : vector<16xf32>
      %gather3A_1292 = tpu.vector_load_idx %arg15[%add3A_1261, %select_n3A_522] : memref<512x32xf32, #tpu.memory_space<vmem>>[vector<16xi32>, vector<16xi32>], vector<16xf32>,
      %mul3A_1293 = arith.mulf %mul3A_1291, %gather3A_1292 : vector<16xf32>
      %add3A_1294 = arith.addf %add3A_1280, %mul3A_1293 : vector<16xf32>
      %gather3A_1295 = tpu.vector_load_idx %arg16[%add3A_1261, %select_n3A_522] : memref<512x32xf32, #tpu.memory_space<vmem>>[vector<16xi32>, vector<16xi32>], vector<16xf32>,
      %gather3A_1296 = tpu.vector_load_idx %arg19[%add3A_1261, %select_n3A_522] : memref<512x32xf32, #tpu.memory_space<vmem>>[vector<16xi32>, vector<16xi32>], vector<16xf32>,
      %mul3A_1297 = arith.mulf %gather3A_1295, %gather3A_1296 : vector<16xf32>
      %add3A_1298 = arith.addf %add3A_1284, %mul3A_1297 : vector<16xf32>
      %gather3A_1299 = tpu.vector_load_idx %arg17[%add3A_1261, %select_n3A_522] : memref<512x32xf32, #tpu.memory_space<vmem>>[vector<16xi32>, vector<16xi32>], vector<16xf32>,
      %gather3A_1300 = tpu.vector_load_idx %arg20[%add3A_1261, %select_n3A_522] : memref<512x32xf32, #tpu.memory_space<vmem>>[vector<16xi32>, vector<16xi32>], vector<16xf32>,
      %mul3A_1301 = arith.mulf %gather3A_1299, %gather3A_1300 : vector<16xf32>
      %add3A_1302 = arith.addf %add3A_1288, %mul3A_1301 : vector<16xf32>
      %gather3A_1303 = tpu.vector_load_idx %arg14[%add3A_1261, %select_n3A_547] : memref<512x32xf32, #tpu.memory_space<vmem>>[vector<16xi32>, vector<16xi32>], vector<16xf32>,
      %gather3A_1304 = tpu.vector_load_idx %arg18[%add3A_1261, %select_n3A_547] : memref<512x32xf32, #tpu.memory_space<vmem>>[vector<16xi32>, vector<16xi32>], vector<16xf32>,
      %mul3A_1305 = arith.mulf %gather3A_1303, %gather3A_1304 : vector<16xf32>
      %gather3A_1306 = tpu.vector_load_idx %arg15[%add3A_1261, %select_n3A_547] : memref<512x32xf32, #tpu.memory_space<vmem>>[vector<16xi32>, vector<16xi32>], vector<16xf32>,
      %mul3A_1307 = arith.mulf %mul3A_1305, %gather3A_1306 : vector<16xf32>
      %add3A_1308 = arith.addf %add3A_1294, %mul3A_1307 : vector<16xf32>
      %gather3A_1309 = tpu.vector_load_idx %arg16[%add3A_1261, %select_n3A_547] : memref<512x32xf32, #tpu.memory_space<vmem>>[vector<16xi32>, vector<16xi32>], vector<16xf32>,
      %gather3A_1310 = tpu.vector_load_idx %arg19[%add3A_1261, %select_n3A_547] : memref<512x32xf32, #tpu.memory_space<vmem>>[vector<16xi32>, vector<16xi32>], vector<16xf32>,
      %mul3A_1311 = arith.mulf %gather3A_1309, %gather3A_1310 : vector<16xf32>
      %add3A_1312 = arith.addf %add3A_1298, %mul3A_1311 : vector<16xf32>
      %gather3A_1313 = tpu.vector_load_idx %arg17[%add3A_1261, %select_n3A_547] : memref<512x32xf32, #tpu.memory_space<vmem>>[vector<16xi32>, vector<16xi32>], vector<16xf32>,
      %gather3A_1314 = tpu.vector_load_idx %arg20[%add3A_1261, %select_n3A_547] : memref<512x32xf32, #tpu.memory_space<vmem>>[vector<16xi32>, vector<16xi32>], vector<16xf32>,
      %mul3A_1315 = arith.mulf %gather3A_1313, %gather3A_1314 : vector<16xf32>
      %add3A_1316 = arith.addf %add3A_1302, %mul3A_1315 : vector<16xf32>
      %gather3A_1317 = tpu.vector_load_idx %arg14[%add3A_1261, %select_n3A_572] : memref<512x32xf32, #tpu.memory_space<vmem>>[vector<16xi32>, vector<16xi32>], vector<16xf32>,
      %gather3A_1318 = tpu.vector_load_idx %arg18[%add3A_1261, %select_n3A_572] : memref<512x32xf32, #tpu.memory_space<vmem>>[vector<16xi32>, vector<16xi32>], vector<16xf32>,
      %mul3A_1319 = arith.mulf %gather3A_1317, %gather3A_1318 : vector<16xf32>
      %gather3A_1320 = tpu.vector_load_idx %arg15[%add3A_1261, %select_n3A_572] : memref<512x32xf32, #tpu.memory_space<vmem>>[vector<16xi32>, vector<16xi32>], vector<16xf32>,
      %mul3A_1321 = arith.mulf %mul3A_1319, %gather3A_1320 : vector<16xf32>
      %add3A_1322 = arith.addf %add3A_1308, %mul3A_1321 : vector<16xf32>
      %gather3A_1323 = tpu.vector_load_idx %arg16[%add3A_1261, %select_n3A_572] : memref<512x32xf32, #tpu.memory_space<vmem>>[vector<16xi32>, vector<16xi32>], vector<16xf32>,
      %gather3A_1324 = tpu.vector_load_idx %arg19[%add3A_1261, %select_n3A_572] : memref<512x32xf32, #tpu.memory_space<vmem>>[vector<16xi32>, vector<16xi32>], vector<16xf32>,
      %mul3A_1325 = arith.mulf %gather3A_1323, %gather3A_1324 : vector<16xf32>
      %add3A_1326 = arith.addf %add3A_1312, %mul3A_1325 : vector<16xf32>
      %gather3A_1327 = tpu.vector_load_idx %arg17[%add3A_1261, %select_n3A_572] : memref<512x32xf32, #tpu.memory_space<vmem>>[vector<16xi32>, vector<16xi32>], vector<16xf32>,
      %gather3A_1328 = tpu.vector_load_idx %arg20[%add3A_1261, %select_n3A_572] : memref<512x32xf32, #tpu.memory_space<vmem>>[vector<16xi32>, vector<16xi32>], vector<16xf32>,
      %mul3A_1329 = arith.mulf %gather3A_1327, %gather3A_1328 : vector<16xf32>
      %add3A_1330 = arith.addf %add3A_1316, %mul3A_1329 : vector<16xf32>
      %gather3A_1331 = tpu.vector_load_idx %arg14[%add3A_1261, %select_n3A_597] : memref<512x32xf32, #tpu.memory_space<vmem>>[vector<16xi32>, vector<16xi32>], vector<16xf32>,
      %gather3A_1332 = tpu.vector_load_idx %arg18[%add3A_1261, %select_n3A_597] : memref<512x32xf32, #tpu.memory_space<vmem>>[vector<16xi32>, vector<16xi32>], vector<16xf32>,
      %mul3A_1333 = arith.mulf %gather3A_1331, %gather3A_1332 : vector<16xf32>
      %gather3A_1334 = tpu.vector_load_idx %arg15[%add3A_1261, %select_n3A_597] : memref<512x32xf32, #tpu.memory_space<vmem>>[vector<16xi32>, vector<16xi32>], vector<16xf32>,
      %mul3A_1335 = arith.mulf %mul3A_1333, %gather3A_1334 : vector<16xf32>
      %add3A_1336 = arith.addf %add3A_1322, %mul3A_1335 : vector<16xf32>
      %gather3A_1337 = tpu.vector_load_idx %arg16[%add3A_1261, %select_n3A_597] : memref<512x32xf32, #tpu.memory_space<vmem>>[vector<16xi32>, vector<16xi32>], vector<16xf32>,
      %gather3A_1338 = tpu.vector_load_idx %arg19[%add3A_1261, %select_n3A_597] : memref<512x32xf32, #tpu.memory_space<vmem>>[vector<16xi32>, vector<16xi32>], vector<16xf32>,
      %mul3A_1339 = arith.mulf %gather3A_1337, %gather3A_1338 : vector<16xf32>
      %add3A_1340 = arith.addf %add3A_1326, %mul3A_1339 : vector<16xf32>
      %gather3A_1341 = tpu.vector_load_idx %arg17[%add3A_1261, %select_n3A_597] : memref<512x32xf32, #tpu.memory_space<vmem>>[vector<16xi32>, vector<16xi32>], vector<16xf32>,
      %gather3A_1342 = tpu.vector_load_idx %arg20[%add3A_1261, %select_n3A_597] : memref<512x32xf32, #tpu.memory_space<vmem>>[vector<16xi32>, vector<16xi32>], vector<16xf32>,
      %mul3A_1343 = arith.mulf %gather3A_1341, %gather3A_1342 : vector<16xf32>
      %add3A_1344 = arith.addf %add3A_1330, %mul3A_1343 : vector<16xf32>
      %gather3A_1345 = tpu.vector_load_idx %arg14[%add3A_1261, %select_n3A_622] : memref<512x32xf32, #tpu.memory_space<vmem>>[vector<16xi32>, vector<16xi32>], vector<16xf32>,
      %gather3A_1346 = tpu.vector_load_idx %arg18[%add3A_1261, %select_n3A_622] : memref<512x32xf32, #tpu.memory_space<vmem>>[vector<16xi32>, vector<16xi32>], vector<16xf32>,
      %mul3A_1347 = arith.mulf %gather3A_1345, %gather3A_1346 : vector<16xf32>
      %gather3A_1348 = tpu.vector_load_idx %arg15[%add3A_1261, %select_n3A_622] : memref<512x32xf32, #tpu.memory_space<vmem>>[vector<16xi32>, vector<16xi32>], vector<16xf32>,
      %mul3A_1349 = arith.mulf %mul3A_1347, %gather3A_1348 : vector<16xf32>
      %add3A_1350 = arith.addf %add3A_1336, %mul3A_1349 : vector<16xf32>
      %gather3A_1351 = tpu.vector_load_idx %arg16[%add3A_1261, %select_n3A_622] : memref<512x32xf32, #tpu.memory_space<vmem>>[vector<16xi32>, vector<16xi32>], vector<16xf32>,
      %gather3A_1352 = tpu.vector_load_idx %arg19[%add3A_1261, %select_n3A_622] : memref<512x32xf32, #tpu.memory_space<vmem>>[vector<16xi32>, vector<16xi32>], vector<16xf32>,
      %mul3A_1353 = arith.mulf %gather3A_1351, %gather3A_1352 : vector<16xf32>
      %add3A_1354 = arith.addf %add3A_1340, %mul3A_1353 : vector<16xf32>
      %gather3A_1355 = tpu.vector_load_idx %arg17[%add3A_1261, %select_n3A_622] : memref<512x32xf32, #tpu.memory_space<vmem>>[vector<16xi32>, vector<16xi32>], vector<16xf32>,
      %gather3A_1356 = tpu.vector_load_idx %arg20[%add3A_1261, %select_n3A_622] : memref<512x32xf32, #tpu.memory_space<vmem>>[vector<16xi32>, vector<16xi32>], vector<16xf32>,
      %mul3A_1357 = arith.mulf %gather3A_1355, %gather3A_1356 : vector<16xf32>
      %add3A_1358 = arith.addf %add3A_1344, %mul3A_1357 : vector<16xf32>
      %gather3A_1359 = tpu.vector_load_idx %arg14[%add3A_1261, %select_n3A_647] : memref<512x32xf32, #tpu.memory_space<vmem>>[vector<16xi32>, vector<16xi32>], vector<16xf32>,
      %gather3A_1360 = tpu.vector_load_idx %arg18[%add3A_1261, %select_n3A_647] : memref<512x32xf32, #tpu.memory_space<vmem>>[vector<16xi32>, vector<16xi32>], vector<16xf32>,
      %mul3A_1361 = arith.mulf %gather3A_1359, %gather3A_1360 : vector<16xf32>
      %gather3A_1362 = tpu.vector_load_idx %arg15[%add3A_1261, %select_n3A_647] : memref<512x32xf32, #tpu.memory_space<vmem>>[vector<16xi32>, vector<16xi32>], vector<16xf32>,
      %mul3A_1363 = arith.mulf %mul3A_1361, %gather3A_1362 : vector<16xf32>
      %add3A_1364 = arith.addf %add3A_1350, %mul3A_1363 : vector<16xf32>
      %gather3A_1365 = tpu.vector_load_idx %arg16[%add3A_1261, %select_n3A_647] : memref<512x32xf32, #tpu.memory_space<vmem>>[vector<16xi32>, vector<16xi32>], vector<16xf32>,
      %gather3A_1366 = tpu.vector_load_idx %arg19[%add3A_1261, %select_n3A_647] : memref<512x32xf32, #tpu.memory_space<vmem>>[vector<16xi32>, vector<16xi32>], vector<16xf32>,
      %mul3A_1367 = arith.mulf %gather3A_1365, %gather3A_1366 : vector<16xf32>
      %add3A_1368 = arith.addf %add3A_1354, %mul3A_1367 : vector<16xf32>
      %gather3A_1369 = tpu.vector_load_idx %arg17[%add3A_1261, %select_n3A_647] : memref<512x32xf32, #tpu.memory_space<vmem>>[vector<16xi32>, vector<16xi32>], vector<16xf32>,
      %gather3A_1370 = tpu.vector_load_idx %arg20[%add3A_1261, %select_n3A_647] : memref<512x32xf32, #tpu.memory_space<vmem>>[vector<16xi32>, vector<16xi32>], vector<16xf32>,
      %mul3A_1371 = arith.mulf %gather3A_1369, %gather3A_1370 : vector<16xf32>
      %add3A_1372 = arith.addf %add3A_1358, %mul3A_1371 : vector<16xf32>
      %gather3A_1373 = tpu.vector_load_idx %arg14[%add3A_1261, %select_n3A_672] : memref<512x32xf32, #tpu.memory_space<vmem>>[vector<16xi32>, vector<16xi32>], vector<16xf32>,
      %gather3A_1374 = tpu.vector_load_idx %arg18[%add3A_1261, %select_n3A_672] : memref<512x32xf32, #tpu.memory_space<vmem>>[vector<16xi32>, vector<16xi32>], vector<16xf32>,
      %mul3A_1375 = arith.mulf %gather3A_1373, %gather3A_1374 : vector<16xf32>
      %gather3A_1376 = tpu.vector_load_idx %arg15[%add3A_1261, %select_n3A_672] : memref<512x32xf32, #tpu.memory_space<vmem>>[vector<16xi32>, vector<16xi32>], vector<16xf32>,
      %mul3A_1377 = arith.mulf %mul3A_1375, %gather3A_1376 : vector<16xf32>
      %add3A_1378 = arith.addf %add3A_1364, %mul3A_1377 : vector<16xf32>
      %gather3A_1379 = tpu.vector_load_idx %arg16[%add3A_1261, %select_n3A_672] : memref<512x32xf32, #tpu.memory_space<vmem>>[vector<16xi32>, vector<16xi32>], vector<16xf32>,
      %gather3A_1380 = tpu.vector_load_idx %arg19[%add3A_1261, %select_n3A_672] : memref<512x32xf32, #tpu.memory_space<vmem>>[vector<16xi32>, vector<16xi32>], vector<16xf32>,
      %mul3A_1381 = arith.mulf %gather3A_1379, %gather3A_1380 : vector<16xf32>
      %add3A_1382 = arith.addf %add3A_1368, %mul3A_1381 : vector<16xf32>
      %gather3A_1383 = tpu.vector_load_idx %arg17[%add3A_1261, %select_n3A_672] : memref<512x32xf32, #tpu.memory_space<vmem>>[vector<16xi32>, vector<16xi32>], vector<16xf32>,
      %gather3A_1384 = tpu.vector_load_idx %arg20[%add3A_1261, %select_n3A_672] : memref<512x32xf32, #tpu.memory_space<vmem>>[vector<16xi32>, vector<16xi32>], vector<16xf32>,
      %mul3A_1385 = arith.mulf %gather3A_1383, %gather3A_1384 : vector<16xf32>
      %add3A_1386 = arith.addf %add3A_1372, %mul3A_1385 : vector<16xf32>
      %gather3A_1387 = tpu.vector_load_idx %arg14[%add3A_1261, %select_n3A_697] : memref<512x32xf32, #tpu.memory_space<vmem>>[vector<16xi32>, vector<16xi32>], vector<16xf32>,
      %gather3A_1388 = tpu.vector_load_idx %arg18[%add3A_1261, %select_n3A_697] : memref<512x32xf32, #tpu.memory_space<vmem>>[vector<16xi32>, vector<16xi32>], vector<16xf32>,
      %mul3A_1389 = arith.mulf %gather3A_1387, %gather3A_1388 : vector<16xf32>
      %gather3A_1390 = tpu.vector_load_idx %arg15[%add3A_1261, %select_n3A_697] : memref<512x32xf32, #tpu.memory_space<vmem>>[vector<16xi32>, vector<16xi32>], vector<16xf32>,
      %mul3A_1391 = arith.mulf %mul3A_1389, %gather3A_1390 : vector<16xf32>
      %add3A_1392 = arith.addf %add3A_1378, %mul3A_1391 : vector<16xf32>
      %gather3A_1393 = tpu.vector_load_idx %arg16[%add3A_1261, %select_n3A_697] : memref<512x32xf32, #tpu.memory_space<vmem>>[vector<16xi32>, vector<16xi32>], vector<16xf32>,
      %gather3A_1394 = tpu.vector_load_idx %arg19[%add3A_1261, %select_n3A_697] : memref<512x32xf32, #tpu.memory_space<vmem>>[vector<16xi32>, vector<16xi32>], vector<16xf32>,
      %mul3A_1395 = arith.mulf %gather3A_1393, %gather3A_1394 : vector<16xf32>
      %add3A_1396 = arith.addf %add3A_1382, %mul3A_1395 : vector<16xf32>
      %gather3A_1397 = tpu.vector_load_idx %arg17[%add3A_1261, %select_n3A_697] : memref<512x32xf32, #tpu.memory_space<vmem>>[vector<16xi32>, vector<16xi32>], vector<16xf32>,
      %gather3A_1398 = tpu.vector_load_idx %arg20[%add3A_1261, %select_n3A_697] : memref<512x32xf32, #tpu.memory_space<vmem>>[vector<16xi32>, vector<16xi32>], vector<16xf32>,
      %mul3A_1399 = arith.mulf %gather3A_1397, %gather3A_1398 : vector<16xf32>
      %add3A_1400 = arith.addf %add3A_1386, %mul3A_1399 : vector<16xf32>
      %gather3A_1401 = tpu.vector_load_idx %arg14[%add3A_1261, %select_n3A_722] : memref<512x32xf32, #tpu.memory_space<vmem>>[vector<16xi32>, vector<16xi32>], vector<16xf32>,
      %gather3A_1402 = tpu.vector_load_idx %arg18[%add3A_1261, %select_n3A_722] : memref<512x32xf32, #tpu.memory_space<vmem>>[vector<16xi32>, vector<16xi32>], vector<16xf32>,
      %mul3A_1403 = arith.mulf %gather3A_1401, %gather3A_1402 : vector<16xf32>
      %gather3A_1404 = tpu.vector_load_idx %arg15[%add3A_1261, %select_n3A_722] : memref<512x32xf32, #tpu.memory_space<vmem>>[vector<16xi32>, vector<16xi32>], vector<16xf32>,
      %mul3A_1405 = arith.mulf %mul3A_1403, %gather3A_1404 : vector<16xf32>
      %add3A_1406 = arith.addf %add3A_1392, %mul3A_1405 : vector<16xf32>
      %gather3A_1407 = tpu.vector_load_idx %arg16[%add3A_1261, %select_n3A_722] : memref<512x32xf32, #tpu.memory_space<vmem>>[vector<16xi32>, vector<16xi32>], vector<16xf32>,
      %gather3A_1408 = tpu.vector_load_idx %arg19[%add3A_1261, %select_n3A_722] : memref<512x32xf32, #tpu.memory_space<vmem>>[vector<16xi32>, vector<16xi32>], vector<16xf32>,
      %mul3A_1409 = arith.mulf %gather3A_1407, %gather3A_1408 : vector<16xf32>
      %add3A_1410 = arith.addf %add3A_1396, %mul3A_1409 : vector<16xf32>
      %gather3A_1411 = tpu.vector_load_idx %arg17[%add3A_1261, %select_n3A_722] : memref<512x32xf32, #tpu.memory_space<vmem>>[vector<16xi32>, vector<16xi32>], vector<16xf32>,
      %gather3A_1412 = tpu.vector_load_idx %arg20[%add3A_1261, %select_n3A_722] : memref<512x32xf32, #tpu.memory_space<vmem>>[vector<16xi32>, vector<16xi32>], vector<16xf32>,
      %mul3A_1413 = arith.mulf %gather3A_1411, %gather3A_1412 : vector<16xf32>
      %add3A_1414 = arith.addf %add3A_1400, %mul3A_1413 : vector<16xf32>
      %gather3A_1415 = tpu.vector_load_idx %arg14[%add3A_1261, %select_n3A_747] : memref<512x32xf32, #tpu.memory_space<vmem>>[vector<16xi32>, vector<16xi32>], vector<16xf32>,
      %gather3A_1416 = tpu.vector_load_idx %arg18[%add3A_1261, %select_n3A_747] : memref<512x32xf32, #tpu.memory_space<vmem>>[vector<16xi32>, vector<16xi32>], vector<16xf32>,
      %mul3A_1417 = arith.mulf %gather3A_1415, %gather3A_1416 : vector<16xf32>
      %gather3A_1418 = tpu.vector_load_idx %arg15[%add3A_1261, %select_n3A_747] : memref<512x32xf32, #tpu.memory_space<vmem>>[vector<16xi32>, vector<16xi32>], vector<16xf32>,
      %mul3A_1419 = arith.mulf %mul3A_1417, %gather3A_1418 : vector<16xf32>
      %add3A_1420 = arith.addf %add3A_1406, %mul3A_1419 : vector<16xf32>
      %gather3A_1421 = tpu.vector_load_idx %arg16[%add3A_1261, %select_n3A_747] : memref<512x32xf32, #tpu.memory_space<vmem>>[vector<16xi32>, vector<16xi32>], vector<16xf32>,
      %gather3A_1422 = tpu.vector_load_idx %arg19[%add3A_1261, %select_n3A_747] : memref<512x32xf32, #tpu.memory_space<vmem>>[vector<16xi32>, vector<16xi32>], vector<16xf32>,
      %mul3A_1423 = arith.mulf %gather3A_1421, %gather3A_1422 : vector<16xf32>
      %add3A_1424 = arith.addf %add3A_1410, %mul3A_1423 : vector<16xf32>
      %gather3A_1425 = tpu.vector_load_idx %arg17[%add3A_1261, %select_n3A_747] : memref<512x32xf32, #tpu.memory_space<vmem>>[vector<16xi32>, vector<16xi32>], vector<16xf32>,
      %gather3A_1426 = tpu.vector_load_idx %arg20[%add3A_1261, %select_n3A_747] : memref<512x32xf32, #tpu.memory_space<vmem>>[vector<16xi32>, vector<16xi32>], vector<16xf32>,
      %mul3A_1427 = arith.mulf %gather3A_1425, %gather3A_1426 : vector<16xf32>
      %add3A_1428 = arith.addf %add3A_1414, %mul3A_1427 : vector<16xf32>
      %gather3A_1429 = tpu.vector_load_idx %arg14[%add3A_1261, %select_n3A_772] : memref<512x32xf32, #tpu.memory_space<vmem>>[vector<16xi32>, vector<16xi32>], vector<16xf32>,
      %gather3A_1430 = tpu.vector_load_idx %arg18[%add3A_1261, %select_n3A_772] : memref<512x32xf32, #tpu.memory_space<vmem>>[vector<16xi32>, vector<16xi32>], vector<16xf32>,
      %mul3A_1431 = arith.mulf %gather3A_1429, %gather3A_1430 : vector<16xf32>
      %gather3A_1432 = tpu.vector_load_idx %arg15[%add3A_1261, %select_n3A_772] : memref<512x32xf32, #tpu.memory_space<vmem>>[vector<16xi32>, vector<16xi32>], vector<16xf32>,
      %mul3A_1433 = arith.mulf %mul3A_1431, %gather3A_1432 : vector<16xf32>
      %add3A_1434 = arith.addf %add3A_1420, %mul3A_1433 : vector<16xf32>
      %gather3A_1435 = tpu.vector_load_idx %arg16[%add3A_1261, %select_n3A_772] : memref<512x32xf32, #tpu.memory_space<vmem>>[vector<16xi32>, vector<16xi32>], vector<16xf32>,
      %gather3A_1436 = tpu.vector_load_idx %arg19[%add3A_1261, %select_n3A_772] : memref<512x32xf32, #tpu.memory_space<vmem>>[vector<16xi32>, vector<16xi32>], vector<16xf32>,
      %mul3A_1437 = arith.mulf %gather3A_1435, %gather3A_1436 : vector<16xf32>
      %add3A_1438 = arith.addf %add3A_1424, %mul3A_1437 : vector<16xf32>
      %gather3A_1439 = tpu.vector_load_idx %arg17[%add3A_1261, %select_n3A_772] : memref<512x32xf32, #tpu.memory_space<vmem>>[vector<16xi32>, vector<16xi32>], vector<16xf32>,
      %gather3A_1440 = tpu.vector_load_idx %arg20[%add3A_1261, %select_n3A_772] : memref<512x32xf32, #tpu.memory_space<vmem>>[vector<16xi32>, vector<16xi32>], vector<16xf32>,
      %mul3A_1441 = arith.mulf %gather3A_1439, %gather3A_1440 : vector<16xf32>
      %add3A_1442 = arith.addf %add3A_1428, %mul3A_1441 : vector<16xf32>
      %gather3A_1443 = tpu.vector_load_idx %arg14[%add3A_1261, %select_n3A_797] : memref<512x32xf32, #tpu.memory_space<vmem>>[vector<16xi32>, vector<16xi32>], vector<16xf32>,
      %gather3A_1444 = tpu.vector_load_idx %arg18[%add3A_1261, %select_n3A_797] : memref<512x32xf32, #tpu.memory_space<vmem>>[vector<16xi32>, vector<16xi32>], vector<16xf32>,
      %mul3A_1445 = arith.mulf %gather3A_1443, %gather3A_1444 : vector<16xf32>
      %gather3A_1446 = tpu.vector_load_idx %arg15[%add3A_1261, %select_n3A_797] : memref<512x32xf32, #tpu.memory_space<vmem>>[vector<16xi32>, vector<16xi32>], vector<16xf32>,
      %mul3A_1447 = arith.mulf %mul3A_1445, %gather3A_1446 : vector<16xf32>
      %add3A_1448 = arith.addf %add3A_1434, %mul3A_1447 : vector<16xf32>
      %gather3A_1449 = tpu.vector_load_idx %arg16[%add3A_1261, %select_n3A_797] : memref<512x32xf32, #tpu.memory_space<vmem>>[vector<16xi32>, vector<16xi32>], vector<16xf32>,
      %gather3A_1450 = tpu.vector_load_idx %arg19[%add3A_1261, %select_n3A_797] : memref<512x32xf32, #tpu.memory_space<vmem>>[vector<16xi32>, vector<16xi32>], vector<16xf32>,
      %mul3A_1451 = arith.mulf %gather3A_1449, %gather3A_1450 : vector<16xf32>
      %add3A_1452 = arith.addf %add3A_1438, %mul3A_1451 : vector<16xf32>
      %gather3A_1453 = tpu.vector_load_idx %arg17[%add3A_1261, %select_n3A_797] : memref<512x32xf32, #tpu.memory_space<vmem>>[vector<16xi32>, vector<16xi32>], vector<16xf32>,
      %gather3A_1454 = tpu.vector_load_idx %arg20[%add3A_1261, %select_n3A_797] : memref<512x32xf32, #tpu.memory_space<vmem>>[vector<16xi32>, vector<16xi32>], vector<16xf32>,
      %mul3A_1455 = arith.mulf %gather3A_1453, %gather3A_1454 : vector<16xf32>
      %add3A_1456 = arith.addf %add3A_1442, %mul3A_1455 : vector<16xf32>
      %gather3A_1457 = tpu.vector_load_idx %arg14[%add3A_1261, %select_n3A_822] : memref<512x32xf32, #tpu.memory_space<vmem>>[vector<16xi32>, vector<16xi32>], vector<16xf32>,
      %gather3A_1458 = tpu.vector_load_idx %arg18[%add3A_1261, %select_n3A_822] : memref<512x32xf32, #tpu.memory_space<vmem>>[vector<16xi32>, vector<16xi32>], vector<16xf32>,
      %mul3A_1459 = arith.mulf %gather3A_1457, %gather3A_1458 : vector<16xf32>
      %gather3A_1460 = tpu.vector_load_idx %arg15[%add3A_1261, %select_n3A_822] : memref<512x32xf32, #tpu.memory_space<vmem>>[vector<16xi32>, vector<16xi32>], vector<16xf32>,
      %mul3A_1461 = arith.mulf %mul3A_1459, %gather3A_1460 : vector<16xf32>
      %add3A_1462 = arith.addf %add3A_1448, %mul3A_1461 : vector<16xf32>
      %gather3A_1463 = tpu.vector_load_idx %arg16[%add3A_1261, %select_n3A_822] : memref<512x32xf32, #tpu.memory_space<vmem>>[vector<16xi32>, vector<16xi32>], vector<16xf32>,
      %gather3A_1464 = tpu.vector_load_idx %arg19[%add3A_1261, %select_n3A_822] : memref<512x32xf32, #tpu.memory_space<vmem>>[vector<16xi32>, vector<16xi32>], vector<16xf32>,
      %mul3A_1465 = arith.mulf %gather3A_1463, %gather3A_1464 : vector<16xf32>
      %add3A_1466 = arith.addf %add3A_1452, %mul3A_1465 : vector<16xf32>
      %gather3A_1467 = tpu.vector_load_idx %arg17[%add3A_1261, %select_n3A_822] : memref<512x32xf32, #tpu.memory_space<vmem>>[vector<16xi32>, vector<16xi32>], vector<16xf32>,
      %gather3A_1468 = tpu.vector_load_idx %arg20[%add3A_1261, %select_n3A_822] : memref<512x32xf32, #tpu.memory_space<vmem>>[vector<16xi32>, vector<16xi32>], vector<16xf32>,
      %mul3A_1469 = arith.mulf %gather3A_1467, %gather3A_1468 : vector<16xf32>
      %add3A_1470 = arith.addf %add3A_1456, %mul3A_1469 : vector<16xf32>
      %gather3A_1471 = tpu.vector_load_idx %arg14[%add3A_1261, %select_n3A_847] : memref<512x32xf32, #tpu.memory_space<vmem>>[vector<16xi32>, vector<16xi32>], vector<16xf32>,
      %gather3A_1472 = tpu.vector_load_idx %arg18[%add3A_1261, %select_n3A_847] : memref<512x32xf32, #tpu.memory_space<vmem>>[vector<16xi32>, vector<16xi32>], vector<16xf32>,
      %mul3A_1473 = arith.mulf %gather3A_1471, %gather3A_1472 : vector<16xf32>
      %gather3A_1474 = tpu.vector_load_idx %arg15[%add3A_1261, %select_n3A_847] : memref<512x32xf32, #tpu.memory_space<vmem>>[vector<16xi32>, vector<16xi32>], vector<16xf32>,
      %mul3A_1475 = arith.mulf %mul3A_1473, %gather3A_1474 : vector<16xf32>
      %add3A_1476 = arith.addf %add3A_1462, %mul3A_1475 : vector<16xf32>
      %gather3A_1477 = tpu.vector_load_idx %arg16[%add3A_1261, %select_n3A_847] : memref<512x32xf32, #tpu.memory_space<vmem>>[vector<16xi32>, vector<16xi32>], vector<16xf32>,
      %gather3A_1478 = tpu.vector_load_idx %arg19[%add3A_1261, %select_n3A_847] : memref<512x32xf32, #tpu.memory_space<vmem>>[vector<16xi32>, vector<16xi32>], vector<16xf32>,
      %mul3A_1479 = arith.mulf %gather3A_1477, %gather3A_1478 : vector<16xf32>
      %add3A_1480 = arith.addf %add3A_1466, %mul3A_1479 : vector<16xf32>
      %gather3A_1481 = tpu.vector_load_idx %arg17[%add3A_1261, %select_n3A_847] : memref<512x32xf32, #tpu.memory_space<vmem>>[vector<16xi32>, vector<16xi32>], vector<16xf32>,
      %gather3A_1482 = tpu.vector_load_idx %arg20[%add3A_1261, %select_n3A_847] : memref<512x32xf32, #tpu.memory_space<vmem>>[vector<16xi32>, vector<16xi32>], vector<16xf32>,
      %mul3A_1483 = arith.mulf %gather3A_1481, %gather3A_1482 : vector<16xf32>
      %add3A_1484 = arith.addf %add3A_1470, %mul3A_1483 : vector<16xf32>
      %gather3A_1485 = tpu.vector_load_idx %arg14[%add3A_1261, %select_n3A_872] : memref<512x32xf32, #tpu.memory_space<vmem>>[vector<16xi32>, vector<16xi32>], vector<16xf32>,
      %gather3A_1486 = tpu.vector_load_idx %arg18[%add3A_1261, %select_n3A_872] : memref<512x32xf32, #tpu.memory_space<vmem>>[vector<16xi32>, vector<16xi32>], vector<16xf32>,
      %mul3A_1487 = arith.mulf %gather3A_1485, %gather3A_1486 : vector<16xf32>
      %gather3A_1488 = tpu.vector_load_idx %arg15[%add3A_1261, %select_n3A_872] : memref<512x32xf32, #tpu.memory_space<vmem>>[vector<16xi32>, vector<16xi32>], vector<16xf32>,
      %mul3A_1489 = arith.mulf %mul3A_1487, %gather3A_1488 : vector<16xf32>
      %add3A_1490 = arith.addf %add3A_1476, %mul3A_1489 : vector<16xf32>
      %gather3A_1491 = tpu.vector_load_idx %arg16[%add3A_1261, %select_n3A_872] : memref<512x32xf32, #tpu.memory_space<vmem>>[vector<16xi32>, vector<16xi32>], vector<16xf32>,
      %gather3A_1492 = tpu.vector_load_idx %arg19[%add3A_1261, %select_n3A_872] : memref<512x32xf32, #tpu.memory_space<vmem>>[vector<16xi32>, vector<16xi32>], vector<16xf32>,
      %mul3A_1493 = arith.mulf %gather3A_1491, %gather3A_1492 : vector<16xf32>
      %add3A_1494 = arith.addf %add3A_1480, %mul3A_1493 : vector<16xf32>
      %gather3A_1495 = tpu.vector_load_idx %arg17[%add3A_1261, %select_n3A_872] : memref<512x32xf32, #tpu.memory_space<vmem>>[vector<16xi32>, vector<16xi32>], vector<16xf32>,
      %gather3A_1496 = tpu.vector_load_idx %arg20[%add3A_1261, %select_n3A_872] : memref<512x32xf32, #tpu.memory_space<vmem>>[vector<16xi32>, vector<16xi32>], vector<16xf32>,
      %mul3A_1497 = arith.mulf %gather3A_1495, %gather3A_1496 : vector<16xf32>
      %add3A_1498 = arith.addf %add3A_1484, %mul3A_1497 : vector<16xf32>
      %gather3A_1499 = tpu.vector_load_idx %arg14[%add3A_1261, %select_n3A_897] : memref<512x32xf32, #tpu.memory_space<vmem>>[vector<16xi32>, vector<16xi32>], vector<16xf32>,
      %gather3A_1500 = tpu.vector_load_idx %arg18[%add3A_1261, %select_n3A_897] : memref<512x32xf32, #tpu.memory_space<vmem>>[vector<16xi32>, vector<16xi32>], vector<16xf32>,
      %mul3A_1501 = arith.mulf %gather3A_1499, %gather3A_1500 : vector<16xf32>
      %gather3A_1502 = tpu.vector_load_idx %arg15[%add3A_1261, %select_n3A_897] : memref<512x32xf32, #tpu.memory_space<vmem>>[vector<16xi32>, vector<16xi32>], vector<16xf32>,
      %mul3A_1503 = arith.mulf %mul3A_1501, %gather3A_1502 : vector<16xf32>
      %add3A_1504 = arith.addf %add3A_1490, %mul3A_1503 : vector<16xf32>
      %gather3A_1505 = tpu.vector_load_idx %arg16[%add3A_1261, %select_n3A_897] : memref<512x32xf32, #tpu.memory_space<vmem>>[vector<16xi32>, vector<16xi32>], vector<16xf32>,
      %gather3A_1506 = tpu.vector_load_idx %arg19[%add3A_1261, %select_n3A_897] : memref<512x32xf32, #tpu.memory_space<vmem>>[vector<16xi32>, vector<16xi32>], vector<16xf32>,
      %mul3A_1507 = arith.mulf %gather3A_1505, %gather3A_1506 : vector<16xf32>
      %add3A_1508 = arith.addf %add3A_1494, %mul3A_1507 : vector<16xf32>
      %gather3A_1509 = tpu.vector_load_idx %arg17[%add3A_1261, %select_n3A_897] : memref<512x32xf32, #tpu.memory_space<vmem>>[vector<16xi32>, vector<16xi32>], vector<16xf32>,
      %gather3A_1510 = tpu.vector_load_idx %arg20[%add3A_1261, %select_n3A_897] : memref<512x32xf32, #tpu.memory_space<vmem>>[vector<16xi32>, vector<16xi32>], vector<16xf32>,
      %mul3A_1511 = arith.mulf %gather3A_1509, %gather3A_1510 : vector<16xf32>
      %add3A_1512 = arith.addf %add3A_1498, %mul3A_1511 : vector<16xf32>
      %gather3A_1513 = tpu.vector_load_idx %arg14[%add3A_1261, %select_n3A_922] : memref<512x32xf32, #tpu.memory_space<vmem>>[vector<16xi32>, vector<16xi32>], vector<16xf32>,
      %gather3A_1514 = tpu.vector_load_idx %arg18[%add3A_1261, %select_n3A_922] : memref<512x32xf32, #tpu.memory_space<vmem>>[vector<16xi32>, vector<16xi32>], vector<16xf32>,
      %mul3A_1515 = arith.mulf %gather3A_1513, %gather3A_1514 : vector<16xf32>
      %gather3A_1516 = tpu.vector_load_idx %arg15[%add3A_1261, %select_n3A_922] : memref<512x32xf32, #tpu.memory_space<vmem>>[vector<16xi32>, vector<16xi32>], vector<16xf32>,
      %mul3A_1517 = arith.mulf %mul3A_1515, %gather3A_1516 : vector<16xf32>
      %add3A_1518 = arith.addf %add3A_1504, %mul3A_1517 : vector<16xf32>
      %gather3A_1519 = tpu.vector_load_idx %arg16[%add3A_1261, %select_n3A_922] : memref<512x32xf32, #tpu.memory_space<vmem>>[vector<16xi32>, vector<16xi32>], vector<16xf32>,
      %gather3A_1520 = tpu.vector_load_idx %arg19[%add3A_1261, %select_n3A_922] : memref<512x32xf32, #tpu.memory_space<vmem>>[vector<16xi32>, vector<16xi32>], vector<16xf32>,
      %mul3A_1521 = arith.mulf %gather3A_1519, %gather3A_1520 : vector<16xf32>
      %add3A_1522 = arith.addf %add3A_1508, %mul3A_1521 : vector<16xf32>
      %gather3A_1523 = tpu.vector_load_idx %arg17[%add3A_1261, %select_n3A_922] : memref<512x32xf32, #tpu.memory_space<vmem>>[vector<16xi32>, vector<16xi32>], vector<16xf32>,
      %gather3A_1524 = tpu.vector_load_idx %arg20[%add3A_1261, %select_n3A_922] : memref<512x32xf32, #tpu.memory_space<vmem>>[vector<16xi32>, vector<16xi32>], vector<16xf32>,
      %mul3A_1525 = arith.mulf %gather3A_1523, %gather3A_1524 : vector<16xf32>
      %add3A_1526 = arith.addf %add3A_1512, %mul3A_1525 : vector<16xf32>
      %gather3A_1527 = tpu.vector_load_idx %arg14[%add3A_1261, %select_n3A_947] : memref<512x32xf32, #tpu.memory_space<vmem>>[vector<16xi32>, vector<16xi32>], vector<16xf32>,
      %gather3A_1528 = tpu.vector_load_idx %arg18[%add3A_1261, %select_n3A_947] : memref<512x32xf32, #tpu.memory_space<vmem>>[vector<16xi32>, vector<16xi32>], vector<16xf32>,
      %mul3A_1529 = arith.mulf %gather3A_1527, %gather3A_1528 : vector<16xf32>
      %gather3A_1530 = tpu.vector_load_idx %arg15[%add3A_1261, %select_n3A_947] : memref<512x32xf32, #tpu.memory_space<vmem>>[vector<16xi32>, vector<16xi32>], vector<16xf32>,
      %mul3A_1531 = arith.mulf %mul3A_1529, %gather3A_1530 : vector<16xf32>
      %add3A_1532 = arith.addf %add3A_1518, %mul3A_1531 : vector<16xf32>
      %gather3A_1533 = tpu.vector_load_idx %arg16[%add3A_1261, %select_n3A_947] : memref<512x32xf32, #tpu.memory_space<vmem>>[vector<16xi32>, vector<16xi32>], vector<16xf32>,
      %gather3A_1534 = tpu.vector_load_idx %arg19[%add3A_1261, %select_n3A_947] : memref<512x32xf32, #tpu.memory_space<vmem>>[vector<16xi32>, vector<16xi32>], vector<16xf32>,
      %mul3A_1535 = arith.mulf %gather3A_1533, %gather3A_1534 : vector<16xf32>
      %add3A_1536 = arith.addf %add3A_1522, %mul3A_1535 : vector<16xf32>
      %gather3A_1537 = tpu.vector_load_idx %arg17[%add3A_1261, %select_n3A_947] : memref<512x32xf32, #tpu.memory_space<vmem>>[vector<16xi32>, vector<16xi32>], vector<16xf32>,
      %gather3A_1538 = tpu.vector_load_idx %arg20[%add3A_1261, %select_n3A_947] : memref<512x32xf32, #tpu.memory_space<vmem>>[vector<16xi32>, vector<16xi32>], vector<16xf32>,
      %mul3A_1539 = arith.mulf %gather3A_1537, %gather3A_1538 : vector<16xf32>
      %add3A_1540 = arith.addf %add3A_1526, %mul3A_1539 : vector<16xf32>
      %gather3A_1541 = tpu.vector_load_idx %arg14[%add3A_1261, %select_n3A_972] : memref<512x32xf32, #tpu.memory_space<vmem>>[vector<16xi32>, vector<16xi32>], vector<16xf32>,
      %gather3A_1542 = tpu.vector_load_idx %arg18[%add3A_1261, %select_n3A_972] : memref<512x32xf32, #tpu.memory_space<vmem>>[vector<16xi32>, vector<16xi32>], vector<16xf32>,
      %mul3A_1543 = arith.mulf %gather3A_1541, %gather3A_1542 : vector<16xf32>
      %gather3A_1544 = tpu.vector_load_idx %arg15[%add3A_1261, %select_n3A_972] : memref<512x32xf32, #tpu.memory_space<vmem>>[vector<16xi32>, vector<16xi32>], vector<16xf32>,
      %mul3A_1545 = arith.mulf %mul3A_1543, %gather3A_1544 : vector<16xf32>
      %add3A_1546 = arith.addf %add3A_1532, %mul3A_1545 : vector<16xf32>
      %gather3A_1547 = tpu.vector_load_idx %arg16[%add3A_1261, %select_n3A_972] : memref<512x32xf32, #tpu.memory_space<vmem>>[vector<16xi32>, vector<16xi32>], vector<16xf32>,
      %gather3A_1548 = tpu.vector_load_idx %arg19[%add3A_1261, %select_n3A_972] : memref<512x32xf32, #tpu.memory_space<vmem>>[vector<16xi32>, vector<16xi32>], vector<16xf32>,
      %mul3A_1549 = arith.mulf %gather3A_1547, %gather3A_1548 : vector<16xf32>
      %add3A_1550 = arith.addf %add3A_1536, %mul3A_1549 : vector<16xf32>
      %gather3A_1551 = tpu.vector_load_idx %arg17[%add3A_1261, %select_n3A_972] : memref<512x32xf32, #tpu.memory_space<vmem>>[vector<16xi32>, vector<16xi32>], vector<16xf32>,
      %gather3A_1552 = tpu.vector_load_idx %arg20[%add3A_1261, %select_n3A_972] : memref<512x32xf32, #tpu.memory_space<vmem>>[vector<16xi32>, vector<16xi32>], vector<16xf32>,
      %mul3A_1553 = arith.mulf %gather3A_1551, %gather3A_1552 : vector<16xf32>
      %add3A_1554 = arith.addf %add3A_1540, %mul3A_1553 : vector<16xf32>
      %gather3A_1555 = tpu.vector_load_idx %arg14[%add3A_1261, %select_n3A_997] : memref<512x32xf32, #tpu.memory_space<vmem>>[vector<16xi32>, vector<16xi32>], vector<16xf32>,
      %gather3A_1556 = tpu.vector_load_idx %arg18[%add3A_1261, %select_n3A_997] : memref<512x32xf32, #tpu.memory_space<vmem>>[vector<16xi32>, vector<16xi32>], vector<16xf32>,
      %mul3A_1557 = arith.mulf %gather3A_1555, %gather3A_1556 : vector<16xf32>
      %gather3A_1558 = tpu.vector_load_idx %arg15[%add3A_1261, %select_n3A_997] : memref<512x32xf32, #tpu.memory_space<vmem>>[vector<16xi32>, vector<16xi32>], vector<16xf32>,
      %mul3A_1559 = arith.mulf %mul3A_1557, %gather3A_1558 : vector<16xf32>
      %add3A_1560 = arith.addf %add3A_1546, %mul3A_1559 : vector<16xf32>
      %gather3A_1561 = tpu.vector_load_idx %arg16[%add3A_1261, %select_n3A_997] : memref<512x32xf32, #tpu.memory_space<vmem>>[vector<16xi32>, vector<16xi32>], vector<16xf32>,
      %gather3A_1562 = tpu.vector_load_idx %arg19[%add3A_1261, %select_n3A_997] : memref<512x32xf32, #tpu.memory_space<vmem>>[vector<16xi32>, vector<16xi32>], vector<16xf32>,
      %mul3A_1563 = arith.mulf %gather3A_1561, %gather3A_1562 : vector<16xf32>
      %add3A_1564 = arith.addf %add3A_1550, %mul3A_1563 : vector<16xf32>
      %gather3A_1565 = tpu.vector_load_idx %arg17[%add3A_1261, %select_n3A_997] : memref<512x32xf32, #tpu.memory_space<vmem>>[vector<16xi32>, vector<16xi32>], vector<16xf32>,
      %gather3A_1566 = tpu.vector_load_idx %arg20[%add3A_1261, %select_n3A_997] : memref<512x32xf32, #tpu.memory_space<vmem>>[vector<16xi32>, vector<16xi32>], vector<16xf32>,
      %mul3A_1567 = arith.mulf %gather3A_1565, %gather3A_1566 : vector<16xf32>
      %add3A_1568 = arith.addf %add3A_1554, %mul3A_1567 : vector<16xf32>
      %gather3A_1569 = tpu.vector_load_idx %arg14[%add3A_1261, %select_n3A_1022] : memref<512x32xf32, #tpu.memory_space<vmem>>[vector<16xi32>, vector<16xi32>], vector<16xf32>,
      %gather3A_1570 = tpu.vector_load_idx %arg18[%add3A_1261, %select_n3A_1022] : memref<512x32xf32, #tpu.memory_space<vmem>>[vector<16xi32>, vector<16xi32>], vector<16xf32>,
      %mul3A_1571 = arith.mulf %gather3A_1569, %gather3A_1570 : vector<16xf32>
      %gather3A_1572 = tpu.vector_load_idx %arg15[%add3A_1261, %select_n3A_1022] : memref<512x32xf32, #tpu.memory_space<vmem>>[vector<16xi32>, vector<16xi32>], vector<16xf32>,
      %mul3A_1573 = arith.mulf %mul3A_1571, %gather3A_1572 : vector<16xf32>
      %add3A_1574 = arith.addf %add3A_1560, %mul3A_1573 : vector<16xf32>
      %gather3A_1575 = tpu.vector_load_idx %arg16[%add3A_1261, %select_n3A_1022] : memref<512x32xf32, #tpu.memory_space<vmem>>[vector<16xi32>, vector<16xi32>], vector<16xf32>,
      %gather3A_1576 = tpu.vector_load_idx %arg19[%add3A_1261, %select_n3A_1022] : memref<512x32xf32, #tpu.memory_space<vmem>>[vector<16xi32>, vector<16xi32>], vector<16xf32>,
      %mul3A_1577 = arith.mulf %gather3A_1575, %gather3A_1576 : vector<16xf32>
      %add3A_1578 = arith.addf %add3A_1564, %mul3A_1577 : vector<16xf32>
      %gather3A_1579 = tpu.vector_load_idx %arg17[%add3A_1261, %select_n3A_1022] : memref<512x32xf32, #tpu.memory_space<vmem>>[vector<16xi32>, vector<16xi32>], vector<16xf32>,
      %gather3A_1580 = tpu.vector_load_idx %arg20[%add3A_1261, %select_n3A_1022] : memref<512x32xf32, #tpu.memory_space<vmem>>[vector<16xi32>, vector<16xi32>], vector<16xf32>,
      %mul3A_1581 = arith.mulf %gather3A_1579, %gather3A_1580 : vector<16xf32>
      %add3A_1582 = arith.addf %add3A_1568, %mul3A_1581 : vector<16xf32>
      %gather3A_1583 = tpu.vector_load_idx %arg14[%add3A_1261, %select_n3A_1047] : memref<512x32xf32, #tpu.memory_space<vmem>>[vector<16xi32>, vector<16xi32>], vector<16xf32>,
      %gather3A_1584 = tpu.vector_load_idx %arg18[%add3A_1261, %select_n3A_1047] : memref<512x32xf32, #tpu.memory_space<vmem>>[vector<16xi32>, vector<16xi32>], vector<16xf32>,
      %mul3A_1585 = arith.mulf %gather3A_1583, %gather3A_1584 : vector<16xf32>
      %gather3A_1586 = tpu.vector_load_idx %arg15[%add3A_1261, %select_n3A_1047] : memref<512x32xf32, #tpu.memory_space<vmem>>[vector<16xi32>, vector<16xi32>], vector<16xf32>,
      %mul3A_1587 = arith.mulf %mul3A_1585, %gather3A_1586 : vector<16xf32>
      %add3A_1588 = arith.addf %add3A_1574, %mul3A_1587 : vector<16xf32>
      %gather3A_1589 = tpu.vector_load_idx %arg16[%add3A_1261, %select_n3A_1047] : memref<512x32xf32, #tpu.memory_space<vmem>>[vector<16xi32>, vector<16xi32>], vector<16xf32>,
      %gather3A_1590 = tpu.vector_load_idx %arg19[%add3A_1261, %select_n3A_1047] : memref<512x32xf32, #tpu.memory_space<vmem>>[vector<16xi32>, vector<16xi32>], vector<16xf32>,
      %mul3A_1591 = arith.mulf %gather3A_1589, %gather3A_1590 : vector<16xf32>
      %add3A_1592 = arith.addf %add3A_1578, %mul3A_1591 : vector<16xf32>
      %gather3A_1593 = tpu.vector_load_idx %arg17[%add3A_1261, %select_n3A_1047] : memref<512x32xf32, #tpu.memory_space<vmem>>[vector<16xi32>, vector<16xi32>], vector<16xf32>,
      %gather3A_1594 = tpu.vector_load_idx %arg20[%add3A_1261, %select_n3A_1047] : memref<512x32xf32, #tpu.memory_space<vmem>>[vector<16xi32>, vector<16xi32>], vector<16xf32>,
      %mul3A_1595 = arith.mulf %gather3A_1593, %gather3A_1594 : vector<16xf32>
      %add3A_1596 = arith.addf %add3A_1582, %mul3A_1595 : vector<16xf32>
      %gather3A_1597 = tpu.vector_load_idx %arg14[%add3A_1261, %select_n3A_1072] : memref<512x32xf32, #tpu.memory_space<vmem>>[vector<16xi32>, vector<16xi32>], vector<16xf32>,
      %gather3A_1598 = tpu.vector_load_idx %arg18[%add3A_1261, %select_n3A_1072] : memref<512x32xf32, #tpu.memory_space<vmem>>[vector<16xi32>, vector<16xi32>], vector<16xf32>,
      %mul3A_1599 = arith.mulf %gather3A_1597, %gather3A_1598 : vector<16xf32>
      %gather3A_1600 = tpu.vector_load_idx %arg15[%add3A_1261, %select_n3A_1072] : memref<512x32xf32, #tpu.memory_space<vmem>>[vector<16xi32>, vector<16xi32>], vector<16xf32>,
      %mul3A_1601 = arith.mulf %mul3A_1599, %gather3A_1600 : vector<16xf32>
      %add3A_1602 = arith.addf %add3A_1588, %mul3A_1601 : vector<16xf32>
      %gather3A_1603 = tpu.vector_load_idx %arg16[%add3A_1261, %select_n3A_1072] : memref<512x32xf32, #tpu.memory_space<vmem>>[vector<16xi32>, vector<16xi32>], vector<16xf32>,
      %gather3A_1604 = tpu.vector_load_idx %arg19[%add3A_1261, %select_n3A_1072] : memref<512x32xf32, #tpu.memory_space<vmem>>[vector<16xi32>, vector<16xi32>], vector<16xf32>,
      %mul3A_1605 = arith.mulf %gather3A_1603, %gather3A_1604 : vector<16xf32>
      %add3A_1606 = arith.addf %add3A_1592, %mul3A_1605 : vector<16xf32>
      %gather3A_1607 = tpu.vector_load_idx %arg17[%add3A_1261, %select_n3A_1072] : memref<512x32xf32, #tpu.memory_space<vmem>>[vector<16xi32>, vector<16xi32>], vector<16xf32>,
      %gather3A_1608 = tpu.vector_load_idx %arg20[%add3A_1261, %select_n3A_1072] : memref<512x32xf32, #tpu.memory_space<vmem>>[vector<16xi32>, vector<16xi32>], vector<16xf32>,
      %mul3A_1609 = arith.mulf %gather3A_1607, %gather3A_1608 : vector<16xf32>
      %add3A_1610 = arith.addf %add3A_1596, %mul3A_1609 : vector<16xf32>
      %gather3A_1611 = tpu.vector_load_idx %arg14[%add3A_1261, %select_n3A_1097] : memref<512x32xf32, #tpu.memory_space<vmem>>[vector<16xi32>, vector<16xi32>], vector<16xf32>,
      %gather3A_1612 = tpu.vector_load_idx %arg18[%add3A_1261, %select_n3A_1097] : memref<512x32xf32, #tpu.memory_space<vmem>>[vector<16xi32>, vector<16xi32>], vector<16xf32>,
      %mul3A_1613 = arith.mulf %gather3A_1611, %gather3A_1612 : vector<16xf32>
      %gather3A_1614 = tpu.vector_load_idx %arg15[%add3A_1261, %select_n3A_1097] : memref<512x32xf32, #tpu.memory_space<vmem>>[vector<16xi32>, vector<16xi32>], vector<16xf32>,
      %mul3A_1615 = arith.mulf %mul3A_1613, %gather3A_1614 : vector<16xf32>
      %add3A_1616 = arith.addf %add3A_1602, %mul3A_1615 : vector<16xf32>
      %gather3A_1617 = tpu.vector_load_idx %arg16[%add3A_1261, %select_n3A_1097] : memref<512x32xf32, #tpu.memory_space<vmem>>[vector<16xi32>, vector<16xi32>], vector<16xf32>,
      %gather3A_1618 = tpu.vector_load_idx %arg19[%add3A_1261, %select_n3A_1097] : memref<512x32xf32, #tpu.memory_space<vmem>>[vector<16xi32>, vector<16xi32>], vector<16xf32>,
      %mul3A_1619 = arith.mulf %gather3A_1617, %gather3A_1618 : vector<16xf32>
      %add3A_1620 = arith.addf %add3A_1606, %mul3A_1619 : vector<16xf32>
      %gather3A_1621 = tpu.vector_load_idx %arg17[%add3A_1261, %select_n3A_1097] : memref<512x32xf32, #tpu.memory_space<vmem>>[vector<16xi32>, vector<16xi32>], vector<16xf32>,
      %gather3A_1622 = tpu.vector_load_idx %arg20[%add3A_1261, %select_n3A_1097] : memref<512x32xf32, #tpu.memory_space<vmem>>[vector<16xi32>, vector<16xi32>], vector<16xf32>,
      %mul3A_1623 = arith.mulf %gather3A_1621, %gather3A_1622 : vector<16xf32>
      %add3A_1624 = arith.addf %add3A_1610, %mul3A_1623 : vector<16xf32>
      %gather3A_1625 = tpu.vector_load_idx %arg14[%add3A_1261, %select_n3A_1122] : memref<512x32xf32, #tpu.memory_space<vmem>>[vector<16xi32>, vector<16xi32>], vector<16xf32>,
      %gather3A_1626 = tpu.vector_load_idx %arg18[%add3A_1261, %select_n3A_1122] : memref<512x32xf32, #tpu.memory_space<vmem>>[vector<16xi32>, vector<16xi32>], vector<16xf32>,
      %mul3A_1627 = arith.mulf %gather3A_1625, %gather3A_1626 : vector<16xf32>
      %gather3A_1628 = tpu.vector_load_idx %arg15[%add3A_1261, %select_n3A_1122] : memref<512x32xf32, #tpu.memory_space<vmem>>[vector<16xi32>, vector<16xi32>], vector<16xf32>,
      %mul3A_1629 = arith.mulf %mul3A_1627, %gather3A_1628 : vector<16xf32>
      %add3A_1630 = arith.addf %add3A_1616, %mul3A_1629 : vector<16xf32>
      %gather3A_1631 = tpu.vector_load_idx %arg16[%add3A_1261, %select_n3A_1122] : memref<512x32xf32, #tpu.memory_space<vmem>>[vector<16xi32>, vector<16xi32>], vector<16xf32>,
      %gather3A_1632 = tpu.vector_load_idx %arg19[%add3A_1261, %select_n3A_1122] : memref<512x32xf32, #tpu.memory_space<vmem>>[vector<16xi32>, vector<16xi32>], vector<16xf32>,
      %mul3A_1633 = arith.mulf %gather3A_1631, %gather3A_1632 : vector<16xf32>
      %add3A_1634 = arith.addf %add3A_1620, %mul3A_1633 : vector<16xf32>
      %gather3A_1635 = tpu.vector_load_idx %arg17[%add3A_1261, %select_n3A_1122] : memref<512x32xf32, #tpu.memory_space<vmem>>[vector<16xi32>, vector<16xi32>], vector<16xf32>,
      %gather3A_1636 = tpu.vector_load_idx %arg20[%add3A_1261, %select_n3A_1122] : memref<512x32xf32, #tpu.memory_space<vmem>>[vector<16xi32>, vector<16xi32>], vector<16xf32>,
      %mul3A_1637 = arith.mulf %gather3A_1635, %gather3A_1636 : vector<16xf32>
      %add3A_1638 = arith.addf %add3A_1624, %mul3A_1637 : vector<16xf32>
      %gather3A_1639 = tpu.vector_load_idx %arg14[%add3A_1261, %select_n3A_1147] : memref<512x32xf32, #tpu.memory_space<vmem>>[vector<16xi32>, vector<16xi32>], vector<16xf32>,
      %gather3A_1640 = tpu.vector_load_idx %arg18[%add3A_1261, %select_n3A_1147] : memref<512x32xf32, #tpu.memory_space<vmem>>[vector<16xi32>, vector<16xi32>], vector<16xf32>,
      %mul3A_1641 = arith.mulf %gather3A_1639, %gather3A_1640 : vector<16xf32>
      %gather3A_1642 = tpu.vector_load_idx %arg15[%add3A_1261, %select_n3A_1147] : memref<512x32xf32, #tpu.memory_space<vmem>>[vector<16xi32>, vector<16xi32>], vector<16xf32>,
      %mul3A_1643 = arith.mulf %mul3A_1641, %gather3A_1642 : vector<16xf32>
      %add3A_1644 = arith.addf %add3A_1630, %mul3A_1643 : vector<16xf32>
      %gather3A_1645 = tpu.vector_load_idx %arg16[%add3A_1261, %select_n3A_1147] : memref<512x32xf32, #tpu.memory_space<vmem>>[vector<16xi32>, vector<16xi32>], vector<16xf32>,
      %gather3A_1646 = tpu.vector_load_idx %arg19[%add3A_1261, %select_n3A_1147] : memref<512x32xf32, #tpu.memory_space<vmem>>[vector<16xi32>, vector<16xi32>], vector<16xf32>,
      %mul3A_1647 = arith.mulf %gather3A_1645, %gather3A_1646 : vector<16xf32>
      %add3A_1648 = arith.addf %add3A_1634, %mul3A_1647 : vector<16xf32>
      %gather3A_1649 = tpu.vector_load_idx %arg17[%add3A_1261, %select_n3A_1147] : memref<512x32xf32, #tpu.memory_space<vmem>>[vector<16xi32>, vector<16xi32>], vector<16xf32>,
      %gather3A_1650 = tpu.vector_load_idx %arg20[%add3A_1261, %select_n3A_1147] : memref<512x32xf32, #tpu.memory_space<vmem>>[vector<16xi32>, vector<16xi32>], vector<16xf32>,
      %mul3A_1651 = arith.mulf %gather3A_1649, %gather3A_1650 : vector<16xf32>
      %add3A_1652 = arith.addf %add3A_1638, %mul3A_1651 : vector<16xf32>
      %gather3A_1653 = tpu.vector_load_idx %arg14[%add3A_1261, %select_n3A_1172] : memref<512x32xf32, #tpu.memory_space<vmem>>[vector<16xi32>, vector<16xi32>], vector<16xf32>,
      %gather3A_1654 = tpu.vector_load_idx %arg18[%add3A_1261, %select_n3A_1172] : memref<512x32xf32, #tpu.memory_space<vmem>>[vector<16xi32>, vector<16xi32>], vector<16xf32>,
      %mul3A_1655 = arith.mulf %gather3A_1653, %gather3A_1654 : vector<16xf32>
      %gather3A_1656 = tpu.vector_load_idx %arg15[%add3A_1261, %select_n3A_1172] : memref<512x32xf32, #tpu.memory_space<vmem>>[vector<16xi32>, vector<16xi32>], vector<16xf32>,
      %mul3A_1657 = arith.mulf %mul3A_1655, %gather3A_1656 : vector<16xf32>
      %add3A_1658 = arith.addf %add3A_1644, %mul3A_1657 : vector<16xf32>
      %gather3A_1659 = tpu.vector_load_idx %arg16[%add3A_1261, %select_n3A_1172] : memref<512x32xf32, #tpu.memory_space<vmem>>[vector<16xi32>, vector<16xi32>], vector<16xf32>,
      %gather3A_1660 = tpu.vector_load_idx %arg19[%add3A_1261, %select_n3A_1172] : memref<512x32xf32, #tpu.memory_space<vmem>>[vector<16xi32>, vector<16xi32>], vector<16xf32>,
      %mul3A_1661 = arith.mulf %gather3A_1659, %gather3A_1660 : vector<16xf32>
      %add3A_1662 = arith.addf %add3A_1648, %mul3A_1661 : vector<16xf32>
      %gather3A_1663 = tpu.vector_load_idx %arg17[%add3A_1261, %select_n3A_1172] : memref<512x32xf32, #tpu.memory_space<vmem>>[vector<16xi32>, vector<16xi32>], vector<16xf32>,
      %gather3A_1664 = tpu.vector_load_idx %arg20[%add3A_1261, %select_n3A_1172] : memref<512x32xf32, #tpu.memory_space<vmem>>[vector<16xi32>, vector<16xi32>], vector<16xf32>,
      %mul3A_1665 = arith.mulf %gather3A_1663, %gather3A_1664 : vector<16xf32>
      %add3A_1666 = arith.addf %add3A_1652, %mul3A_1665 : vector<16xf32>
      %gather3A_1667 = tpu.vector_load_idx %arg14[%add3A_1261, %select_n3A_1197] : memref<512x32xf32, #tpu.memory_space<vmem>>[vector<16xi32>, vector<16xi32>], vector<16xf32>,
      %gather3A_1668 = tpu.vector_load_idx %arg18[%add3A_1261, %select_n3A_1197] : memref<512x32xf32, #tpu.memory_space<vmem>>[vector<16xi32>, vector<16xi32>], vector<16xf32>,
      %mul3A_1669 = arith.mulf %gather3A_1667, %gather3A_1668 : vector<16xf32>
      %gather3A_1670 = tpu.vector_load_idx %arg15[%add3A_1261, %select_n3A_1197] : memref<512x32xf32, #tpu.memory_space<vmem>>[vector<16xi32>, vector<16xi32>], vector<16xf32>,
      %mul3A_1671 = arith.mulf %mul3A_1669, %gather3A_1670 : vector<16xf32>
      %add3A_1672 = arith.addf %add3A_1658, %mul3A_1671 : vector<16xf32>
      %gather3A_1673 = tpu.vector_load_idx %arg16[%add3A_1261, %select_n3A_1197] : memref<512x32xf32, #tpu.memory_space<vmem>>[vector<16xi32>, vector<16xi32>], vector<16xf32>,
      %gather3A_1674 = tpu.vector_load_idx %arg19[%add3A_1261, %select_n3A_1197] : memref<512x32xf32, #tpu.memory_space<vmem>>[vector<16xi32>, vector<16xi32>], vector<16xf32>,
      %mul3A_1675 = arith.mulf %gather3A_1673, %gather3A_1674 : vector<16xf32>
      %add3A_1676 = arith.addf %add3A_1662, %mul3A_1675 : vector<16xf32>
      %gather3A_1677 = tpu.vector_load_idx %arg17[%add3A_1261, %select_n3A_1197] : memref<512x32xf32, #tpu.memory_space<vmem>>[vector<16xi32>, vector<16xi32>], vector<16xf32>,
      %gather3A_1678 = tpu.vector_load_idx %arg20[%add3A_1261, %select_n3A_1197] : memref<512x32xf32, #tpu.memory_space<vmem>>[vector<16xi32>, vector<16xi32>], vector<16xf32>,
      %mul3A_1679 = arith.mulf %gather3A_1677, %gather3A_1678 : vector<16xf32>
      %add3A_1680 = arith.addf %add3A_1666, %mul3A_1679 : vector<16xf32>
      %gather3A_1681 = tpu.vector_load_idx %arg14[%add3A_1261, %select_n3A_1222] : memref<512x32xf32, #tpu.memory_space<vmem>>[vector<16xi32>, vector<16xi32>], vector<16xf32>,
      %gather3A_1682 = tpu.vector_load_idx %arg18[%add3A_1261, %select_n3A_1222] : memref<512x32xf32, #tpu.memory_space<vmem>>[vector<16xi32>, vector<16xi32>], vector<16xf32>,
      %mul3A_1683 = arith.mulf %gather3A_1681, %gather3A_1682 : vector<16xf32>
      %gather3A_1684 = tpu.vector_load_idx %arg15[%add3A_1261, %select_n3A_1222] : memref<512x32xf32, #tpu.memory_space<vmem>>[vector<16xi32>, vector<16xi32>], vector<16xf32>,
      %mul3A_1685 = arith.mulf %mul3A_1683, %gather3A_1684 : vector<16xf32>
      %add3A_1686 = arith.addf %add3A_1672, %mul3A_1685 : vector<16xf32>
      %gather3A_1687 = tpu.vector_load_idx %arg16[%add3A_1261, %select_n3A_1222] : memref<512x32xf32, #tpu.memory_space<vmem>>[vector<16xi32>, vector<16xi32>], vector<16xf32>,
      %gather3A_1688 = tpu.vector_load_idx %arg19[%add3A_1261, %select_n3A_1222] : memref<512x32xf32, #tpu.memory_space<vmem>>[vector<16xi32>, vector<16xi32>], vector<16xf32>,
      %mul3A_1689 = arith.mulf %gather3A_1687, %gather3A_1688 : vector<16xf32>
      %add3A_1690 = arith.addf %add3A_1676, %mul3A_1689 : vector<16xf32>
      %gather3A_1691 = tpu.vector_load_idx %arg17[%add3A_1261, %select_n3A_1222] : memref<512x32xf32, #tpu.memory_space<vmem>>[vector<16xi32>, vector<16xi32>], vector<16xf32>,
      %gather3A_1692 = tpu.vector_load_idx %arg20[%add3A_1261, %select_n3A_1222] : memref<512x32xf32, #tpu.memory_space<vmem>>[vector<16xi32>, vector<16xi32>], vector<16xf32>,
      %mul3A_1693 = arith.mulf %gather3A_1691, %gather3A_1692 : vector<16xf32>
      %add3A_1694 = arith.addf %add3A_1680, %mul3A_1693 : vector<16xf32>
      %gather3A_1695 = tpu.vector_load_idx %arg14[%add3A_1261, %select_n3A_1247] : memref<512x32xf32, #tpu.memory_space<vmem>>[vector<16xi32>, vector<16xi32>], vector<16xf32>,
      %gather3A_1696 = tpu.vector_load_idx %arg18[%add3A_1261, %select_n3A_1247] : memref<512x32xf32, #tpu.memory_space<vmem>>[vector<16xi32>, vector<16xi32>], vector<16xf32>,
      %mul3A_1697 = arith.mulf %gather3A_1695, %gather3A_1696 : vector<16xf32>
      %gather3A_1698 = tpu.vector_load_idx %arg15[%add3A_1261, %select_n3A_1247] : memref<512x32xf32, #tpu.memory_space<vmem>>[vector<16xi32>, vector<16xi32>], vector<16xf32>,
      %mul3A_1699 = arith.mulf %mul3A_1697, %gather3A_1698 : vector<16xf32>
      %add3A_1700 = arith.addf %add3A_1686, %mul3A_1699 : vector<16xf32>
      %gather3A_1701 = tpu.vector_load_idx %arg16[%add3A_1261, %select_n3A_1247] : memref<512x32xf32, #tpu.memory_space<vmem>>[vector<16xi32>, vector<16xi32>], vector<16xf32>,
      %gather3A_1702 = tpu.vector_load_idx %arg19[%add3A_1261, %select_n3A_1247] : memref<512x32xf32, #tpu.memory_space<vmem>>[vector<16xi32>, vector<16xi32>], vector<16xf32>,
      %mul3A_1703 = arith.mulf %gather3A_1701, %gather3A_1702 : vector<16xf32>
      %add3A_1704 = arith.addf %add3A_1690, %mul3A_1703 : vector<16xf32>
      %gather3A_1705 = tpu.vector_load_idx %arg17[%add3A_1261, %select_n3A_1247] : memref<512x32xf32, #tpu.memory_space<vmem>>[vector<16xi32>, vector<16xi32>], vector<16xf32>,
      %gather3A_1706 = tpu.vector_load_idx %arg20[%add3A_1261, %select_n3A_1247] : memref<512x32xf32, #tpu.memory_space<vmem>>[vector<16xi32>, vector<16xi32>], vector<16xf32>,
      %mul3A_1707 = arith.mulf %gather3A_1705, %gather3A_1706 : vector<16xf32>
      %add3A_1708 = arith.addf %add3A_1694, %mul3A_1707 : vector<16xf32>
      %neg3A = arith.constant 0.000000e+00 : f32
      %neg3A_1709 = vector.broadcast %neg3A : f32 to vector<16xf32>
      %neg3A_1710 = arith.subf %neg3A_1709, %add3A_1700 : vector<16xf32>
      %exp3A = math.exp %neg3A_1710 : vector<16xf32>
      %add3A_1711 = arith.constant 1.000000e+00 : f32
      %add3A_1712 = vector.broadcast %add3A_1711 : f32 to vector<16xf32>
      %add3A_1713 = arith.addf %add3A_1712, %exp3A : vector<16xf32>
      %div3A = arith.constant 1.000000e+00 : f32
      %div3A_1714 = vector.broadcast %div3A : f32 to vector<16xf32>
      %div3A_1715 = arith.divf %div3A_1714, %add3A_1713 : vector<16xf32>
      %neg3A_1716 = arith.constant 0.000000e+00 : f32
      %neg3A_1717 = vector.broadcast %neg3A_1716 : f32 to vector<16xf32>
      %neg3A_1718 = arith.subf %neg3A_1717, %add3A_1704 : vector<16xf32>
      %exp3A_1719 = math.exp %neg3A_1718 : vector<16xf32>
      %add3A_1720 = arith.constant 1.000000e+00 : f32
      %add3A_1721 = vector.broadcast %add3A_1720 : f32 to vector<16xf32>
      %add3A_1722 = arith.addf %add3A_1721, %exp3A_1719 : vector<16xf32>
      %div3A_1723 = arith.constant 1.000000e+00 : f32
      %div3A_1724 = vector.broadcast %div3A_1723 : f32 to vector<16xf32>
      %div3A_1725 = arith.divf %div3A_1724, %add3A_1722 : vector<16xf32>
      %neg3A_1726 = arith.constant 0.000000e+00 : f32
      %neg3A_1727 = vector.broadcast %neg3A_1726 : f32 to vector<16xf32>
      %neg3A_1728 = arith.subf %neg3A_1727, %add3A_1708 : vector<16xf32>
      %exp3A_1729 = math.exp %neg3A_1728 : vector<16xf32>
      %add3A_1730 = arith.constant 1.000000e+00 : f32
      %add3A_1731 = vector.broadcast %add3A_1730 : f32 to vector<16xf32>
      %add3A_1732 = arith.addf %add3A_1731, %exp3A_1729 : vector<16xf32>
      %div3A_1733 = arith.constant 1.000000e+00 : f32
      %div3A_1734 = vector.broadcast %div3A_1733 : f32 to vector<16xf32>
      %div3A_1735 = arith.divf %div3A_1734, %add3A_1732 : vector<16xf32>
      %mul3A_1736 = arith.constant 2.000000e+01 : f32
      %mul3A_1737 = vector.broadcast %mul3A_1736 : f32 to vector<16xf32>
      %mul3A_1738 = arith.mulf %mul3A_1737, %div3A_1715 : vector<16xf32>
      %mul3A_1739 = arith.mulf %mul3A_1738, %div3A_1725 : vector<16xf32>
      %mul3A_1740 = arith.mulf %mul3A_1739, %div3A_1735 : vector<16xf32>
      %mul3A_1741 = arith.constant 16 : i32
      %mul3A_1742 = arith.muli %scan3A_1255, %mul3A_1741 : i32
      %swap3A = arith.index_cast %mul3A_1742 : i32 to index
      %swap3A_1743 = tpu.vector_load %arg21[%swap3A] {strides = array<i32>} : memref<512xf32, #tpu.memory_space<vmem>>, vector<16xf32>,
      tpu.vector_store %arg21[%swap3A], %mul3A_1740 {strides = array<i32>} : memref<512xf32, #tpu.memory_space<vmem>>, vector<16xf32>,
      %scan3A_1744 = arith.constant 0 : i32
      scf.yield %scan3A_1744 : i32
    }
    %scan3A_1254 = arith.constant 32 : i32
    "tpu.region"() ({
      %run_scoped3A = tpu.sem_alloc : memref<!tpu.dma_semaphore, #tpu.memory_space<semaphore_mem>>
      %dma_start3A_1255 = tpu.memref_slice %arg10[%mul3A_2] : memref<16384xf32, #tpu.memory_space<hbm>> -> memref<512xf32, #tpu.memory_space<hbm>>
      %dma_start3A_1256 = tpu.memref_slice %arg10[%mul3A_2] : memref<16384xf32, #tpu.memory_space<hbm>> -> memref<512xf32, #tpu.memory_space<hbm>>
      tpu.enqueue_dma source(%arg21 : memref<512xf32, #tpu.memory_space<vmem>>) target(%dma_start3A_1256 : memref<512xf32, #tpu.memory_space<hbm>>) target_semaphore(%run_scoped3A : memref<!tpu.dma_semaphore, #tpu.memory_space<semaphore_mem>>)
      %dma_wait3A_1257 = tpu.memref_slice %arg10[%mul3A_2] : memref<16384xf32, #tpu.memory_space<hbm>> -> memref<512xf32, #tpu.memory_space<hbm>>
      %dma_wait3A_1258 = tpu.memref_slice %arg10[%mul3A_2] : memref<16384xf32, #tpu.memory_space<hbm>> -> memref<512xf32, #tpu.memory_space<hbm>>
      tpu.wait_dma2 semaphore(%run_scoped3A : memref<!tpu.dma_semaphore, #tpu.memory_space<semaphore_mem>>) src(%arg21 : memref<512xf32, #tpu.memory_space<vmem>>) dst(%dma_wait3A_1258 : memref<512xf32, #tpu.memory_space<hbm>>)
      tpu.yield
    }) : () -> ()
    return
  }
}

module attributes {stable_mosaic.version = 14 : i64} {
  func.func @_tc_transpose_body(%arg0: i32, %arg1: memref<32x32768xf32, #tpu.memory_space<vmem>>, %arg2: memref<8192x128xf32, #tpu.memory_space<vmem>>) attributes {dimension_semantics = [#tpu.dimension_semantics<arbitrary>], iteration_bounds = array<i64: 31>, scalar_prefetch = 0 : i64, scratch_operands = 0 : i64, tpu.core_type = #tpu.core_type<tc>, window_params = [{transform_indices = @transform_0, window_bounds = array<i64: 32, 32768>}, {transform_indices = @transform_1, window_bounds = array<i64: 8192, 128>}]} {
    %get3A = arith.constant 0 : index
    %get3A_0 = arith.constant 0 : index
    %get3A_1 = vector.load %arg1[%get3A, %get3A_0] : memref<32x32768xf32, #tpu.memory_space<vmem>>, vector<32x32768xf32>
    %iota3A = tpu.iota {dimensions = array<i32: 0>} : vector<32x32xi32>
    %iota3A_2 = tpu.iota {dimensions = array<i32: 1>} : vector<32x32xi32>
    %eq3A = arith.cmpi eq, %iota3A, %iota3A_2 : vector<32x32xi32>
    %convert_element_type3A = arith.extui %eq3A : vector<32x32xi1> to vector<32x32xi32>
    %convert_element_type3A_3 = arith.sitofp %convert_element_type3A : vector<32x32xi32> to vector<32x32xf32>
    %slice3A = vector.extract_strided_slice %get3A_1 {offsets = [0, 0], sizes = [32, 8192], strides = [1, 1]} : vector<32x32768xf32> to vector<32x8192xf32>
    %dot_general3A = arith.constant dense<0.000000e+00> : vector<8192x32xf32>
    %dot_general3A_4 = tpu.matmul %slice3A, %convert_element_type3A_3, %dot_general3A {dimension_numbers = #tpu.dot_dimension_numbers<[0], [0], [1], [1], [0, 1, 1, 1], [], []>, transpose_lhs_hint = true} : vector<32x8192xf32>, vector<32x32xf32>, vector<8192x32xf32> -> vector<8192x32xf32>
    %swap3A = arith.constant 0 : index
    %swap3A_5 = arith.constant 0 : index
    %swap3A_6 = vector.load %arg2[%swap3A, %swap3A_5] : memref<8192x128xf32, #tpu.memory_space<vmem>>, vector<8192x32xf32>
    tpu.vector_store %arg2[%swap3A, %swap3A_5], %dot_general3A_4 {strides = array<i32>} : memref<8192x128xf32, #tpu.memory_space<vmem>>, vector<8192x32xf32>,
    %slice3A_7 = vector.extract_strided_slice %get3A_1 {offsets = [0, 8192], sizes = [32, 8192], strides = [1, 1]} : vector<32x32768xf32> to vector<32x8192xf32>
    %dot_general3A_8 = arith.constant dense<0.000000e+00> : vector<8192x32xf32>
    %dot_general3A_9 = tpu.matmul %slice3A_7, %convert_element_type3A_3, %dot_general3A_8 {dimension_numbers = #tpu.dot_dimension_numbers<[0], [0], [1], [1], [0, 1, 1, 1], [], []>, transpose_lhs_hint = true} : vector<32x8192xf32>, vector<32x32xf32>, vector<8192x32xf32> -> vector<8192x32xf32>
    %swap3A_10 = arith.constant 0 : index
    %swap3A_11 = arith.constant 32 : index
    %swap3A_12 = vector.load %arg2[%swap3A_10, %swap3A_11] : memref<8192x128xf32, #tpu.memory_space<vmem>>, vector<8192x32xf32>
    tpu.vector_store %arg2[%swap3A_10, %swap3A_11], %dot_general3A_9 {strides = array<i32>} : memref<8192x128xf32, #tpu.memory_space<vmem>>, vector<8192x32xf32>,
    %slice3A_13 = vector.extract_strided_slice %get3A_1 {offsets = [0, 16384], sizes = [32, 8192], strides = [1, 1]} : vector<32x32768xf32> to vector<32x8192xf32>
    %dot_general3A_14 = arith.constant dense<0.000000e+00> : vector<8192x32xf32>
    %dot_general3A_15 = tpu.matmul %slice3A_13, %convert_element_type3A_3, %dot_general3A_14 {dimension_numbers = #tpu.dot_dimension_numbers<[0], [0], [1], [1], [0, 1, 1, 1], [], []>, transpose_lhs_hint = true} : vector<32x8192xf32>, vector<32x32xf32>, vector<8192x32xf32> -> vector<8192x32xf32>
    %swap3A_16 = arith.constant 0 : index
    %swap3A_17 = arith.constant 64 : index
    %swap3A_18 = vector.load %arg2[%swap3A_16, %swap3A_17] : memref<8192x128xf32, #tpu.memory_space<vmem>>, vector<8192x32xf32>
    tpu.vector_store %arg2[%swap3A_16, %swap3A_17], %dot_general3A_15 {strides = array<i32>} : memref<8192x128xf32, #tpu.memory_space<vmem>>, vector<8192x32xf32>,
    %slice3A_19 = vector.extract_strided_slice %get3A_1 {offsets = [0, 24576], sizes = [32, 8192], strides = [1, 1]} : vector<32x32768xf32> to vector<32x8192xf32>
    %dot_general3A_20 = arith.constant dense<0.000000e+00> : vector<8192x32xf32>
    %dot_general3A_21 = tpu.matmul %slice3A_19, %convert_element_type3A_3, %dot_general3A_20 {dimension_numbers = #tpu.dot_dimension_numbers<[0], [0], [1], [1], [0, 1, 1, 1], [], []>, transpose_lhs_hint = true} : vector<32x8192xf32>, vector<32x32xf32>, vector<8192x32xf32> -> vector<8192x32xf32>
    %swap3A_22 = arith.constant 0 : index
    %swap3A_23 = arith.constant 96 : index
    %swap3A_24 = vector.load %arg2[%swap3A_22, %swap3A_23] : memref<8192x128xf32, #tpu.memory_space<vmem>>, vector<8192x32xf32>
    tpu.vector_store %arg2[%swap3A_22, %swap3A_23], %dot_general3A_21 {strides = array<i32>} : memref<8192x128xf32, #tpu.memory_space<vmem>>, vector<8192x32xf32>,
    return
  }
  func.func @transform_0(%arg0: i32) -> (i32, i32) {
    %c0_i32 = arith.constant 0 : i32
    %c0_i32_0 = arith.constant 0 : i32
    return %c0_i32, %arg0 : i32, i32
  }
  func.func @transform_1(%arg0: i32) -> (i32, i32) {
    %c0_i32 = arith.constant 0 : i32
    %c0_i32_0 = arith.constant 0 : i32
    return %arg0, %c0_i32 : i32, i32
  }
}

</mosaic_0001>

<sc_bundles>
// kernel: kernel.5.cloned.1.call-start
scs
__scs_entry_jumppad:
0x0: {  	(pc) =	sbr.rel $0x88, $3  }
0x1: {  	(tag) =	ssettag $0x0;
	lr =	simm.s32 $0x1  }
0x2: {  	[smem:$0x3F99] =	sst lr;
	_ =	strace $0xD0000000  }
0x3: {  	_ = 	snop  }
0x4: {  	_ = 	snop  }
0x5: {  	_ = 	snop  }
0x6: {  	_ = 	snop  }
0x7: {  	_ = 	snop  }
__scs_overlays_trampoline_lowered:
0x8: {  	[smem:$0x3FA8] =	sst s0  }
0x9: {  	[smem:$0x3FA9] =	sst s1  }
0xa: {  	[smem:$0x3FAA] =	sst s2  }
0xb: {  	[smem:$0x3FAB] =	sst s3  }
0xc: {  	[smem:$0x3FAC] =	sst s4  }
0xd: {  	[smem:$0x3FAD] =	sst s5  }
0xe: {  	[smem:$0x3FAE] =	sst s6  }
0xf: {  	[smem:$0x3FAF] =	sst s7  }
0x10: {  	[smem:$0x3FB0] =	sst s8  }
0x11: {  	[smem:$0x3FB1] =	sst s9;
	s0 =	simm.s32 @!p0 $0x0  }
0x12: {  	s1 =	sld [smem:$0x3F97];
	s0 =	simm.s32 @p0 $0x1  }
0x13: {  	[smem:$0x3FB2] =	sst s0;
	s0 =	simm.s32 @!p1 $0x0  }
0x14: {  	s2 =	sld [smem:$0x3F96];
	s0 =	simm.s32 @p1 $0x1  }
0x15: {  	[smem:$0x3FB3] =	sst s0;
	s0 =	simm.s32 @!p2 $0x0  }
0x16: {  	s3 =	sld [smem:$0x3FDB];
	s0 =	simm.s32 @p2 $0x1  }
0x17: {  	s4 =	simm.s32 $0x1BF5;
	[smem:$0x3FB5] =	sst s0  }
0x18: {  	s0 =	sld [smem:$0x3F98];
	_ =	swait.ge [sflag:s4], $0x0  }
0x19: {  	s7 =	sld [smem:$0x3F99]  }
0x1a: {  	s8 =	sadd.s32 $0xFFFFE003, lr  }
0x1b: {  	s9 =	sadd.s32 $0xFFFFFEF7, lr;
	s5 =	simm.s32 $0xFFFFFFFF;
	p2 =	slt.u32 s8, $0xFFFFF086  }
0x1c: {  	p1 =	slt.u32 s9, $0xF7A;
	s5 =	simm.s32 @!p2 $0x0  }
0x1d: {  	s5 =	simm.s32 @p1 $0x1;
	p0 =	seq.s32 s7, s2  }
0x1e: {  	s7 =	smul.u32 @!p0 $0xF7A, s2;
	p2 =	seq.s32 @!p0 s5, $0x0  }
0x1f: {  	s9 =	smul.u32 $0xF7A, s1;
	s8 =	simm.s32 @!p0 $0x1BF5;
	p2 =	por !p2, p0  }
0x20: {  	[sflag:s8] =	ssyncset.s32 @!p0 $0xFFFFF086;
	s6 =	sadd.s32 @!p0 s3, s7;
	s7 =	simm.s32 @!p0 $0x108  }
0x21: {  	s3 =	sadd.s32 s3, s9;
	s6 =	sadd.s32 @!p0 $0x88, s6;
	s7 =	simm.s32 @p2 $0x1082  }
0x22: {  	[simem:s7], [sflag:s8] =	dma.local @!p0 [hbm:s6], $0xF7A  }
0x23: {  	s9 =	sor.u32 $0xD0000000, s2;
	s6 =	simm.s32 $0x108;
	_ =	swait.ge @!p0 [sflag:s8], $0x0  }
0x24: {  	s3 =	sadd.s32 $0x88, s3;
	s6 =	simm.s32 @!p1 $0x1082;
	[sflag:s4] =	ssyncset.s32 $0xFFFFF086  }
0x25: {  	[simem:s6], [sflag:s4] =	dma.local [hbm:s3], $0xF7A  }
0x26: {  	[smem:$0x3F99] =	sst s1;
	(tag) =	ssettag s2;
	_ =	strace s9  }
0x27: {  	s1 =	sld [smem:$0x3FA9]  }
0x28: {  	s2 =	sld [smem:$0x3FAA]  }
0x29: {  	s4 =	sld [smem:$0x3FAC]  }
0x2a: {  	p0 =	seq.s32 s5, $0x0;
	s5 =	sld [smem:$0x3FAD]  }
0x2b: {  	s6 =	sld [smem:$0x3FAE]  }
0x2c: {  	s7 =	sld [smem:$0x3FAF]  }
0x2d: {  	s3 =	simm.s32 $0x108;
	s8 =	sld [smem:$0x3FB0]  }
0x2e: {  	s3 =	simm.s32 @!p0 $0x1082;
	s9 =	sld [smem:$0x3FB1]  }
0x2f: {  	lr =	sadd.s32 s0, s3;
	s0 =	sld [smem:$0x3FA8]  }
0x30: {  	s3 =	sld [smem:$0x3FAB]  }
0x31: {  	[smem:$0x3FB4] =	sst s10  }
0x32: {  	s10 =	sld [smem:$0x3FB2];
	_ =	sdelay $0x3  }
0x33: {  	p0 =	seq.s32 s10, $0x1;
	s10 =	sld [smem:$0x3FB4];
	_ =	sdelay $0x3  }
0x34: {  	[smem:$0x3FB4] =	sst s10  }
0x35: {  	s10 =	sld [smem:$0x3FB3];
	_ =	sdelay $0x3  }
0x36: {  	p1 =	seq.s32 s10, $0x1;
	s10 =	sld [smem:$0x3FB4];
	_ =	sdelay $0x3  }
0x37: {  	[smem:$0x3FB4] =	sst s10  }
0x38: {  	s10 =	sld [smem:$0x3FB5]  }
0x39: {  	_ = 	snop;
	(pc) =	sbr.ind lr, $3  }
0x3a: {  	_ = 	snop  }
0x3b: {  	_ = 	snop  }
0x3c: {  	p2 =	seq.s32 s10, $0x1;
	s10 =	sld [smem:$0x3FB4]  }
0x3d: {  	_ =	shalt  }
0x3e: {  	_ =	shalt  }
0x3f: {  	_ =	shalt  }
0x40: {  	_ =	shalt  }
0x41: {  	_ =	shalt  }
0x42: {  	_ =	shalt  }
0x43: {  	_ =	shalt  }
0x44: {  	_ =	shalt  }
0x45: {  	_ =	shalt  }
0x46: {  	_ =	shalt  }
0x47: {  	_ =	shalt  }
0x48: {  	_ =	shalt  }
0x49: {  	_ =	shalt  }
0x4a: {  	_ =	shalt  }
0x4b: {  	_ =	shalt  }
0x4c: {  	_ =	shalt  }
0x4d: {  	_ =	shalt  }
0x4e: {  	_ =	shalt  }
0x4f: {  	_ =	shalt  }
0x50: {  	_ =	shalt  }
0x51: {  	_ =	shalt  }
0x52: {  	_ =	shalt  }
0x53: {  	_ =	shalt  }
0x54: {  	_ =	shalt  }
0x55: {  	_ =	shalt  }
0x56: {  	_ =	shalt  }
0x57: {  	_ =	shalt  }
0x58: {  	_ =	shalt  }
0x59: {  	_ =	shalt  }
0x5a: {  	_ =	shalt  }
0x5b: {  	_ =	shalt  }
0x5c: {  	_ =	shalt  }
0x5d: {  	_ =	shalt  }
0x5e: {  	_ =	shalt  }
0x5f: {  	_ =	shalt  }
0x60: {  	_ =	shalt  }
0x61: {  	_ =	shalt  }
0x62: {  	_ =	shalt  }
0x63: {  	_ =	shalt  }
0x64: {  	_ =	shalt  }
0x65: {  	_ =	shalt  }
0x66: {  	_ =	shalt  }
0x67: {  	_ =	shalt  }
0x68: {  	_ =	shalt  }
0x69: {  	_ =	shalt  }
0x6a: {  	_ =	shalt  }
0x6b: {  	_ =	shalt  }
0x6c: {  	_ =	shalt  }
0x6d: {  	_ =	shalt  }
0x6e: {  	_ =	shalt  }
0x6f: {  	_ =	shalt  }
0x70: {  	_ =	shalt  }
0x71: {  	_ =	shalt  }
0x72: {  	_ =	shalt  }
0x73: {  	_ =	shalt  }
0x74: {  	_ =	shalt  }
0x75: {  	_ =	shalt  }
0x76: {  	_ =	shalt  }
0x77: {  	_ =	shalt  }
0x78: {  	_ =	shalt  }
0x79: {  	_ =	shalt  }
0x7a: {  	_ =	shalt  }
0x7b: {  	_ =	shalt  }
0x7c: {  	_ =	shalt  }
0x7d: {  	_ =	shalt  }
0x7e: {  	_ =	shalt  }
0x7f: {  	_ =	shalt  }
0x80: {  	_ =	shalt  }
0x81: {  	_ =	shalt  }
0x82: {  	_ =	shalt  }
0x83: {  	_ =	shalt  }
0x84: {  	_ =	shalt  }
0x85: {  	_ =	shalt  }
0x86: {  	_ =	shalt  }
0x87: {  	_ =	shalt  }
.Lfunc_end0:
.L_simem_size_0:
called_computation_lowered:
.L_overlay_start_0:
0x88: {  	s2 =	sld [smem:$0x3FD9]  }
0x89: {  	s3 =	sld [smem:$0x3FFE];
	_ =	sdelay $0x1  }
0x8a: {  	s1 =	srdreg.scid  }
0x8b: {  	s0 =	sand.u32 $0x1, s1  }
0x8c: {  	s17 =	sshll.u32 s0, $0xA;
	s2 =	sadd.s32 s3, s2  }
0x8d: {  	s2 =	sadd.s32 s2, s17  }
0x8e: {  	[smem:$0x3FC0] =	sst s2  }
0x8f: {  	_ = 	snop  }
0x90: {  	s2 =	sld [smem:$0x3FC9]  }
0x91: {  	s18 =	sld [smem:$0x3FC8]  }
0x92: {  	s4 =	sld [smem:$0x3FC7]  }
0x93: {  	s5 =	sld [smem:$0x3FD0];
	(tm) =	ssettm $0x1  }
0x94: {  	s6 =	sld [smem:$0x3FFB];
	_ =	sdelay $0x3  }
0x95: {  	_ =	strace s6  }
0x96: {  	s6 =	sld [smem:$0x3FFC];
	_ =	sdelay $0x3  }
0x97: {  	_ =	strace s6  }
0x98: {  	s6 =	sld [smem:$0x3FFD];
	_ =	sdelay $0x3  }
0x99: {  	_ =	strace s6  }
0x9a: {  	_ =	strace $0x8FFFFFFF  }
0x9b: {  	s19 =	sld [smem:$0x3FDB];
	_ =	sdelay $0x1  }
0x9c: {  	s7 =	simm.s32 $_scs_section_size  }
0x9d: {  	s8 =	simm.s32 $_size__tile_overlayer_lowered;
	s9 =	simm.s32 $_tile_overlayer_lowered  }
0x9e: {  	s22 =	simm.s32 $0x1BFF;
	s21 =	sshll.u32 s9, $0x1;
	s6 =	sadd.s32 s7, s19  }
0x9f: {  	s10 =	simm.s32 $0x0;
	s20 =	sshll.u32 s8, $0x1;
	s8 =	sadd.s32 s21, s6  }
0xa0: {  	[timem:s10], [sflag:s22] =	dma.local [hbm:s8], s20  }
0xa1: {  	_ =	swait.ge [sflag:s22], s20  }
0xa2: {  	s7 =	ssub.s32 $0x0, s20;
	[sflag:s22] =	ssyncset.done $0x0  }
0xa3: {  	[sflag:s22] =	ssyncadd.s32 s7;
	_ =	sdelay $0x1  }
0xa4: {  	s23 =	simm.s32 $0x1B8B  }
0xa5: {  	_ =	swait.ge [sflag:s23], $0x1  }
0xa6: {  	[sflag:s23] =	ssyncset.done $0x0  }
0xa7: {  	s25 =	simm.s32 $0x1B8E;
	s24 =	sld [smem:$0x3FFE];
	[sflag:s23] =	ssyncadd.s32 $0xFFFFFFFF  }
0xa8: {  	s26 =	simm.s32 $execute0_lowered;
	[smem:$0x3FD2] =	sst s25  }
0xa9: {  	s8 =	sshll.u32 s26, $0x1;
	_ =	strace $0x80000046;
	[dreg:$0x1] =	wrdreg $0xFFFFFFFF  }
0xaa: {  	s28 =	simm.s32 $_size_execute0_lowered;
	s6 =	sadd.s32 s6, s8;
	[dreg:$0x0] =	wrdreg $0x0  }
0xab: {  	s8 =	sshll.u32 s28, $0x1;
	[dreg:$0x2] =	wrdreg s6  }
0xac: {  	[dreg:$0x3] =	wrdreg s8  }
0xad: {  	[dreg:$0x4] =	wrdreg $0xC0  }
0xae: {  	_ =	task [dreg:s10], $0x5FFFF  }
0xaf: {  	[dreg:$0x1] =	wrdreg $0xFFFFFFFF  }
0xb0: {  	[dreg:$0x0] =	wrdreg $0x60  }
0xb1: {  	[dreg:$0x2] =	wrdreg s2  }
0xb2: {  	[dreg:$0x3] =	wrdreg s18  }
0xb3: {  	[dreg:$0x4] =	wrdreg s4  }
0xb4: {  	[dreg:$0x5] =	wrdreg s24  }
0xb5: {  	[dreg:$0x6] =	wrdreg s5  }
0xb6: {  	[dreg:$0x7] =	wrdreg $0x9  }
0xb7: {  	_ =	task.clear_ibuf [dreg:s10], $0x8FFFF;
	_ =	strace $0x90000046  }
0xb8: {  	s29 =	simm.s32 $0x9;
	_ =	strace $0x80000048  }
0xb9: {  	_ =	swait.ge [sflag:s29], $0x1  }
0xba: {  	[sflag:s29] =	ssyncadd.s32 $0xFFFFFFFF  }
0xbb: {  	_ =	strace $0x90000048  }
0xbc: {  	_ =	sfence  }
0xbd: {  	s30 =	sld [smem:$0x0];
	_ =	sdelay $0x2  }
0xbe: {  	s31 =	sshll.u32 s1, $0xD;
	s1 =	sshrl.u32 s1, $0x2  }
0xbf: {  	s3 =	sand.u32 $0x4000, s31;
	s1 =	sadd.s32 s1, s30  }
0xc0: {  	s0 =	sor.u32 s3, s0;
	s1 =	sshll.u32 s1, $0x11  }
0xc1: {  	s0 =	sor.u32 s1, s0  }
0xc2: {  	s0 =	sadd.s32 $0x8F2B, s0  }
0xc3: {  	[sflag:s0] =	ssyncadd.remote.s32 $0x1  }
0xc4: {  	_ =	sfence.sel $0xFFFF  }
0xc5: {  	[dreg:$0x0] =	wrdreg $0xFFFFFFFF;
	(pc) =	sbr.abs _section_cstart, $3  }
0xc6: {  	[dreg:$0x1] =	wrdreg $0xFFFFFFFF  }
0xc7: {  	_ =	task.clear_ibuf [dreg:s10], $0x2FFFF;
	_ =	strace $0x9FFFFFFF  }
0xc8: {  	(tm) =	ssettm $0x7FFFFFFF  }
0xc9: {  	_ =	shalt  }
tec
execute0_lowered:
.L_overlay_start_1:
0x0: {  	(tag) =	ssettag $0x1  }
0x1: {  	v0 =	vimm.s32 $0x14131211;
	v1 =	vimm.s32 $0x18171615;
	vm0 =	vcmask $0x1F10  }
0x2: {  	v35 =	vimm.s32 $0x1C1B1A19;
	v37 =	vimm.s32 $0x1F1E1D;
	v5 =	vimm.s32 $0x15141312  }
0x3: {  	v39 =	vimm.s32 $0x19181716;
	v40 =	vimm.s32 $0x1D1C1B1A;
	v7 =	vimm.s32 $0x1001F1E  }
0x4: {  	v42 =	vimm.s32 $0x16151413;
	v10 =	vimm.s32 $0x1A191817;
	v44 =	vimm.s32 $0x1E1D1C1B  }
0x5: {  	v46 =	vimm.s32 $0x3020100;
	v12 =	vimm.s32 $0x201001F;
	v13 =	vimm.s32 $0x1F1E1D1C  }
0x6: {  	v14 =	vimm.s32 $0x17161514;
	v15 =	vimm.s32 $0x1B1A1918;
	v16 =	vimm.s32 $0x4030201  }
0x7: {  	v17 =	vimm.s32 $0x5040302;
	v49 =	vimm.s32 $0x6050403;
	v50 =	vimm.s32 $0x76543210  }
0x8: {  	v51 =	vimm.s32 $0x87654321;
	v0 =	vunpack.c.0.s8.s32 v0;
	v2 =	vunpack.c.0.s8.s32 v1  }
0x9: {  	v4 =	vunpack.c.0.s8.s32 v35;
	v38 =	vunpack.c.0.s8.s32 v37;
	v5 =	vunpack.c.0.s8.s32 v5  }
0xa: {  	v6 =	vunpack.c.0.s8.s32 v39;
	v9 =	vunpack.c.0.s8.s32 v40;
	v41 =	vunpack.c.0.s8.s32 v7  }
0xb: {  	v7 =	vunpack.c.0.s8.s32 v42;
	v10 =	vunpack.c.0.s8.s32 v10;
	v13 =	vunpack.c.0.s8.s32 v13  }
0xc: {  	v14 =	vunpack.c.0.s8.s32 v14;
	v15 =	vunpack.c.0.s8.s32 v15;
	v3 =	vsel vm0, v2, v0  }
0xd: {  	v8 =	vsel vm0, v38, v4;
	v45 =	vsel vm0, v10, v7;
	v7 =	vunpack.c.0.s8.s32 v46  }
0xe: {  	s0 =	rddreg [dreg:$0x0];
	v5 =	vsel vm0, v6, v5;
	v22 =	vsel vm0, v41, v9;
	v3 =	vcombine.low v3, v8  }
0xf: {  	s5 =	rddreg [dreg:$0x1];
	v14 =	vsel vm0, v15, v14;
	v43 =	vcombine.low v5, v22;
	v7 =	vsel vm0, v7, v13  }
0x10: {  	s8 =	rddreg [dreg:$0x2];
	v55 =	vimm.s32 $0x43218765;
	v57 =	vimm.s32 $0xA9876543;
	[tilespmem:$0x1FE00] =	vst v3;
	v7 =	vcombine.low v14, v7  }
0x11: {  	v18 =	vlaneseq.u32;
	s7 =	rddreg [dreg:$0x3];
	s1 =	simm.s32 $0x0;
	v58 =	vimm.s32 $0x54329876;
	v59 =	vimm.s32 $0xC0B0A09;
	[tilespmem:$0x1FE10] =	vst v43  }
0x12: {  	v60 =	vimm.s32 $0xD0C0B0A;
	v33 =	vadd.s32 $0xE, v18;
	[smem:$0x7FF] =	sst s1;
	[tilespmem:$0x1FE20] =	vst v7  }
0x13: {  	s9 =	rddreg [dreg:$0x4];
	vm14 =	vcmask $0x2F10;
	vm15 =	vcmask $0x3F30;
	v36 =	vadd.s32 $0xF, v18;
	_ =	strace $0x80000047;
	[tilespmem:$0x1FE60] =	vst v33  }
0x14: {  	v19 =	vmul.u32 $0x20, v18;
	v20 =	vadd.s32 $0x1, v18;
	v32 =	vadd.s32 $0xD, v18;
	[tilespmem:$0x1FE80] =	vst v36  }
0x15: {  	v21 =	vadd.s32 $0x2, v18;
	v11 =	vadd.s32 $0x3, v18;
	v31 =	vadd.s32 $0xC, v18;
	[tilespmem:$0x1FE90] =	vst v32  }
0x16: {  	v23 =	vadd.s32 $0x4, v18;
	v24 =	vadd.s32 $0x5, v18;
	v29 =	vadd.s32 $0xA, v18;
	[tilespmem:$0x1FEA0] =	vst v31  }
0x17: {  	v25 =	vadd.s32 $0x6, v18;
	v26 =	vadd.s32 $0x7, v18;
	v30 =	vadd.s32 $0xB, v18;
	[tilespmem:$0x1FEC0] =	vst v29  }
0x18: {  	v27 =	vadd.s32 $0x8, v18;
	v28 =	vadd.s32 $0x9, v18;
	v17 =	vunpack.c.0.s8.s32 v17;
	[tilespmem:$0x1FED0] =	vst v30  }
0x19: {  	v12 =	vunpack.c.0.s8.s32 v12;
	v16 =	vunpack.c.0.s8.s32 v16;
	v56 =	vunpack.c.l.s4.s8 v55;
	[tilespmem:$0x1FEE0] =	vst v28  }
0x1a: {  	v2 =	vsel vm0, v4, v2;
	v48 =	vsel vm0, v17, v41;
	v6 =	vsel vm0, v9, v6;
	[tilespmem:$0x1FEF0] =	vst v25  }
0x1b: {  	v4 =	vunpack.c.l.s4.s8 v50;
	v9 =	vimm.s32 $0x98765432;
	v17 =	vcombine.low v6, v48;
	[tilespmem:$0x1FF00] =	vst v27  }
0x1c: {  	v6 =	vunpack.c.l.s4.s8 v51;
	v9 =	vunpack.c.l.s4.s8 v9;
	v14 =	vsel vm0, v16, v38;
	[tilespmem:$0x1FF10] =	vst v26  }
0x1d: {  	v5 =	vunpack.c.0.s8.s32 v60;
	v3 =	vunpack.c.0.s8.s32 v44;
	v16 =	vcombine.low v2, v14;
	[tilespmem:$0x1FF20] =	vst v24  }
0x1e: {  	v4 =	vunpack.c.0.s8.s32 v4;
	v6 =	vunpack.c.0.s8.s32 v6;
	v9 =	vunpack.c.0.s8.s32 v9;
	[tilespmem:$0x1FF30] =	vst v23  }
0x1f: {  	v2 =	vunpack.c.0.s8.s32 v49;
	v14 =	vsel vm0, v13, v15;
	v47 =	vsel vm0, v12, v3;
	[tilespmem:$0x1FF40] =	vst v16  }
0x20: {  	v3 =	vsel vm0, v3, v10;
	v10 =	vimm.s32 $0x32107654;
	v14 =	vcombine.low v14, v4;
	[tilespmem:$0x1FF50] =	vst v20  }
0x21: {  	s14 =	simm.s32 $0x400;
	v52 =	vand.u32 $0xF, v6;
	v53 =	vand.u32 $0xF, v9;
	v6 =	vunpack.c.l.s4.s8 v58;
	[tilespmem:$0x1FF70] =	vst v19  }
0x22: {  	s6 =	srdreg.scid;
	s15 =	simm.s32 $0x600;
	s16 =	simm.s32 $0x4600;
	v9 =	vimm.s32 $0xB0A0908;
	v2 =	vsel vm0, v2, v12;
	v10 =	vunpack.c.l.s4.s8 v10;
	[tilespmem:$0x1FF80] =	vst v11  }
0x23: {  	s13 =	stileid.u32;
	s17 =	simm.s32 $0x8600;
	s18 =	simm.s32 $0xC600;
	v62 =	vcombine.low v22, v53;
	v61 =	vunpack.c.0.s8.s32 v9;
	v9 =	vimm.s32 $0xE0D0C0B;
	[tilespmem:$0x1FF90] =	vst v21  }
0x24: {  	s19 =	simm.s32 $0x10600;
	s20 =	simm.s32 $0x2;
	s21 =	simm.s32 $0x80;
	[tilespmem:$0x1FFA0] =	vst v17;
	v15 =	vcombine.low v3, v2;
	v2 =	vunpack.c.0.s8.s32 v56;
	v3 =	vunpack.c.l.s4.s8 v57  }
0x25: {  	s22 =	simm.s32 $0x14600;
	s23 =	simm.s32 $0x18600;
	s30 =	simm.s32 $0x280;
	v6 =	vunpack.c.0.s8.s32 v6;
	v9 =	vunpack.c.0.s8.s32 v9;
	[tilespmem:$0x1FFC0] =	vst v14;
	v54 =	vunpack.c.0.s8.s32 v10  }
0x26: {  	s28 =	simm.s32 $0x500;
	s29 =	simm.s32 $0x580;
	s31 =	simm.s32 $0x1;
	v10 =	vcombine.low v8, v52;
	v8 =	vimm.s32 $0x6543A987;
	[tilespmem:$0x1FFD0] =	vst v62;
	v2 =	vand.u32 $0xF, v2  }
0x27: {  	s2 =	sadd.s32 $0x400, s7;
	s3 =	sadd.s32 $0x3400, s7;
	s10 =	sand.u32 $0x1, s6;
	v8 =	vunpack.c.l.s4.s8 v8;
	v6 =	vand.u32 $0xF, v6;
	[tilespmem:$0x1FF60] =	vst v15;
	v1 =	vsel vm14, v2, v38  }
0x28: {  	s13 =	sshll.u32 s13, $0x7;
	s11 =	ssub.s32 $0x2, s10;
	s10 =	sshll.u32 s10, $0x6;
	v0 =	vsel vm14, v6, v41;
	v2 =	vunpack.c.0.s8.s32 v59;
	v41 =	vor.u32 $0x10, v18;
	[tilespmem:$0x1FFF0] =	vst v10  }
0x29: {  	s4 =	sadd.s32 $0x3E3400, s7;
	s6 =	sadd.s32 $0x1400, s7;
	s10 =	sor.u32 s10, s13;
	v4 =	vand.u32 $0xF, v54;
	v8 =	vunpack.c.0.s8.s32 v8;
	v0 =	vsel vm15, v5, v0;
	[tilespmem:$0x1FE70] =	vst v41  }
0x2a: {  	s7 =	sadd.s32 $0x2400, s7;
	s12 =	sshrl.u32 s11, $0x1;
	s0 =	sadd.s32 s0, s10;
	v3 =	vunpack.c.0.s8.s32 v3;
	v4 =	vsel vm14, v4, v13;
	v1 =	vsel vm15, v2, v1;
	[tilespmem:$0x1FE40] =	vst v0  }
0x2b: {  	s13 =	simm.s32 $0x200;
	s24 =	sadd.s32 s5, s10;
	[dreg:$0x6] =	wrdreg s0;
	v13 =	vcombine.low v45, v47;
	v45 =	vsel vm15, v61, v4;
	v8 =	vand.u32 $0xF, v8;
	[tilespmem:$0x1FE30] =	vst v1  }
0x2c: {  	s12 =	ssub.s32 s11, s12;
	s25 =	sadd.s32 s8, s10;
	[dreg:$0x7] =	wrdreg s24;
	v3 =	vand.u32 $0xF, v3;
	[tilespmem:$0x1FEB0] =	vst v45;
	v8 =	vsel vm14, v8, v12  }
0x2d: {  	s26 =	sadd.s32 s9, s10;
	s5 =	simm.s32 $0x300;
	[dreg:$0x8] =	wrdreg s25;
	[tilespmem:$0x1FFB0] =	vst v13;
	v12 =	vcombine.low v47, v3;
	v63 =	vsel vm15, v9, v8  }
0x2e: {  	s12 =	smax.u32 s12, $0x1;
	[dreg:$0x9] =	wrdreg s26;
	s24 =	simm.s32 $0x100;
	[tilespmem:$0x1FE50] =	vst v63  }
0x2f: {  	s0 =	simm.s32 $0x180;
	s26 =	simm.s32 $0x380;
	s25 =	simm.s32 $0x0;
	[tilespmem:$0x1FFE0] =	vst v12  }
.LBB2_1:
0x30: {  	s8 =	rddreg [dreg:$0x6]  }
0x31: {  	[tilespmem:s1], [sflag:$0x2] =	stream.linear.gather [hbm4b:s8+s1], $0x200, $0x38;
	[tilespmem:$0x1C800] =	vst v63  }
0x32: {  	_ =	swait.ge [sflag:s20], $0x200  }
0x33: {  	[sflag:s20] =	ssyncset.done $0x0  }
0x34: {  	s10 =	rddreg [dreg:$0x7];
	[sflag:s20] =	ssyncadd.s32 $0xFFFFFE00  }
0x35: {  	[tilespmem:s13], [sflag:$0x2] =	stream.linear.gather [hbm4b:s10+s1], $0x200, $0x38;
	[tilespmem:$0x1C800] =	vst v63  }
0x36: {  	_ =	swait.ge [sflag:s20], $0x200  }
0x37: {  	[sflag:s20] =	ssyncset.done $0x0  }
0x38: {  	s11 =	rddreg [dreg:$0x8];
	[sflag:s20] =	ssyncadd.s32 $0xFFFFFE00  }
0x39: {  	[tilespmem:s14], [sflag:$0x2] =	stream.linear.gather [hbm4b:s11+s1], $0x200, $0x38;
	[tilespmem:$0x1C800] =	vst v63  }
0x3a: {  	_ =	swait.ge [sflag:s20], $0x200  }
0x3b: {  	[sflag:s20] =	ssyncset.done $0x0  }
0x3c: {  	s8 =	simm.s32 $0x0;
	[sflag:s20] =	ssyncadd.s32 $0xFFFFFE00  }
0x3d: {  	v0 =	vld [tilespmem:s8+$0x0]  }
0x3e: {  	v3 =	vld [tilespmem:s8+$0x400];
	_ =	sdelay $0x3  }
0x3f: {  	v1 =	vshll.u32 v0, $0x2;
	v2 =	vshrl.u32 v0, $0xD  }
0x40: {  	v0 =	vand.u32 $0xFFFF8000, v0;
	v4 =	vshll.u32 v3, $0x2;
	v1 =	vand.u32 $0x7FFC, v1  }
0x41: {  	v2 =	vand.u32 $0x3, v2;
	v1 =	vor.u32 v0, v1;
	v0 =	vand.u32 $0xFFFF8000, v3  }
0x42: {  	s9 =	simm.s32 $0x80;
	s10 =	simm.s32 $0x40;
	v3 =	vshrl.u32 v3, $0xD;
	v1 =	vor.u32 v2, v1;
	v2 =	vand.u32 $0x7FFC, v4  }
.LBB2_2:
0x43: {  	p0 =	sne.s32 s9, $0x7C0  }
0x44: {  	s11 =	sshra.s32 s10, $0x2;
	[tilespmem:s8+$0x0] =	vst v1;
	v0 =	vor.u32 v0, v2;
	v1 =	vand.u32 $0x3, v3;
	s10 =	smov.u32 s9;
	s9 =	sadd.s32 $0x40, s9  }
0x45: {  	v2 =	vld [tilespmem:s11+$0x0];
	v0 =	vor.u32 v1, v0  }
0x46: {  	[tilespmem:s8+$0x400] =	vst v0;
	s8 =	smov.u32 s11  }
0x47: {  	v3 =	vld [tilespmem:s8+$0x400];
	_ =	sdelay $0x1  }
.Ltmp0:
0x48: {  	(pc) =	sbr.rel @p0 .LBB2_2-.Ltmp0, $4  }
0x49: {  	v0 =	vand.u32 $0xFFFF8000, v2;
	v1 =	vshll.u32 v2, $0x2;
	v2 =	vshrl.u32 v2, $0xD  }
0x4a: {  	v1 =	vand.u32 $0x7FFC, v1;
	v2 =	vand.u32 $0x3, v2  }
0x4b: {  	v1 =	vor.u32 v0, v1;
	v0 =	vand.u32 $0xFFFF8000, v3;
	v4 =	vshll.u32 v3, $0x2  }
0x4c: {  	v3 =	vshrl.u32 v3, $0xD;
	v1 =	vor.u32 v2, v1;
	v2 =	vand.u32 $0x7FFC, v4  }
0x4d: {  	s9 =	sshra.s32 s10, $0x2;
	[tilespmem:s8+$0x0] =	vst v1;
	v0 =	vor.u32 v0, v2;
	v1 =	vand.u32 $0x3, v3  }
0x4e: {  	v2 =	vld [tilespmem:s9+$0x0];
	v0 =	vor.u32 v1, v0  }
0x4f: {  	[tilespmem:s8+$0x400] =	vst v0  }
0x50: {  	v0 =	vld [tilespmem:s9+$0x400];
	_ =	sdelay $0x2  }
0x51: {  	v1 =	vshll.u32 v2, $0x2  }
0x52: {  	v3 =	vand.u32 $0xFFFF8000, v2;
	v2 =	vshrl.u32 v2, $0xD;
	v1 =	vand.u32 $0x7FFC, v1  }
0x53: {  	v2 =	vand.u32 $0x3, v2;
	v1 =	vor.u32 v3, v1;
	v3 =	vshll.u32 v0, $0x2  }
0x54: {  	v4 =	vand.u32 $0xFFFF8000, v0;
	v0 =	vshrl.u32 v0, $0xD;
	v3 =	vand.u32 $0x7FFC, v3  }
0x55: {  	v1 =	vor.u32 v2, v1;
	v0 =	vand.u32 $0x3, v0;
	v2 =	vor.u32 v4, v3  }
0x56: {  	[tilespmem:s9+$0x0] =	vst v1;
	v0 =	vor.u32 v0, v2  }
0x57: {  	s8 =	simm.s32 $0x0;
	[tilespmem:s9+$0x400] =	vst v0  }
0x58: {  	[tilespmem:s15], [sflag:$0x1] =	stream.indirect.gather [hbm4b:s3+s21], $0x20, s8, s21, $0xb8;
	[tilespmem:$0x1C800] =	vst v63  }
0x59: {  	_ = 	snop  }
0x5a: {  	[tilespmem:s16], [sflag:$0x1] =	stream.indirect.gather [hbm4b:s3+s21], $0x20, s14, s21, $0xb8;
	[tilespmem:$0x1C800] =	vst v63  }
0x5b: {  	_ = 	snop  }
0x5c: {  	[tilespmem:s17], [sflag:$0x1] =	stream.indirect.gather [hbm4b:s4+s21], $0x20, s8, s21, $0xb8;
	[tilespmem:$0x1C800] =	vst v63  }
0x5d: {  	_ = 	snop  }
0x5e: {  	[tilespmem:s18], [sflag:$0x1] =	stream.indirect.gather [hbm4b:s4+s21], $0x20, s14, s21, $0xb8;
	[tilespmem:$0x1C800] =	vst v63  }
0x5f: {  	_ = 	snop  }
0x60: {  	[tilespmem:s19], [sflag:$0x1] =	stream.indirect.gather [hbm4b:s2+s21], $0x20, s13, s21, $0xb8;
	[tilespmem:$0x1C800] =	vst v63  }
0x61: {  	_ = 	snop  }
0x62: {  	[tilespmem:s22], [sflag:$0x1] =	stream.indirect.gather [hbm4b:s6+s21], $0x20, s13, s21, $0xb8;
	[tilespmem:$0x1C800] =	vst v63  }
0x63: {  	_ = 	snop  }
0x64: {  	[tilespmem:s23], [sflag:$0x1] =	stream.indirect.gather [hbm4b:s7+s21], $0x20, s13, s21, $0xb8;
	[tilespmem:$0x1C800] =	vst v63  }
0x65: {  	s10 =	simm.s32 $0x1600  }
0x66: {  	[tilespmem:s10], [sflag:$0x1] =	stream.indirect.gather [hbm4b:s3+s21], $0x20, s21, s21, $0xb8;
	[tilespmem:$0x1C800] =	vst v63  }
0x67: {  	s11 =	simm.s32 $0x5600;
	s9 =	simm.s32 $0x480  }
0x68: {  	[tilespmem:s11], [sflag:$0x1] =	stream.indirect.gather [hbm4b:s3+s21], $0x20, s9, s21, $0xb8;
	[tilespmem:$0x1C800] =	vst v63  }
0x69: {  	s11 =	simm.s32 $0x9600  }
0x6a: {  	[tilespmem:s11], [sflag:$0x1] =	stream.indirect.gather [hbm4b:s4+s21], $0x20, s21, s21, $0xb8;
	[tilespmem:$0x1C800] =	vst v63  }
0x6b: {  	s11 =	simm.s32 $0xD600  }
0x6c: {  	[tilespmem:s11], [sflag:$0x1] =	stream.indirect.gather [hbm4b:s4+s21], $0x20, s9, s21, $0xb8;
	[tilespmem:$0x1C800] =	vst v63  }
0x6d: {  	s10 =	simm.s32 $0x11600  }
0x6e: {  	[tilespmem:s10], [sflag:$0x1] =	stream.indirect.gather [hbm4b:s2+s21], $0x20, s30, s21, $0xb8;
	[tilespmem:$0x1C800] =	vst v63  }
0x6f: {  	s11 =	simm.s32 $0x15600  }
0x70: {  	[tilespmem:s11], [sflag:$0x1] =	stream.indirect.gather [hbm4b:s6+s21], $0x20, s30, s21, $0xb8;
	[tilespmem:$0x1C800] =	vst v63  }
0x71: {  	s10 =	simm.s32 $0x19600  }
0x72: {  	[tilespmem:s10], [sflag:$0x1] =	stream.indirect.gather [hbm4b:s7+s21], $0x20, s30, s21, $0xb8;
	[tilespmem:$0x1C800] =	vst v63  }
0x73: {  	s11 =	simm.s32 $0x2600  }
0x74: {  	[tilespmem:s11], [sflag:$0x1] =	stream.indirect.gather [hbm4b:s3+s21], $0x20, s24, s21, $0xb8;
	[tilespmem:$0x1C800] =	vst v63  }
0x75: {  	s10 =	simm.s32 $0x6600  }
0x76: {  	[tilespmem:s10], [sflag:$0x1] =	stream.indirect.gather [hbm4b:s3+s21], $0x20, s28, s21, $0xb8;
	[tilespmem:$0x1C800] =	vst v63  }
0x77: {  	s11 =	simm.s32 $0xA600  }
0x78: {  	[tilespmem:s11], [sflag:$0x1] =	stream.indirect.gather [hbm4b:s4+s21], $0x20, s24, s21, $0xb8;
	[tilespmem:$0x1C800] =	vst v63  }
0x79: {  	s10 =	simm.s32 $0xE600  }
0x7a: {  	[tilespmem:s10], [sflag:$0x1] =	stream.indirect.gather [hbm4b:s4+s21], $0x20, s28, s21, $0xb8;
	[tilespmem:$0x1C800] =	vst v63  }
0x7b: {  	s11 =	simm.s32 $0x12600  }
0x7c: {  	[tilespmem:s11], [sflag:$0x1] =	stream.indirect.gather [hbm4b:s2+s21], $0x20, s5, s21, $0xb8;
	[tilespmem:$0x1C800] =	vst v63  }
0x7d: {  	s10 =	simm.s32 $0x16600  }
0x7e: {  	[tilespmem:s10], [sflag:$0x1] =	stream.indirect.gather [hbm4b:s6+s21], $0x20, s5, s21, $0xb8;
	[tilespmem:$0x1C800] =	vst v63  }
0x7f: {  	s11 =	simm.s32 $0x1A600  }
0x80: {  	[tilespmem:s11], [sflag:$0x1] =	stream.indirect.gather [hbm4b:s7+s21], $0x20, s5, s21, $0xb8;
	[tilespmem:$0x1C800] =	vst v63  }
0x81: {  	s10 =	simm.s32 $0x3600  }
0x82: {  	[tilespmem:s10], [sflag:$0x1] =	stream.indirect.gather [hbm4b:s3+s21], $0x20, s0, s21, $0xb8;
	[tilespmem:$0x1C800] =	vst v63  }
0x83: {  	s11 =	simm.s32 $0x7600  }
0x84: {  	[tilespmem:s11], [sflag:$0x1] =	stream.indirect.gather [hbm4b:s3+s21], $0x20, s29, s21, $0xb8;
	[tilespmem:$0x1C800] =	vst v63  }
0x85: {  	s10 =	simm.s32 $0xB600  }
0x86: {  	[tilespmem:s10], [sflag:$0x1] =	stream.indirect.gather [hbm4b:s4+s21], $0x20, s0, s21, $0xb8;
	[tilespmem:$0x1C800] =	vst v63  }
0x87: {  	s11 =	simm.s32 $0xF600  }
0x88: {  	[tilespmem:s11], [sflag:$0x1] =	stream.indirect.gather [hbm4b:s4+s21], $0x20, s29, s21, $0xb8;
	[tilespmem:$0x1C800] =	vst v63  }
0x89: {  	s10 =	simm.s32 $0x13600  }
0x8a: {  	[tilespmem:s10], [sflag:$0x1] =	stream.indirect.gather [hbm4b:s2+s21], $0x20, s26, s21, $0xb8;
	[tilespmem:$0x1C800] =	vst v63  }
0x8b: {  	s11 =	simm.s32 $0x17600  }
0x8c: {  	[tilespmem:s11], [sflag:$0x1] =	stream.indirect.gather [hbm4b:s6+s21], $0x20, s26, s21, $0xb8;
	[tilespmem:$0x1C800] =	vst v63  }
0x8d: {  	s10 =	simm.s32 $0x1B600  }
0x8e: {  	[tilespmem:s10], [sflag:$0x1] =	stream.indirect.gather [hbm4b:s7+s21], $0x20, s26, s21, $0xb8;
	[tilespmem:$0x1C800] =	vst v63  }
0x8f: {  	_ =	swait.ge [sflag:s31], $0x1000  }
0x90: {  	[sflag:s31] =	ssyncset.done $0x0  }
0x91: {  	[sflag:s31] =	ssyncadd.s32 $0xFFFFF000  }
0x92: {  	_ =	swait.ge [sflag:s31], $0x1000  }
0x93: {  	[sflag:s31] =	ssyncset.done $0x0  }
0x94: {  	[sflag:s31] =	ssyncadd.s32 $0xFFFFF000  }
0x95: {  	_ =	swait.ge [sflag:s31], $0x1000  }
0x96: {  	[sflag:s31] =	ssyncset.done $0x0  }
0x97: {  	[sflag:s31] =	ssyncadd.s32 $0xFFFFF000  }
0x98: {  	_ =	swait.ge [sflag:s31], $0x1000  }
0x99: {  	[sflag:s31] =	ssyncset.done $0x0  }
0x9a: {  	[sflag:s31] =	ssyncadd.s32 $0xFFFFF000  }
0x9b: {  	_ =	swait.ge [sflag:s31], $0x1000  }
0x9c: {  	[sflag:s31] =	ssyncset.done $0x0  }
0x9d: {  	[sflag:s31] =	ssyncadd.s32 $0xFFFFF000  }
0x9e: {  	_ =	swait.ge [sflag:s31], $0x1000  }
0x9f: {  	[sflag:s31] =	ssyncset.done $0x0  }
0xa0: {  	[sflag:s31] =	ssyncadd.s32 $0xFFFFF000  }
0xa1: {  	_ =	swait.ge [sflag:s31], $0x1000  }
0xa2: {  	[sflag:s31] =	ssyncset.done $0x0  }
0xa3: {  	[sflag:s31] =	ssyncadd.s32 $0xFFFFF000  }
0xa4: {  	_ =	swait.ge [sflag:s31], $0x1000  }
0xa5: {  	[sflag:s31] =	ssyncset.done $0x0  }
0xa6: {  	[sflag:s31] =	ssyncadd.s32 $0xFFFFF000  }
0xa7: {  	_ =	swait.ge [sflag:s31], $0x1000  }
0xa8: {  	[sflag:s31] =	ssyncset.done $0x0  }
0xa9: {  	[sflag:s31] =	ssyncadd.s32 $0xFFFFF000  }
0xaa: {  	_ =	swait.ge [sflag:s31], $0x1000  }
0xab: {  	[sflag:s31] =	ssyncset.done $0x0  }
0xac: {  	[sflag:s31] =	ssyncadd.s32 $0xFFFFF000  }
0xad: {  	_ =	swait.ge [sflag:s31], $0x1000  }
0xae: {  	[sflag:s31] =	ssyncset.done $0x0  }
0xaf: {  	[sflag:s31] =	ssyncadd.s32 $0xFFFFF000  }
0xb0: {  	_ =	swait.ge [sflag:s31], $0x1000  }
0xb1: {  	[sflag:s31] =	ssyncset.done $0x0  }
0xb2: {  	[sflag:s31] =	ssyncadd.s32 $0xFFFFF000  }
0xb3: {  	_ =	swait.ge [sflag:s31], $0x1000  }
0xb4: {  	[sflag:s31] =	ssyncset.done $0x0  }
0xb5: {  	[sflag:s31] =	ssyncadd.s32 $0xFFFFF000  }
0xb6: {  	_ =	swait.ge [sflag:s31], $0x1000  }
0xb7: {  	[sflag:s31] =	ssyncset.done $0x0  }
0xb8: {  	[sflag:s31] =	ssyncadd.s32 $0xFFFFF000  }
0xb9: {  	_ =	swait.ge [sflag:s31], $0x1000  }
0xba: {  	[sflag:s31] =	ssyncset.done $0x0  }
0xbb: {  	[sflag:s31] =	ssyncadd.s32 $0xFFFFF000  }
0xbc: {  	_ =	swait.ge [sflag:s31], $0x1000  }
0xbd: {  	[sflag:s31] =	ssyncset.done $0x0  }
0xbe: {  	[sflag:s31] =	ssyncadd.s32 $0xFFFFF000  }
0xbf: {  	_ =	swait.ge [sflag:s31], $0x1000  }
0xc0: {  	[sflag:s31] =	ssyncset.done $0x0  }
0xc1: {  	[sflag:s31] =	ssyncadd.s32 $0xFFFFF000  }
0xc2: {  	_ =	swait.ge [sflag:s31], $0x1000  }
0xc3: {  	[sflag:s31] =	ssyncset.done $0x0  }
0xc4: {  	[sflag:s31] =	ssyncadd.s32 $0xFFFFF000  }
0xc5: {  	_ =	swait.ge [sflag:s31], $0x1000  }
0xc6: {  	[sflag:s31] =	ssyncset.done $0x0  }
0xc7: {  	[sflag:s31] =	ssyncadd.s32 $0xFFFFF000  }
0xc8: {  	_ =	swait.ge [sflag:s31], $0x1000  }
0xc9: {  	[sflag:s31] =	ssyncset.done $0x0  }
0xca: {  	[sflag:s31] =	ssyncadd.s32 $0xFFFFF000  }
0xcb: {  	_ =	swait.ge [sflag:s31], $0x1000  }
0xcc: {  	[sflag:s31] =	ssyncset.done $0x0  }
0xcd: {  	[sflag:s31] =	ssyncadd.s32 $0xFFFFF000  }
0xce: {  	_ =	swait.ge [sflag:s31], $0x1000  }
0xcf: {  	[sflag:s31] =	ssyncset.done $0x0  }
0xd0: {  	[sflag:s31] =	ssyncadd.s32 $0xFFFFF000  }
0xd1: {  	_ =	swait.ge [sflag:s31], $0x1000  }
0xd2: {  	[sflag:s31] =	ssyncset.done $0x0  }
0xd3: {  	[sflag:s31] =	ssyncadd.s32 $0xFFFFF000  }
0xd4: {  	_ =	swait.ge [sflag:s31], $0x1000  }
0xd5: {  	[sflag:s31] =	ssyncset.done $0x0  }
0xd6: {  	[sflag:s31] =	ssyncadd.s32 $0xFFFFF000  }
0xd7: {  	_ =	swait.ge [sflag:s31], $0x1000  }
0xd8: {  	[sflag:s31] =	ssyncset.done $0x0  }
0xd9: {  	[sflag:s31] =	ssyncadd.s32 $0xFFFFF000  }
0xda: {  	_ =	swait.ge [sflag:s31], $0x1000  }
0xdb: {  	v0 =	vmov s8;
	[sflag:s31] =	ssyncset.done $0x0  }
0xdc: {  	v0 =	vshll.u32 v0, $0x5;
	[sflag:s31] =	ssyncadd.s32 $0xFFFFF000  }
0xdd: {  	v5 =	vor.u32 v19, v0;
	_ =	swait.ge [sflag:s31], $0x1000  }
0xde: {  	v0 =	vor.u32 v27, v5;
	[sflag:s31] =	ssyncset.done $0x0  }
0xdf: {  	[sflag:s31] =	ssyncadd.s32 $0xFFFFF000  }
0xe0: {  	_ =	swait.ge [sflag:s31], $0x1000  }
0xe1: {  	[sflag:s31] =	ssyncset.done $0x0  }
0xe2: {  	[sflag:s31] =	ssyncadd.s32 $0xFFFFF000  }
0xe3: {  	v2 =	vld.idx.msk [tilespmem:v0+s18+$0x0], $0xffff;
	_ =	sdelay $0x3  }
0xe4: {  	v1 =	vor.u32 v26, v5  }
0xe5: {  	[tilespmem:$0x1EF40] =	vst v2;
	v2 =	vld.idx.msk [tilespmem:v0+s23+$0x0], $0xffff;
	_ =	sdelay $0x3  }
0xe6: {  	v3 =	vld.idx.msk [tilespmem:v1+s18+$0x0], $0xffff  }
0xe7: {  	[tilespmem:$0x1EF50] =	vst v2;
	v2 =	vor.u32 v25, v5;
	_ =	sdelay $0x3  }
0xe8: {  	[tilespmem:$0x1EF80] =	vst v3;
	v3 =	vld.idx.msk [tilespmem:v1+s23+$0x0], $0xffff  }
0xe9: {  	v4 =	vld.idx.msk [tilespmem:v2+s18+$0x0], $0xffff;
	_ =	sdelay $0x3  }
0xea: {  	[tilespmem:$0x1EF90] =	vst v3;
	v3 =	vld.idx.msk [tilespmem:v0+s17+$0x0], $0xffff  }
0xeb: {  	[tilespmem:$0x1EF60] =	vst v4;
	v4 =	vld.idx.msk [tilespmem:v2+s23+$0x0], $0xffff;
	_ =	sdelay $0x3  }
0xec: {  	[tilespmem:$0x1F2A0] =	vst v3;
	v3 =	vld.idx.msk [tilespmem:v0+s22+$0x0], $0xffff  }
0xed: {  	[tilespmem:$0x1EF70] =	vst v4;
	v4 =	vld.idx.msk [tilespmem:v1+s17+$0x0], $0xffff;
	_ =	sdelay $0x3  }
0xee: {  	[tilespmem:$0x1F2B0] =	vst v3;
	v3 =	vor.u32 v24, v5  }
0xef: {  	[tilespmem:$0x1F250] =	vst v4;
	v4 =	vld.idx.msk [tilespmem:v1+s22+$0x0], $0xffff;
	_ =	sdelay $0x3  }
0xf0: {  	v6 =	vld.idx.msk [tilespmem:v3+s18+$0x0], $0xffff  }
0xf1: {  	[tilespmem:$0x1F260] =	vst v4;
	v4 =	vor.u32 v23, v5;
	_ =	sdelay $0x3  }
0xf2: {  	[tilespmem:$0x1EFC0] =	vst v6;
	v6 =	vld.idx.msk [tilespmem:v3+s23+$0x0], $0xffff  }
0xf3: {  	v7 =	vld.idx.msk [tilespmem:v4+s18+$0x0], $0xffff;
	_ =	sdelay $0x3  }
0xf4: {  	[tilespmem:$0x1EFD0] =	vst v6;
	v6 =	vld.idx.msk [tilespmem:v2+s17+$0x0], $0xffff  }
0xf5: {  	[tilespmem:$0x1EFA0] =	vst v7;
	v7 =	vld.idx.msk [tilespmem:v4+s23+$0x0], $0xffff;
	_ =	sdelay $0x3  }
0xf6: {  	[tilespmem:$0x1F200] =	vst v6;
	v6 =	vld.idx.msk [tilespmem:v2+s22+$0x0], $0xffff  }
0xf7: {  	[tilespmem:$0x1EFB0] =	vst v7;
	v7 =	vld.idx.msk [tilespmem:v3+s17+$0x0], $0xffff;
	_ =	sdelay $0x3  }
0xf8: {  	[tilespmem:$0x1F210] =	vst v6;
	v6 =	vld.idx.msk [tilespmem:v0+s15+$0x0], $0xffff  }
0xf9: {  	[tilespmem:$0x1F1B0] =	vst v7;
	v7 =	vld.idx.msk [tilespmem:v3+s22+$0x0], $0xffff;
	_ =	sdelay $0x3  }
0xfa: {  	[tilespmem:$0x1F220] =	vst v6;
	v6 =	vor.u32 v11, v5  }
0xfb: {  	[tilespmem:$0x1F1C0] =	vst v7;
	v7 =	vld.idx.msk [tilespmem:v1+s15+$0x0], $0xffff;
	_ =	sdelay $0x3  }
0xfc: {  	v8 =	vld.idx.msk [tilespmem:v6+s18+$0x0], $0xffff  }
0xfd: {  	[tilespmem:$0x1F1D0] =	vst v7;
	v7 =	vor.u32 v21, v5;
	_ =	sdelay $0x3  }
0xfe: {  	[tilespmem:$0x1EFE0] =	vst v8;
	v8 =	vld.idx.msk [tilespmem:v6+s23+$0x0], $0xffff  }
0xff: {  	v9 =	vld.idx.msk [tilespmem:v7+s18+$0x0], $0xffff;
	_ =	sdelay $0x3  }
0x100: {  	[tilespmem:$0x1EFF0] =	vst v8;
	v8 =	vld.idx.msk [tilespmem:v4+s17+$0x0], $0xffff  }
0x101: {  	[tilespmem:$0x1F020] =	vst v9;
	v9 =	vld.idx.msk [tilespmem:v7+s23+$0x0], $0xffff;
	_ =	sdelay $0x3  }
0x102: {  	[tilespmem:$0x1F160] =	vst v8;
	v8 =	vld.idx.msk [tilespmem:v4+s22+$0x0], $0xffff  }
0x103: {  	[tilespmem:$0x1F030] =	vst v9;
	v9 =	vld.idx.msk [tilespmem:v6+s17+$0x0], $0xffff;
	_ =	sdelay $0x3  }
0x104: {  	[tilespmem:$0x1F170] =	vst v8;
	v8 =	vld.idx.msk [tilespmem:v2+s15+$0x0], $0xffff  }
0x105: {  	[tilespmem:$0x1F110] =	vst v9;
	v9 =	vld.idx.msk [tilespmem:v6+s22+$0x0], $0xffff;
	_ =	sdelay $0x3  }
0x106: {  	[tilespmem:$0x1F180] =	vst v8  }
0x107: {  	v8 =	vor.u32 v20, v5;
	[tilespmem:$0x1F120] =	vst v9;
	v9 =	vld.idx.msk [tilespmem:v3+s15+$0x0], $0xffff;
	_ =	sdelay $0x4  }
0x108: {  	[tilespmem:$0x1F130] =	vst v9;
	v9 =	vor.u32 v18, v5;
	v18 =	vld.idx.msk [tilespmem:v8+s18+$0x0], $0xffff;
	_ =	sdelay $0x4  }
0x109: {  	[tilespmem:$0x1F000] =	vst v18;
	v18 =	vld.idx.msk [tilespmem:v8+s23+$0x0], $0xffff;
	_ =	sdelay $0x4  }
0x10a: {  	[tilespmem:$0x1F010] =	vst v18;
	v18 =	vld.idx.msk [tilespmem:v7+s17+$0x0], $0xffff;
	_ =	sdelay $0x4  }
0x10b: {  	[tilespmem:$0x1F0C0] =	vst v18;
	v18 =	vld.idx.msk [tilespmem:v7+s22+$0x0], $0xffff;
	_ =	sdelay $0x4  }
0x10c: {  	[tilespmem:$0x1F0D0] =	vst v18;
	v18 =	vld.idx.msk [tilespmem:v4+s15+$0x0], $0xffff;
	_ =	sdelay $0x4  }
0x10d: {  	[tilespmem:$0x1F0E0] =	vst v18;
	v18 =	vld.idx.msk [tilespmem:v9+s18+$0x0], $0xffff;
	_ =	sdelay $0x4  }
0x10e: {  	[tilespmem:$0x1F050] =	vst v18;
	v18 =	vld.idx.msk [tilespmem:v9+s23+$0x0], $0xffff  }
0x10f: {  	v60 =	vld.idx.msk [tilespmem:v7+s15+$0x0], $0xffff  }
0x110: {  	v59 =	vld.idx.msk [tilespmem:v7+s19+$0x0], $0xffff  }
0x111: {  	v7 =	vld.idx.msk [tilespmem:v7+s16+$0x0], $0xffff;
	_ =	sdelay $0x1  }
0x112: {  	[tilespmem:$0x1F060] =	vst v18;
	v18 =	vld.idx.msk [tilespmem:v8+s17+$0x0], $0xffff;
	_ =	sdelay $0x2  }
0x113: {  	[tilespmem:$0x1F0B0] =	vst v7;
	v7 =	vld.idx.msk [tilespmem:v4+s19+$0x0], $0xffff  }
0x114: {  	v4 =	vld.idx.msk [tilespmem:v4+s16+$0x0], $0xffff  }
0x115: {  	[tilespmem:$0x1F080] =	vst v18;
	v18 =	vld.idx.msk [tilespmem:v8+s22+$0x0], $0xffff;
	_ =	sdelay $0x2  }
0x116: {  	v61 =	vld.idx.msk [tilespmem:v6+s19+$0x0], $0xffff  }
0x117: {  	[tilespmem:$0x1F150] =	vst v4;
	v4 =	vld.idx.msk [tilespmem:v2+s19+$0x0], $0xffff  }
0x118: {  	[tilespmem:$0x1F090] =	vst v18;
	v18 =	vld.idx.msk [tilespmem:v6+s15+$0x0], $0xffff  }
0x119: {  	v6 =	vld.idx.msk [tilespmem:v6+s16+$0x0], $0xffff;
	_ =	sdelay $0x2  }
0x11a: {  	[tilespmem:$0x1F190] =	vst v4;
	v4 =	vld.idx.msk [tilespmem:v1+s19+$0x0], $0xffff  }
0x11b: {  	v1 =	vld.idx.msk [tilespmem:v1+s16+$0x0], $0xffff  }
0x11c: {  	[tilespmem:$0x1F100] =	vst v6;
	v6 =	vld.idx.msk [tilespmem:v3+s19+$0x0], $0xffff  }
0x11d: {  	v3 =	vld.idx.msk [tilespmem:v3+s16+$0x0], $0xffff;
	_ =	sdelay $0x3  }
0x11e: {  	[tilespmem:$0x1F240] =	vst v1  }
0x11f: {  	v1 =	vld.idx.msk [tilespmem:v0+s19+$0x0], $0xffff;
	[tilespmem:$0x1F1A0] =	vst v3;
	v3 =	vor.u32 v28, v5;
	_ =	sdelay $0x4  }
0x120: {  	[tilespmem:$0x1F230] =	vst v1;
	v1 =	vld.idx.msk [tilespmem:v3+s17+$0x0], $0xffff;
	_ =	sdelay $0x4  }
0x121: {  	[tilespmem:$0x1F2F0] =	vst v1;
	v1 =	vld.idx.msk [tilespmem:v3+s22+$0x0], $0xffff;
	_ =	sdelay $0x4  }
0x122: {  	[tilespmem:$0x1F300] =	vst v1;
	v1 =	vld.idx.msk [tilespmem:v3+s15+$0x0], $0xffff;
	_ =	sdelay $0x3  }
0x123: {  	v0 =	vld.idx.msk [tilespmem:v0+s16+$0x0], $0xffff  }
0x124: {  	[tilespmem:$0x1F270] =	vst v1;
	v1 =	vld.idx.msk [tilespmem:v3+s19+$0x0], $0xffff;
	_ =	sdelay $0x3  }
0x125: {  	[tilespmem:$0x1F290] =	vst v0  }
0x126: {  	v0 =	vor.u32 v29, v5;
	[tilespmem:$0x1F280] =	vst v1;
	v1 =	vld.idx.msk [tilespmem:v3+s16+$0x0], $0xffff;
	_ =	sdelay $0x4  }
0x127: {  	[tilespmem:$0x1F2E0] =	vst v1;
	v1 =	vld.idx.msk [tilespmem:v0+s17+$0x0], $0xffff;
	_ =	sdelay $0x4  }
0x128: {  	[tilespmem:$0x1F340] =	vst v1;
	v1 =	vld.idx.msk [tilespmem:v0+s22+$0x0], $0xffff;
	_ =	sdelay $0x3  }
0x129: {  	v2 =	vld.idx.msk [tilespmem:v2+s16+$0x0], $0xffff  }
0x12a: {  	[tilespmem:$0x1F350] =	vst v1;
	v1 =	vld.idx.msk [tilespmem:v0+s15+$0x0], $0xffff;
	_ =	sdelay $0x3  }
0x12b: {  	[tilespmem:$0x1F1F0] =	vst v2  }
0x12c: {  	v2 =	vor.u32 v30, v5;
	[tilespmem:$0x1F2C0] =	vst v1;
	v1 =	vld.idx.msk [tilespmem:v0+s19+$0x0], $0xffff;
	_ =	sdelay $0x4  }
0x12d: {  	[tilespmem:$0x1F2D0] =	vst v1;
	v1 =	vld.idx.msk [tilespmem:v2+s17+$0x0], $0xffff;
	_ =	sdelay $0x4  }
0x12e: {  	[tilespmem:$0x1F390] =	vst v1;
	v1 =	vld.idx.msk [tilespmem:v2+s22+$0x0], $0xffff;
	_ =	sdelay $0x4  }
0x12f: {  	[tilespmem:$0x1F3A0] =	vst v1;
	v1 =	vld.idx.msk [tilespmem:v2+s15+$0x0], $0xffff;
	_ =	sdelay $0x1  }
0x130: {  	v48 =	vld.idx.msk [tilespmem:v0+s18+$0x0], $0xffff  }
0x131: {  	v46 =	vld.idx.msk [tilespmem:v0+s23+$0x0], $0xffff  }
0x132: {  	v0 =	vld.idx.msk [tilespmem:v0+s16+$0x0], $0xffff  }
0x133: {  	[tilespmem:$0x1F310] =	vst v1;
	v1 =	vld.idx.msk [tilespmem:v2+s19+$0x0], $0xffff;
	_ =	sdelay $0x3  }
0x134: {  	[tilespmem:$0x1F330] =	vst v0  }
0x135: {  	v0 =	vor.u32 v31, v5;
	[tilespmem:$0x1F320] =	vst v1;
	v1 =	vld.idx.msk [tilespmem:v2+s16+$0x0], $0xffff;
	_ =	sdelay $0x4  }
0x136: {  	[tilespmem:$0x1F380] =	vst v1;
	v1 =	vld.idx.msk [tilespmem:v0+s17+$0x0], $0xffff;
	_ =	sdelay $0x4  }
0x137: {  	[tilespmem:$0x1F3E0] =	vst v1;
	v1 =	vld.idx.msk [tilespmem:v0+s22+$0x0], $0xffff;
	_ =	sdelay $0x4  }
0x138: {  	[tilespmem:$0x1F3F0] =	vst v1;
	v1 =	vld.idx.msk [tilespmem:v0+s15+$0x0], $0xffff;
	_ =	sdelay $0x2  }
0x139: {  	v44 =	vld.idx.msk [tilespmem:v2+s18+$0x0], $0xffff  }
0x13a: {  	v43 =	vld.idx.msk [tilespmem:v2+s23+$0x0], $0xffff  }
0x13b: {  	v2 =	vor.u32 v32, v5;
	[tilespmem:$0x1F360] =	vst v1;
	v1 =	vld.idx.msk [tilespmem:v0+s19+$0x0], $0xffff;
	_ =	sdelay $0x4  }
0x13c: {  	[tilespmem:$0x1F370] =	vst v1;
	v1 =	vld.idx.msk [tilespmem:v2+s17+$0x0], $0xffff;
	_ =	sdelay $0x4  }
0x13d: {  	[tilespmem:$0x1F430] =	vst v1;
	v1 =	vld.idx.msk [tilespmem:v2+s22+$0x0], $0xffff;
	_ =	sdelay $0x4  }
0x13e: {  	[tilespmem:$0x1F440] =	vst v1;
	v1 =	vld.idx.msk [tilespmem:v2+s15+$0x0], $0xffff;
	_ =	sdelay $0x1  }
0x13f: {  	v42 =	vld.idx.msk [tilespmem:v0+s18+$0x0], $0xffff  }
0x140: {  	v40 =	vld.idx.msk [tilespmem:v0+s23+$0x0], $0xffff  }
0x141: {  	v0 =	vld.idx.msk [tilespmem:v0+s16+$0x0], $0xffff  }
0x142: {  	[tilespmem:$0x1F3B0] =	vst v1;
	v1 =	vld.idx.msk [tilespmem:v2+s19+$0x0], $0xffff;
	_ =	sdelay $0x3  }
0x143: {  	[tilespmem:$0x1F3D0] =	vst v0  }
0x144: {  	v0 =	vor.u32 v33, v5;
	[tilespmem:$0x1F3C0] =	vst v1;
	v1 =	vld.idx.msk [tilespmem:v2+s16+$0x0], $0xffff;
	_ =	sdelay $0x4  }
0x145: {  	[tilespmem:$0x1F420] =	vst v1;
	v1 =	vld.idx.msk [tilespmem:v0+s17+$0x0], $0xffff;
	_ =	sdelay $0x4  }
0x146: {  	[tilespmem:$0x1F480] =	vst v1;
	v1 =	vld.idx.msk [tilespmem:v0+s22+$0x0], $0xffff;
	_ =	sdelay $0x4  }
0x147: {  	[tilespmem:$0x1F490] =	vst v1;
	v1 =	vld.idx.msk [tilespmem:v0+s15+$0x0], $0xffff  }
0x148: {  	v39 =	vld.idx.msk [tilespmem:v2+s18+$0x0], $0xffff  }
0x149: {  	v38 =	vld.idx.msk [tilespmem:v2+s23+$0x0], $0xffff  }
0x14a: {  	v37 =	vld.idx.msk [tilespmem:v0+s18+$0x0], $0xffff  }
0x14b: {  	v34 =	vld.idx.msk [tilespmem:v0+s23+$0x0], $0xffff  }
0x14c: {  	[tilespmem:$0x1F400] =	vst v1;
	v1 =	vld.idx.msk [tilespmem:v0+s19+$0x0], $0xffff  }
0x14d: {  	v2 =	vor.u32 v36, v5;
	v0 =	vld.idx.msk [tilespmem:v0+s16+$0x0], $0xffff;
	_ =	sdelay $0x4  }
0x14e: {  	[tilespmem:$0x1F470] =	vst v0;
	v0 =	vld.idx.msk [tilespmem:v2+s17+$0x0], $0xffff;
	_ =	sdelay $0x4  }
0x14f: {  	[tilespmem:$0x1F4D0] =	vst v0;
	v0 =	vld.idx.msk [tilespmem:v2+s22+$0x0], $0xffff;
	_ =	sdelay $0x4  }
0x150: {  	[tilespmem:$0x1F4E0] =	vst v0;
	v0 =	vld.idx.msk [tilespmem:v2+s15+$0x0], $0xffff;
	_ =	sdelay $0x3  }
0x151: {  	[tilespmem:$0x1F0A0] =	vst v18;
	v18 =	vld.idx.msk [tilespmem:v9+s17+$0x0], $0xffff  }
0x152: {  	[tilespmem:$0x1F450] =	vst v0;
	v0 =	vld.idx.msk [tilespmem:v2+s19+$0x0], $0xffff;
	_ =	sdelay $0x1  }
0x153: {  	v56 =	vld.idx.msk [tilespmem:v8+s15+$0x0], $0xffff  }
0x154: {  	v55 =	vld.idx.msk [tilespmem:v8+s19+$0x0], $0xffff  }
0x155: {  	[tilespmem:$0x1F040] =	vst v18;
	v18 =	vld.idx.msk [tilespmem:v8+s16+$0x0], $0xffff  }
0x156: {  	v8 =	vor.u32 v41, v5;
	[tilespmem:$0x1F460] =	vst v0;
	v0 =	vld.idx.msk [tilespmem:v2+s16+$0x0], $0xffff;
	_ =	sdelay $0x4  }
0x157: {  	[tilespmem:$0x1F4C0] =	vst v0;
	v0 =	vld.idx.msk [tilespmem:v8+s17+$0x0], $0xffff;
	_ =	sdelay $0x4  }
0x158: {  	[tilespmem:$0x1F500] =	vst v0;
	v0 =	vld.idx.msk [tilespmem:v8+s22+$0x0], $0xffff;
	_ =	sdelay $0x4  }
0x159: {  	[tilespmem:$0x1F510] =	vst v0;
	v0 =	vld.idx.msk [tilespmem:v8+s15+$0x0], $0xffff;
	_ =	sdelay $0x4  }
0x15a: {  	[tilespmem:$0x1F4A0] =	vst v0;
	v0 =	vld.idx.msk [tilespmem:v8+s19+$0x0], $0xffff;
	_ =	sdelay $0x4  }
0x15b: {  	[tilespmem:$0x1F4B0] =	vst v0;
	v0 =	vld.idx.msk [tilespmem:v8+s16+$0x0], $0xffff;
	_ =	sdelay $0x4  }
0x15c: {  	[tilespmem:$0x1F4F0] =	vst v0;
	v0 =	vld [tilespmem:$0x1FE20];
	_ =	sdelay $0x1  }
0x15d: {  	[tilespmem:$0x1F1E0] =	vst v4;
	v4 =	vld [tilespmem:$0x1FE00]  }
0x15e: {  	v50 =	vld.idx.msk [tilespmem:v3+s18+$0x0], $0xffff  }
0x15f: {  	v49 =	vld.idx.msk [tilespmem:v3+s23+$0x0], $0xffff  }
0x160: {  	v3 =	vor.u32 v0, v5;
	v0 =	vld [tilespmem:$0x1FE10];
	_ =	sdelay $0x3  }
0x161: {  	v35 =	vor.u32 v45, v5  }
0x162: {  	[tilespmem:$0x1F410] =	vst v1;
	v1 =	vor.u32 v0, v5;
	v0 =	vor.u32 v4, v5;
	_ =	sdelay $0x1  }
0x163: {  	v29 =	vor.u32 v10, v5;
	_ =	sdelay $0x1  }
0x164: {  	v25 =	vld.idx.msk [tilespmem:v35+s23+$0x0], $0xffff;
	v28 =	vor.u32 v14, v5  }
0x165: {  	v31 =	vor.u32 v62, v5;
	v62 =	vld.idx.msk [tilespmem:v0+s17+$0x0], $0xffff  }
0x166: {  	v30 =	vld.idx.msk [tilespmem:v35+s18+$0x0], $0xffff  }
0x167: {  	v26 =	vld.idx.msk [tilespmem:v29+s18+$0x0], $0xffff  }
0x168: {  	v24 =	vld.idx.msk [tilespmem:v29+s23+$0x0], $0xffff  }
0x169: {  	v22 =	vld.idx.msk [tilespmem:v28+s18+$0x0], $0xffff  }
0x16a: {  	[tilespmem:$0x1F530] =	vst v62;
	v62 =	vld.idx.msk [tilespmem:v0+s22+$0x0], $0xffff  }
0x16b: {  	v20 =	vld.idx.msk [tilespmem:v28+s23+$0x0], $0xffff  }
0x16c: {  	v32 =	vor.u32 v12, v5;
	v12 =	vld.idx.msk [tilespmem:v0+s18+$0x0], $0xffff  }
0x16d: {  	v10 =	vld.idx.msk [tilespmem:v0+s23+$0x0], $0xffff  }
0x16e: {  	v25 =	vmul.f32 v25, v30;
	v30 =	vld.idx.msk [tilespmem:v0+s19+$0x0], $0xffff  }
0x16f: {  	[tilespmem:$0x1F540] =	vst v62;
	v62 =	vld.idx.msk [tilespmem:v0+s15+$0x0], $0xffff  }
0x170: {  	v27 =	vor.u32 v15, v5;
	v0 =	vld.idx.msk [tilespmem:v0+s16+$0x0], $0xffff  }
0x171: {  	v41 =	vld.idx.msk [tilespmem:v8+s23+$0x0], $0xffff  }
0x172: {  	v36 =	vld.idx.msk [tilespmem:v8+s18+$0x0], $0xffff;
	v8 =	vor.u32 v17, v5;
	_ =	sdelay $0x2  }
0x173: {  	v23 =	vld.idx.msk [tilespmem:v27+s18+$0x0], $0xffff;
	[tilespmem:$0x1F520] =	vst v0;
	v0 =	vmul.f32 v20, v22  }
0x174: {  	v21 =	vld.idx.msk [tilespmem:v27+s23+$0x0], $0xffff;
	[tilespmem:$0x1F070] =	vst v18  }
0x175: {  	v18 =	vld.idx.msk [tilespmem:v8+s18+$0x0], $0xffff;
	[tilespmem:$0x1F610] =	vst v0;
	v0 =	vmul.f32 v24, v26  }
0x176: {  	[tilespmem:$0x1F140] =	vst v6;
	v6 =	vor.u32 v16, v5;
	v16 =	vld.idx.msk [tilespmem:v8+s23+$0x0], $0xffff  }
0x177: {  	[tilespmem:$0x1F620] =	vst v0;
	v0 =	vld.idx.msk [tilespmem:v1+s17+$0x0], $0xffff  }
0x178: {  	v63 =	vld.idx.msk [tilespmem:v9+s22+$0x0], $0xffff  }
0x179: {  	v57 =	vld.idx.msk [tilespmem:v9+s16+$0x0], $0xffff  }
0x17a: {  	v53 =	vld.idx.msk [tilespmem:v9+s19+$0x0], $0xffff  }
0x17b: {  	v52 =	vld.idx.msk [tilespmem:v9+s15+$0x0], $0xffff  }
0x17c: {  	v47 =	vld.idx.msk [tilespmem:v2+s18+$0x0], $0xffff;
	[tilespmem:$0x1F550] =	vst v0;
	v0 =	vmul.f32 v16, v18  }
0x17d: {  	v33 =	vld.idx.msk [tilespmem:v2+s23+$0x0], $0xffff  }
0x17e: {  	v2 =	vor.u32 v13, v5;
	v13 =	vld.idx.msk [tilespmem:v3+s18+$0x0], $0xffff;
	[tilespmem:$0x1F5F0] =	vst v0;
	v0 =	vmul.f32 v21, v23  }
0x17f: {  	v11 =	vld.idx.msk [tilespmem:v3+s23+$0x0], $0xffff  }
0x180: {  	[tilespmem:$0x1F600] =	vst v0;
	v0 =	vld.idx.msk [tilespmem:v1+s22+$0x0], $0xffff  }
0x181: {  	v19 =	vld.idx.msk [tilespmem:v6+s18+$0x0], $0xffff  }
0x182: {  	v17 =	vld.idx.msk [tilespmem:v6+s23+$0x0], $0xffff  }
0x183: {  	v9 =	vld.idx.msk [tilespmem:v1+s18+$0x0], $0xffff  }
0x184: {  	[tilespmem:$0x1F0F0] =	vst v7;
	v7 =	vld.idx.msk [tilespmem:v1+s23+$0x0], $0xffff  }
0x185: {  	v15 =	vld.idx.msk [tilespmem:v2+s18+$0x0], $0xffff;
	[tilespmem:$0x1F560] =	vst v0;
	v0 =	vmul.f32 v11, v13  }
0x186: {  	v14 =	vld.idx.msk [tilespmem:v2+s23+$0x0], $0xffff  }
0x187: {  	[tilespmem:$0x1F5C0] =	vst v0;
	v0 =	vmul.f32 v17, v19;
	_ =	sdelay $0x1  }
0x188: {  	[tilespmem:$0x1F5E0] =	vst v0;
	v0 =	vmul.f32 v7, v9;
	_ =	sdelay $0x1  }
0x189: {  	[tilespmem:$0x1F5A0] =	vst v0;
	v0 =	vmul.f32 v14, v15;
	_ =	sdelay $0x1  }
0x18a: {  	v54 =	vld.idx.msk [tilespmem:v31+s18+$0x0], $0xffff;
	[tilespmem:$0x1F5B0] =	vst v0;
	v0 =	vmul.f32 v10, v12  }
0x18b: {  	v58 =	vld.idx.msk [tilespmem:v31+s23+$0x0], $0xffff  }
0x18c: {  	[tilespmem:$0x1F570] =	vst v0;
	v0 =	vld.idx.msk [tilespmem:v2+s17+$0x0], $0xffff  }
0x18d: {  	v45 =	vld.idx.msk [tilespmem:v32+s18+$0x0], $0xffff  }
0x18e: {  	v51 =	vld.idx.msk [tilespmem:v32+s23+$0x0], $0xffff;
	_ =	sdelay $0x1  }
0x18f: {  	[tilespmem:$0x1F650] =	vst v25  }
0x190: {  	v25 =	vmul.f32 v58, v54;
	[tilespmem:$0x1F580] =	vst v0;
	v0 =	vld.idx.msk [tilespmem:v2+s22+$0x0], $0xffff  }
0x191: {  	v58 =	vmul.f32 v41, v36;
	v41 =	vld.idx.msk [tilespmem:v1+s16+$0x0], $0xffff  }
0x192: {  	[tilespmem:$0x1F630] =	vst v25;
	v25 =	vmul.f32 v51, v45;
	v24 =	vld.idx.msk [tilespmem:v1+s15+$0x0], $0xffff  }
0x193: {  	v16 =	vld.idx.msk [tilespmem:v2+s15+$0x0], $0xffff  }
0x194: {  	[tilespmem:$0x1F640] =	vst v25;
	v19 =	vld.idx.msk [tilespmem:v1+s19+$0x0], $0xffff  }
0x195: {  	[tilespmem:$0x1F590] =	vst v0;
	v0 =	vld [tilespmem:$0x1EF40]  }
0x196: {  	v1 =	vld [tilespmem:$0x1EF50];
	_ =	sdelay $0x2  }
0x197: {  	v17 =	vld.idx.msk [tilespmem:v2+s19+$0x0], $0xffff  }
0x198: {  	v7 =	vld [tilespmem:$0x1EF70]  }
0x199: {  	v0 =	vmul.f32 v1, v0;
	v1 =	vld [tilespmem:$0x1EF60]  }
0x19a: {  	v9 =	vld [tilespmem:$0x1EF90]  }
0x19b: {  	v25 =	vld.idx.msk [tilespmem:v2+s16+$0x0], $0xffff  }
0x19c: {  	v2 =	vld [tilespmem:$0x1EFA0]  }
0x19d: {  	v4 =	vld [tilespmem:$0x1EFB0]  }
0x19e: {  	v1 =	vmul.f32 v7, v1;
	v7 =	vld [tilespmem:$0x1EF80];
	_ =	sdelay $0x3  }
0x19f: {  	v15 =	vmul.f32 v4, v2;
	v2 =	vld [tilespmem:$0x1EFC0]  }
0x1a0: {  	v26 =	vmul.f32 v9, v7;
	v7 =	vld [tilespmem:$0x1EFD0];
	_ =	sdelay $0x3  }
0x1a1: {  	v4 =	vld [tilespmem:$0x1EFE0]  }
0x1a2: {  	v12 =	vmul.f32 v40, v42;
	v40 =	vmul.f32 v7, v2;
	v7 =	vld [tilespmem:$0x1EFF0];
	_ =	sdelay $0x3  }
0x1a3: {  	v20 =	vmul.f32 v33, v47  }
0x1a4: {  	v33 =	vmul.f32 v46, v48;
	v48 =	vmul.f32 v7, v4;
	v4 =	vld [tilespmem:$0x1F000]  }
0x1a5: {  	v7 =	vld [tilespmem:$0x1F010];
	_ =	sdelay $0x4  }
0x1a6: {  	v9 =	vmul.f32 v7, v4;
	v4 =	vld [tilespmem:$0x1F020]  }
0x1a7: {  	v7 =	vld [tilespmem:$0x1F030];
	_ =	sdelay $0x4  }
0x1a8: {  	v13 =	vmul.f32 v7, v4;
	v4 =	vld [tilespmem:$0x1F040]  }
0x1a9: {  	v54 =	vld.idx.msk [tilespmem:v3+s17+$0x0], $0xffff  }
0x1aa: {  	v36 =	vld.idx.msk [tilespmem:v3+s22+$0x0], $0xffff  }
0x1ab: {  	v14 =	vmul.f32 v34, v37;
	v34 =	vld.idx.msk [tilespmem:v3+s15+$0x0], $0xffff  }
0x1ac: {  	v7 =	vld [tilespmem:$0x1F060]  }
0x1ad: {  	v22 =	vmul.f32 v63, v4;
	v4 =	vld [tilespmem:$0x1F050]  }
0x1ae: {  	v42 =	vmul.f32 v43, v44;
	v44 =	vld.idx.msk [tilespmem:v3+s19+$0x0], $0xffff  }
0x1af: {  	v21 =	vld.idx.msk [tilespmem:v3+s16+$0x0], $0xffff  }
0x1b0: {  	v3 =	vld [tilespmem:$0x1F070]  }
0x1b1: {  	v2 =	vmul.f32 v53, v52  }
0x1b2: {  	v18 =	vmul.f32 v55, v56;
	v56 =	vmul.f32 v7, v4;
	v4 =	vld [tilespmem:$0x1F080]  }
0x1b3: {  	v2 =	vmul.f32 v57, v2;
	v7 =	vld [tilespmem:$0x1F090];
	_ =	sdelay $0x1  }
0x1b4: {  	v3 =	vmul.f32 v3, v18;
	v2 =	vadd.f32 $0.0e+00, v2  }
0x1b5: {  	v23 =	vld [tilespmem:$0x1F0D0]  }
0x1b6: {  	v2 =	vadd.f32 v3, v2;
	v3 =	vld [tilespmem:$0x1F0B0]  }
0x1b7: {  	v57 =	vmul.f32 v59, v60;
	v59 =	vmul.f32 v7, v4;
	v4 =	vld [tilespmem:$0x1F0A0]  }
0x1b8: {  	v7 =	vld [tilespmem:$0x1F0C0];
	_ =	sdelay $0x1  }
0x1b9: {  	v47 =	vld.idx.msk [tilespmem:v6+s17+$0x0], $0xffff  }
0x1ba: {  	v43 =	vld.idx.msk [tilespmem:v6+s15+$0x0], $0xffff  }
0x1bb: {  	v46 =	vld.idx.msk [tilespmem:v6+s19+$0x0], $0xffff;
	v3 =	vmul.f32 v3, v57  }
0x1bc: {  	v60 =	vmul.f32 v61, v4;
	v61 =	vmul.f32 v23, v7;
	v7 =	vld [tilespmem:$0x1F0E0]  }
0x1bd: {  	v4 =	vld [tilespmem:$0x1F0F0]  }
0x1be: {  	v2 =	vadd.f32 v3, v2;
	v3 =	vld [tilespmem:$0x1F100]  }
0x1bf: {  	v10 =	vmul.f32 v38, v39;
	v38 =	vld.idx.msk [tilespmem:v6+s16+$0x0], $0xffff  }
0x1c0: {  	v18 =	vld.idx.msk [tilespmem:v6+s22+$0x0], $0xffff  }
0x1c1: {  	v6 =	vld.idx.msk [tilespmem:v8+s17+$0x0], $0xffff;
	v37 =	vadd.f32 $0.0e+00, v56  }
0x1c2: {  	v63 =	vmul.f32 v4, v7;
	v7 =	vld [tilespmem:$0x1F110]  }
0x1c3: {  	v3 =	vmul.f32 v3, v60;
	v4 =	vadd.f32 v9, v37;
	v9 =	vld [tilespmem:$0x1F120];
	_ =	sdelay $0x1  }
0x1c4: {  	v2 =	vadd.f32 v3, v2;
	v3 =	vld [tilespmem:$0x1F150];
	_ =	sdelay $0x1  }
0x1c5: {  	[tilespmem:$0x1F5D0] =	vst v6;
	v6 =	vld [tilespmem:$0x1F140]  }
0x1c6: {  	v55 =	vmul.f32 v9, v7;
	v7 =	vld [tilespmem:$0x1F130];
	_ =	sdelay $0x1  }
0x1c7: {  	v3 =	vmul.f32 v3, v63  }
0x1c8: {  	v60 =	vld [tilespmem:$0x1F170]  }
0x1c9: {  	v3 =	vadd.f32 v3, v2;
	v2 =	vld [tilespmem:$0x1F1A0]  }
0x1ca: {  	v56 =	vmul.f32 v6, v7;
	v7 =	vld [tilespmem:$0x1F160]  }
0x1cb: {  	v22 =	vadd.f32 $0.0e+00, v22;
	v37 =	vld [tilespmem:$0x1FE40]  }
0x1cc: {  	v63 =	vld [tilespmem:$0x1F190]  }
0x1cd: {  	v11 =	vmul.f32 v49, v50;
	v49 =	vadd.f32 v59, v22;
	v6 =	vld [tilespmem:$0x1F1C0]  }
0x1ce: {  	v56 =	vmul.f32 v2, v56;
	v2 =	vld [tilespmem:$0x1F1B0]  }
0x1cf: {  	v49 =	vadd.f32 v61, v49;
	v61 =	vmul.f32 v60, v7;
	v7 =	vld [tilespmem:$0x1F180];
	_ =	sdelay $0x3  }
0x1d0: {  	v6 =	vmul.f32 v6, v2;
	v2 =	vld [tilespmem:$0x1F1D0]  }
0x1d1: {  	v9 =	vor.u32 v37, v5;
	v39 =	vmul.f32 v63, v7;
	v7 =	vld [tilespmem:$0x1F1E0];
	_ =	sdelay $0x4  }
0x1d2: {  	v45 =	vmul.f32 v7, v2;
	v2 =	vld.idx.msk [tilespmem:v9+s18+$0x0], $0xffff;
	_ =	sdelay $0x4  }
0x1d3: {  	[tilespmem:$0x1F670] =	vst v2;
	v2 =	vld [tilespmem:$0x1F1F0];
	_ =	sdelay $0x4  }
0x1d4: {  	v53 =	vmul.f32 v2, v39;
	v2 =	vld.idx.msk [tilespmem:v9+s23+$0x0], $0xffff;
	_ =	sdelay $0x3  }
0x1d5: {  	v51 =	vadd.f32 v56, v3;
	v3 =	vld [tilespmem:$0x1F210]  }
0x1d6: {  	[tilespmem:$0x1F680] =	vst v2;
	v2 =	vld [tilespmem:$0x1F200]  }
0x1d7: {  	v23 =	vld [tilespmem:$0x1FE30];
	_ =	sdelay $0x3  }
0x1d8: {  	v59 =	vmul.f32 v3, v2;
	v2 =	vld [tilespmem:$0x1F220]  }
0x1d9: {  	v4 =	vadd.f32 v13, v4;
	v13 =	vor.u32 v23, v5;
	v3 =	vld [tilespmem:$0x1F230];
	_ =	sdelay $0x4  }
0x1da: {  	v60 =	vmul.f32 v3, v2;
	v2 =	vld.idx.msk [tilespmem:v13+s18+$0x0], $0xffff;
	_ =	sdelay $0x4  }
0x1db: {  	[tilespmem:$0x1F660] =	vst v2;
	v2 =	vld [tilespmem:$0x1F240];
	_ =	sdelay $0x3  }
0x1dc: {  	v3 =	vld [tilespmem:$0x1F260]  }
0x1dd: {  	v4 =	vadd.f32 v48, v4;
	v48 =	vmul.f32 v2, v45;
	v2 =	vld [tilespmem:$0x1F250];
	_ =	sdelay $0x2  }
0x1de: {  	v4 =	vadd.f32 v15, v4;
	_ =	sdelay $0x1  }
0x1df: {  	v4 =	vadd.f32 v40, v4;
	v40 =	vmul.f32 v3, v2;
	v2 =	vld [tilespmem:$0x1F270]  }
0x1e0: {  	v3 =	vld [tilespmem:$0x1F280];
	_ =	sdelay $0x4  }
0x1e1: {  	v45 =	vmul.f32 v3, v2;
	v2 =	vld [tilespmem:$0x1F290];
	_ =	sdelay $0x4  }
0x1e2: {  	v39 =	vmul.f32 v2, v60;
	v60 =	vadd.f32 v1, v4;
	v1 =	vld [tilespmem:$0x1F2A0]  }
0x1e3: {  	v2 =	vld [tilespmem:$0x1F2B0];
	_ =	sdelay $0x2  }
0x1e4: {  	v55 =	vadd.f32 v55, v49;
	_ =	sdelay $0x1  }
0x1e5: {  	v52 =	vadd.f32 v61, v55;
	v61 =	vmul.f32 v2, v1;
	v1 =	vld [tilespmem:$0x1F2C0]  }
0x1e6: {  	v2 =	vld [tilespmem:$0x1F2D0];
	_ =	sdelay $0x2  }
0x1e7: {  	v63 =	vadd.f32 v53, v51;
	_ =	sdelay $0x1  }
0x1e8: {  	v6 =	vadd.f32 v6, v52;
	v52 =	vadd.f32 v48, v63;
	v63 =	vmul.f32 v2, v1;
	v1 =	vld [tilespmem:$0x1F2E0];
	_ =	sdelay $0x2  }
0x1e9: {  	v6 =	vadd.f32 v59, v6  }
0x1ea: {  	v2 =	vld [tilespmem:$0x1F300]  }
0x1eb: {  	v6 =	vadd.f32 v40, v6;
	v40 =	vadd.f32 v39, v52;
	v52 =	vmul.f32 v1, v45;
	v1 =	vld [tilespmem:$0x1F2F0];
	_ =	sdelay $0x4  }
0x1ec: {  	v59 =	vmul.f32 v2, v1;
	v1 =	vld [tilespmem:$0x1F310]  }
0x1ed: {  	v2 =	vld [tilespmem:$0x1F320];
	_ =	sdelay $0x4  }
0x1ee: {  	v56 =	vadd.f32 v26, v60;
	v60 =	vmul.f32 v2, v1;
	v1 =	vld [tilespmem:$0x1F330];
	_ =	sdelay $0x3  }
0x1ef: {  	v2 =	vld [tilespmem:$0x1F350]  }
0x1f0: {  	v63 =	vmul.f32 v1, v63;
	v1 =	vld [tilespmem:$0x1F340];
	_ =	sdelay $0x4  }
0x1f1: {  	v0 =	vadd.f32 v0, v56;
	v56 =	vmul.f32 v2, v1;
	v1 =	vld [tilespmem:$0x1F360]  }
0x1f2: {  	v2 =	vld [tilespmem:$0x1F370];
	_ =	sdelay $0x4  }
0x1f3: {  	v1 =	vmul.f32 v2, v1;
	v2 =	vld [tilespmem:$0x1F380];
	_ =	sdelay $0x3  }
0x1f4: {  	v3 =	vld [tilespmem:$0x1F3A0]  }
0x1f5: {  	v60 =	vmul.f32 v2, v60;
	v2 =	vld [tilespmem:$0x1F390];
	_ =	sdelay $0x4  }
0x1f6: {  	v0 =	vadd.f32 v11, v0;
	v11 =	vmul.f32 v3, v2;
	v2 =	vld [tilespmem:$0x1F3B0]  }
0x1f7: {  	v3 =	vld [tilespmem:$0x1F3C0];
	_ =	sdelay $0x2  }
0x1f8: {  	v61 =	vadd.f32 v61, v6;
	v52 =	vadd.f32 v52, v40;
	_ =	sdelay $0x1  }
0x1f9: {  	v59 =	vadd.f32 v59, v61;
	v61 =	vadd.f32 v63, v52;
	v63 =	vmul.f32 v3, v2;
	v2 =	vld [tilespmem:$0x1F3D0];
	_ =	sdelay $0x3  }
0x1fa: {  	v3 =	vld [tilespmem:$0x1F3F0]  }
0x1fb: {  	v1 =	vmul.f32 v2, v1;
	v2 =	vld [tilespmem:$0x1F3E0];
	_ =	sdelay $0x4  }
0x1fc: {  	v0 =	vadd.f32 v33, v0;
	v33 =	vmul.f32 v3, v2;
	v2 =	vld [tilespmem:$0x1F400]  }
0x1fd: {  	v3 =	vld [tilespmem:$0x1F410];
	_ =	sdelay $0x4  }
0x1fe: {  	v56 =	vadd.f32 v56, v59;
	v59 =	vadd.f32 v60, v61;
	v61 =	vmul.f32 v3, v2;
	v2 =	vld [tilespmem:$0x1F420];
	_ =	sdelay $0x3  }
0x1ff: {  	v3 =	vld [tilespmem:$0x1F440]  }
0x200: {  	v11 =	vadd.f32 v11, v56;
	v56 =	vmul.f32 v2, v63;
	v2 =	vld [tilespmem:$0x1F430];
	_ =	sdelay $0x1  }
0x201: {  	v50 =	vld.idx.msk [tilespmem:v8+s15+$0x0], $0xffff  }
0x202: {  	v30 =	vmul.f32 v30, v62;
	v62 =	vld.idx.msk [tilespmem:v28+s17+$0x0], $0xffff  }
0x203: {  	v19 =	vmul.f32 v19, v24;
	v24 =	vld.idx.msk [tilespmem:v31+s15+$0x0], $0xffff  }
0x204: {  	v0 =	vadd.f32 v42, v0;
	v42 =	vmul.f32 v3, v2;
	v2 =	vld [tilespmem:$0x1F450]  }
0x205: {  	v3 =	vld [tilespmem:$0x1F460]  }
0x206: {  	v16 =	vmul.f32 v17, v16;
	v17 =	vld.idx.msk [tilespmem:v27+s22+$0x0], $0xffff  }
0x207: {  	v57 =	vld.idx.msk [tilespmem:v8+s19+$0x0], $0xffff  }
0x208: {  	v22 =	vld.idx.msk [tilespmem:v8+s22+$0x0], $0xffff  }
0x209: {  	v15 =	vld [tilespmem:$0x1FE50]  }
0x20a: {  	v63 =	vmul.f32 v3, v2;
	v2 =	vld [tilespmem:$0x1F470]  }
0x20b: {  	v49 =	vld.idx.msk [tilespmem:v8+s16+$0x0], $0xffff  }
0x20c: {  	v8 =	vld [tilespmem:$0x1F4D0];
	v11 =	vadd.f32 v33, v11  }
0x20d: {  	v0 =	vadd.f32 v12, v0;
	v12 =	vld [tilespmem:$0x1F490]  }
0x20e: {  	v11 =	vadd.f32 v42, v11;
	v42 =	vld [tilespmem:$0x1F4C0]  }
0x20f: {  	v1 =	vadd.f32 v1, v59;
	v33 =	vmul.f32 v2, v61;
	v2 =	vld [tilespmem:$0x1F480]  }
0x210: {  	v55 =	vld.idx.msk [tilespmem:v13+s23+$0x0], $0xffff  }
0x211: {  	v7 =	vld.idx.msk [tilespmem:v9+s15+$0x0], $0xffff;
	v1 =	vadd.f32 v56, v1  }
0x212: {  	v61 =	vld [tilespmem:$0x1F4B0]  }
0x213: {  	v1 =	vadd.f32 v33, v1;
	v33 =	vmul.f32 v42, v63;
	v63 =	vld [tilespmem:$0x1F4E0]  }
0x214: {  	v12 =	vmul.f32 v12, v2;
	v2 =	vld [tilespmem:$0x1F4A0]  }
0x215: {  	v51 =	vld.idx.msk [tilespmem:v13+s17+$0x0], $0xffff;
	v0 =	vadd.f32 v10, v0  }
0x216: {  	v11 =	vadd.f32 v12, v11;
	v12 =	vld [tilespmem:$0x1F4F0]  }
0x217: {  	v10 =	vld [tilespmem:$0x1F500];
	v0 =	vadd.f32 v14, v0  }
0x218: {  	v14 =	vld [tilespmem:$0x1F530];
	v8 =	vmul.f32 v63, v8  }
0x219: {  	v0 =	vadd.f32 v20, v0;
	v20 =	vld [tilespmem:$0x1F540];
	v61 =	vmul.f32 v61, v2  }
0x21a: {  	v8 =	vadd.f32 v8, v11;
	v11 =	vld [tilespmem:$0x1F520]  }
0x21b: {  	v12 =	vmul.f32 v12, v61;
	v61 =	vld [tilespmem:$0x1F510]  }
0x21c: {  	v48 =	vld.idx.msk [tilespmem:v13+s22+$0x0], $0xffff  }
0x21d: {  	v4 =	vld.idx.msk [tilespmem:v31+s17+$0x0], $0xffff  }
0x21e: {  	v26 =	vld.idx.msk [tilespmem:v27+s16+$0x0], $0xffff;
	v1 =	vadd.f32 v33, v1  }
0x21f: {  	v0 =	vadd.f32 v58, v0;
	v58 =	vld.idx.msk [tilespmem:v27+s15+$0x0], $0xffff;
	v14 =	vmul.f32 v20, v14  }
0x220: {  	v20 =	vld [tilespmem:$0x1F560];
	v1 =	vadd.f32 v12, v1;
	v11 =	vmul.f32 v11, v30;
	v10 =	vmul.f32 v61, v10  }
0x221: {  	v60 =	vld.idx.msk [tilespmem:v13+s15+$0x0], $0xffff  }
0x222: {  	v1 =	vadd.f32 v11, v1;
	v8 =	vadd.f32 v10, v8;
	v10 =	vmul.f32 v41, v19;
	v19 =	vld [tilespmem:$0x1F550]  }
0x223: {  	v56 =	vld.idx.msk [tilespmem:v29+s17+$0x0], $0xffff  }
0x224: {  	v30 =	vmul.f32 v44, v34;
	v1 =	vadd.f32 v10, v1;
	v10 =	vmul.f32 v25, v16;
	v16 =	vld [tilespmem:$0x1F570]  }
0x225: {  	v42 =	vld.idx.msk [tilespmem:v32+s15+$0x0], $0xffff  }
0x226: {  	v25 =	vmul.f32 v46, v43;
	v1 =	vadd.f32 v10, v1;
	v10 =	vmul.f32 v21, v30;
	v21 =	vld [tilespmem:$0x1F5A0]  }
0x227: {  	v19 =	vmul.f32 v20, v19;
	v20 =	vld [tilespmem:$0x1F590]  }
0x228: {  	v1 =	vadd.f32 v10, v1;
	v10 =	vmul.f32 v38, v25;
	v25 =	vld [tilespmem:$0x1F5B0]  }
0x229: {  	v0 =	vadd.f32 v16, v0;
	v16 =	vld [tilespmem:$0x1F580]  }
0x22a: {  	v33 =	vld.idx.msk [tilespmem:v28+s22+$0x0], $0xffff  }
0x22b: {  	v63 =	vld.idx.msk [tilespmem:v29+s19+$0x0], $0xffff;
	v0 =	vadd.f32 v21, v0  }
0x22c: {  	v2 =	vld.idx.msk [tilespmem:v29+s22+$0x0], $0xffff;
	v8 =	vadd.f32 v14, v8  }
0x22d: {  	v0 =	vadd.f32 v25, v0;
	v25 =	vld [tilespmem:$0x1F5C0]  }
0x22e: {  	v14 =	vld.idx.msk [tilespmem:v27+s19+$0x0], $0xffff;
	v8 =	vadd.f32 v19, v8;
	v16 =	vmul.f32 v20, v16  }
0x22f: {  	v12 =	vld.idx.msk [tilespmem:v27+s17+$0x0], $0xffff  }
0x230: {  	v11 =	vld.idx.msk [tilespmem:v29+s15+$0x0], $0xffff;
	v21 =	vmul.f32 v36, v54;
	v8 =	vadd.f32 v16, v8  }
0x231: {  	v61 =	vld.idx.msk [tilespmem:v28+s15+$0x0], $0xffff;
	v30 =	vmul.f32 v57, v50  }
0x232: {  	v18 =	vmul.f32 v18, v47;
	v8 =	vadd.f32 v21, v8;
	v0 =	vadd.f32 v25, v0;
	v25 =	vld [tilespmem:$0x1F5D0]  }
0x233: {  	v19 =	vld.idx.msk [tilespmem:v28+s19+$0x0], $0xffff;
	v14 =	vmul.f32 v14, v58;
	v1 =	vadd.f32 v10, v1;
	v10 =	vmul.f32 v49, v30  }
0x234: {  	v8 =	vadd.f32 v18, v8;
	v18 =	vld [tilespmem:$0x1F5E0]  }
0x235: {  	v1 =	vadd.f32 v10, v1;
	v10 =	vmul.f32 v26, v14;
	v14 =	vld.idx.msk [tilespmem:v31+s16+$0x0], $0xffff  }
0x236: {  	v16 =	vld.idx.msk [tilespmem:v28+s16+$0x0], $0xffff  }
0x237: {  	v20 =	vld.idx.msk [tilespmem:v31+s19+$0x0], $0xffff;
	v22 =	vmul.f32 v22, v25  }
0x238: {  	v12 =	vmul.f32 v17, v12;
	v21 =	vld.idx.msk [tilespmem:v29+s16+$0x0], $0xffff  }
0x239: {  	v19 =	vmul.f32 v19, v61;
	v0 =	vadd.f32 v18, v0;
	v8 =	vadd.f32 v22, v8;
	v18 =	vld [tilespmem:$0x1F5F0]  }
0x23a: {  	v11 =	vmul.f32 v63, v11;
	v25 =	vld.idx.msk [tilespmem:v32+s19+$0x0], $0xffff  }
0x23b: {  	v1 =	vadd.f32 v10, v1;
	v10 =	vmul.f32 v16, v19;
	v8 =	vadd.f32 v12, v8;
	v12 =	vld [tilespmem:$0x1F600]  }
0x23c: {  	v3 =	vld.idx.msk [tilespmem:v35+s15+$0x0], $0xffff  }
0x23d: {  	v16 =	vld.idx.msk [tilespmem:v32+s16+$0x0], $0xffff;
	v19 =	vmul.f32 v20, v24;
	v1 =	vadd.f32 v10, v1;
	v10 =	vmul.f32 v21, v11  }
0x23e: {  	v17 =	vld.idx.msk [tilespmem:v35+s19+$0x0], $0xffff;
	v0 =	vadd.f32 v18, v0;
	v18 =	vmul.f32 v33, v62  }
0x23f: {  	v2 =	vmul.f32 v2, v56;
	v20 =	vld.idx.msk [tilespmem:v13+s19+$0x0], $0xffff;
	v1 =	vadd.f32 v10, v1;
	v10 =	vmul.f32 v14, v19  }
0x240: {  	v14 =	vld [tilespmem:$0x1F610];
	v0 =	vadd.f32 v12, v0;
	v12 =	vmul.f32 v25, v42;
	v8 =	vadd.f32 v18, v8  }
0x241: {  	v11 =	vld.idx.msk [tilespmem:v35+s16+$0x0], $0xffff  }
0x242: {  	v2 =	vadd.f32 v2, v8;
	v8 =	vmul.f32 v16, v12;
	v12 =	vld [tilespmem:$0x1F620]  }
0x243: {  	v13 =	vld.idx.msk [tilespmem:v13+s16+$0x0], $0xffff  }
0x244: {  	v3 =	vmul.f32 v17, v3;
	v21 =	vld.idx.msk [tilespmem:v9+s19+$0x0], $0xffff  }
0x245: {  	v39 =	vld.idx.msk [tilespmem:v35+s17+$0x0], $0xffff;
	v1 =	vadd.f32 v10, v1;
	v0 =	vadd.f32 v14, v0  }
0x246: {  	v5 =	vor.u32 v15, v5;
	v10 =	vld.idx.msk [tilespmem:v9+s16+$0x0], $0xffff;
	v3 =	vmul.f32 v11, v3  }
0x247: {  	v1 =	vadd.f32 v8, v1;
	v8 =	vld [tilespmem:$0x1F630];
	v0 =	vadd.f32 v12, v0;
	v12 =	vmul.f32 v20, v60  }
0x248: {  	v6 =	vld.idx.msk [tilespmem:v32+s22+$0x0], $0xffff  }
0x249: {  	v7 =	vmul.f32 v21, v7;
	v1 =	vadd.f32 v3, v1;
	v3 =	vmul.f32 v13, v12;
	v12 =	vld [tilespmem:$0x1F640]  }
0x24a: {  	v59 =	vld.idx.msk [tilespmem:v31+s22+$0x0], $0xffff  }
0x24b: {  	v1 =	vadd.f32 v3, v1;
	v3 =	vmul.f32 v10, v7;
	v7 =	vld [tilespmem:$0x1F650]  }
0x24c: {  	v45 =	vld.idx.msk [tilespmem:v5+s15+$0x0], $0xffff;
	v0 =	vadd.f32 v8, v0  }
0x24d: {  	v40 =	vld.idx.msk [tilespmem:v35+s22+$0x0], $0xffff  }
0x24e: {  	v52 =	vld.idx.msk [tilespmem:v32+s17+$0x0], $0xffff;
	v0 =	vadd.f32 v12, v0  }
0x24f: {  	v4 =	vmul.f32 v59, v4;
	v14 =	vld.idx.msk [tilespmem:v5+s19+$0x0], $0xffff  }
0x250: {  	v0 =	vadd.f32 v7, v0;
	v7 =	vld [tilespmem:$0x1F660]  }
0x251: {  	v2 =	vadd.f32 v4, v2;
	v4 =	vld.idx.msk [tilespmem:v5+s16+$0x0], $0xffff  }
0x252: {  	v53 =	vld.idx.msk [tilespmem:v9+s17+$0x0], $0xffff  }
0x253: {  	v6 =	vmul.f32 v6, v52;
	v9 =	vld.idx.msk [tilespmem:v9+s22+$0x0], $0xffff  }
0x254: {  	v11 =	vld.idx.msk [tilespmem:v5+s17+$0x0], $0xffff;
	v13 =	vmul.f32 v14, v45  }
0x255: {  	v2 =	vadd.f32 v6, v2;
	v6 =	vld.idx.msk [tilespmem:v5+s22+$0x0], $0xffff;
	v7 =	vmul.f32 v55, v7  }
0x256: {  	v8 =	vmul.f32 v40, v39;
	v1 =	vadd.f32 v3, v1;
	v3 =	vmul.f32 v4, v13;
	v4 =	vld [tilespmem:$0x1F670]  }
0x257: {  	v0 =	vadd.f32 v7, v0;
	v7 =	vld [tilespmem:$0x1F680]  }
0x258: {  	v14 =	vld.idx.msk [tilespmem:v5+s18+$0x0], $0xffff;
	v2 =	vadd.f32 v8, v2;
	v12 =	vmul.f32 v48, v51  }
0x259: {  	v5 =	vld.idx.msk [tilespmem:v5+s23+$0x0], $0xffff  }
0x25a: {  	v8 =	vmul.f32 v9, v53;
	v2 =	vadd.f32 v12, v2  }
0x25b: {  	v1 =	vadd.f32 v3, v1  }
0x25c: {  	v3 =	vmul.f32 v6, v11;
	v2 =	vadd.f32 v8, v2;
	v4 =	vmul.f32 v7, v4  }
0x25d: {  	v1 =	vsub.f32 $0.0e+00, v1  }
0x25e: {  	v2 =	vadd.f32 v3, v2;
	v3 =	vmul.f32 v5, v14;
	v0 =	vadd.f32 v4, v0  }
0x25f: {  	v1 =	vmul.f32 $1.442695020e+00, v1  }
0x260: {  	v2 =	vsub.f32 $0.0e+00, v2;
	v0 =	vadd.f32 v3, v0  }
0x261: {  	(erf) = vpow2.f32 v1  }
0x262: {  	v2 =	vmul.f32 $1.442695020e+00, v2;
	v0 =	vsub.f32 $0.0e+00, v0;
	_ =	sdelay $0x1  }
0x263: {  	(erf) = vpow2.f32 v2;
	v0 =	vmul.f32 $1.442695020e+00, v0;
	_ =	sdelay $0x1  }
0x264: {  	(erf) = vpow2.f32 v0;
	_ =	sdelay $0x3  }
0x265: {  	v0 =	vpop (erf)  }
0x266: {  	v0 =	vadd.f32 $1.000000000e+00, v0;
	_ =	sdelay $0x1  }
0x267: {  	v1 =	vpop (erf);
	(erf) = vrcp.f32 v0  }
0x268: {  	v1 =	vadd.f32 $1.000000000e+00, v1  }
0x269: {  	v0 =	vpop (erf)  }
0x26a: {  	(erf) = vrcp.f32 v1;
	v0 =	vadd.f32 $1.000000000e+00, v0;
	_ =	sdelay $0x1  }
0x26b: {  	(erf) = vrcp.f32 v0;
	_ =	sdelay $0x1  }
0x26c: {  	s11 =	simm.s32 $0x10;
	v2 =	vld [tilespmem:$0x1FF70]  }
0x26d: {  	v0 =	vmov s11  }
0x26e: {  	v0 =	vshll.u32 v0, $0x5;
	v1 =	vpop (erf)  }
0x26f: {  	v1 =	vmul.f32 $2.000000000e+01, v1;
	_ =	sdelay $0x1  }
0x270: {  	v54 =	vor.u32 v2, v0;
	v0 =	vpop (erf)  }
0x271: {  	v0 =	vmul.f32 v0, v1  }
0x272: {  	v1 =	vpop (erf)  }
0x273: {  	v0 =	vmul.f32 v1, v0  }
0x274: {  	s8 =	simm.s32 $0x1C600  }
0x275: {  	v2 =	vor.u32 v37, v54;
	[tilespmem:s8+$0x0] =	vst v0;
	v0 =	vld [tilespmem:$0x1FEB0];
	_ =	sdelay $0x4  }
0x276: {  	v4 =	vor.u32 v0, v54;
	v0 =	vld.idx.msk [tilespmem:v2+s18+$0x0], $0xffff;
	_ =	sdelay $0x4  }
0x277: {  	v3 =	vor.u32 v23, v54;
	[tilespmem:$0x1F690] =	vst v0;
	v0 =	vld.idx.msk [tilespmem:v2+s23+$0x0], $0xffff;
	_ =	sdelay $0x4  }
0x278: {  	[tilespmem:$0x1F6A0] =	vst v0;
	v0 =	vld.idx.msk [tilespmem:v3+s18+$0x0], $0xffff;
	_ =	sdelay $0x4  }
0x279: {  	[tilespmem:$0x1F6B0] =	vst v0;
	v0 =	vld.idx.msk [tilespmem:v3+s23+$0x0], $0xffff;
	_ =	sdelay $0x4  }
0x27a: {  	[tilespmem:$0x1F6C0] =	vst v0;
	v0 =	vld.idx.msk [tilespmem:v2+s17+$0x0], $0xffff;
	_ =	sdelay $0x3  }
0x27b: {  	v1 =	vld [tilespmem:$0x1FFE0]  }
0x27c: {  	[tilespmem:$0x1F6D0] =	vst v0;
	v0 =	vor.u32 v15, v54;
	_ =	sdelay $0x3  }
0x27d: {  	v5 =	vor.u32 v1, v54;
	v1 =	vld.idx.msk [tilespmem:v3+s17+$0x0], $0xffff  }
0x27e: {  	[tilespmem:$0x1F700] =	vst v0;
	v0 =	vld.idx.msk [tilespmem:v0+s15+$0x0], $0xffff;
	_ =	sdelay $0x3  }
0x27f: {  	[tilespmem:$0x1F6E0] =	vst v1;
	v1 =	vld.idx.msk [tilespmem:v3+s22+$0x0], $0xffff  }
0x280: {  	[tilespmem:$0x1F710] =	vst v0;
	v0 =	vld [tilespmem:$0x1FFD0];
	_ =	sdelay $0x4  }
0x281: {  	[tilespmem:$0x1F6F0] =	vst v1;
	v1 =	vor.u32 v0, v54;
	v0 =	vld.idx.msk [tilespmem:v4+s17+$0x0], $0xffff;
	_ =	sdelay $0x4  }
0x282: {  	[tilespmem:$0x1F720] =	vst v0;
	v0 =	vld.idx.msk [tilespmem:v4+s22+$0x0], $0xffff;
	_ =	sdelay $0x4  }
0x283: {  	[tilespmem:$0x1F730] =	vst v0;
	v0 =	vld.idx.msk [tilespmem:v2+s15+$0x0], $0xffff;
	_ =	sdelay $0x4  }
0x284: {  	[tilespmem:$0x1F750] =	vst v0;
	v0 =	vld [tilespmem:$0x1FFF0];
	_ =	sdelay $0x4  }
0x285: {  	[tilespmem:$0x1F740] =	vst v2;
	v2 =	vor.u32 v0, v54;
	v0 =	vld.idx.msk [tilespmem:v1+s23+$0x0], $0xffff;
	_ =	sdelay $0x4  }
0x286: {  	[tilespmem:$0x1F760] =	vst v0;
	v0 =	vld.idx.msk [tilespmem:v5+s17+$0x0], $0xffff;
	_ =	sdelay $0x4  }
0x287: {  	[tilespmem:$0x1F770] =	vst v0;
	v0 =	vld.idx.msk [tilespmem:v5+s22+$0x0], $0xffff;
	_ =	sdelay $0x4  }
0x288: {  	[tilespmem:$0x1F780] =	vst v0;
	v0 =	vld.idx.msk [tilespmem:v3+s15+$0x0], $0xffff;
	_ =	sdelay $0x4  }
0x289: {  	[tilespmem:$0x1F7A0] =	vst v0;
	v0 =	vld [tilespmem:$0x1FFC0];
	_ =	sdelay $0x4  }
0x28a: {  	[tilespmem:$0x1F790] =	vst v3;
	v3 =	vor.u32 v0, v54;
	v0 =	vld.idx.msk [tilespmem:v2+s18+$0x0], $0xffff;
	_ =	sdelay $0x4  }
0x28b: {  	[tilespmem:$0x1F7B0] =	vst v0;
	v0 =	vld.idx.msk [tilespmem:v2+s23+$0x0], $0xffff;
	_ =	sdelay $0x4  }
0x28c: {  	[tilespmem:$0x1F7C0] =	vst v0;
	v0 =	vld.idx.msk [tilespmem:v1+s17+$0x0], $0xffff;
	_ =	sdelay $0x4  }
0x28d: {  	[tilespmem:$0x1F7D0] =	vst v0;
	v0 =	vld.idx.msk [tilespmem:v1+s22+$0x0], $0xffff;
	_ =	sdelay $0x4  }
0x28e: {  	[tilespmem:$0x1F7E0] =	vst v0;
	v0 =	vld.idx.msk [tilespmem:v4+s15+$0x0], $0xffff;
	_ =	sdelay $0x4  }
0x28f: {  	[tilespmem:$0x1F800] =	vst v0;
	v0 =	vld [tilespmem:$0x1FF60];
	_ =	sdelay $0x2  }
0x290: {  	v6 =	vld.idx.msk [tilespmem:v4+s18+$0x0], $0xffff  }
0x291: {  	v8 =	vld.idx.msk [tilespmem:v4+s23+$0x0], $0xffff  }
0x292: {  	[tilespmem:$0x1F7F0] =	vst v4;
	v4 =	vor.u32 v0, v54;
	v0 =	vld.idx.msk [tilespmem:v3+s18+$0x0], $0xffff;
	_ =	sdelay $0x4  }
0x293: {  	[tilespmem:$0x1F810] =	vst v0;
	v0 =	vld.idx.msk [tilespmem:v3+s23+$0x0], $0xffff;
	_ =	sdelay $0x4  }
0x294: {  	[tilespmem:$0x1F820] =	vst v0;
	v0 =	vld.idx.msk [tilespmem:v2+s17+$0x0], $0xffff;
	_ =	sdelay $0x4  }
0x295: {  	[tilespmem:$0x1F830] =	vst v0;
	v0 =	vld.idx.msk [tilespmem:v2+s22+$0x0], $0xffff;
	_ =	sdelay $0x4  }
0x296: {  	[tilespmem:$0x1F840] =	vst v0;
	v0 =	vld.idx.msk [tilespmem:v5+s15+$0x0], $0xffff;
	_ =	sdelay $0x4  }
0x297: {  	[tilespmem:$0x1F860] =	vst v0;
	v0 =	vld [tilespmem:$0x1FFA0];
	_ =	sdelay $0x2  }
0x298: {  	v19 =	vld.idx.msk [tilespmem:v5+s18+$0x0], $0xffff  }
0x299: {  	v23 =	vld.idx.msk [tilespmem:v5+s23+$0x0], $0xffff  }
0x29a: {  	[tilespmem:$0x1F850] =	vst v5;
	v5 =	vor.u32 v0, v54;
	v0 =	vld.idx.msk [tilespmem:v4+s18+$0x0], $0xffff;
	_ =	sdelay $0x4  }
0x29b: {  	[tilespmem:$0x1F870] =	vst v0;
	v0 =	vld.idx.msk [tilespmem:v4+s23+$0x0], $0xffff;
	_ =	sdelay $0x4  }
0x29c: {  	[tilespmem:$0x1F880] =	vst v0;
	v0 =	vld.idx.msk [tilespmem:v3+s17+$0x0], $0xffff;
	_ =	sdelay $0x4  }
0x29d: {  	[tilespmem:$0x1F890] =	vst v0;
	v0 =	vld.idx.msk [tilespmem:v3+s22+$0x0], $0xffff;
	_ =	sdelay $0x4  }
0x29e: {  	[tilespmem:$0x1F8A0] =	vst v0;
	v0 =	vld.idx.msk [tilespmem:v1+s15+$0x0], $0xffff;
	_ =	sdelay $0x4  }
0x29f: {  	[tilespmem:$0x1F8C0] =	vst v0;
	v0 =	vld [tilespmem:$0x1FF40];
	_ =	sdelay $0x3  }
0x2a0: {  	v15 =	vld.idx.msk [tilespmem:v1+s18+$0x0], $0xffff  }
0x2a1: {  	[tilespmem:$0x1F8B0] =	vst v1;
	v1 =	vor.u32 v0, v54;
	v0 =	vld.idx.msk [tilespmem:v5+s18+$0x0], $0xffff;
	_ =	sdelay $0x4  }
0x2a2: {  	[tilespmem:$0x1F8D0] =	vst v0;
	v0 =	vld.idx.msk [tilespmem:v5+s23+$0x0], $0xffff;
	_ =	sdelay $0x4  }
0x2a3: {  	[tilespmem:$0x1F8E0] =	vst v0;
	v0 =	vld.idx.msk [tilespmem:v4+s17+$0x0], $0xffff;
	_ =	sdelay $0x4  }
0x2a4: {  	[tilespmem:$0x1F8F0] =	vst v0;
	v0 =	vld.idx.msk [tilespmem:v4+s22+$0x0], $0xffff;
	_ =	sdelay $0x4  }
0x2a5: {  	[tilespmem:$0x1F900] =	vst v0;
	v0 =	vld.idx.msk [tilespmem:v2+s15+$0x0], $0xffff;
	_ =	sdelay $0x4  }
0x2a6: {  	[tilespmem:$0x1F920] =	vst v0;
	v0 =	vld [tilespmem:$0x1FE20];
	_ =	sdelay $0x4  }
0x2a7: {  	[tilespmem:$0x1F910] =	vst v2;
	v2 =	vor.u32 v0, v54;
	v0 =	vld.idx.msk [tilespmem:v1+s18+$0x0], $0xffff;
	_ =	sdelay $0x4  }
0x2a8: {  	[tilespmem:$0x1F930] =	vst v0;
	v0 =	vld.idx.msk [tilespmem:v1+s23+$0x0], $0xffff;
	_ =	sdelay $0x4  }
0x2a9: {  	[tilespmem:$0x1F940] =	vst v0;
	v0 =	vld.idx.msk [tilespmem:v5+s17+$0x0], $0xffff;
	_ =	sdelay $0x4  }
0x2aa: {  	[tilespmem:$0x1F950] =	vst v0;
	v0 =	vld.idx.msk [tilespmem:v5+s22+$0x0], $0xffff;
	_ =	sdelay $0x4  }
0x2ab: {  	[tilespmem:$0x1F960] =	vst v0;
	v0 =	vld.idx.msk [tilespmem:v3+s15+$0x0], $0xffff;
	_ =	sdelay $0x4  }
0x2ac: {  	[tilespmem:$0x1F980] =	vst v0;
	v0 =	vld [tilespmem:$0x1FFB0];
	_ =	sdelay $0x4  }
0x2ad: {  	[tilespmem:$0x1F970] =	vst v3;
	v3 =	vor.u32 v0, v54;
	v0 =	vld.idx.msk [tilespmem:v2+s18+$0x0], $0xffff;
	_ =	sdelay $0x4  }
0x2ae: {  	[tilespmem:$0x1F990] =	vst v0;
	v0 =	vld.idx.msk [tilespmem:v2+s23+$0x0], $0xffff;
	_ =	sdelay $0x4  }
0x2af: {  	[tilespmem:$0x1F9A0] =	vst v0;
	v0 =	vld.idx.msk [tilespmem:v1+s17+$0x0], $0xffff;
	_ =	sdelay $0x4  }
0x2b0: {  	[tilespmem:$0x1F9B0] =	vst v0;
	v0 =	vld.idx.msk [tilespmem:v1+s22+$0x0], $0xffff;
	_ =	sdelay $0x4  }
0x2b1: {  	[tilespmem:$0x1F9C0] =	vst v0;
	v0 =	vld.idx.msk [tilespmem:v4+s15+$0x0], $0xffff;
	_ =	sdelay $0x4  }
0x2b2: {  	[tilespmem:$0x1F9E0] =	vst v0;
	v0 =	vld [tilespmem:$0x1FE10];
	_ =	sdelay $0x4  }
0x2b3: {  	v38 =	vor.u32 v0, v54;
	v0 =	vld.idx.msk [tilespmem:v3+s18+$0x0], $0xffff;
	_ =	sdelay $0x4  }
0x2b4: {  	[tilespmem:$0x1F9F0] =	vst v0;
	v0 =	vld.idx.msk [tilespmem:v3+s23+$0x0], $0xffff;
	_ =	sdelay $0x4  }
0x2b5: {  	[tilespmem:$0x1FA00] =	vst v0;
	v0 =	vld.idx.msk [tilespmem:v2+s17+$0x0], $0xffff;
	_ =	sdelay $0x4  }
0x2b6: {  	[tilespmem:$0x1FA10] =	vst v0;
	v0 =	vld.idx.msk [tilespmem:v2+s22+$0x0], $0xffff;
	_ =	sdelay $0x4  }
0x2b7: {  	[tilespmem:$0x1FA20] =	vst v0;
	v0 =	vld.idx.msk [tilespmem:v5+s15+$0x0], $0xffff;
	_ =	sdelay $0x4  }
0x2b8: {  	[tilespmem:$0x1FA40] =	vst v0;
	v0 =	vld [tilespmem:$0x1FE00];
	_ =	sdelay $0x4  }
0x2b9: {  	v27 =	vor.u32 v0, v54;
	v0 =	vld.idx.msk [tilespmem:v38+s18+$0x0], $0xffff;
	_ =	sdelay $0x4  }
0x2ba: {  	[tilespmem:$0x1FA50] =	vst v0;
	v0 =	vld.idx.msk [tilespmem:v38+s23+$0x0], $0xffff;
	_ =	sdelay $0x4  }
0x2bb: {  	[tilespmem:$0x1FA60] =	vst v0;
	v0 =	vld.idx.msk [tilespmem:v3+s17+$0x0], $0xffff;
	_ =	sdelay $0x4  }
0x2bc: {  	[tilespmem:$0x1FA70] =	vst v0;
	v0 =	vld.idx.msk [tilespmem:v3+s22+$0x0], $0xffff;
	_ =	sdelay $0x4  }
0x2bd: {  	[tilespmem:$0x1FA80] =	vst v0;
	v0 =	vld.idx.msk [tilespmem:v1+s15+$0x0], $0xffff;
	_ =	sdelay $0x4  }
0x2be: {  	[tilespmem:$0x1FAA0] =	vst v0;
	v0 =	vld [tilespmem:$0x1FE70];
	_ =	sdelay $0x4  }
0x2bf: {  	v31 =	vor.u32 v0, v54;
	v0 =	vld.idx.msk [tilespmem:v27+s18+$0x0], $0xffff;
	_ =	sdelay $0x4  }
0x2c0: {  	[tilespmem:$0x1FAB0] =	vst v0;
	v0 =	vld.idx.msk [tilespmem:v27+s23+$0x0], $0xffff;
	_ =	sdelay $0x4  }
0x2c1: {  	[tilespmem:$0x1FAC0] =	vst v0;
	v0 =	vld.idx.msk [tilespmem:v38+s17+$0x0], $0xffff;
	_ =	sdelay $0x4  }
0x2c2: {  	[tilespmem:$0x1FAD0] =	vst v0;
	v0 =	vld.idx.msk [tilespmem:v38+s22+$0x0], $0xffff;
	_ =	sdelay $0x4  }
0x2c3: {  	[tilespmem:$0x1FAE0] =	vst v0;
	v0 =	vld.idx.msk [tilespmem:v2+s15+$0x0], $0xffff;
	_ =	sdelay $0x4  }
0x2c4: {  	[tilespmem:$0x1FB00] =	vst v0;
	v0 =	vld [tilespmem:$0x1FE80];
	_ =	sdelay $0x4  }
0x2c5: {  	v35 =	vor.u32 v0, v54;
	v0 =	vld.idx.msk [tilespmem:v31+s23+$0x0], $0xffff;
	_ =	sdelay $0x4  }
0x2c6: {  	[tilespmem:$0x1FB10] =	vst v0;
	v0 =	vld.idx.msk [tilespmem:v27+s17+$0x0], $0xffff;
	_ =	sdelay $0x4  }
0x2c7: {  	[tilespmem:$0x1FB20] =	vst v0;
	v0 =	vld.idx.msk [tilespmem:v27+s22+$0x0], $0xffff;
	_ =	sdelay $0x4  }
0x2c8: {  	[tilespmem:$0x1FB30] =	vst v0;
	v0 =	vld.idx.msk [tilespmem:v3+s15+$0x0], $0xffff;
	_ =	sdelay $0x4  }
0x2c9: {  	[tilespmem:$0x1FB50] =	vst v0;
	v0 =	vld [tilespmem:$0x1FE60];
	_ =	sdelay $0x4  }
0x2ca: {  	v41 =	vor.u32 v0, v54;
	v0 =	vld.idx.msk [tilespmem:v35+s18+$0x0], $0xffff;
	_ =	sdelay $0x4  }
0x2cb: {  	[tilespmem:$0x1FB60] =	vst v0;
	v0 =	vld.idx.msk [tilespmem:v35+s23+$0x0], $0xffff;
	_ =	sdelay $0x4  }
0x2cc: {  	[tilespmem:$0x1FB70] =	vst v0;
	v0 =	vld.idx.msk [tilespmem:v31+s17+$0x0], $0xffff;
	_ =	sdelay $0x4  }
0x2cd: {  	[tilespmem:$0x1FB80] =	vst v0;
	v0 =	vld.idx.msk [tilespmem:v31+s22+$0x0], $0xffff;
	_ =	sdelay $0x4  }
0x2ce: {  	[tilespmem:$0x1FB90] =	vst v0;
	v0 =	vld.idx.msk [tilespmem:v38+s15+$0x0], $0xffff;
	_ =	sdelay $0x4  }
0x2cf: {  	[tilespmem:$0x1FBA0] =	vst v0;
	v0 =	vld [tilespmem:$0x1FE90];
	_ =	sdelay $0x4  }
0x2d0: {  	v46 =	vor.u32 v0, v54;
	v0 =	vld.idx.msk [tilespmem:v41+s18+$0x0], $0xffff;
	_ =	sdelay $0x4  }
0x2d1: {  	[tilespmem:$0x1FBB0] =	vst v0;
	v0 =	vld.idx.msk [tilespmem:v41+s23+$0x0], $0xffff;
	_ =	sdelay $0x4  }
0x2d2: {  	[tilespmem:$0x1FBC0] =	vst v0;
	v0 =	vld.idx.msk [tilespmem:v35+s17+$0x0], $0xffff;
	_ =	sdelay $0x4  }
0x2d3: {  	[tilespmem:$0x1FBD0] =	vst v0;
	v0 =	vld.idx.msk [tilespmem:v35+s22+$0x0], $0xffff;
	_ =	sdelay $0x4  }
0x2d4: {  	[tilespmem:$0x1FBE0] =	vst v0;
	v0 =	vld.idx.msk [tilespmem:v27+s15+$0x0], $0xffff;
	_ =	sdelay $0x4  }
0x2d5: {  	[tilespmem:$0x1FBF0] =	vst v0;
	v0 =	vld [tilespmem:$0x1FEA0];
	_ =	sdelay $0x4  }
0x2d6: {  	v52 =	vor.u32 v0, v54;
	v0 =	vld.idx.msk [tilespmem:v46+s18+$0x0], $0xffff;
	_ =	sdelay $0x4  }
0x2d7: {  	[tilespmem:$0x1FC00] =	vst v0;
	v0 =	vld.idx.msk [tilespmem:v46+s23+$0x0], $0xffff;
	_ =	sdelay $0x4  }
0x2d8: {  	[tilespmem:$0x1FC10] =	vst v0;
	v0 =	vld.idx.msk [tilespmem:v41+s17+$0x0], $0xffff;
	_ =	sdelay $0x4  }
0x2d9: {  	[tilespmem:$0x1FC20] =	vst v0;
	v0 =	vld.idx.msk [tilespmem:v41+s22+$0x0], $0xffff;
	_ =	sdelay $0x4  }
0x2da: {  	[tilespmem:$0x1FC30] =	vst v0;
	v0 =	vld.idx.msk [tilespmem:v31+s15+$0x0], $0xffff;
	_ =	sdelay $0x4  }
0x2db: {  	[tilespmem:$0x1FC40] =	vst v0;
	v0 =	vld [tilespmem:$0x1FED0];
	_ =	sdelay $0x4  }
0x2dc: {  	v62 =	vor.u32 v0, v54;
	v0 =	vld.idx.msk [tilespmem:v52+s23+$0x0], $0xffff;
	_ =	sdelay $0x4  }
0x2dd: {  	[tilespmem:$0x1FC50] =	vst v0;
	v0 =	vld.idx.msk [tilespmem:v46+s17+$0x0], $0xffff;
	_ =	sdelay $0x4  }
0x2de: {  	[tilespmem:$0x1FC60] =	vst v0;
	v0 =	vld.idx.msk [tilespmem:v46+s22+$0x0], $0xffff;
	_ =	sdelay $0x4  }
0x2df: {  	[tilespmem:$0x1FC70] =	vst v0;
	v0 =	vld.idx.msk [tilespmem:v35+s15+$0x0], $0xffff;
	_ =	sdelay $0x4  }
0x2e0: {  	[tilespmem:$0x1FC80] =	vst v0;
	v0 =	vld [tilespmem:$0x1FEC0];
	_ =	sdelay $0x4  }
0x2e1: {  	v9 =	vor.u32 v0, v54;
	v0 =	vld.idx.msk [tilespmem:v62+s18+$0x0], $0xffff;
	_ =	sdelay $0x4  }
0x2e2: {  	[tilespmem:$0x1FC90] =	vst v0;
	v0 =	vld.idx.msk [tilespmem:v52+s17+$0x0], $0xffff;
	_ =	sdelay $0x4  }
0x2e3: {  	[tilespmem:$0x1FCA0] =	vst v0;
	v0 =	vld.idx.msk [tilespmem:v52+s22+$0x0], $0xffff;
	_ =	sdelay $0x4  }
0x2e4: {  	[tilespmem:$0x1FCB0] =	vst v0;
	v0 =	vld.idx.msk [tilespmem:v41+s15+$0x0], $0xffff;
	_ =	sdelay $0x4  }
0x2e5: {  	[tilespmem:$0x1FCC0] =	vst v0;
	v0 =	vld [tilespmem:$0x1FEE0];
	_ =	sdelay $0x4  }
0x2e6: {  	v22 =	vor.u32 v0, v54;
	v0 =	vld.idx.msk [tilespmem:v62+s17+$0x0], $0xffff;
	_ =	sdelay $0x4  }
0x2e7: {  	[tilespmem:$0x1FCD0] =	vst v0;
	v0 =	vld.idx.msk [tilespmem:v62+s22+$0x0], $0xffff;
	_ =	sdelay $0x4  }
0x2e8: {  	[tilespmem:$0x1FCE0] =	vst v0;
	v0 =	vld.idx.msk [tilespmem:v46+s15+$0x0], $0xffff;
	_ =	sdelay $0x4  }
0x2e9: {  	[tilespmem:$0x1FCF0] =	vst v0;
	v0 =	vld [tilespmem:$0x1FF00];
	_ =	sdelay $0x4  }
0x2ea: {  	v36 =	vor.u32 v0, v54;
	v0 =	vld.idx.msk [tilespmem:v9+s17+$0x0], $0xffff;
	_ =	sdelay $0x4  }
0x2eb: {  	[tilespmem:$0x1FD00] =	vst v0;
	v0 =	vld.idx.msk [tilespmem:v9+s22+$0x0], $0xffff;
	_ =	sdelay $0x4  }
0x2ec: {  	[tilespmem:$0x1FD10] =	vst v0;
	v0 =	vld.idx.msk [tilespmem:v52+s15+$0x0], $0xffff;
	_ =	sdelay $0x4  }
0x2ed: {  	[tilespmem:$0x1FD20] =	vst v0;
	v0 =	vld [tilespmem:$0x1FF10];
	_ =	sdelay $0x4  }
0x2ee: {  	v50 =	vor.u32 v0, v54;
	v0 =	vld.idx.msk [tilespmem:v22+s17+$0x0], $0xffff;
	_ =	sdelay $0x4  }
0x2ef: {  	[tilespmem:$0x1FD30] =	vst v0;
	v0 =	vld.idx.msk [tilespmem:v22+s22+$0x0], $0xffff;
	_ =	sdelay $0x4  }
0x2f0: {  	[tilespmem:$0x1FD40] =	vst v0;
	v0 =	vld.idx.msk [tilespmem:v62+s15+$0x0], $0xffff;
	_ =	sdelay $0x4  }
0x2f1: {  	[tilespmem:$0x1FD50] =	vst v0;
	v0 =	vld [tilespmem:$0x1FEF0];
	_ =	sdelay $0x4  }
0x2f2: {  	[tilespmem:$0x1F9D0] =	vst v4;
	v4 =	vor.u32 v0, v54;
	v0 =	vld.idx.msk [tilespmem:v36+s17+$0x0], $0xffff;
	_ =	sdelay $0x4  }
0x2f3: {  	[tilespmem:$0x1FD60] =	vst v0;
	v0 =	vld.idx.msk [tilespmem:v36+s22+$0x0], $0xffff;
	_ =	sdelay $0x4  }
0x2f4: {  	[tilespmem:$0x1FD70] =	vst v0;
	v0 =	vld.idx.msk [tilespmem:v9+s15+$0x0], $0xffff;
	_ =	sdelay $0x4  }
0x2f5: {  	[tilespmem:$0x1FD80] =	vst v0;
	v0 =	vld [tilespmem:$0x1FF20];
	_ =	sdelay $0x4  }
0x2f6: {  	v14 =	vor.u32 v0, v54;
	v0 =	vld.idx.msk [tilespmem:v50+s17+$0x0], $0xffff;
	_ =	sdelay $0x4  }
0x2f7: {  	[tilespmem:$0x1FD90] =	vst v0;
	v0 =	vld.idx.msk [tilespmem:v22+s15+$0x0], $0xffff;
	_ =	sdelay $0x4  }
0x2f8: {  	[tilespmem:$0x1FDA0] =	vst v0;
	v0 =	vld [tilespmem:$0x1FF30];
	_ =	sdelay $0x4  }
0x2f9: {  	v51 =	vor.u32 v0, v54;
	v0 =	vld.idx.msk [tilespmem:v4+s17+$0x0], $0xffff;
	_ =	sdelay $0x4  }
0x2fa: {  	[tilespmem:$0x1FDB0] =	vst v0;
	v0 =	vld.idx.msk [tilespmem:v4+s22+$0x0], $0xffff;
	_ =	sdelay $0x1  }
0x2fb: {  	v43 =	vld.idx.msk [tilespmem:v31+s18+$0x0], $0xffff  }
0x2fc: {  	v13 =	vld.idx.msk [tilespmem:v52+s18+$0x0], $0xffff  }
0x2fd: {  	v10 =	vld.idx.msk [tilespmem:v62+s23+$0x0], $0xffff  }
0x2fe: {  	[tilespmem:$0x1FDC0] =	vst v0;
	v0 =	vld.idx.msk [tilespmem:v36+s15+$0x0], $0xffff  }
0x2ff: {  	v16 =	vld.idx.msk [tilespmem:v9+s18+$0x0], $0xffff  }
0x300: {  	v47 =	vld.idx.msk [tilespmem:v9+s23+$0x0], $0xffff  }
0x301: {  	v18 =	vld.idx.msk [tilespmem:v22+s18+$0x0], $0xffff  }
0x302: {  	v21 =	vld.idx.msk [tilespmem:v22+s23+$0x0], $0xffff  }
0x303: {  	[tilespmem:$0x1FDD0] =	vst v0;
	v0 =	vld [tilespmem:$0x1FF80]  }
0x304: {  	v25 =	vld.idx.msk [tilespmem:v36+s18+$0x0], $0xffff  }
0x305: {  	v55 =	vld.idx.msk [tilespmem:v36+s23+$0x0], $0xffff  }
0x306: {  	v26 =	vld.idx.msk [tilespmem:v50+s18+$0x0], $0xffff  }
0x307: {  	v28 =	vld.idx.msk [tilespmem:v50+s23+$0x0], $0xffff  }
0x308: {  	v33 =	vor.u32 v0, v54;
	v0 =	vld.idx.msk [tilespmem:v14+s22+$0x0], $0xffff  }
0x309: {  	v39 =	vld.idx.msk [tilespmem:v50+s22+$0x0], $0xffff  }
0x30a: {  	v34 =	vld.idx.msk [tilespmem:v4+s18+$0x0], $0xffff  }
0x30b: {  	v59 =	vld.idx.msk [tilespmem:v4+s23+$0x0], $0xffff  }
0x30c: {  	v24 =	vld.idx.msk [tilespmem:v4+s15+$0x0], $0xffff  }
0x30d: {  	[tilespmem:$0x1FDE0] =	vst v0;
	v0 =	vld.idx.msk [tilespmem:v50+s15+$0x0], $0xffff  }
0x30e: {  	v63 =	vld.idx.msk [tilespmem:v14+s18+$0x0], $0xffff  }
0x30f: {  	v37 =	vld.idx.msk [tilespmem:v14+s23+$0x0], $0xffff  }
0x310: {  	v12 =	vld.idx.msk [tilespmem:v14+s17+$0x0], $0xffff  }
0x311: {  	v32 =	vld.idx.msk [tilespmem:v14+s15+$0x0], $0xffff  }
0x312: {  	[tilespmem:$0x1FDF0] =	vst v0;
	v0 =	vld [tilespmem:$0x1FF90]  }
0x313: {  	v40 =	vld.idx.msk [tilespmem:v51+s18+$0x0], $0xffff  }
0x314: {  	[tilespmem:$0x1FB40] =	vst v3;
	v3 =	vld.idx.msk [tilespmem:v51+s23+$0x0], $0xffff  }
0x315: {  	v17 =	vld.idx.msk [tilespmem:v51+s17+$0x0], $0xffff  }
0x316: {  	v20 =	vld.idx.msk [tilespmem:v51+s22+$0x0], $0xffff  }
0x317: {  	v45 =	vor.u32 v0, v54;
	v0 =	vld [tilespmem:$0x1FF50]  }
0x318: {  	v44 =	vld.idx.msk [tilespmem:v51+s15+$0x0], $0xffff  }
0x319: {  	v48 =	vld.idx.msk [tilespmem:v33+s18+$0x0], $0xffff  }
0x31a: {  	v49 =	vld.idx.msk [tilespmem:v33+s23+$0x0], $0xffff  }
0x31b: {  	v29 =	vld.idx.msk [tilespmem:v33+s17+$0x0], $0xffff  }
0x31c: {  	v30 =	vld.idx.msk [tilespmem:v33+s22+$0x0], $0xffff;
	v61 =	vor.u32 v0, v54  }
0x31d: {  	v7 =	vld.idx.msk [tilespmem:v45+s18+$0x0], $0xffff  }
0x31e: {  	v53 =	vld.idx.msk [tilespmem:v45+s23+$0x0], $0xffff;
	v0 =	vlaneseq.u32  }
0x31f: {  	v42 =	vld.idx.msk [tilespmem:v45+s22+$0x0], $0xffff;
	v0 =	vor.u32 v0, v54  }
0x320: {  	v54 =	vld.idx.msk [tilespmem:v45+s17+$0x0], $0xffff  }
0x321: {  	v58 =	vld.idx.msk [tilespmem:v61+s18+$0x0], $0xffff  }
0x322: {  	v60 =	vld.idx.msk [tilespmem:v61+s23+$0x0], $0xffff  }
0x323: {  	[tilespmem:$0x1FA30] =	vst v5;
	v56 =	vld.idx.msk [tilespmem:v61+s17+$0x0], $0xffff  }
0x324: {  	[tilespmem:$0x1FA90] =	vst v1;
	v57 =	vld.idx.msk [tilespmem:v0+s18+$0x0], $0xffff  }
0x325: {  	s9 =	simm.s32 $0x20;
	[tilespmem:$0x1FAF0] =	vst v2;
	v11 =	vld.idx.msk [tilespmem:v0+s23+$0x0], $0xffff  }
.LBB2_4:
0x326: {  	v5 =	vmul.f32 v8, v6;
	_ =	sdelay $0x1  }
0x327: {  	[tilespmem:$0x1EF30] =	vst v5;
	v5 =	vld [tilespmem:$0x1F760];
	_ =	sdelay $0x3  }
0x328: {  	v2 =	vmov v15  }
0x329: {  	v2 =	vmul.f32 v5, v2;
	_ =	sdelay $0x1  }
0x32a: {  	[tilespmem:$0x1EF10] =	vst v2;
	v2 =	vmul.f32 v23, v19  }
0x32b: {  	v6 =	vld [tilespmem:$0x1F820]  }
0x32c: {  	[tilespmem:$0x1EF20] =	vst v2;
	v2 =	vld [tilespmem:$0x1F810];
	_ =	sdelay $0x4  }
0x32d: {  	v2 =	vmul.f32 v6, v2  }
0x32e: {  	v6 =	vld [tilespmem:$0x1F7C0]  }
0x32f: {  	[tilespmem:$0x1EEF0] =	vst v2;
	v2 =	vld [tilespmem:$0x1F7B0];
	_ =	sdelay $0x3  }
0x330: {  	v8 =	vld [tilespmem:$0x1F8E0]  }
0x331: {  	v2 =	vmul.f32 v6, v2;
	v6 =	vld [tilespmem:$0x1F8D0];
	_ =	sdelay $0x4  }
0x332: {  	v6 =	vmul.f32 v8, v6  }
0x333: {  	v8 =	vld [tilespmem:$0x1F880]  }
0x334: {  	[tilespmem:$0x1EED0] =	vst v6;
	v6 =	vld [tilespmem:$0x1F870];
	_ =	sdelay $0x3  }
0x335: {  	v19 =	vld [tilespmem:$0x1F9A0]  }
0x336: {  	v6 =	vmul.f32 v8, v6;
	v8 =	vld [tilespmem:$0x1F990];
	_ =	sdelay $0x4  }
0x337: {  	v8 =	vmul.f32 v19, v8  }
0x338: {  	v19 =	vld [tilespmem:$0x1F940]  }
0x339: {  	[tilespmem:$0x1EEB0] =	vst v8;
	v8 =	vld [tilespmem:$0x1F930];
	_ =	sdelay $0x4  }
0x33a: {  	v8 =	vmul.f32 v19, v8  }
0x33b: {  	v23 =	vld [tilespmem:$0x1FA60]  }
0x33c: {  	[tilespmem:$0x1EEC0] =	vst v8;
	v8 =	vld [tilespmem:$0x1FA50];
	_ =	sdelay $0x4  }
0x33d: {  	v8 =	vmul.f32 v23, v8  }
0x33e: {  	v23 =	vld [tilespmem:$0x1FA00]  }
0x33f: {  	[tilespmem:$0x1EE90] =	vst v8;
	v8 =	vld [tilespmem:$0x1F9F0];
	_ =	sdelay $0x4  }
0x340: {  	v8 =	vmul.f32 v23, v8;
	v23 =	vld [tilespmem:$0x1FB10];
	_ =	sdelay $0x4  }
0x341: {  	v1 =	vld.idx.msk [tilespmem:v61+s22+$0x0], $0xffff;
	v23 =	vmul.f32 v23, v43  }
0x342: {  	v43 =	vmov v38;
	v38 =	vld [tilespmem:$0x1FAC0]  }
0x343: {  	[tilespmem:$0x1EE70] =	vst v23;
	v23 =	vld [tilespmem:$0x1FAB0]  }
0x344: {  	v15 =	vld.idx.msk [tilespmem:v33+s15+$0x0], $0xffff  }
0x345: {  	v5 =	vld.idx.msk [tilespmem:v0+s17+$0x0], $0xffff  }
0x346: {  	[tilespmem:$0x1EF00] =	vst v2;
	v2 =	vld.idx.msk [tilespmem:v0+s22+$0x0], $0xffff  }
0x347: {  	[tilespmem:$0x1EEE0] =	vst v6;
	v6 =	vld.idx.msk [tilespmem:v61+s16+$0x0], $0xffff  }
0x348: {  	v19 =	vld.idx.msk [tilespmem:v0+s16+$0x0], $0xffff;
	v23 =	vmul.f32 v38, v23  }
0x349: {  	[tilespmem:$0x1EEA0] =	vst v8;
	v8 =	vld.idx.msk [tilespmem:v0+s19+$0x0], $0xffff  }
0x34a: {  	v0 =	vld.idx.msk [tilespmem:v0+s15+$0x0], $0xffff;
	[tilespmem:$0x1EE80] =	vst v23  }
0x34b: {  	v23 =	vld [tilespmem:$0x1FBB0]  }
0x34c: {  	v38 =	vld [tilespmem:$0x1FBC0];
	_ =	sdelay $0x4  }
0x34d: {  	v23 =	vmul.f32 v38, v23  }
0x34e: {  	v38 =	vld [tilespmem:$0x1FB70]  }
0x34f: {  	[tilespmem:$0x1EE50] =	vst v23;
	v23 =	vld [tilespmem:$0x1FB60];
	_ =	sdelay $0x4  }
0x350: {  	v23 =	vmul.f32 v38, v23;
	v38 =	vld [tilespmem:$0x1FC50];
	_ =	sdelay $0x4  }
0x351: {  	v13 =	vmul.f32 v38, v13;
	_ =	sdelay $0x2  }
0x352: {  	v38 =	vld [tilespmem:$0x1FC00]  }
0x353: {  	[tilespmem:$0x1EE30] =	vst v13;
	v13 =	vmov v12;
	v12 =	vld [tilespmem:$0x1FC10]  }
0x354: {  	v26 =	vmul.f32 v28, v26;
	v28 =	vld.idx.msk [tilespmem:v33+s19+$0x0], $0xffff  }
0x355: {  	[tilespmem:$0x1EE60] =	vst v23;
	v23 =	vld.idx.msk [tilespmem:v61+s15+$0x0], $0xffff  }
0x356: {  	v16 =	vmul.f32 v47, v16;
	v25 =	vmul.f32 v55, v25;
	v61 =	vld.idx.msk [tilespmem:v61+s19+$0x0], $0xffff  }
0x357: {  	v3 =	vmul.f32 v3, v40;
	v0 =	vmul.f32 v8, v0;
	v47 =	vld.idx.msk [tilespmem:v45+s15+$0x0], $0xffff  }
0x358: {  	v12 =	vmul.f32 v12, v38;
	v38 =	vmul.f32 v21, v18;
	v18 =	vld.idx.msk [tilespmem:v45+s19+$0x0], $0xffff  }
0x359: {  	v1 =	vmul.f32 v1, v56;
	v2 =	vmul.f32 v2, v5;
	v8 =	vld.idx.msk [tilespmem:v45+s16+$0x0], $0xffff  }
0x35a: {  	v5 =	vmul.f32 v11, v57;
	v0 =	vmul.f32 v19, v0;
	v11 =	vld.idx.msk [tilespmem:v14+s19+$0x0], $0xffff  }
0x35b: {  	v2 =	vadd.f32 $0.0e+00, v2;
	v15 =	vmul.f32 v28, v15;
	v19 =	vmul.f32 v61, v23;
	v23 =	vld.idx.msk [tilespmem:v33+s16+$0x0], $0xffff  }
0x35c: {  	v5 =	vadd.f32 $0.0e+00, v5;
	v21 =	vmul.f32 v59, v34;
	v59 =	vmul.f32 v60, v58;
	v60 =	vld.idx.msk [tilespmem:v51+s19+$0x0], $0xffff  }
0x35d: {  	v0 =	vadd.f32 $0.0e+00, v0;
	v28 =	vld.idx.msk [tilespmem:v4+s19+$0x0], $0xffff;
	v6 =	vmul.f32 v6, v19;
	v18 =	vmul.f32 v18, v47  }
0x35e: {  	v55 =	vmul.f32 v49, v48;
	v7 =	vmul.f32 v53, v7;
	v19 =	vld.idx.msk [tilespmem:v51+s16+$0x0], $0xffff;
	v5 =	vadd.f32 v59, v5  }
0x35f: {  	v1 =	vadd.f32 v1, v2;
	v4 =	vld.idx.msk [tilespmem:v4+s16+$0x0], $0xffff;
	v0 =	vadd.f32 v6, v0;
	v6 =	vmul.f32 v8, v18  }
0x360: {  	v11 =	vmul.f32 v11, v32;
	v5 =	vadd.f32 v7, v5;
	v8 =	vld.idx.msk [tilespmem:v14+s16+$0x0], $0xffff;
	v14 =	vmul.f32 v42, v54  }
0x361: {  	v2 =	vmul.f32 v23, v15;
	v15 =	vld.idx.msk [tilespmem:v36+s19+$0x0], $0xffff;
	v18 =	vmul.f32 v60, v44;
	v0 =	vadd.f32 v6, v0  }
0x362: {  	[tilespmem:$0x1EE40] =	vst v12;
	v12 =	vld [tilespmem:$0x1FC90];
	v5 =	vadd.f32 v55, v5;
	v6 =	vmul.f32 v30, v29;
	v1 =	vadd.f32 v14, v1  }
0x363: {  	v34 =	vmul.f32 v37, v63;
	v63 =	vld.idx.msk [tilespmem:v50+s19+$0x0], $0xffff;
	v0 =	vadd.f32 v2, v0;
	v2 =	vmul.f32 v19, v18  }
0x364: {  	v7 =	vmul.f32 v20, v17;
	v3 =	vadd.f32 v3, v5;
	v5 =	vld [tilespmem:$0x1FDB0];
	v1 =	vadd.f32 v6, v1  }
0x365: {  	v0 =	vadd.f32 v2, v0;
	v2 =	vmul.f32 v8, v11;
	v8 =	vld [tilespmem:$0x1FDE0]  }
0x366: {  	v1 =	vadd.f32 v7, v1;
	v7 =	vld [tilespmem:$0x1FDC0]  }
0x367: {  	v10 =	vmul.f32 v10, v12;
	v12 =	vld.idx.msk [tilespmem:v9+s19+$0x0], $0xffff  }
0x368: {  	v11 =	vld [tilespmem:$0x1FDF0]  }
0x369: {  	v14 =	vld.idx.msk [tilespmem:v50+s16+$0x0], $0xffff  }
0x36a: {  	v17 =	vmul.f32 v28, v24;
	v18 =	vld.idx.msk [tilespmem:v22+s19+$0x0], $0xffff  }
0x36b: {  	v8 =	vmul.f32 v8, v13;
	v5 =	vmul.f32 v7, v5;
	v7 =	vld [tilespmem:$0x1FDD0]  }
0x36c: {  	v6 =	vld.idx.msk [tilespmem:v36+s16+$0x0], $0xffff;
	v0 =	vadd.f32 v2, v0  }
0x36d: {  	v2 =	vmul.f32 v4, v17;
	v11 =	vmul.f32 v63, v11;
	v1 =	vadd.f32 v8, v1;
	v8 =	vld.idx.msk [tilespmem:v9+s16+$0x0], $0xffff  }
0x36e: {  	v9 =	vld [tilespmem:$0x1FD90]  }
0x36f: {  	v0 =	vadd.f32 v2, v0;
	v2 =	vmul.f32 v14, v11;
	v11 =	vld [tilespmem:$0x1FDA0]  }
0x370: {  	v7 =	vmul.f32 v15, v7  }
0x371: {  	v4 =	vld.idx.msk [tilespmem:v22+s16+$0x0], $0xffff  }
0x372: {  	v0 =	vadd.f32 v2, v0;
	v2 =	vmul.f32 v6, v7;
	v6 =	vld [tilespmem:$0x1FD60]  }
0x373: {  	v1 =	vadd.f32 v5, v1;
	v9 =	vmul.f32 v39, v9;
	v7 =	vld [tilespmem:$0x1FD70]  }
0x374: {  	v3 =	vadd.f32 v34, v3;
	v11 =	vmul.f32 v18, v11  }
0x375: {  	v1 =	vadd.f32 v9, v1;
	v9 =	vld [tilespmem:$0x1FD30]  }
0x376: {  	v3 =	vadd.f32 v21, v3;
	v0 =	vadd.f32 v2, v0;
	v2 =	vmul.f32 v4, v11;
	v11 =	vld [tilespmem:$0x1FD40];
	_ =	sdelay $0x1  }
0x377: {  	v3 =	vadd.f32 v26, v3;
	v6 =	vmul.f32 v7, v6;
	v7 =	vld [tilespmem:$0x1FD80];
	_ =	sdelay $0x1  }
0x378: {  	v3 =	vadd.f32 v25, v3;
	v15 =	vld.idx.msk [tilespmem:v62+s19+$0x0], $0xffff  }
0x379: {  	v9 =	vmul.f32 v11, v9;
	v11 =	vld [tilespmem:$0x1FD50]  }
0x37a: {  	v3 =	vadd.f32 v38, v3  }
0x37b: {  	v5 =	vld.idx.msk [tilespmem:v62+s16+$0x0], $0xffff;
	v7 =	vmul.f32 v12, v7  }
0x37c: {  	v3 =	vadd.f32 v16, v3;
	v16 =	vld [tilespmem:$0x1FB40]  }
0x37d: {  	v0 =	vadd.f32 v2, v0;
	v1 =	vadd.f32 v6, v1;
	v2 =	vmul.f32 v8, v7;
	v7 =	vld [tilespmem:$0x1FD00]  }
0x37e: {  	v11 =	vmul.f32 v15, v11;
	v8 =	vld [tilespmem:$0x1FD10]  }
0x37f: {  	v1 =	vadd.f32 v9, v1;
	v9 =	vld [tilespmem:$0x1FCD0]  }
0x380: {  	v0 =	vadd.f32 v2, v0;
	v2 =	vmul.f32 v5, v11;
	v11 =	vld [tilespmem:$0x1FCE0]  }
0x381: {  	v14 =	vld.idx.msk [tilespmem:v52+s19+$0x0], $0xffff  }
0x382: {  	v4 =	vld.idx.msk [tilespmem:v52+s16+$0x0], $0xffff  }
0x383: {  	v7 =	vmul.f32 v8, v7;
	v8 =	vld [tilespmem:$0x1FD20]  }
0x384: {  	v12 =	vld.idx.msk [tilespmem:v46+s19+$0x0], $0xffff  }
0x385: {  	v9 =	vmul.f32 v11, v9;
	v11 =	vld [tilespmem:$0x1FCF0]  }
0x386: {  	v13 =	vld.idx.msk [tilespmem:v27+s19+$0x0], $0xffff  }
0x387: {  	v6 =	vld.idx.msk [tilespmem:v46+s16+$0x0], $0xffff  }
0x388: {  	v3 =	vadd.f32 v10, v3;
	v10 =	vld.idx.msk [tilespmem:v16+s19+$0x0], $0xffff;
	v8 =	vmul.f32 v14, v8  }
0x389: {  	v1 =	vadd.f32 v7, v1;
	v7 =	vld [tilespmem:$0x1FCA0]  }
0x38a: {  	v0 =	vadd.f32 v2, v0;
	v11 =	vmul.f32 v12, v11;
	v2 =	vmul.f32 v4, v8;
	v8 =	vld [tilespmem:$0x1FCB0]  }
0x38b: {  	v1 =	vadd.f32 v9, v1;
	v9 =	vld [tilespmem:$0x1FC60]  }
0x38c: {  	v0 =	vadd.f32 v2, v0;
	v2 =	vmul.f32 v6, v11;
	v11 =	vld [tilespmem:$0x1FC70]  }
0x38d: {  	v15 =	vld.idx.msk [tilespmem:v41+s19+$0x0], $0xffff  }
0x38e: {  	v5 =	vld.idx.msk [tilespmem:v41+s16+$0x0], $0xffff  }
0x38f: {  	v14 =	vld.idx.msk [tilespmem:v35+s19+$0x0], $0xffff;
	v7 =	vmul.f32 v8, v7  }
0x390: {  	v8 =	vld [tilespmem:$0x1FCC0]  }
0x391: {  	v9 =	vmul.f32 v11, v9;
	v1 =	vadd.f32 v7, v1;
	v7 =	vld [tilespmem:$0x1EE30]  }
0x392: {  	v11 =	vld [tilespmem:$0x1FC80]  }
0x393: {  	v1 =	vadd.f32 v9, v1;
	v9 =	vld [tilespmem:$0x1EE40]  }
0x394: {  	v4 =	vld.idx.msk [tilespmem:v35+s16+$0x0], $0xffff  }
0x395: {  	v12 =	vld.idx.msk [tilespmem:v31+s19+$0x0], $0xffff;
	v8 =	vmul.f32 v15, v8  }
0x396: {  	v3 =	vadd.f32 v7, v3;
	v7 =	vld [tilespmem:$0x1FC20]  }
0x397: {  	v0 =	vadd.f32 v2, v0;
	v11 =	vmul.f32 v14, v11;
	v2 =	vmul.f32 v5, v8;
	v8 =	vld [tilespmem:$0x1FC30]  }
0x398: {  	v3 =	vadd.f32 v9, v3;
	v9 =	vld [tilespmem:$0x1FBD0]  }
0x399: {  	v0 =	vadd.f32 v2, v0;
	v2 =	vmul.f32 v4, v11;
	v11 =	vld [tilespmem:$0x1FBE0]  }
0x39a: {  	v15 =	vld [tilespmem:$0x1FAF0]  }
0x39b: {  	v6 =	vld.idx.msk [tilespmem:v31+s16+$0x0], $0xffff  }
0x39c: {  	v14 =	vld.idx.msk [tilespmem:v43+s19+$0x0], $0xffff;
	v7 =	vmul.f32 v8, v7  }
0x39d: {  	v8 =	vld [tilespmem:$0x1FC40]  }
0x39e: {  	v9 =	vmul.f32 v11, v9;
	v1 =	vadd.f32 v7, v1;
	v7 =	vld [tilespmem:$0x1EE50]  }
0x39f: {  	v11 =	vld [tilespmem:$0x1FBF0]  }
0x3a0: {  	v1 =	vadd.f32 v9, v1;
	v9 =	vld [tilespmem:$0x1EE60]  }
0x3a1: {  	v5 =	vld.idx.msk [tilespmem:v27+s16+$0x0], $0xffff  }
0x3a2: {  	v8 =	vmul.f32 v12, v8;
	v12 =	vld.idx.msk [tilespmem:v15+s19+$0x0], $0xffff  }
0x3a3: {  	v3 =	vadd.f32 v7, v3;
	v7 =	vld [tilespmem:$0x1FB80]  }
0x3a4: {  	v0 =	vadd.f32 v2, v0;
	v11 =	vmul.f32 v13, v11;
	v2 =	vmul.f32 v6, v8;
	v8 =	vld [tilespmem:$0x1FB90]  }
0x3a5: {  	v3 =	vadd.f32 v9, v3;
	v9 =	vld [tilespmem:$0x1FB20]  }
0x3a6: {  	v0 =	vadd.f32 v2, v0;
	v2 =	vmul.f32 v5, v11;
	v11 =	vld [tilespmem:$0x1FB30]  }
0x3a7: {  	v5 =	vld.idx.msk [tilespmem:v15+s16+$0x0], $0xffff  }
0x3a8: {  	v15 =	vld [tilespmem:$0x1FA30]  }
0x3a9: {  	v4 =	vld.idx.msk [tilespmem:v43+s16+$0x0], $0xffff  }
0x3aa: {  	v7 =	vmul.f32 v8, v7;
	v8 =	vld [tilespmem:$0x1FBA0]  }
0x3ab: {  	v9 =	vmul.f32 v11, v9;
	v11 =	vld [tilespmem:$0x1FB50]  }
0x3ac: {  	v1 =	vadd.f32 v7, v1;
	v7 =	vld [tilespmem:$0x1EE70]  }
0x3ad: {  	v6 =	vld.idx.msk [tilespmem:v16+s16+$0x0], $0xffff  }
0x3ae: {  	v1 =	vadd.f32 v9, v1;
	v9 =	vld [tilespmem:$0x1EE80]  }
0x3af: {  	v8 =	vmul.f32 v14, v8;
	v14 =	vld [tilespmem:$0x1FA90]  }
0x3b0: {  	v10 =	vmul.f32 v10, v11;
	v11 =	vld.idx.msk [tilespmem:v15+s19+$0x0], $0xffff  }
0x3b1: {  	v0 =	vadd.f32 v2, v0;
	v2 =	vmul.f32 v4, v8;
	v3 =	vadd.f32 v7, v3;
	v7 =	vld [tilespmem:$0x1FAD0]  }
0x3b2: {  	v8 =	vld [tilespmem:$0x1FAE0]  }
0x3b3: {  	v0 =	vadd.f32 v2, v0;
	v2 =	vmul.f32 v6, v10;
	v6 =	vld.idx.msk [tilespmem:v15+s16+$0x0], $0xffff  }
0x3b4: {  	v3 =	vadd.f32 v9, v3;
	v9 =	vld [tilespmem:$0x1FA70]  }
0x3b5: {  	v10 =	vld [tilespmem:$0x1FA80]  }
0x3b6: {  	v15 =	vld [tilespmem:$0x1F970]  }
0x3b7: {  	v7 =	vmul.f32 v8, v7;
	v8 =	vld [tilespmem:$0x1FB00]  }
0x3b8: {  	v13 =	vld.idx.msk [tilespmem:v14+s19+$0x0], $0xffff  }
0x3b9: {  	v4 =	vld.idx.msk [tilespmem:v14+s16+$0x0], $0xffff  }
0x3ba: {  	v14 =	vld [tilespmem:$0x1F9D0]  }
0x3bb: {  	v9 =	vmul.f32 v10, v9;
	v10 =	vld [tilespmem:$0x1FAA0]  }
0x3bc: {  	v1 =	vadd.f32 v7, v1;
	v7 =	vld [tilespmem:$0x1EE90];
	_ =	sdelay $0x2  }
0x3bd: {  	v1 =	vadd.f32 v9, v1;
	v9 =	vld [tilespmem:$0x1EEA0]  }
0x3be: {  	v8 =	vmul.f32 v12, v8;
	v10 =	vmul.f32 v13, v10;
	v13 =	vld.idx.msk [tilespmem:v15+s19+$0x0], $0xffff  }
0x3bf: {  	v3 =	vadd.f32 v7, v3;
	v7 =	vld [tilespmem:$0x1FA10]  }
0x3c0: {  	v0 =	vadd.f32 v2, v0;
	v2 =	vmul.f32 v5, v8;
	v8 =	vld [tilespmem:$0x1FA20]  }
0x3c1: {  	v12 =	vld.idx.msk [tilespmem:v14+s19+$0x0], $0xffff  }
0x3c2: {  	v5 =	vld.idx.msk [tilespmem:v14+s16+$0x0], $0xffff  }
0x3c3: {  	v3 =	vadd.f32 v9, v3;
	v9 =	vld [tilespmem:$0x1F9B0]  }
0x3c4: {  	v0 =	vadd.f32 v2, v0;
	v2 =	vmul.f32 v4, v10;
	v10 =	vld [tilespmem:$0x1F9C0]  }
0x3c5: {  	v14 =	vld [tilespmem:$0x1F910];
	v7 =	vmul.f32 v8, v7  }
0x3c6: {  	v8 =	vld [tilespmem:$0x1FA40]  }
0x3c7: {  	v1 =	vadd.f32 v7, v1;
	v7 =	vld [tilespmem:$0x1EEB0]  }
0x3c8: {  	v4 =	vld.idx.msk [tilespmem:v15+s16+$0x0], $0xffff  }
0x3c9: {  	v15 =	vld [tilespmem:$0x1F8B0];
	v9 =	vmul.f32 v10, v9  }
0x3ca: {  	v10 =	vld [tilespmem:$0x1F9E0]  }
0x3cb: {  	v1 =	vadd.f32 v9, v1;
	v9 =	vld [tilespmem:$0x1EEC0];
	v8 =	vmul.f32 v11, v8  }
0x3cc: {  	v3 =	vadd.f32 v7, v3;
	v7 =	vld [tilespmem:$0x1F950]  }
0x3cd: {  	v0 =	vadd.f32 v2, v0;
	v2 =	vmul.f32 v6, v8;
	v8 =	vld [tilespmem:$0x1F960];
	_ =	sdelay $0x1  }
0x3ce: {  	v11 =	vld.idx.msk [tilespmem:v14+s19+$0x0], $0xffff;
	v10 =	vmul.f32 v12, v10  }
0x3cf: {  	v3 =	vadd.f32 v9, v3;
	v9 =	vld [tilespmem:$0x1F8F0]  }
0x3d0: {  	v0 =	vadd.f32 v2, v0;
	v2 =	vmul.f32 v5, v10;
	v10 =	vld [tilespmem:$0x1F900]  }
0x3d1: {  	v12 =	vld.idx.msk [tilespmem:v15+s19+$0x0], $0xffff;
	v7 =	vmul.f32 v8, v7  }
0x3d2: {  	v8 =	vld [tilespmem:$0x1F980]  }
0x3d3: {  	v1 =	vadd.f32 v7, v1;
	v7 =	vld [tilespmem:$0x1EED0]  }
0x3d4: {  	v6 =	vld.idx.msk [tilespmem:v14+s16+$0x0], $0xffff  }
0x3d5: {  	v14 =	vld [tilespmem:$0x1F850];
	v9 =	vmul.f32 v10, v9  }
0x3d6: {  	v10 =	vld [tilespmem:$0x1F920]  }
0x3d7: {  	v1 =	vadd.f32 v9, v1;
	v9 =	vld [tilespmem:$0x1EEE0];
	v8 =	vmul.f32 v13, v8  }
0x3d8: {  	v3 =	vadd.f32 v7, v3;
	v7 =	vld [tilespmem:$0x1F890]  }
0x3d9: {  	v0 =	vadd.f32 v2, v0;
	v2 =	vmul.f32 v4, v8;
	v8 =	vld [tilespmem:$0x1F8A0]  }
0x3da: {  	v5 =	vld.idx.msk [tilespmem:v15+s16+$0x0], $0xffff  }
0x3db: {  	v15 =	vld [tilespmem:$0x1F7F0];
	v10 =	vmul.f32 v11, v10  }
0x3dc: {  	v3 =	vadd.f32 v9, v3;
	v9 =	vld [tilespmem:$0x1F830]  }
0x3dd: {  	v0 =	vadd.f32 v2, v0;
	v2 =	vmul.f32 v6, v10;
	v10 =	vld [tilespmem:$0x1F840]  }
0x3de: {  	v13 =	vld.idx.msk [tilespmem:v14+s19+$0x0], $0xffff;
	v7 =	vmul.f32 v8, v7  }
0x3df: {  	v8 =	vld [tilespmem:$0x1F8C0]  }
0x3e0: {  	v1 =	vadd.f32 v7, v1;
	v7 =	vld [tilespmem:$0x1EEF0]  }
0x3e1: {  	v4 =	vld.idx.msk [tilespmem:v14+s16+$0x0], $0xffff  }
0x3e2: {  	v14 =	vld [tilespmem:$0x1F790];
	v9 =	vmul.f32 v10, v9  }
0x3e3: {  	v10 =	vld [tilespmem:$0x1F860]  }
0x3e4: {  	v1 =	vadd.f32 v9, v1;
	v9 =	vld [tilespmem:$0x1EF00];
	v8 =	vmul.f32 v12, v8  }
0x3e5: {  	v3 =	vadd.f32 v7, v3;
	v7 =	vld [tilespmem:$0x1F7D0]  }
0x3e6: {  	v0 =	vadd.f32 v2, v0;
	v2 =	vmul.f32 v5, v8;
	v8 =	vld [tilespmem:$0x1F7E0]  }
0x3e7: {  	v11 =	vld.idx.msk [tilespmem:v15+s19+$0x0], $0xffff  }
0x3e8: {  	v6 =	vld.idx.msk [tilespmem:v15+s16+$0x0], $0xffff;
	v10 =	vmul.f32 v13, v10  }
0x3e9: {  	v3 =	vadd.f32 v9, v3;
	v9 =	vld [tilespmem:$0x1F770]  }
0x3ea: {  	v0 =	vadd.f32 v2, v0;
	v2 =	vmul.f32 v4, v10;
	v10 =	vld [tilespmem:$0x1F780]  }
0x3eb: {  	v15 =	vld [tilespmem:$0x1F740];
	v7 =	vmul.f32 v8, v7  }
0x3ec: {  	v8 =	vld [tilespmem:$0x1F800]  }
0x3ed: {  	v1 =	vadd.f32 v7, v1;
	v7 =	vld [tilespmem:$0x1EF10]  }
0x3ee: {  	v12 =	vld.idx.msk [tilespmem:v14+s19+$0x0], $0xffff  }
0x3ef: {  	v5 =	vld.idx.msk [tilespmem:v14+s16+$0x0], $0xffff;
	v9 =	vmul.f32 v10, v9  }
0x3f0: {  	v10 =	vld [tilespmem:$0x1F7A0]  }
0x3f1: {  	v1 =	vadd.f32 v9, v1;
	v9 =	vld [tilespmem:$0x1EF20];
	v8 =	vmul.f32 v11, v8  }
0x3f2: {  	v3 =	vadd.f32 v7, v3;
	v7 =	vld [tilespmem:$0x1F720]  }
0x3f3: {  	v0 =	vadd.f32 v2, v0;
	v2 =	vmul.f32 v6, v8;
	v8 =	vld [tilespmem:$0x1F730];
	_ =	sdelay $0x1  }
0x3f4: {  	v14 =	vld [tilespmem:$0x1F700]  }
0x3f5: {  	v13 =	vld.idx.msk [tilespmem:v15+s19+$0x0], $0xffff;
	v10 =	vmul.f32 v12, v10  }
0x3f6: {  	v3 =	vadd.f32 v9, v3;
	v9 =	vld [tilespmem:$0x1F6E0]  }
0x3f7: {  	v0 =	vadd.f32 v2, v0;
	v2 =	vmul.f32 v5, v10;
	v10 =	vld [tilespmem:$0x1F6F0];
	v7 =	vmul.f32 v8, v7  }
0x3f8: {  	v8 =	vld [tilespmem:$0x1F750]  }
0x3f9: {  	v1 =	vadd.f32 v7, v1;
	v7 =	vld [tilespmem:$0x1EF30]  }
0x3fa: {  	v4 =	vld.idx.msk [tilespmem:v15+s16+$0x0], $0xffff;
	_ =	sdelay $0x1  }
0x3fb: {  	v11 =	vld.idx.msk [tilespmem:v14+s19+$0x0], $0xffff  }
0x3fc: {  	v9 =	vmul.f32 v10, v9;
	v10 =	vld [tilespmem:$0x1F710];
	v8 =	vmul.f32 v13, v8  }
0x3fd: {  	v3 =	vadd.f32 v7, v3;
	v7 =	vld [tilespmem:$0x1F6B0]  }
0x3fe: {  	v0 =	vadd.f32 v2, v0;
	v2 =	vmul.f32 v4, v8;
	v8 =	vld [tilespmem:$0x1F6C0]  }
0x3ff: {  	v6 =	vld.idx.msk [tilespmem:v14+s16+$0x0], $0xffff  }
0x400: {  	v12 =	vld.idx.msk [tilespmem:v15+s22+$0x0], $0xffff  }
0x401: {  	v5 =	vld.idx.msk [tilespmem:v14+s22+$0x0], $0xffff  }
0x402: {  	v13 =	vld.idx.msk [tilespmem:v14+s17+$0x0], $0xffff;
	v10 =	vmul.f32 v11, v10  }
0x403: {  	v7 =	vmul.f32 v8, v7;
	v8 =	vld [tilespmem:$0x1F6D0]  }
0x404: {  	v0 =	vadd.f32 v2, v0;
	v2 =	vmul.f32 v6, v10;
	v6 =	vld [tilespmem:$0x1F690]  }
0x405: {  	v3 =	vadd.f32 v7, v3;
	v7 =	vld [tilespmem:$0x1F6A0]  }
0x406: {  	v11 =	vld.idx.msk [tilespmem:v14+s18+$0x0], $0xffff  }
0x407: {  	v4 =	vld.idx.msk [tilespmem:v14+s23+$0x0], $0xffff  }
0x408: {  	v1 =	vadd.f32 v9, v1;
	v8 =	vmul.f32 v12, v8  }
0x409: {  	v0 =	vadd.f32 v2, v0  }
0x40a: {  	v2 =	vmul.f32 v5, v13;
	v6 =	vmul.f32 v7, v6;
	v1 =	vadd.f32 v8, v1  }
0x40b: {  	v0 =	vsub.f32 $0.0e+00, v0  }
0x40c: {  	v3 =	vadd.f32 v6, v3;
	v1 =	vadd.f32 v2, v1;
	v2 =	vmul.f32 v4, v11;
	_ =	sdelay $0x1  }
0x40d: {  	v0 =	vmul.f32 $1.442695020e+00, v0;
	v2 =	vadd.f32 v2, v3;
	v1 =	vsub.f32 $0.0e+00, v1;
	_ =	sdelay $0x1  }
0x40e: {  	(erf) = vpow2.f32 v0;
	v1 =	vmul.f32 $1.442695020e+00, v1;
	v2 =	vsub.f32 $0.0e+00, v2;
	_ =	sdelay $0x1  }
0x40f: {  	v0 =	vmul.f32 $1.442695020e+00, v2;
	(erf) = vpow2.f32 v1;
	_ =	sdelay $0x1  }
0x410: {  	(erf) = vpow2.f32 v0;
	_ =	sdelay $0x4  }
0x411: {  	v0 =	vpop (erf)  }
0x412: {  	v2 =	vadd.f32 $1.000000000e+00, v0  }
0x413: {  	v1 =	vpop (erf)  }
0x414: {  	(erf) = vrcp.f32 v2;
	v1 =	vadd.f32 $1.000000000e+00, v1  }
0x415: {  	v0 =	vpop (erf)  }
0x416: {  	v0 =	vadd.f32 $1.000000000e+00, v0;
	(erf) = vrcp.f32 v1;
	_ =	sdelay $0x1  }
0x417: {  	(erf) = vrcp.f32 v0;
	_ =	sdelay $0x1  }
0x418: {  	v2 =	vld [tilespmem:$0x1FF70];
	_ =	sdelay $0x2  }
0x419: {  	v5 =	vmov s9;
	v1 =	vpop (erf)  }
0x41a: {  	v3 =	vshll.u32 v5, $0x5;
	v4 =	vmul.f32 $2.000000000e+01, v1  }
0x41b: {  	v54 =	vor.u32 v2, v3;
	v2 =	vld [tilespmem:$0x1FE40];
	v0 =	vpop (erf)  }
0x41c: {  	v0 =	vmul.f32 v0, v4  }
0x41d: {  	v1 =	vpop (erf)  }
0x41e: {  	v0 =	vmul.f32 v1, v0  }
0x41f: {  	s8 =	sadd.s32 $0x10, s8  }
0x420: {  	v3 =	vor.u32 v2, v54;
	[tilespmem:s8+$0x0] =	vst v0;
	v0 =	vld [tilespmem:$0x1FEB0];
	_ =	sdelay $0x3  }
0x421: {  	v2 =	vld [tilespmem:$0x1FE30]  }
0x422: {  	v4 =	vor.u32 v0, v54;
	v0 =	vld.idx.msk [tilespmem:v3+s18+$0x0], $0xffff;
	_ =	sdelay $0x4  }
0x423: {  	v2 =	vor.u32 v2, v54;
	[tilespmem:$0x1F690] =	vst v0;
	v0 =	vld.idx.msk [tilespmem:v3+s23+$0x0], $0xffff;
	_ =	sdelay $0x4  }
0x424: {  	[tilespmem:$0x1F6A0] =	vst v0;
	v0 =	vld.idx.msk [tilespmem:v2+s18+$0x0], $0xffff;
	_ =	sdelay $0x4  }
0x425: {  	[tilespmem:$0x1F6B0] =	vst v0;
	v0 =	vld.idx.msk [tilespmem:v2+s23+$0x0], $0xffff;
	_ =	sdelay $0x4  }
0x426: {  	[tilespmem:$0x1F6C0] =	vst v0;
	v0 =	vld.idx.msk [tilespmem:v3+s17+$0x0], $0xffff;
	_ =	sdelay $0x4  }
0x427: {  	[tilespmem:$0x1F6D0] =	vst v0;
	v0 =	vld [tilespmem:$0x1FE50];
	_ =	sdelay $0x4  }
0x428: {  	v1 =	vor.u32 v0, v54;
	v0 =	vld [tilespmem:$0x1FFE0];
	_ =	sdelay $0x4  }
0x429: {  	v5 =	vor.u32 v0, v54;
	v0 =	vld.idx.msk [tilespmem:v2+s17+$0x0], $0xffff;
	_ =	sdelay $0x4  }
0x42a: {  	[tilespmem:$0x1F6E0] =	vst v0;
	v0 =	vld.idx.msk [tilespmem:v2+s22+$0x0], $0xffff;
	_ =	sdelay $0x4  }
0x42b: {  	[tilespmem:$0x1F6F0] =	vst v0;
	v0 =	vld.idx.msk [tilespmem:v1+s15+$0x0], $0xffff;
	_ =	sdelay $0x4  }
0x42c: {  	[tilespmem:$0x1F710] =	vst v0;
	v0 =	vld [tilespmem:$0x1FFD0];
	_ =	sdelay $0x4  }
0x42d: {  	[tilespmem:$0x1F700] =	vst v1;
	v1 =	vor.u32 v0, v54;
	v0 =	vld.idx.msk [tilespmem:v4+s17+$0x0], $0xffff;
	_ =	sdelay $0x4  }
0x42e: {  	[tilespmem:$0x1F720] =	vst v0;
	v0 =	vld.idx.msk [tilespmem:v4+s22+$0x0], $0xffff;
	_ =	sdelay $0x4  }
0x42f: {  	[tilespmem:$0x1F730] =	vst v0;
	v0 =	vld.idx.msk [tilespmem:v3+s15+$0x0], $0xffff;
	_ =	sdelay $0x4  }
0x430: {  	[tilespmem:$0x1F750] =	vst v0;
	v0 =	vld [tilespmem:$0x1FFF0];
	_ =	sdelay $0x4  }
0x431: {  	[tilespmem:$0x1F740] =	vst v3;
	v3 =	vor.u32 v0, v54;
	v0 =	vld.idx.msk [tilespmem:v1+s23+$0x0], $0xffff;
	_ =	sdelay $0x4  }
0x432: {  	[tilespmem:$0x1F760] =	vst v0;
	v0 =	vld.idx.msk [tilespmem:v5+s17+$0x0], $0xffff;
	_ =	sdelay $0x4  }
0x433: {  	[tilespmem:$0x1F770] =	vst v0;
	v0 =	vld.idx.msk [tilespmem:v5+s22+$0x0], $0xffff;
	_ =	sdelay $0x4  }
0x434: {  	[tilespmem:$0x1F780] =	vst v0;
	v0 =	vld.idx.msk [tilespmem:v2+s15+$0x0], $0xffff;
	_ =	sdelay $0x4  }
0x435: {  	[tilespmem:$0x1F7A0] =	vst v0;
	v0 =	vld [tilespmem:$0x1FFC0];
	_ =	sdelay $0x4  }
0x436: {  	[tilespmem:$0x1F790] =	vst v2;
	v2 =	vor.u32 v0, v54;
	v0 =	vld.idx.msk [tilespmem:v3+s18+$0x0], $0xffff;
	_ =	sdelay $0x4  }
0x437: {  	[tilespmem:$0x1F7B0] =	vst v0;
	v0 =	vld.idx.msk [tilespmem:v3+s23+$0x0], $0xffff;
	_ =	sdelay $0x4  }
0x438: {  	[tilespmem:$0x1F7C0] =	vst v0;
	v0 =	vld.idx.msk [tilespmem:v1+s17+$0x0], $0xffff;
	_ =	sdelay $0x4  }
0x439: {  	[tilespmem:$0x1F7D0] =	vst v0;
	v0 =	vld.idx.msk [tilespmem:v1+s22+$0x0], $0xffff;
	_ =	sdelay $0x4  }
0x43a: {  	[tilespmem:$0x1F7E0] =	vst v0;
	v0 =	vld.idx.msk [tilespmem:v4+s15+$0x0], $0xffff;
	_ =	sdelay $0x4  }
0x43b: {  	[tilespmem:$0x1F800] =	vst v0;
	v0 =	vld [tilespmem:$0x1FF60];
	_ =	sdelay $0x2  }
0x43c: {  	v6 =	vld.idx.msk [tilespmem:v4+s18+$0x0], $0xffff  }
0x43d: {  	v8 =	vld.idx.msk [tilespmem:v4+s23+$0x0], $0xffff  }
0x43e: {  	[tilespmem:$0x1F7F0] =	vst v4;
	v4 =	vor.u32 v0, v54;
	v0 =	vld.idx.msk [tilespmem:v2+s18+$0x0], $0xffff;
	_ =	sdelay $0x4  }
0x43f: {  	[tilespmem:$0x1F810] =	vst v0;
	v0 =	vld.idx.msk [tilespmem:v2+s23+$0x0], $0xffff;
	_ =	sdelay $0x4  }
0x440: {  	[tilespmem:$0x1F820] =	vst v0;
	v0 =	vld.idx.msk [tilespmem:v3+s17+$0x0], $0xffff;
	_ =	sdelay $0x4  }
0x441: {  	[tilespmem:$0x1F830] =	vst v0;
	v0 =	vld.idx.msk [tilespmem:v3+s22+$0x0], $0xffff;
	_ =	sdelay $0x4  }
0x442: {  	[tilespmem:$0x1F840] =	vst v0;
	v0 =	vld.idx.msk [tilespmem:v5+s15+$0x0], $0xffff;
	_ =	sdelay $0x4  }
0x443: {  	[tilespmem:$0x1F860] =	vst v0;
	v0 =	vld [tilespmem:$0x1FFA0];
	_ =	sdelay $0x2  }
0x444: {  	v19 =	vld.idx.msk [tilespmem:v5+s18+$0x0], $0xffff  }
0x445: {  	v23 =	vld.idx.msk [tilespmem:v5+s23+$0x0], $0xffff  }
0x446: {  	[tilespmem:$0x1F850] =	vst v5;
	v5 =	vor.u32 v0, v54;
	v0 =	vld.idx.msk [tilespmem:v4+s18+$0x0], $0xffff;
	_ =	sdelay $0x4  }
0x447: {  	[tilespmem:$0x1F870] =	vst v0;
	v0 =	vld.idx.msk [tilespmem:v4+s23+$0x0], $0xffff;
	_ =	sdelay $0x4  }
0x448: {  	[tilespmem:$0x1F880] =	vst v0;
	v0 =	vld.idx.msk [tilespmem:v2+s17+$0x0], $0xffff;
	_ =	sdelay $0x4  }
0x449: {  	[tilespmem:$0x1F890] =	vst v0;
	v0 =	vld.idx.msk [tilespmem:v2+s22+$0x0], $0xffff;
	_ =	sdelay $0x4  }
0x44a: {  	[tilespmem:$0x1F8A0] =	vst v0;
	v0 =	vld.idx.msk [tilespmem:v1+s15+$0x0], $0xffff;
	_ =	sdelay $0x4  }
0x44b: {  	[tilespmem:$0x1F8C0] =	vst v0;
	v0 =	vld [tilespmem:$0x1FF40];
	_ =	sdelay $0x3  }
0x44c: {  	v15 =	vld.idx.msk [tilespmem:v1+s18+$0x0], $0xffff  }
0x44d: {  	[tilespmem:$0x1F8B0] =	vst v1;
	v1 =	vor.u32 v0, v54;
	v0 =	vld.idx.msk [tilespmem:v5+s18+$0x0], $0xffff;
	_ =	sdelay $0x4  }
0x44e: {  	[tilespmem:$0x1F8D0] =	vst v0;
	v0 =	vld.idx.msk [tilespmem:v5+s23+$0x0], $0xffff;
	_ =	sdelay $0x4  }
0x44f: {  	[tilespmem:$0x1F8E0] =	vst v0;
	v0 =	vld.idx.msk [tilespmem:v4+s17+$0x0], $0xffff;
	_ =	sdelay $0x4  }
0x450: {  	[tilespmem:$0x1F8F0] =	vst v0;
	v0 =	vld.idx.msk [tilespmem:v4+s22+$0x0], $0xffff;
	_ =	sdelay $0x4  }
0x451: {  	[tilespmem:$0x1F900] =	vst v0;
	v0 =	vld.idx.msk [tilespmem:v3+s15+$0x0], $0xffff;
	_ =	sdelay $0x4  }
0x452: {  	[tilespmem:$0x1F920] =	vst v0;
	v0 =	vld [tilespmem:$0x1FE20];
	_ =	sdelay $0x4  }
0x453: {  	[tilespmem:$0x1F910] =	vst v3;
	v3 =	vor.u32 v0, v54;
	v0 =	vld.idx.msk [tilespmem:v1+s18+$0x0], $0xffff;
	_ =	sdelay $0x4  }
0x454: {  	[tilespmem:$0x1F930] =	vst v0;
	v0 =	vld.idx.msk [tilespmem:v1+s23+$0x0], $0xffff;
	_ =	sdelay $0x4  }
0x455: {  	[tilespmem:$0x1F940] =	vst v0;
	v0 =	vld.idx.msk [tilespmem:v5+s17+$0x0], $0xffff;
	_ =	sdelay $0x4  }
0x456: {  	[tilespmem:$0x1F950] =	vst v0;
	v0 =	vld.idx.msk [tilespmem:v5+s22+$0x0], $0xffff;
	_ =	sdelay $0x4  }
0x457: {  	[tilespmem:$0x1F960] =	vst v0;
	v0 =	vld.idx.msk [tilespmem:v2+s15+$0x0], $0xffff;
	_ =	sdelay $0x4  }
0x458: {  	[tilespmem:$0x1F980] =	vst v0;
	v0 =	vld [tilespmem:$0x1FFB0];
	_ =	sdelay $0x4  }
0x459: {  	[tilespmem:$0x1F970] =	vst v2;
	v2 =	vor.u32 v0, v54;
	v0 =	vld.idx.msk [tilespmem:v3+s18+$0x0], $0xffff;
	_ =	sdelay $0x4  }
0x45a: {  	[tilespmem:$0x1F990] =	vst v0;
	v0 =	vld.idx.msk [tilespmem:v3+s23+$0x0], $0xffff;
	_ =	sdelay $0x4  }
0x45b: {  	[tilespmem:$0x1F9A0] =	vst v0;
	v0 =	vld.idx.msk [tilespmem:v1+s17+$0x0], $0xffff;
	_ =	sdelay $0x4  }
0x45c: {  	[tilespmem:$0x1F9B0] =	vst v0;
	v0 =	vld.idx.msk [tilespmem:v1+s22+$0x0], $0xffff;
	_ =	sdelay $0x4  }
0x45d: {  	[tilespmem:$0x1F9C0] =	vst v0;
	v0 =	vld.idx.msk [tilespmem:v4+s15+$0x0], $0xffff;
	_ =	sdelay $0x4  }
0x45e: {  	[tilespmem:$0x1F9E0] =	vst v0;
	v0 =	vld [tilespmem:$0x1FE10];
	_ =	sdelay $0x4  }
0x45f: {  	v38 =	vor.u32 v0, v54;
	v0 =	vld.idx.msk [tilespmem:v2+s18+$0x0], $0xffff;
	_ =	sdelay $0x4  }
0x460: {  	[tilespmem:$0x1F9F0] =	vst v0;
	v0 =	vld.idx.msk [tilespmem:v2+s23+$0x0], $0xffff;
	_ =	sdelay $0x4  }
0x461: {  	[tilespmem:$0x1FA00] =	vst v0;
	v0 =	vld.idx.msk [tilespmem:v3+s17+$0x0], $0xffff;
	_ =	sdelay $0x4  }
0x462: {  	[tilespmem:$0x1FA10] =	vst v0;
	v0 =	vld.idx.msk [tilespmem:v3+s22+$0x0], $0xffff;
	_ =	sdelay $0x4  }
0x463: {  	[tilespmem:$0x1FA20] =	vst v0;
	v0 =	vld.idx.msk [tilespmem:v5+s15+$0x0], $0xffff;
	_ =	sdelay $0x4  }
0x464: {  	[tilespmem:$0x1FA40] =	vst v0;
	v0 =	vld [tilespmem:$0x1FE00];
	_ =	sdelay $0x4  }
0x465: {  	v27 =	vor.u32 v0, v54;
	v0 =	vld.idx.msk [tilespmem:v38+s18+$0x0], $0xffff;
	_ =	sdelay $0x4  }
0x466: {  	[tilespmem:$0x1FA50] =	vst v0;
	v0 =	vld.idx.msk [tilespmem:v38+s23+$0x0], $0xffff;
	_ =	sdelay $0x4  }
0x467: {  	[tilespmem:$0x1FA60] =	vst v0;
	v0 =	vld.idx.msk [tilespmem:v2+s17+$0x0], $0xffff;
	_ =	sdelay $0x4  }
0x468: {  	[tilespmem:$0x1FA70] =	vst v0;
	v0 =	vld.idx.msk [tilespmem:v2+s22+$0x0], $0xffff;
	_ =	sdelay $0x4  }
0x469: {  	[tilespmem:$0x1FA80] =	vst v0;
	v0 =	vld.idx.msk [tilespmem:v1+s15+$0x0], $0xffff;
	_ =	sdelay $0x4  }
0x46a: {  	[tilespmem:$0x1FAA0] =	vst v0;
	v0 =	vld [tilespmem:$0x1FE70];
	_ =	sdelay $0x4  }
0x46b: {  	v31 =	vor.u32 v0, v54;
	v0 =	vld.idx.msk [tilespmem:v27+s18+$0x0], $0xffff;
	_ =	sdelay $0x4  }
0x46c: {  	[tilespmem:$0x1FAB0] =	vst v0;
	v0 =	vld.idx.msk [tilespmem:v27+s23+$0x0], $0xffff;
	_ =	sdelay $0x4  }
0x46d: {  	[tilespmem:$0x1FAC0] =	vst v0;
	v0 =	vld.idx.msk [tilespmem:v38+s17+$0x0], $0xffff;
	_ =	sdelay $0x4  }
0x46e: {  	[tilespmem:$0x1FAD0] =	vst v0;
	v0 =	vld.idx.msk [tilespmem:v38+s22+$0x0], $0xffff;
	_ =	sdelay $0x4  }
0x46f: {  	[tilespmem:$0x1FAE0] =	vst v0;
	v0 =	vld.idx.msk [tilespmem:v3+s15+$0x0], $0xffff;
	_ =	sdelay $0x4  }
0x470: {  	[tilespmem:$0x1FB00] =	vst v0;
	v0 =	vld [tilespmem:$0x1FE80];
	_ =	sdelay $0x4  }
0x471: {  	v35 =	vor.u32 v0, v54;
	v0 =	vld.idx.msk [tilespmem:v31+s23+$0x0], $0xffff;
	_ =	sdelay $0x4  }
0x472: {  	[tilespmem:$0x1FB10] =	vst v0;
	v0 =	vld.idx.msk [tilespmem:v27+s17+$0x0], $0xffff;
	_ =	sdelay $0x4  }
0x473: {  	[tilespmem:$0x1FB20] =	vst v0;
	v0 =	vld.idx.msk [tilespmem:v27+s22+$0x0], $0xffff;
	_ =	sdelay $0x4  }
0x474: {  	[tilespmem:$0x1FB30] =	vst v0;
	v0 =	vld.idx.msk [tilespmem:v2+s15+$0x0], $0xffff;
	_ =	sdelay $0x4  }
0x475: {  	[tilespmem:$0x1FB50] =	vst v0;
	v0 =	vld [tilespmem:$0x1FE60];
	_ =	sdelay $0x4  }
0x476: {  	v41 =	vor.u32 v0, v54;
	v0 =	vld.idx.msk [tilespmem:v35+s18+$0x0], $0xffff;
	_ =	sdelay $0x4  }
0x477: {  	[tilespmem:$0x1FB60] =	vst v0;
	v0 =	vld.idx.msk [tilespmem:v35+s23+$0x0], $0xffff;
	_ =	sdelay $0x4  }
0x478: {  	[tilespmem:$0x1FB70] =	vst v0;
	v0 =	vld.idx.msk [tilespmem:v31+s17+$0x0], $0xffff;
	_ =	sdelay $0x4  }
0x479: {  	[tilespmem:$0x1FB80] =	vst v0;
	v0 =	vld.idx.msk [tilespmem:v31+s22+$0x0], $0xffff;
	_ =	sdelay $0x4  }
0x47a: {  	[tilespmem:$0x1FB90] =	vst v0;
	v0 =	vld.idx.msk [tilespmem:v38+s15+$0x0], $0xffff;
	_ =	sdelay $0x4  }
0x47b: {  	[tilespmem:$0x1FBA0] =	vst v0;
	v0 =	vld [tilespmem:$0x1FE90];
	_ =	sdelay $0x4  }
0x47c: {  	v46 =	vor.u32 v0, v54;
	v0 =	vld.idx.msk [tilespmem:v41+s18+$0x0], $0xffff;
	_ =	sdelay $0x4  }
0x47d: {  	[tilespmem:$0x1FBB0] =	vst v0;
	v0 =	vld.idx.msk [tilespmem:v41+s23+$0x0], $0xffff;
	_ =	sdelay $0x4  }
0x47e: {  	[tilespmem:$0x1FBC0] =	vst v0;
	v0 =	vld.idx.msk [tilespmem:v35+s17+$0x0], $0xffff;
	_ =	sdelay $0x4  }
0x47f: {  	[tilespmem:$0x1FBD0] =	vst v0;
	v0 =	vld.idx.msk [tilespmem:v35+s22+$0x0], $0xffff;
	_ =	sdelay $0x4  }
0x480: {  	[tilespmem:$0x1FBE0] =	vst v0;
	v0 =	vld.idx.msk [tilespmem:v27+s15+$0x0], $0xffff;
	_ =	sdelay $0x4  }
0x481: {  	[tilespmem:$0x1FBF0] =	vst v0;
	v0 =	vld [tilespmem:$0x1FEA0];
	_ =	sdelay $0x4  }
0x482: {  	v52 =	vor.u32 v0, v54;
	v0 =	vld.idx.msk [tilespmem:v46+s18+$0x0], $0xffff;
	_ =	sdelay $0x4  }
0x483: {  	[tilespmem:$0x1FC00] =	vst v0;
	v0 =	vld.idx.msk [tilespmem:v46+s23+$0x0], $0xffff;
	_ =	sdelay $0x4  }
0x484: {  	[tilespmem:$0x1FC10] =	vst v0;
	v0 =	vld.idx.msk [tilespmem:v41+s17+$0x0], $0xffff;
	_ =	sdelay $0x4  }
0x485: {  	[tilespmem:$0x1FC20] =	vst v0;
	v0 =	vld.idx.msk [tilespmem:v41+s22+$0x0], $0xffff;
	_ =	sdelay $0x4  }
0x486: {  	[tilespmem:$0x1FC30] =	vst v0;
	v0 =	vld.idx.msk [tilespmem:v31+s15+$0x0], $0xffff;
	_ =	sdelay $0x4  }
0x487: {  	[tilespmem:$0x1FC40] =	vst v0;
	v0 =	vld [tilespmem:$0x1FED0];
	_ =	sdelay $0x4  }
0x488: {  	v62 =	vor.u32 v0, v54;
	v0 =	vld.idx.msk [tilespmem:v52+s23+$0x0], $0xffff;
	_ =	sdelay $0x4  }
0x489: {  	[tilespmem:$0x1FC50] =	vst v0;
	v0 =	vld.idx.msk [tilespmem:v46+s17+$0x0], $0xffff;
	_ =	sdelay $0x4  }
0x48a: {  	[tilespmem:$0x1FC60] =	vst v0;
	v0 =	vld.idx.msk [tilespmem:v46+s22+$0x0], $0xffff;
	_ =	sdelay $0x4  }
0x48b: {  	[tilespmem:$0x1FC70] =	vst v0;
	v0 =	vld.idx.msk [tilespmem:v35+s15+$0x0], $0xffff;
	_ =	sdelay $0x4  }
0x48c: {  	[tilespmem:$0x1FC80] =	vst v0;
	v0 =	vld [tilespmem:$0x1FEC0];
	_ =	sdelay $0x4  }
0x48d: {  	v9 =	vor.u32 v0, v54;
	v0 =	vld.idx.msk [tilespmem:v62+s18+$0x0], $0xffff;
	_ =	sdelay $0x4  }
0x48e: {  	[tilespmem:$0x1FC90] =	vst v0;
	v0 =	vld.idx.msk [tilespmem:v52+s17+$0x0], $0xffff;
	_ =	sdelay $0x4  }
0x48f: {  	[tilespmem:$0x1FCA0] =	vst v0;
	v0 =	vld.idx.msk [tilespmem:v52+s22+$0x0], $0xffff;
	_ =	sdelay $0x4  }
0x490: {  	[tilespmem:$0x1FCB0] =	vst v0;
	v0 =	vld.idx.msk [tilespmem:v41+s15+$0x0], $0xffff;
	_ =	sdelay $0x4  }
0x491: {  	[tilespmem:$0x1FCC0] =	vst v0;
	v0 =	vld [tilespmem:$0x1FEE0];
	_ =	sdelay $0x4  }
0x492: {  	v22 =	vor.u32 v0, v54;
	v0 =	vld.idx.msk [tilespmem:v62+s17+$0x0], $0xffff;
	_ =	sdelay $0x4  }
0x493: {  	[tilespmem:$0x1FCD0] =	vst v0;
	v0 =	vld.idx.msk [tilespmem:v62+s22+$0x0], $0xffff;
	_ =	sdelay $0x4  }
0x494: {  	[tilespmem:$0x1FCE0] =	vst v0;
	v0 =	vld.idx.msk [tilespmem:v46+s15+$0x0], $0xffff;
	_ =	sdelay $0x4  }
0x495: {  	[tilespmem:$0x1FCF0] =	vst v0;
	v0 =	vld [tilespmem:$0x1FF00];
	_ =	sdelay $0x4  }
0x496: {  	v36 =	vor.u32 v0, v54;
	v0 =	vld.idx.msk [tilespmem:v9+s17+$0x0], $0xffff;
	_ =	sdelay $0x4  }
0x497: {  	[tilespmem:$0x1FD00] =	vst v0;
	v0 =	vld.idx.msk [tilespmem:v9+s22+$0x0], $0xffff;
	_ =	sdelay $0x4  }
0x498: {  	[tilespmem:$0x1FD10] =	vst v0;
	v0 =	vld.idx.msk [tilespmem:v52+s15+$0x0], $0xffff;
	_ =	sdelay $0x4  }
0x499: {  	[tilespmem:$0x1FD20] =	vst v0;
	v0 =	vld [tilespmem:$0x1FF10];
	_ =	sdelay $0x4  }
0x49a: {  	v50 =	vor.u32 v0, v54;
	v0 =	vld.idx.msk [tilespmem:v22+s17+$0x0], $0xffff;
	_ =	sdelay $0x4  }
0x49b: {  	[tilespmem:$0x1FD30] =	vst v0;
	v0 =	vld.idx.msk [tilespmem:v22+s22+$0x0], $0xffff;
	_ =	sdelay $0x4  }
0x49c: {  	[tilespmem:$0x1FD40] =	vst v0;
	v0 =	vld.idx.msk [tilespmem:v62+s15+$0x0], $0xffff;
	_ =	sdelay $0x4  }
0x49d: {  	[tilespmem:$0x1FD50] =	vst v0;
	v0 =	vld [tilespmem:$0x1FEF0];
	_ =	sdelay $0x4  }
0x49e: {  	[tilespmem:$0x1F9D0] =	vst v4;
	v4 =	vor.u32 v0, v54;
	v0 =	vld.idx.msk [tilespmem:v36+s17+$0x0], $0xffff;
	_ =	sdelay $0x4  }
0x49f: {  	[tilespmem:$0x1FD60] =	vst v0;
	v0 =	vld.idx.msk [tilespmem:v36+s22+$0x0], $0xffff;
	_ =	sdelay $0x4  }
0x4a0: {  	[tilespmem:$0x1FD70] =	vst v0;
	v0 =	vld.idx.msk [tilespmem:v9+s15+$0x0], $0xffff;
	_ =	sdelay $0x4  }
0x4a1: {  	[tilespmem:$0x1FD80] =	vst v0;
	v0 =	vld [tilespmem:$0x1FF20];
	_ =	sdelay $0x4  }
0x4a2: {  	v14 =	vor.u32 v0, v54;
	v0 =	vld.idx.msk [tilespmem:v50+s17+$0x0], $0xffff;
	_ =	sdelay $0x4  }
0x4a3: {  	[tilespmem:$0x1FD90] =	vst v0;
	v0 =	vld.idx.msk [tilespmem:v22+s15+$0x0], $0xffff;
	_ =	sdelay $0x4  }
0x4a4: {  	[tilespmem:$0x1FDA0] =	vst v0;
	v0 =	vld [tilespmem:$0x1FF30];
	_ =	sdelay $0x4  }
0x4a5: {  	v51 =	vor.u32 v0, v54;
	v0 =	vld.idx.msk [tilespmem:v4+s17+$0x0], $0xffff;
	_ =	sdelay $0x4  }
0x4a6: {  	[tilespmem:$0x1FDB0] =	vst v0;
	v0 =	vld.idx.msk [tilespmem:v4+s22+$0x0], $0xffff;
	_ =	sdelay $0x1  }
0x4a7: {  	v43 =	vld.idx.msk [tilespmem:v31+s18+$0x0], $0xffff  }
0x4a8: {  	v13 =	vld.idx.msk [tilespmem:v52+s18+$0x0], $0xffff  }
0x4a9: {  	v10 =	vld.idx.msk [tilespmem:v62+s23+$0x0], $0xffff  }
0x4aa: {  	[tilespmem:$0x1FDC0] =	vst v0;
	v0 =	vld.idx.msk [tilespmem:v36+s15+$0x0], $0xffff  }
0x4ab: {  	v16 =	vld.idx.msk [tilespmem:v9+s18+$0x0], $0xffff  }
0x4ac: {  	v47 =	vld.idx.msk [tilespmem:v9+s23+$0x0], $0xffff  }
0x4ad: {  	v18 =	vld.idx.msk [tilespmem:v22+s18+$0x0], $0xffff  }
0x4ae: {  	v21 =	vld.idx.msk [tilespmem:v22+s23+$0x0], $0xffff  }
0x4af: {  	[tilespmem:$0x1FDD0] =	vst v0;
	v0 =	vld [tilespmem:$0x1FF80]  }
0x4b0: {  	v25 =	vld.idx.msk [tilespmem:v36+s18+$0x0], $0xffff  }
0x4b1: {  	v55 =	vld.idx.msk [tilespmem:v36+s23+$0x0], $0xffff  }
0x4b2: {  	v26 =	vld.idx.msk [tilespmem:v50+s18+$0x0], $0xffff  }
0x4b3: {  	v28 =	vld.idx.msk [tilespmem:v50+s23+$0x0], $0xffff  }
0x4b4: {  	v33 =	vor.u32 v0, v54;
	v0 =	vld.idx.msk [tilespmem:v14+s22+$0x0], $0xffff  }
0x4b5: {  	v39 =	vld.idx.msk [tilespmem:v50+s22+$0x0], $0xffff  }
0x4b6: {  	v34 =	vld.idx.msk [tilespmem:v4+s18+$0x0], $0xffff  }
0x4b7: {  	v59 =	vld.idx.msk [tilespmem:v4+s23+$0x0], $0xffff  }
0x4b8: {  	v24 =	vld.idx.msk [tilespmem:v4+s15+$0x0], $0xffff  }
0x4b9: {  	[tilespmem:$0x1FDE0] =	vst v0;
	v0 =	vld.idx.msk [tilespmem:v50+s15+$0x0], $0xffff  }
0x4ba: {  	v63 =	vld.idx.msk [tilespmem:v14+s18+$0x0], $0xffff  }
0x4bb: {  	v37 =	vld.idx.msk [tilespmem:v14+s23+$0x0], $0xffff  }
0x4bc: {  	v12 =	vld.idx.msk [tilespmem:v14+s17+$0x0], $0xffff  }
0x4bd: {  	v32 =	vld.idx.msk [tilespmem:v14+s15+$0x0], $0xffff  }
0x4be: {  	[tilespmem:$0x1FDF0] =	vst v0;
	v0 =	vld [tilespmem:$0x1FF90]  }
0x4bf: {  	v40 =	vld.idx.msk [tilespmem:v51+s18+$0x0], $0xffff  }
0x4c0: {  	[tilespmem:$0x1FAF0] =	vst v3;
	v3 =	vld.idx.msk [tilespmem:v51+s23+$0x0], $0xffff  }
0x4c1: {  	v17 =	vld.idx.msk [tilespmem:v51+s17+$0x0], $0xffff  }
0x4c2: {  	v20 =	vld.idx.msk [tilespmem:v51+s22+$0x0], $0xffff  }
0x4c3: {  	v45 =	vor.u32 v0, v54;
	v0 =	vld [tilespmem:$0x1FF50]  }
0x4c4: {  	v44 =	vld.idx.msk [tilespmem:v51+s15+$0x0], $0xffff  }
0x4c5: {  	v48 =	vld.idx.msk [tilespmem:v33+s18+$0x0], $0xffff  }
0x4c6: {  	v49 =	vld.idx.msk [tilespmem:v33+s23+$0x0], $0xffff  }
0x4c7: {  	v29 =	vld.idx.msk [tilespmem:v33+s17+$0x0], $0xffff  }
0x4c8: {  	v30 =	vld.idx.msk [tilespmem:v33+s22+$0x0], $0xffff;
	v61 =	vor.u32 v0, v54  }
0x4c9: {  	v7 =	vld.idx.msk [tilespmem:v45+s18+$0x0], $0xffff  }
0x4ca: {  	v53 =	vld.idx.msk [tilespmem:v45+s23+$0x0], $0xffff;
	v0 =	vlaneseq.u32  }
0x4cb: {  	v42 =	vld.idx.msk [tilespmem:v45+s22+$0x0], $0xffff;
	v0 =	vor.u32 v0, v54  }
0x4cc: {  	p0 =	sne.s32 s9, $0x1F0;
	v54 =	vld.idx.msk [tilespmem:v45+s17+$0x0], $0xffff  }
.Ltmp1:
0x4cd: {  	v58 =	vld.idx.msk [tilespmem:v61+s18+$0x0], $0xffff;
	(pc) =	sbr.rel @p0 .LBB2_4-.Ltmp1, $4  }
0x4ce: {  	v60 =	vld.idx.msk [tilespmem:v61+s23+$0x0], $0xffff  }
0x4cf: {  	[tilespmem:$0x1FA30] =	vst v5;
	v56 =	vld.idx.msk [tilespmem:v61+s17+$0x0], $0xffff  }
0x4d0: {  	[tilespmem:$0x1FA90] =	vst v1;
	v57 =	vld.idx.msk [tilespmem:v0+s18+$0x0], $0xffff  }
0x4d1: {  	s9 =	sadd.s32 $0x10, s9;
	[tilespmem:$0x1FB40] =	vst v2;
	v11 =	vld.idx.msk [tilespmem:v0+s23+$0x0], $0xffff  }
0x4d2: {  	v5 =	vld [tilespmem:$0x1F760];
	_ =	sdelay $0x2  }
0x4d3: {  	v1 =	vmul.f32 v8, v6;
	_ =	sdelay $0x1  }
0x4d4: {  	[tilespmem:$0x1EE20] =	vst v1;
	v1 =	vmul.f32 v5, v15  }
0x4d5: {  	v5 =	vld [tilespmem:$0x1F820]  }
0x4d6: {  	[tilespmem:$0x1EE00] =	vst v1;
	v1 =	vld [tilespmem:$0x1F810];
	_ =	sdelay $0x4  }
0x4d7: {  	v1 =	vmul.f32 v5, v1  }
0x4d8: {  	v5 =	vld [tilespmem:$0x1F7C0]  }
0x4d9: {  	[tilespmem:$0x1EDE0] =	vst v1;
	v1 =	vld [tilespmem:$0x1F7B0];
	_ =	sdelay $0x4  }
0x4da: {  	v1 =	vmul.f32 v5, v1  }
0x4db: {  	v5 =	vld [tilespmem:$0x1F8E0]  }
0x4dc: {  	[tilespmem:$0x1EDF0] =	vst v1;
	v1 =	vld [tilespmem:$0x1F8D0];
	_ =	sdelay $0x4  }
0x4dd: {  	v1 =	vmul.f32 v5, v1  }
0x4de: {  	v5 =	vld [tilespmem:$0x1F880]  }
0x4df: {  	[tilespmem:$0x1EDC0] =	vst v1;
	v1 =	vld [tilespmem:$0x1F870];
	_ =	sdelay $0x4  }
0x4e0: {  	v1 =	vmul.f32 v5, v1  }
0x4e1: {  	v5 =	vld [tilespmem:$0x1F9A0]  }
0x4e2: {  	[tilespmem:$0x1EDD0] =	vst v1;
	v1 =	vld [tilespmem:$0x1F990];
	_ =	sdelay $0x4  }
0x4e3: {  	v1 =	vmul.f32 v5, v1  }
0x4e4: {  	v5 =	vld [tilespmem:$0x1F940]  }
0x4e5: {  	[tilespmem:$0x1EDA0] =	vst v1;
	v1 =	vld [tilespmem:$0x1F930];
	_ =	sdelay $0x4  }
0x4e6: {  	v1 =	vmul.f32 v5, v1  }
0x4e7: {  	v5 =	vld [tilespmem:$0x1FA60]  }
0x4e8: {  	[tilespmem:$0x1EDB0] =	vst v1;
	v1 =	vld [tilespmem:$0x1FA50];
	_ =	sdelay $0x4  }
0x4e9: {  	v1 =	vmul.f32 v5, v1  }
0x4ea: {  	v5 =	vld [tilespmem:$0x1FA00]  }
0x4eb: {  	[tilespmem:$0x1ED80] =	vst v1;
	v1 =	vld [tilespmem:$0x1F9F0];
	_ =	sdelay $0x3  }
0x4ec: {  	v2 =	vld.idx.msk [tilespmem:v0+s17+$0x0], $0xffff  }
0x4ed: {  	v1 =	vmul.f32 v5, v1;
	v5 =	vld [tilespmem:$0x1FB10]  }
0x4ee: {  	v6 =	vmul.f32 v23, v19;
	v8 =	vld.idx.msk [tilespmem:v0+s16+$0x0], $0xffff  }
0x4ef: {  	v19 =	vld.idx.msk [tilespmem:v0+s15+$0x0], $0xffff  }
0x4f0: {  	[tilespmem:$0x1EE10] =	vst v6;
	v6 =	vld.idx.msk [tilespmem:v0+s22+$0x0], $0xffff  }
0x4f1: {  	v15 =	vld.idx.msk [tilespmem:v0+s19+$0x0], $0xffff  }
0x4f2: {  	v0 =	vmul.f32 v5, v43;
	v43 =	vld [tilespmem:$0x1FAB0]  }
0x4f3: {  	v5 =	vld [tilespmem:$0x1FAC0];
	_ =	sdelay $0x4  }
0x4f4: {  	[tilespmem:$0x1ED60] =	vst v0;
	v0 =	vmul.f32 v5, v43;
	v43 =	vld [tilespmem:$0x1FBB0]  }
0x4f5: {  	v5 =	vld [tilespmem:$0x1FBC0];
	_ =	sdelay $0x4  }
0x4f6: {  	[tilespmem:$0x1ED70] =	vst v0;
	v0 =	vmul.f32 v5, v43;
	v43 =	vld [tilespmem:$0x1FB60]  }
0x4f7: {  	v5 =	vld [tilespmem:$0x1FB70];
	_ =	sdelay $0x1  }
0x4f8: {  	v23 =	vld.idx.msk [tilespmem:v61+s22+$0x0], $0xffff  }
0x4f9: {  	v18 =	vmul.f32 v21, v18;
	v21 =	vld.idx.msk [tilespmem:v33+s15+$0x0], $0xffff  }
0x4fa: {  	v26 =	vmul.f32 v28, v26;
	v28 =	vld.idx.msk [tilespmem:v45+s15+$0x0], $0xffff  }
0x4fb: {  	[tilespmem:$0x1ED40] =	vst v0;
	v0 =	vmul.f32 v5, v43;
	v43 =	vld [tilespmem:$0x1FC50]  }
0x4fc: {  	v37 =	vmul.f32 v37, v63;
	v63 =	vld.idx.msk [tilespmem:v33+s19+$0x0], $0xffff  }
0x4fd: {  	v7 =	vmul.f32 v53, v7;
	v53 =	vld [tilespmem:$0x1FDD0]  }
0x4fe: {  	v34 =	vmul.f32 v59, v34;
	v59 =	vmul.f32 v11, v57;
	v11 =	vld.idx.msk [tilespmem:v33+s16+$0x0], $0xffff  }
0x4ff: {  	[tilespmem:$0x1ED50] =	vst v0;
	v0 =	vld [tilespmem:$0x1FC00]  }
0x500: {  	v5 =	vmul.f32 v43, v13;
	v43 =	vld [tilespmem:$0x1FC10]  }
0x501: {  	v21 =	vmul.f32 v63, v21;
	v13 =	vld [tilespmem:$0x1FC90]  }
0x502: {  	v25 =	vmul.f32 v55, v25;
	v55 =	vmul.f32 v60, v58;
	v58 =	vld.idx.msk [tilespmem:v45+s16+$0x0], $0xffff  }
0x503: {  	v63 =	vmul.f32 v42, v54;
	v42 =	vmul.f32 v11, v21;
	v11 =	vld.idx.msk [tilespmem:v50+s19+$0x0], $0xffff  }
0x504: {  	[tilespmem:$0x1ED90] =	vst v1;
	v1 =	vld.idx.msk [tilespmem:v61+s16+$0x0], $0xffff  }
0x505: {  	v0 =	vmul.f32 v43, v0;
	v43 =	vld.idx.msk [tilespmem:v61+s19+$0x0], $0xffff  }
0x506: {  	v2 =	vmul.f32 v6, v2;
	v6 =	vadd.f32 $0.0e+00, v59;
	v13 =	vmul.f32 v10, v13;
	v10 =	vld [tilespmem:$0x1FDE0]  }
0x507: {  	v15 =	vmul.f32 v15, v19;
	[tilespmem:$0x1ED30] =	vst v0;
	v0 =	vld.idx.msk [tilespmem:v61+s15+$0x0], $0xffff  }
0x508: {  	v6 =	vadd.f32 v55, v6;
	v61 =	vld.idx.msk [tilespmem:v45+s19+$0x0], $0xffff  }
0x509: {  	v8 =	vmul.f32 v8, v15;
	v15 =	vld.idx.msk [tilespmem:v51+s19+$0x0], $0xffff  }
0x50a: {  	v19 =	vmul.f32 v49, v48;
	v6 =	vadd.f32 v7, v6;
	v45 =	vmul.f32 v20, v17;
	v17 =	vld.idx.msk [tilespmem:v50+s16+$0x0], $0xffff  }
0x50b: {  	v50 =	vld [tilespmem:$0x1FDB0]  }
0x50c: {  	v6 =	vadd.f32 v19, v6;
	v19 =	vmul.f32 v10, v12;
	v10 =	vld [tilespmem:$0x1FDF0]  }
0x50d: {  	v0 =	vmul.f32 v43, v0;
	v60 =	vmul.f32 v61, v28;
	v61 =	vld.idx.msk [tilespmem:v51+s16+$0x0], $0xffff  }
0x50e: {  	v12 =	vld.idx.msk [tilespmem:v36+s16+$0x0], $0xffff  }
0x50f: {  	v8 =	vadd.f32 $0.0e+00, v8;
	v28 =	vld.idx.msk [tilespmem:v14+s19+$0x0], $0xffff;
	v0 =	vmul.f32 v1, v0  }
0x510: {  	v23 =	vmul.f32 v23, v56;
	v2 =	vadd.f32 $0.0e+00, v2;
	v15 =	vmul.f32 v15, v44;
	v14 =	vld.idx.msk [tilespmem:v14+s16+$0x0], $0xffff  }
0x511: {  	v0 =	vadd.f32 v0, v8;
	v8 =	vld.idx.msk [tilespmem:v4+s19+$0x0], $0xffff  }
0x512: {  	v2 =	vadd.f32 v23, v2;
	v44 =	vmul.f32 v61, v15;
	v15 =	vld.idx.msk [tilespmem:v36+s19+$0x0], $0xffff  }
0x513: {  	v43 =	vld.idx.msk [tilespmem:v4+s16+$0x0], $0xffff  }
0x514: {  	v21 =	vmul.f32 v30, v29;
	v2 =	vadd.f32 v63, v2;
	v51 =	vld [tilespmem:$0x1FDC0];
	v23 =	vmul.f32 v28, v32  }
0x515: {  	v16 =	vmul.f32 v47, v16;
	v11 =	vmul.f32 v11, v10;
	v10 =	vld [tilespmem:$0x1FDA0]  }
0x516: {  	v2 =	vadd.f32 v21, v2;
	v47 =	vmul.f32 v14, v23;
	v14 =	vld.idx.msk [tilespmem:v22+s19+$0x0], $0xffff;
	v8 =	vmul.f32 v8, v24  }
0x517: {  	v7 =	vmul.f32 v15, v53;
	v15 =	vld [tilespmem:$0x1FD90]  }
0x518: {  	v3 =	vmul.f32 v3, v40;
	v2 =	vadd.f32 v45, v2;
	v48 =	vmul.f32 v43, v8;
	v8 =	vld.idx.msk [tilespmem:v22+s16+$0x0], $0xffff;
	_ =	sdelay $0x1  }
0x519: {  	v57 =	vld [tilespmem:$0x1FD60];
	v3 =	vadd.f32 v3, v6;
	v2 =	vadd.f32 v19, v2;
	v6 =	vmul.f32 v51, v50  }
0x51a: {  	v14 =	vmul.f32 v14, v10;
	v55 =	vmul.f32 v12, v7;
	v12 =	vld [tilespmem:$0x1FD70]  }
0x51b: {  	v2 =	vadd.f32 v6, v2;
	v15 =	vmul.f32 v39, v15  }
0x51c: {  	v1 =	vmul.f32 v58, v60;
	v58 =	vmul.f32 v8, v14;
	v14 =	vld [tilespmem:$0x1FD30]  }
0x51d: {  	v2 =	vadd.f32 v15, v2;
	v15 =	vld [tilespmem:$0x1FD40]  }
0x51e: {  	v49 =	vld.idx.msk [tilespmem:v9+s19+$0x0], $0xffff  }
0x51f: {  	v7 =	vmul.f32 v12, v57;
	v12 =	vld [tilespmem:$0x1FD80]  }
0x520: {  	v9 =	vld.idx.msk [tilespmem:v9+s16+$0x0], $0xffff  }
0x521: {  	v54 =	vmul.f32 v17, v11;
	v11 =	vld.idx.msk [tilespmem:v62+s19+$0x0], $0xffff  }
0x522: {  	v14 =	vmul.f32 v15, v14;
	v15 =	vld [tilespmem:$0x1FD50];
	_ =	sdelay $0x1  }
0x523: {  	v4 =	vmul.f32 v49, v12;
	v12 =	vld.idx.msk [tilespmem:v62+s16+$0x0], $0xffff  }
0x524: {  	v61 =	vld [tilespmem:$0x1FD00]  }
0x525: {  	v2 =	vadd.f32 v7, v2;
	v59 =	vmul.f32 v9, v4;
	v9 =	vld [tilespmem:$0x1FD10]  }
0x526: {  	v11 =	vmul.f32 v11, v15  }
0x527: {  	v2 =	vadd.f32 v14, v2;
	v14 =	vld [tilespmem:$0x1FCE0]  }
0x528: {  	v62 =	vmul.f32 v12, v11;
	v12 =	vld [tilespmem:$0x1FCD0]  }
0x529: {  	v56 =	vld.idx.msk [tilespmem:v52+s19+$0x0], $0xffff  }
0x52a: {  	v7 =	vmul.f32 v9, v61;
	v9 =	vld [tilespmem:$0x1FD20]  }
0x52b: {  	v8 =	vld.idx.msk [tilespmem:v46+s19+$0x0], $0xffff  }
0x52c: {  	v15 =	vld.idx.msk [tilespmem:v52+s16+$0x0], $0xffff  }
0x52d: {  	v12 =	vmul.f32 v14, v12;
	v14 =	vld [tilespmem:$0x1FCF0]  }
0x52e: {  	v3 =	vadd.f32 v37, v3  }
0x52f: {  	v6 =	vmul.f32 v56, v9;
	v9 =	vld.idx.msk [tilespmem:v46+s16+$0x0], $0xffff  }
0x530: {  	v33 =	vld [tilespmem:$0x1FCA0];
	v3 =	vadd.f32 v34, v3  }
0x531: {  	v2 =	vadd.f32 v7, v2;
	v63 =	vmul.f32 v15, v6;
	v15 =	vld [tilespmem:$0x1FCB0]  }
0x532: {  	v3 =	vadd.f32 v26, v3;
	v8 =	vmul.f32 v8, v14  }
0x533: {  	v2 =	vadd.f32 v12, v2;
	v12 =	vld [tilespmem:$0x1FC70]  }
0x534: {  	v3 =	vadd.f32 v25, v3;
	v34 =	vmul.f32 v9, v8;
	v9 =	vld [tilespmem:$0x1FC60]  }
0x535: {  	v60 =	vld.idx.msk [tilespmem:v41+s19+$0x0], $0xffff  }
0x536: {  	v3 =	vadd.f32 v18, v3;
	v7 =	vmul.f32 v15, v33;
	v15 =	vld [tilespmem:$0x1FCC0]  }
0x537: {  	v37 =	vld [tilespmem:$0x1FC20]  }
0x538: {  	v3 =	vadd.f32 v16, v3;
	v11 =	vld.idx.msk [tilespmem:v35+s19+$0x0], $0xffff  }
0x539: {  	v9 =	vmul.f32 v12, v9;
	v12 =	vld [tilespmem:$0x1FC80]  }
0x53a: {  	v3 =	vadd.f32 v13, v3;
	v13 =	vld [tilespmem:$0x1FB40]  }
0x53b: {  	v4 =	vmul.f32 v60, v15;
	v15 =	vld.idx.msk [tilespmem:v35+s16+$0x0], $0xffff  }
0x53c: {  	v40 =	vld [tilespmem:$0x1ED30]  }
0x53d: {  	v10 =	vld [tilespmem:$0x1FC30]  }
0x53e: {  	v14 =	vld.idx.msk [tilespmem:v41+s16+$0x0], $0xffff;
	v11 =	vmul.f32 v11, v12  }
0x53f: {  	v41 =	vld [tilespmem:$0x1FBD0]  }
0x540: {  	v39 =	vmul.f32 v15, v11;
	v11 =	vld [tilespmem:$0x1FBE0]  }
0x541: {  	v32 =	vld.idx.msk [tilespmem:v31+s19+$0x0], $0xffff  }
0x542: {  	v2 =	vadd.f32 v7, v2;
	v7 =	vmul.f32 v10, v37;
	v10 =	vld [tilespmem:$0x1FC40]  }
0x543: {  	v45 =	vld [tilespmem:$0x1FB80];
	v0 =	vadd.f32 v1, v0  }
0x544: {  	v3 =	vadd.f32 v5, v3;
	v8 =	vld.idx.msk [tilespmem:v27+s19+$0x0], $0xffff  }
0x545: {  	v0 =	vadd.f32 v42, v0;
	v5 =	vmul.f32 v11, v41;
	v11 =	vld [tilespmem:$0x1FBF0]  }
0x546: {  	v3 =	vadd.f32 v40, v3;
	v40 =	vld [tilespmem:$0x1EDE0]  }
0x547: {  	v0 =	vadd.f32 v44, v0;
	v6 =	vmul.f32 v32, v10;
	v10 =	vld.idx.msk [tilespmem:v27+s16+$0x0], $0xffff  }
0x548: {  	v36 =	vld.idx.msk [tilespmem:v38+s19+$0x0], $0xffff  }
0x549: {  	v0 =	vadd.f32 v47, v0;
	v12 =	vld.idx.msk [tilespmem:v31+s16+$0x0], $0xffff  }
0x54a: {  	v44 =	vld [tilespmem:$0x1ED40];
	v8 =	vmul.f32 v8, v11  }
0x54b: {  	v50 =	vld [tilespmem:$0x1ED60];
	v0 =	vadd.f32 v48, v0  }
0x54c: {  	v46 =	vmul.f32 v10, v8;
	v8 =	vld [tilespmem:$0x1ED50]  }
0x54d: {  	v51 =	vld [tilespmem:$0x1FAD0];
	v0 =	vadd.f32 v54, v0  }
0x54e: {  	v42 =	vmul.f32 v12, v6;
	v12 =	vld [tilespmem:$0x1FB90]  }
0x54f: {  	v3 =	vadd.f32 v44, v3;
	v0 =	vadd.f32 v55, v0;
	v55 =	vld [tilespmem:$0x1ED80]  }
0x550: {  	v10 =	vld [tilespmem:$0x1FB30]  }
0x551: {  	v2 =	vadd.f32 v9, v2;
	v3 =	vadd.f32 v8, v3;
	v8 =	vld [tilespmem:$0x1FB20]  }
0x552: {  	v9 =	vld.idx.msk [tilespmem:v13+s19+$0x0], $0xffff  }
0x553: {  	v2 =	vadd.f32 v7, v2;
	v7 =	vmul.f32 v12, v45;
	v12 =	vld [tilespmem:$0x1FBA0]  }
0x554: {  	v35 =	vmul.f32 v14, v4;
	v14 =	vld [tilespmem:$0x1FAF0]  }
0x555: {  	v0 =	vadd.f32 v58, v0;
	v11 =	vld.idx.msk [tilespmem:v38+s16+$0x0], $0xffff  }
0x556: {  	v8 =	vmul.f32 v10, v8;
	v10 =	vld [tilespmem:$0x1FB50]  }
0x557: {  	v0 =	vadd.f32 v59, v0;
	v61 =	vld [tilespmem:$0x1EDA0]  }
0x558: {  	v4 =	vmul.f32 v36, v12;
	v12 =	vld.idx.msk [tilespmem:v13+s16+$0x0], $0xffff  }
0x559: {  	v0 =	vadd.f32 v62, v0;
	v62 =	vld [tilespmem:$0x1F950]  }
0x55a: {  	v48 =	vmul.f32 v11, v4;
	v11 =	vld [tilespmem:$0x1FAE0]  }
0x55b: {  	v56 =	vld [tilespmem:$0x1FA10];
	v9 =	vmul.f32 v9, v10  }
0x55c: {  	v13 =	vld [tilespmem:$0x1FA90]  }
0x55d: {  	v2 =	vadd.f32 v5, v2;
	v52 =	vmul.f32 v12, v9;
	v9 =	vld [tilespmem:$0x1ED70]  }
0x55e: {  	v43 =	vld.idx.msk [tilespmem:v14+s19+$0x0], $0xffff  }
0x55f: {  	v2 =	vadd.f32 v7, v2;
	v7 =	vmul.f32 v11, v51;
	v11 =	vld [tilespmem:$0x1FB00]  }
0x560: {  	v3 =	vadd.f32 v50, v3;
	v10 =	vld.idx.msk [tilespmem:v14+s16+$0x0], $0xffff  }
0x561: {  	v12 =	vld [tilespmem:$0x1FA80]  }
0x562: {  	v0 =	vadd.f32 v63, v0;
	v3 =	vadd.f32 v9, v3;
	v9 =	vld [tilespmem:$0x1FA70]  }
0x563: {  	v14 =	vld [tilespmem:$0x1FA30]  }
0x564: {  	v0 =	vadd.f32 v34, v0;
	v34 =	vld [tilespmem:$0x1EDC0]  }
0x565: {  	v47 =	vld.idx.msk [tilespmem:v13+s19+$0x0], $0xffff;
	v2 =	vadd.f32 v8, v2;
	v6 =	vmul.f32 v43, v11  }
0x566: {  	v11 =	vld.idx.msk [tilespmem:v13+s16+$0x0], $0xffff  }
0x567: {  	v2 =	vadd.f32 v7, v2;
	v53 =	vmul.f32 v10, v6;
	v10 =	vld [tilespmem:$0x1FA20];
	v9 =	vmul.f32 v12, v9  }
0x568: {  	v12 =	vld [tilespmem:$0x1FAA0]  }
0x569: {  	v2 =	vadd.f32 v9, v2;
	v9 =	vld [tilespmem:$0x1ED90]  }
0x56a: {  	v13 =	vld [tilespmem:$0x1F9D0]  }
0x56b: {  	v49 =	vld.idx.msk [tilespmem:v14+s19+$0x0], $0xffff  }
0x56c: {  	v3 =	vadd.f32 v55, v3;
	v7 =	vmul.f32 v10, v56;
	v10 =	vld [tilespmem:$0x1FA40]  }
0x56d: {  	v5 =	vmul.f32 v47, v12;
	v12 =	vld.idx.msk [tilespmem:v14+s16+$0x0], $0xffff  }
0x56e: {  	v3 =	vadd.f32 v9, v3;
	v9 =	vld [tilespmem:$0x1F9B0]  }
0x56f: {  	v57 =	vmul.f32 v11, v5;
	v11 =	vld [tilespmem:$0x1F9C0]  }
0x570: {  	v14 =	vld [tilespmem:$0x1F970]  }
0x571: {  	v0 =	vadd.f32 v35, v0;
	v35 =	vld [tilespmem:$0x1F890]  }
0x572: {  	v8 =	vld.idx.msk [tilespmem:v13+s19+$0x0], $0xffff;
	v4 =	vmul.f32 v49, v10  }
0x573: {  	v10 =	vld.idx.msk [tilespmem:v13+s16+$0x0], $0xffff  }
0x574: {  	v2 =	vadd.f32 v7, v2;
	v59 =	vmul.f32 v12, v4;
	v12 =	vld [tilespmem:$0x1F960];
	v9 =	vmul.f32 v11, v9  }
0x575: {  	v11 =	vld [tilespmem:$0x1F9E0]  }
0x576: {  	v2 =	vadd.f32 v9, v2;
	v9 =	vld [tilespmem:$0x1EDB0]  }
0x577: {  	v13 =	vld [tilespmem:$0x1F910]  }
0x578: {  	v54 =	vld.idx.msk [tilespmem:v14+s19+$0x0], $0xffff  }
0x579: {  	v3 =	vadd.f32 v61, v3;
	v7 =	vmul.f32 v12, v62;
	v12 =	vld [tilespmem:$0x1F980]  }
0x57a: {  	v8 =	vmul.f32 v8, v11;
	v11 =	vld.idx.msk [tilespmem:v14+s16+$0x0], $0xffff  }
0x57b: {  	v3 =	vadd.f32 v9, v3;
	v9 =	vld [tilespmem:$0x1F8F0]  }
0x57c: {  	v63 =	vmul.f32 v10, v8;
	v10 =	vld [tilespmem:$0x1F900]  }
0x57d: {  	v14 =	vld [tilespmem:$0x1F8B0]  }
0x57e: {  	v41 =	vld [tilespmem:$0x1F7D0]  }
0x57f: {  	v58 =	vld.idx.msk [tilespmem:v13+s19+$0x0], $0xffff;
	v6 =	vmul.f32 v54, v12  }
0x580: {  	v12 =	vld.idx.msk [tilespmem:v13+s16+$0x0], $0xffff  }
0x581: {  	v2 =	vadd.f32 v7, v2;
	v32 =	vmul.f32 v11, v6;
	v11 =	vld [tilespmem:$0x1F8A0];
	v9 =	vmul.f32 v10, v9  }
0x582: {  	v10 =	vld [tilespmem:$0x1F920]  }
0x583: {  	v2 =	vadd.f32 v9, v2;
	v9 =	vld [tilespmem:$0x1EDD0]  }
0x584: {  	v13 =	vld [tilespmem:$0x1F850]  }
0x585: {  	v60 =	vld.idx.msk [tilespmem:v14+s19+$0x0], $0xffff  }
0x586: {  	v3 =	vadd.f32 v34, v3;
	v7 =	vmul.f32 v11, v35;
	v11 =	vld [tilespmem:$0x1F8C0]  }
0x587: {  	v5 =	vmul.f32 v58, v10;
	v10 =	vld.idx.msk [tilespmem:v14+s16+$0x0], $0xffff  }
0x588: {  	v3 =	vadd.f32 v9, v3;
	v9 =	vld [tilespmem:$0x1F830]  }
0x589: {  	v36 =	vmul.f32 v12, v5;
	v12 =	vld [tilespmem:$0x1F840]  }
0x58a: {  	v14 =	vld [tilespmem:$0x1F7F0]  }
0x58b: {  	v45 =	vld [tilespmem:$0x1EE00]  }
0x58c: {  	v8 =	vld.idx.msk [tilespmem:v13+s19+$0x0], $0xffff;
	v4 =	vmul.f32 v60, v11  }
0x58d: {  	v11 =	vld.idx.msk [tilespmem:v13+s16+$0x0], $0xffff  }
0x58e: {  	v2 =	vadd.f32 v7, v2;
	v38 =	vmul.f32 v10, v4;
	v10 =	vld [tilespmem:$0x1F7E0];
	v9 =	vmul.f32 v12, v9  }
0x58f: {  	v12 =	vld [tilespmem:$0x1F860]  }
0x590: {  	v2 =	vadd.f32 v9, v2;
	v9 =	vld [tilespmem:$0x1EDF0]  }
0x591: {  	v13 =	vld [tilespmem:$0x1F790]  }
0x592: {  	v0 =	vadd.f32 v39, v0;
	v33 =	vld.idx.msk [tilespmem:v14+s19+$0x0], $0xffff  }
0x593: {  	v3 =	vadd.f32 v40, v3;
	v7 =	vmul.f32 v10, v41;
	v10 =	vld [tilespmem:$0x1F800]  }
0x594: {  	v0 =	vadd.f32 v42, v0;
	v8 =	vmul.f32 v8, v12;
	v12 =	vld.idx.msk [tilespmem:v14+s16+$0x0], $0xffff  }
0x595: {  	v3 =	vadd.f32 v9, v3;
	v9 =	vld [tilespmem:$0x1F770]  }
0x596: {  	v0 =	vadd.f32 v46, v0;
	v42 =	vmul.f32 v11, v8;
	v11 =	vld [tilespmem:$0x1F780]  }
0x597: {  	v14 =	vld [tilespmem:$0x1F740]  }
0x598: {  	v46 =	vld [tilespmem:$0x1F720];
	v0 =	vadd.f32 v48, v0  }
0x599: {  	v37 =	vld.idx.msk [tilespmem:v13+s19+$0x0], $0xffff;
	v6 =	vmul.f32 v33, v10  }
0x59a: {  	v0 =	vadd.f32 v52, v0;
	v10 =	vld.idx.msk [tilespmem:v13+s16+$0x0], $0xffff  }
0x59b: {  	v2 =	vadd.f32 v7, v2;
	v43 =	vmul.f32 v12, v6;
	v12 =	vld [tilespmem:$0x1F730];
	v9 =	vmul.f32 v11, v9  }
0x59c: {  	v11 =	vld [tilespmem:$0x1F7A0]  }
0x59d: {  	v0 =	vadd.f32 v53, v0;
	v2 =	vadd.f32 v9, v2;
	v9 =	vld [tilespmem:$0x1EE10]  }
0x59e: {  	v13 =	vld [tilespmem:$0x1F700]  }
0x59f: {  	v0 =	vadd.f32 v57, v0;
	v39 =	vld.idx.msk [tilespmem:v14+s19+$0x0], $0xffff  }
0x5a0: {  	v3 =	vadd.f32 v45, v3;
	v7 =	vmul.f32 v12, v46;
	v12 =	vld [tilespmem:$0x1F750]  }
0x5a1: {  	v0 =	vadd.f32 v59, v0;
	v5 =	vmul.f32 v37, v11;
	v11 =	vld.idx.msk [tilespmem:v14+s16+$0x0], $0xffff  }
0x5a2: {  	v3 =	vadd.f32 v9, v3;
	v9 =	vld [tilespmem:$0x1F6E0]  }
0x5a3: {  	v0 =	vadd.f32 v63, v0;
	v47 =	vmul.f32 v10, v5;
	v10 =	vld [tilespmem:$0x1F6F0]  }
0x5a4: {  	v51 =	vld [tilespmem:$0x1EE20]  }
0x5a5: {  	v52 =	vld [tilespmem:$0x1F6B0];
	v0 =	vadd.f32 v32, v0;
	v4 =	vmul.f32 v39, v12  }
0x5a6: {  	v8 =	vld.idx.msk [tilespmem:v13+s19+$0x0], $0xffff  }
0x5a7: {  	v0 =	vadd.f32 v36, v0;
	v49 =	vmul.f32 v11, v4;
	v11 =	vld [tilespmem:$0x1F6C0]  }
0x5a8: {  	v9 =	vmul.f32 v10, v9;
	v10 =	vld [tilespmem:$0x1F710]  }
0x5a9: {  	v54 =	vld [tilespmem:$0x1F690];
	v0 =	vadd.f32 v38, v0  }
0x5aa: {  	v12 =	vld.idx.msk [tilespmem:v13+s16+$0x0], $0xffff  }
0x5ab: {  	v0 =	vadd.f32 v42, v0;
	v44 =	vld.idx.msk [tilespmem:v14+s22+$0x0], $0xffff  }
0x5ac: {  	v2 =	vadd.f32 v7, v2;
	v7 =	vmul.f32 v11, v52;
	v11 =	vld [tilespmem:$0x1F6D0]  }
0x5ad: {  	v0 =	vadd.f32 v43, v0;
	v48 =	vld.idx.msk [tilespmem:v13+s17+$0x0], $0xffff;
	v8 =	vmul.f32 v8, v10  }
0x5ae: {  	v10 =	vld.idx.msk [tilespmem:v13+s22+$0x0], $0xffff  }
0x5af: {  	v0 =	vadd.f32 v47, v0;
	v53 =	vmul.f32 v12, v8;
	v8 =	vld [tilespmem:$0x1F6A0]  }
0x5b0: {  	v50 =	vld.idx.msk [tilespmem:v13+s18+$0x0], $0xffff  }
0x5b1: {  	v3 =	vadd.f32 v51, v3;
	v0 =	vadd.f32 v49, v0;
	v6 =	vmul.f32 v44, v11;
	v11 =	vld.idx.msk [tilespmem:v13+s23+$0x0], $0xffff  }
0x5b2: {  	v2 =	vadd.f32 v9, v2  }
0x5b3: {  	v3 =	vadd.f32 v7, v3;
	v0 =	vadd.f32 v53, v0  }
0x5b4: {  	v2 =	vadd.f32 v6, v2;
	v55 =	vmul.f32 v10, v48;
	v7 =	vmul.f32 v8, v54  }
0x5b5: {  	v0 =	vsub.f32 $0.0e+00, v0  }
0x5b6: {  	v1 =	vadd.f32 v55, v2;
	v56 =	vmul.f32 v11, v50;
	v3 =	vadd.f32 v7, v3;
	_ =	sdelay $0x1  }
0x5b7: {  	v0 =	vmul.f32 $1.442695020e+00, v0;
	v1 =	vsub.f32 $0.0e+00, v1;
	v2 =	vadd.f32 v56, v3;
	_ =	sdelay $0x1  }
0x5b8: {  	(erf) = vpow2.f32 v0;
	v57 =	vmul.f32 $1.442695020e+00, v1;
	v58 =	vsub.f32 $0.0e+00, v2;
	_ =	sdelay $0x1  }
0x5b9: {  	(erf) = vpow2.f32 v57;
	v1 =	vmul.f32 $1.442695020e+00, v58;
	_ =	sdelay $0x1  }
0x5ba: {  	(erf) = vpow2.f32 v1;
	_ =	sdelay $0x4  }
0x5bb: {  	v59 =	vpop (erf)  }
0x5bc: {  	v0 =	vadd.f32 $1.000000000e+00, v59  }
0x5bd: {  	v60 =	vpop (erf)  }
0x5be: {  	(erf) = vrcp.f32 v0;
	v1 =	vadd.f32 $1.000000000e+00, v60  }
0x5bf: {  	v61 =	vpop (erf)  }
0x5c0: {  	(erf) = vrcp.f32 v1;
	v0 =	vadd.f32 $1.000000000e+00, v61;
	_ =	sdelay $0x1  }
0x5c1: {  	(erf) = vrcp.f32 v0;
	_ =	sdelay $0x4  }
0x5c2: {  	v62 =	vpop (erf)  }
0x5c3: {  	v0 =	vmul.f32 $2.000000000e+01, v62  }
0x5c4: {  	v1 =	vpop (erf)  }
0x5c5: {  	v0 =	vmul.f32 v1, v0  }
0x5c6: {  	v63 =	vpop (erf)  }
0x5c7: {  	v0 =	vmul.f32 v63, v0  }
0x5c8: {  	s8 =	sadd.s32 $0x10, s8  }
0x5c9: {  	s11 =	rddreg [dreg:$0x9];
	s9 =	simm.s32 $0x1C600;
	[tilespmem:s8+$0x0] =	vst v0  }
0x5ca: {  	[hbm4b:s11+s1] =	stream.linear.scatter [tilespmem:s9], [sflag:$0x2], $0x200, $0x38;
	[tilespmem:$0x1C800] =	vst v63  }
0x5cb: {  	_ =	swait.ge [sflag:s20], $0x200  }
0x5cc: {  	v19 =	vld [tilespmem:$0x1FF70]  }
0x5cd: {  	v20 =	vld [tilespmem:$0x1FF50]  }
0x5ce: {  	v21 =	vld [tilespmem:$0x1FF90]  }
0x5cf: {  	v11 =	vld [tilespmem:$0x1FF80]  }
0x5d0: {  	v23 =	vld [tilespmem:$0x1FF30]  }
0x5d1: {  	v24 =	vld [tilespmem:$0x1FF20]  }
0x5d2: {  	v25 =	vld [tilespmem:$0x1FEF0]  }
0x5d3: {  	v26 =	vld [tilespmem:$0x1FF10]  }
0x5d4: {  	v27 =	vld [tilespmem:$0x1FF00]  }
0x5d5: {  	v28 =	vld [tilespmem:$0x1FEE0]  }
0x5d6: {  	v29 =	vld [tilespmem:$0x1FEC0]  }
0x5d7: {  	v30 =	vld [tilespmem:$0x1FED0]  }
0x5d8: {  	v31 =	vld [tilespmem:$0x1FEA0]  }
0x5d9: {  	v32 =	vld [tilespmem:$0x1FE90]  }
0x5da: {  	v33 =	vld [tilespmem:$0x1FE60]  }
0x5db: {  	v36 =	vld [tilespmem:$0x1FE80]  }
0x5dc: {  	v16 =	vld [tilespmem:$0x1FF40]  }
0x5dd: {  	v17 =	vld [tilespmem:$0x1FFA0]  }
0x5de: {  	v15 =	vld [tilespmem:$0x1FF60]  }
0x5df: {  	s25 =	sadd.s32 $0x1, s25;
	v14 =	vld [tilespmem:$0x1FFC0]  }
0x5e0: {  	p0 =	sne.s32 s25, s12;
	v10 =	vld [tilespmem:$0x1FFF0]  }
.Ltmp2:
0x5e1: {  	v62 =	vld [tilespmem:$0x1FFD0];
	(pc) =	sbr.rel @p0 .LBB2_1-.Ltmp2, $4  }
0x5e2: {  	v13 =	vld [tilespmem:$0x1FFB0]  }
0x5e3: {  	v12 =	vld [tilespmem:$0x1FFE0]  }
0x5e4: {  	[sflag:s20] =	ssyncset.done $0x0;
	v41 =	vld [tilespmem:$0x1FE70]  }
0x5e5: {  	v18 =	vlaneseq.u32;
	v45 =	vld [tilespmem:$0x1FEB0];
	[sflag:s20] =	ssyncadd.s32 $0xFFFFFE00  }
0x5e6: {  	_ =	sfence.sel $0x180000  }
0x5e7: {  	[bflag:$0x0] =	sbarrier.arrive $0xFFFF  }
0x5e8: {  	_ =	strace $0x90000047  }
0x5e9: {  	s0 =	stileid.u32;
	[bflag:$0x2] =	sbarrier.arrive $0xFFFF  }
0x5ea: {  	p0 =	sne.s32 s0, $0x0;
	s0 =	rddreg [dreg:$0x5]  }
0x5eb: {  	s0 =	sadd.s32 @!p0 $0x100000, s0  }
0x5ec: {  	[sflag:s0] =	ssyncadd.tile.s32 @!p0 $0x1;
	_ =	shalt  }
.Lfunc_end2:
_tile_overlayer_lowered:
.L_overlay_start_2:
0x5ed: {  	(tag) =	ssettag $0x2  }
0x5ee: {  	s0 =	rddreg [dreg:$0x0];
	s2 =	stileid.u32  }
0x5ef: {  	s1 =	rddreg [dreg:$0x1];
	p0 =	sne.s32 s2, $0x0  }
0x5f0: {  	s3 =	rddreg [dreg:$0x2];
	[bflag:$0x3] =	sbarrier.arrive $0xFFFF;
	s2 =	simm.s32 @!p0 $0x1C02  }
0x5f1: {  	[timem:s3], [sflag:s2] =	dma.local @!p0 [hbm:s0], s1  }
0x5f2: {  	s0 =	simm.s32 @!p0 $0x2  }
0x5f3: {  	_ =	swait.ge @!p0 [sflag:s0], s1  }
0x5f4: {  	s1 =	ssub.s32 @!p0 $0x0, s1;
	[sflag:s0] =	ssyncset.done @!p0 $0x0  }
0x5f5: {  	[sflag:s0] =	ssyncadd.s32 @!p0 s1  }
0x5f6: {  	[bflag:$0x3] =	sbarrier.arrive $0xFFFF  }
0x5f7: {  	_ =	shalt  }

</sc_bundles>
